<compile_context>
chip_gen: v7x
topology: tpu7x:2x2x1
jax: 0.10.2.dev20260603
libtpu: 0.0.44.dev20260713+nightly
codegen_flags: <defaults>
</compile_context>

<pallas_src>
import functools

import jax
import jax.numpy as jnp
from jax import lax
from jax.experimental import pallas as pl
from jax.experimental.pallas import tpu as pltpu
from jax.experimental.pallas import tpu_sc as plsc

NUM_BUCKETS = 32
NUM_HEADS = 16
Q_LEN = 2048
K_LEN = 2048
LV = 4096
LG = 4096
ROWS = 128
BLK_I = 1024
PER_TILE = 128

_THRESH = (19, 21, 24, 27, 31, 35, 40, 46, 52, 59, 67, 77, 87, 99, 113)


def _dyn_gather16(x, idx):
    dnums = lax.GatherDimensionNumbers(
        offset_dims=(), collapsed_slice_dims=(0,), start_index_map=(0,)
    )
    return lax.gather(
        x,
        idx[:, None],
        dnums,
        slice_sizes=(1,),
        mode=lax.GatherScatterMode.PROMISE_IN_BOUNDS,
    )


def _lookup_sc(table_hbm, out_hbm, table_v, vbuf):
    wid = lax.axis_index("s") * 2 + lax.axis_index("c")
    pltpu.sync_copy(table_hbm, table_v)
    base = wid * PER_TILE
    lane = lax.iota(jnp.int32, 16)
    for grp in range(PER_TILE // 16):
        zero = jnp.zeros((16,), jnp.int32)
        one = jnp.full((16,), 1, jnp.int32)
        m = lane + jnp.broadcast_to(base + grp * 16, (16,))
        rel = jnp.maximum(jnp.broadcast_to(Q_LEN - 1, (16,)) - m, zero)
        large = jnp.full((16,), 16, jnp.int32)
        for t in _THRESH:
            tv = jnp.full((16,), t, jnp.int32)
            large = large + jnp.where(rel >= tv, one, zero)
        b = jnp.where(rel < jnp.full((16,), 16, jnp.int32), rel, large)
        blo = jnp.minimum(b, jnp.full((16,), 15, jnp.int32))
        bhi = jnp.maximum(b - jnp.full((16,), 16, jnp.int32), zero)
        is_lo = b < jnp.full((16,), 16, jnp.int32)
        for j in range(NUM_HEADS):
            tlo = table_v[pl.ds(j * NUM_BUCKETS, 16)]
            thi = table_v[pl.ds(j * NUM_BUCKETS + 16, 16)]
            col = jnp.where(is_lo, _dyn_gather16(tlo, blo), _dyn_gather16(thi, bhi))
            vbuf[j, pl.ds(grp * 16, 16)] = col
    pltpu.sync_copy(vbuf, out_hbm.at[:, pl.ds(base, PER_TILE)])


@functools.partial(
    pl.kernel,
    out_type=jax.ShapeDtypeStruct((NUM_HEADS, LV), jnp.float32),
    mesh=plsc.VectorSubcoreMesh(core_axis_name="c", subcore_axis_name="s"),
    scratch_types=[
        pltpu.VMEM((NUM_HEADS * NUM_BUCKETS,), jnp.float32),
        pltpu.VMEM((NUM_HEADS, PER_TILE), jnp.float32),
    ],
)
def _lookup(table_hbm, out_hbm, table_v, vbuf):
    _lookup_sc(table_hbm, out_hbm, table_v, vbuf)


def _expand_kernel(v_ref, out_ref, g_ref):
    h = pl.program_id(0)
    g = pl.program_id(1)

    @pl.when(g == 0)
    def _build():
        vh = pltpu.roll(v_ref[...], NUM_HEADS - h, 0)[0:1, :]
        wide = jnp.broadcast_to(vh, (ROWS, LV))
        shifted = pltpu.roll(wide, LV - 127, 1, stride=1, stride_axis=0)
        g_ref[...] = shifted[:, :LG]

    ngrp = BLK_I // ROWS
    for k in range(ngrp):
        out_ref[0, 0, ROWS * k : ROWS * (k + 1), :] = g_ref[
            :, pl.ds(128 * (15 - ngrp * g - k), K_LEN)
        ]


def kernel(query_length, key_length, relative_attention_bias):
    del query_length, key_length
    table_flat = relative_attention_bias.T.reshape(-1)
    v = _lookup(table_flat)
    out = pl.pallas_call(
        _expand_kernel,
        grid=(NUM_HEADS, Q_LEN // BLK_I),
        in_specs=[
            pl.BlockSpec((NUM_HEADS, LV), lambda h, g: (0, 0)),
        ],
        out_specs=pl.BlockSpec(
            (1, 1, BLK_I, K_LEN), lambda h, g: (0, h, g, 0)
        ),
        out_shape=jax.ShapeDtypeStruct(
            (1, NUM_HEADS, Q_LEN, K_LEN), jnp.float32
        ),
        scratch_shapes=[pltpu.VMEM((ROWS, LG), jnp.float32)],
        compiler_params=pltpu.CompilerParams(
            dimension_semantics=("parallel", "arbitrary"),
        ),
    )(v)
    return out

# --- scband reference (transcript-rebuilt; emitter-appended) ---
"""Pipeline reference for scband-t5-relative-embeddings-63814624084524 (READ-ONLY COPY).

The authoritative reference and input builder live on the scoring server;
editing this copy changes nothing except your own understanding.
"""

import jax, jax.numpy as jnp
import numpy as np
import math

NUM_BUCKETS = 32
MAX_DISTANCE = 128
NUM_HEADS = 16
QUERY_LENGTH = 2048
KEY_LENGTH = 2048


def setup_inputs(seed: int = 0) -> dict:
    key = jax.random.key(seed)
    table = jax.random.normal(key, (NUM_BUCKETS, NUM_HEADS), dtype=jnp.float32) * 0.02
    return {
        "query_length": QUERY_LENGTH,
        "key_length": KEY_LENGTH,
        "relative_attention_bias": table,
    }


def _relative_position_bucket(relative_position):
    # relative_buckets = 0 (bidirectional=False style, unidirectional T5 bucketing)
    rel = -jnp.minimum(relative_position, jnp.zeros_like(relative_position))
    max_exact = NUM_BUCKETS // 2
    is_small = rel < max_exact
    rel_if_large = max_exact + (
        jnp.log(rel.astype(jnp.float32) / max_exact)
        / math.log(MAX_DISTANCE / max_exact)
        * (NUM_BUCKETS - max_exact)
    ).astype(rel.dtype)
    rel_if_large = jnp.minimum(
        rel_if_large, jnp.full_like(rel_if_large, NUM_BUCKETS - 1)
    )
    return jnp.where(is_small, rel, rel_if_large)


def reference(query_length, key_length, relative_attention_bias):
    q_zero = (jnp.asarray(query_length) * 0).astype(jnp.int32)
    k_zero = (jnp.asarray(key_length) * 0).astype(jnp.int32)
    context_position = jnp.arange(QUERY_LENGTH, dtype=jnp.int32)[:, None] + q_zero
    memory_position = jnp.arange(KEY_LENGTH, dtype=jnp.int32)[None, :] + k_zero
    relative_position = memory_position - context_position
    buckets = _relative_position_bucket(relative_position)
    # embedding lookup: gather rows of the bias table
    values = jnp.take(relative_attention_bias, buckets, axis=0)  # [Q, K, H]
    values = jnp.transpose(values, (2, 0, 1))[None, ...]  # [1, H, Q, K]
    return values

if __name__ == "__main__":
    import jax
    _d = setup_inputs()
    print(jax.jit(kernel)(*tuple(_d.values())))

</pallas_src>

<mosaic_0001>
#map = affine_map<(d0, d1) -> (0)>
#map1 = affine_map<(d0, d1) -> (0, 0)>
module attributes {stable_mosaic.version = 14 : i64} {
  func.func @_lookup(%arg0: i32, %arg1: i32, %arg2: memref<512xf32, #tpu.memory_space<hbm>>, %arg3: memref<16x4096xf32, #tpu.memory_space<hbm>>, %arg4: memref<512xf32, #tpu.memory_space<vmem>>, %arg5: memref<16x128xf32, #tpu.memory_space<vmem>>) attributes {dimension_semantics = [#tpu.dimension_semantics<core_parallel>, #tpu.dimension_semantics<subcore_parallel>], iteration_bounds = array<i64: 2, 16>, scalar_prefetch = 0 : i64, scratch_operands = 2 : i64, tpu.core_type = #tpu.core_type<sc_vector_subcore>, window_params = [{transform_indices = #map}, {transform_indices = #map1}]} {
    %mul3A = arith.constant 2 : i32
    %mul3A_0 = arith.muli %arg1, %mul3A : i32
    %add3A = arith.addi %mul3A_0, %arg0 : i32
    "tpu.region"() ({
      %run_scoped3A = tpu.sem_alloc : memref<!tpu.dma_semaphore, #tpu.memory_space<semaphore_mem>>
      tpu.enqueue_dma source(%arg2 : memref<512xf32, #tpu.memory_space<hbm>>) target(%arg4 : memref<512xf32, #tpu.memory_space<vmem>>) target_semaphore(%run_scoped3A : memref<!tpu.dma_semaphore, #tpu.memory_space<semaphore_mem>>)
      tpu.wait_dma2 semaphore(%run_scoped3A : memref<!tpu.dma_semaphore, #tpu.memory_space<semaphore_mem>>) src(%arg2 : memref<512xf32, #tpu.memory_space<hbm>>) dst(%arg4 : memref<512xf32, #tpu.memory_space<vmem>>)
      tpu.yield
    }) : () -> ()
    %mul3A_1 = arith.constant 128 : i32
    %mul3A_2 = arith.muli %add3A, %mul3A_1 : i32
    %iota3A = tpu.iota {dimensions = array<i32: 0>} : vector<16xi32>
    %broadcast_in_dim3A = arith.constant 0 : i32
    %broadcast_in_dim3A_3 = vector.broadcast %broadcast_in_dim3A : i32 to vector<16xi32>
    %broadcast_in_dim3A_4 = arith.constant 1 : i32
    %broadcast_in_dim3A_5 = vector.broadcast %broadcast_in_dim3A_4 : i32 to vector<16xi32>
    %add3A_6 = arith.constant 0 : i32
    %add3A_7 = arith.addi %mul3A_2, %add3A_6 : i32
    %broadcast_in_dim3A_8 = vector.broadcast %add3A_7 : i32 to vector<16xi32>
    %add3A_9 = arith.addi %iota3A, %broadcast_in_dim3A_8 : vector<16xi32>
    %broadcast_in_dim3A_10 = arith.constant 2047 : i32
    %broadcast_in_dim3A_11 = vector.broadcast %broadcast_in_dim3A_10 : i32 to vector<16xi32>
    %sub3A = arith.subi %broadcast_in_dim3A_11, %add3A_9 : vector<16xi32>
    %max3A = arith.maxsi %sub3A, %broadcast_in_dim3A_3 : vector<16xi32>
    %broadcast_in_dim3A_12 = arith.constant 16 : i32
    %broadcast_in_dim3A_13 = vector.broadcast %broadcast_in_dim3A_12 : i32 to vector<16xi32>
    %broadcast_in_dim3A_14 = arith.constant 19 : i32
    %broadcast_in_dim3A_15 = vector.broadcast %broadcast_in_dim3A_14 : i32 to vector<16xi32>
    %ge3A = arith.cmpi sge, %max3A, %broadcast_in_dim3A_15 : vector<16xi32>
    %select_n3A = arith.select %ge3A, %broadcast_in_dim3A_5, %broadcast_in_dim3A_3 : vector<16xi1>, vector<16xi32>
    %add3A_16 = arith.addi %broadcast_in_dim3A_13, %select_n3A : vector<16xi32>
    %broadcast_in_dim3A_17 = arith.constant 21 : i32
    %broadcast_in_dim3A_18 = vector.broadcast %broadcast_in_dim3A_17 : i32 to vector<16xi32>
    %ge3A_19 = arith.cmpi sge, %max3A, %broadcast_in_dim3A_18 : vector<16xi32>
    %select_n3A_20 = arith.select %ge3A_19, %broadcast_in_dim3A_5, %broadcast_in_dim3A_3 : vector<16xi1>, vector<16xi32>
    %add3A_21 = arith.addi %add3A_16, %select_n3A_20 : vector<16xi32>
    %broadcast_in_dim3A_22 = arith.constant 24 : i32
    %broadcast_in_dim3A_23 = vector.broadcast %broadcast_in_dim3A_22 : i32 to vector<16xi32>
    %ge3A_24 = arith.cmpi sge, %max3A, %broadcast_in_dim3A_23 : vector<16xi32>
    %select_n3A_25 = arith.select %ge3A_24, %broadcast_in_dim3A_5, %broadcast_in_dim3A_3 : vector<16xi1>, vector<16xi32>
    %add3A_26 = arith.addi %add3A_21, %select_n3A_25 : vector<16xi32>
    %broadcast_in_dim3A_27 = arith.constant 27 : i32
    %broadcast_in_dim3A_28 = vector.broadcast %broadcast_in_dim3A_27 : i32 to vector<16xi32>
    %ge3A_29 = arith.cmpi sge, %max3A, %broadcast_in_dim3A_28 : vector<16xi32>
    %select_n3A_30 = arith.select %ge3A_29, %broadcast_in_dim3A_5, %broadcast_in_dim3A_3 : vector<16xi1>, vector<16xi32>
    %add3A_31 = arith.addi %add3A_26, %select_n3A_30 : vector<16xi32>
    %broadcast_in_dim3A_32 = arith.constant 31 : i32
    %broadcast_in_dim3A_33 = vector.broadcast %broadcast_in_dim3A_32 : i32 to vector<16xi32>
    %ge3A_34 = arith.cmpi sge, %max3A, %broadcast_in_dim3A_33 : vector<16xi32>
    %select_n3A_35 = arith.select %ge3A_34, %broadcast_in_dim3A_5, %broadcast_in_dim3A_3 : vector<16xi1>, vector<16xi32>
    %add3A_36 = arith.addi %add3A_31, %select_n3A_35 : vector<16xi32>
    %broadcast_in_dim3A_37 = arith.constant 35 : i32
    %broadcast_in_dim3A_38 = vector.broadcast %broadcast_in_dim3A_37 : i32 to vector<16xi32>
    %ge3A_39 = arith.cmpi sge, %max3A, %broadcast_in_dim3A_38 : vector<16xi32>
    %select_n3A_40 = arith.select %ge3A_39, %broadcast_in_dim3A_5, %broadcast_in_dim3A_3 : vector<16xi1>, vector<16xi32>
    %add3A_41 = arith.addi %add3A_36, %select_n3A_40 : vector<16xi32>
    %broadcast_in_dim3A_42 = arith.constant 40 : i32
    %broadcast_in_dim3A_43 = vector.broadcast %broadcast_in_dim3A_42 : i32 to vector<16xi32>
    %ge3A_44 = arith.cmpi sge, %max3A, %broadcast_in_dim3A_43 : vector<16xi32>
    %select_n3A_45 = arith.select %ge3A_44, %broadcast_in_dim3A_5, %broadcast_in_dim3A_3 : vector<16xi1>, vector<16xi32>
    %add3A_46 = arith.addi %add3A_41, %select_n3A_45 : vector<16xi32>
    %broadcast_in_dim3A_47 = arith.constant 46 : i32
    %broadcast_in_dim3A_48 = vector.broadcast %broadcast_in_dim3A_47 : i32 to vector<16xi32>
    %ge3A_49 = arith.cmpi sge, %max3A, %broadcast_in_dim3A_48 : vector<16xi32>
    %select_n3A_50 = arith.select %ge3A_49, %broadcast_in_dim3A_5, %broadcast_in_dim3A_3 : vector<16xi1>, vector<16xi32>
    %add3A_51 = arith.addi %add3A_46, %select_n3A_50 : vector<16xi32>
    %broadcast_in_dim3A_52 = arith.constant 52 : i32
    %broadcast_in_dim3A_53 = vector.broadcast %broadcast_in_dim3A_52 : i32 to vector<16xi32>
    %ge3A_54 = arith.cmpi sge, %max3A, %broadcast_in_dim3A_53 : vector<16xi32>
    %select_n3A_55 = arith.select %ge3A_54, %broadcast_in_dim3A_5, %broadcast_in_dim3A_3 : vector<16xi1>, vector<16xi32>
    %add3A_56 = arith.addi %add3A_51, %select_n3A_55 : vector<16xi32>
    %broadcast_in_dim3A_57 = arith.constant 59 : i32
    %broadcast_in_dim3A_58 = vector.broadcast %broadcast_in_dim3A_57 : i32 to vector<16xi32>
    %ge3A_59 = arith.cmpi sge, %max3A, %broadcast_in_dim3A_58 : vector<16xi32>
    %select_n3A_60 = arith.select %ge3A_59, %broadcast_in_dim3A_5, %broadcast_in_dim3A_3 : vector<16xi1>, vector<16xi32>
    %add3A_61 = arith.addi %add3A_56, %select_n3A_60 : vector<16xi32>
    %broadcast_in_dim3A_62 = arith.constant 67 : i32
    %broadcast_in_dim3A_63 = vector.broadcast %broadcast_in_dim3A_62 : i32 to vector<16xi32>
    %ge3A_64 = arith.cmpi sge, %max3A, %broadcast_in_dim3A_63 : vector<16xi32>
    %select_n3A_65 = arith.select %ge3A_64, %broadcast_in_dim3A_5, %broadcast_in_dim3A_3 : vector<16xi1>, vector<16xi32>
    %add3A_66 = arith.addi %add3A_61, %select_n3A_65 : vector<16xi32>
    %broadcast_in_dim3A_67 = arith.constant 77 : i32
    %broadcast_in_dim3A_68 = vector.broadcast %broadcast_in_dim3A_67 : i32 to vector<16xi32>
    %ge3A_69 = arith.cmpi sge, %max3A, %broadcast_in_dim3A_68 : vector<16xi32>
    %select_n3A_70 = arith.select %ge3A_69, %broadcast_in_dim3A_5, %broadcast_in_dim3A_3 : vector<16xi1>, vector<16xi32>
    %add3A_71 = arith.addi %add3A_66, %select_n3A_70 : vector<16xi32>
    %broadcast_in_dim3A_72 = arith.constant 87 : i32
    %broadcast_in_dim3A_73 = vector.broadcast %broadcast_in_dim3A_72 : i32 to vector<16xi32>
    %ge3A_74 = arith.cmpi sge, %max3A, %broadcast_in_dim3A_73 : vector<16xi32>
    %select_n3A_75 = arith.select %ge3A_74, %broadcast_in_dim3A_5, %broadcast_in_dim3A_3 : vector<16xi1>, vector<16xi32>
    %add3A_76 = arith.addi %add3A_71, %select_n3A_75 : vector<16xi32>
    %broadcast_in_dim3A_77 = arith.constant 99 : i32
    %broadcast_in_dim3A_78 = vector.broadcast %broadcast_in_dim3A_77 : i32 to vector<16xi32>
    %ge3A_79 = arith.cmpi sge, %max3A, %broadcast_in_dim3A_78 : vector<16xi32>
    %select_n3A_80 = arith.select %ge3A_79, %broadcast_in_dim3A_5, %broadcast_in_dim3A_3 : vector<16xi1>, vector<16xi32>
    %add3A_81 = arith.addi %add3A_76, %select_n3A_80 : vector<16xi32>
    %broadcast_in_dim3A_82 = arith.constant 113 : i32
    %broadcast_in_dim3A_83 = vector.broadcast %broadcast_in_dim3A_82 : i32 to vector<16xi32>
    %ge3A_84 = arith.cmpi sge, %max3A, %broadcast_in_dim3A_83 : vector<16xi32>
    %select_n3A_85 = arith.select %ge3A_84, %broadcast_in_dim3A_5, %broadcast_in_dim3A_3 : vector<16xi1>, vector<16xi32>
    %add3A_86 = arith.addi %add3A_81, %select_n3A_85 : vector<16xi32>
    %broadcast_in_dim3A_87 = arith.constant 16 : i32
    %broadcast_in_dim3A_88 = vector.broadcast %broadcast_in_dim3A_87 : i32 to vector<16xi32>
    %lt3A = arith.cmpi slt, %max3A, %broadcast_in_dim3A_88 : vector<16xi32>
    %select_n3A_89 = arith.select %lt3A, %max3A, %add3A_86 : vector<16xi1>, vector<16xi32>
    %broadcast_in_dim3A_90 = arith.constant 15 : i32
    %broadcast_in_dim3A_91 = vector.broadcast %broadcast_in_dim3A_90 : i32 to vector<16xi32>
    %min3A = arith.minsi %select_n3A_89, %broadcast_in_dim3A_91 : vector<16xi32>
    %broadcast_in_dim3A_92 = arith.constant 16 : i32
    %broadcast_in_dim3A_93 = vector.broadcast %broadcast_in_dim3A_92 : i32 to vector<16xi32>
    %sub3A_94 = arith.subi %select_n3A_89, %broadcast_in_dim3A_93 : vector<16xi32>
    %max3A_95 = arith.maxsi %sub3A_94, %broadcast_in_dim3A_3 : vector<16xi32>
    %broadcast_in_dim3A_96 = arith.constant 16 : i32
    %broadcast_in_dim3A_97 = vector.broadcast %broadcast_in_dim3A_96 : i32 to vector<16xi32>
    %lt3A_98 = arith.cmpi slt, %select_n3A_89, %broadcast_in_dim3A_97 : vector<16xi32>
    %get3A = arith.constant 0 : index
    %get3A_99 = tpu.vector_load %arg4[%get3A] {strides = array<i32>} : memref<512xf32, #tpu.memory_space<vmem>>, vector<16xf32>,
    %get3A_100 = vector.shape_cast %get3A_99 : vector<16xf32> to vector<16xf32>
    %get3A_101 = arith.constant 16 : index
    %get3A_102 = tpu.vector_load %arg4[%get3A_101] {strides = array<i32>} : memref<512xf32, #tpu.memory_space<vmem>>, vector<16xf32>,
    %get3A_103 = vector.shape_cast %get3A_102 : vector<16xf32> to vector<16xf32>
    %broadcast_in_dim3A_104 = vector.shape_cast %min3A : vector<16xi32> to vector<16x1xi32>
    %gather3A = vector.shape_cast %broadcast_in_dim3A_104 : vector<16x1xi32> to vector<16xi32>
    %gather3A_105 = tpu.dynamic_gather %get3A_100[%gather3A] in [0] : vector<16xf32>, vector<16xi32> -> vector<16xf32>
    %broadcast_in_dim3A_106 = vector.shape_cast %max3A_95 : vector<16xi32> to vector<16x1xi32>
    %gather3A_107 = vector.shape_cast %broadcast_in_dim3A_106 : vector<16x1xi32> to vector<16xi32>
    %gather3A_108 = tpu.dynamic_gather %get3A_103[%gather3A_107] in [0] : vector<16xf32>, vector<16xi32> -> vector<16xf32>
    %select_n3A_109 = arith.select %lt3A_98, %gather3A_105, %gather3A_108 : vector<16xi1>, vector<16xf32>
    %swap3A = arith.constant 0 : i32
    %swap3A_110 = arith.index_cast %swap3A : i32 to index
    %swap3A_111 = arith.constant 0 : index
    %swap3A_112 = tpu.vector_load %arg5[%swap3A_110, %swap3A_111] {strides = array<i32>} : memref<16x128xf32, #tpu.memory_space<vmem>>, vector<1x16xf32>,
    %swap3A_113 = vector.shape_cast %swap3A_112 : vector<1x16xf32> to vector<16xf32>
    %swap3A_114 = vector.shape_cast %select_n3A_109 : vector<16xf32> to vector<1x16xf32>
    tpu.vector_store %arg5[%swap3A_110, %swap3A_111], %swap3A_114 {strides = array<i32>} : memref<16x128xf32, #tpu.memory_space<vmem>>, vector<1x16xf32>,
    %get3A_115 = arith.constant 32 : index
    %get3A_116 = tpu.vector_load %arg4[%get3A_115] {strides = array<i32>} : memref<512xf32, #tpu.memory_space<vmem>>, vector<16xf32>,
    %get3A_117 = vector.shape_cast %get3A_116 : vector<16xf32> to vector<16xf32>
    %get3A_118 = arith.constant 48 : index
    %get3A_119 = tpu.vector_load %arg4[%get3A_118] {strides = array<i32>} : memref<512xf32, #tpu.memory_space<vmem>>, vector<16xf32>,
    %get3A_120 = vector.shape_cast %get3A_119 : vector<16xf32> to vector<16xf32>
    %broadcast_in_dim3A_121 = vector.shape_cast %min3A : vector<16xi32> to vector<16x1xi32>
    %gather3A_122 = vector.shape_cast %broadcast_in_dim3A_121 : vector<16x1xi32> to vector<16xi32>
    %gather3A_123 = tpu.dynamic_gather %get3A_117[%gather3A_122] in [0] : vector<16xf32>, vector<16xi32> -> vector<16xf32>
    %broadcast_in_dim3A_124 = vector.shape_cast %max3A_95 : vector<16xi32> to vector<16x1xi32>
    %gather3A_125 = vector.shape_cast %broadcast_in_dim3A_124 : vector<16x1xi32> to vector<16xi32>
    %gather3A_126 = tpu.dynamic_gather %get3A_120[%gather3A_125] in [0] : vector<16xf32>, vector<16xi32> -> vector<16xf32>
    %select_n3A_127 = arith.select %lt3A_98, %gather3A_123, %gather3A_126 : vector<16xi1>, vector<16xf32>
    %swap3A_128 = arith.constant 1 : i32
    %swap3A_129 = arith.index_cast %swap3A_128 : i32 to index
    %swap3A_130 = arith.constant 0 : index
    %swap3A_131 = tpu.vector_load %arg5[%swap3A_129, %swap3A_130] {strides = array<i32>} : memref<16x128xf32, #tpu.memory_space<vmem>>, vector<1x16xf32>,
    %swap3A_132 = vector.shape_cast %swap3A_131 : vector<1x16xf32> to vector<16xf32>
    %swap3A_133 = vector.shape_cast %select_n3A_127 : vector<16xf32> to vector<1x16xf32>
    tpu.vector_store %arg5[%swap3A_129, %swap3A_130], %swap3A_133 {strides = array<i32>} : memref<16x128xf32, #tpu.memory_space<vmem>>, vector<1x16xf32>,
    %get3A_134 = arith.constant 64 : index
    %get3A_135 = tpu.vector_load %arg4[%get3A_134] {strides = array<i32>} : memref<512xf32, #tpu.memory_space<vmem>>, vector<16xf32>,
    %get3A_136 = vector.shape_cast %get3A_135 : vector<16xf32> to vector<16xf32>
    %get3A_137 = arith.constant 80 : index
    %get3A_138 = tpu.vector_load %arg4[%get3A_137] {strides = array<i32>} : memref<512xf32, #tpu.memory_space<vmem>>, vector<16xf32>,
    %get3A_139 = vector.shape_cast %get3A_138 : vector<16xf32> to vector<16xf32>
    %broadcast_in_dim3A_140 = vector.shape_cast %min3A : vector<16xi32> to vector<16x1xi32>
    %gather3A_141 = vector.shape_cast %broadcast_in_dim3A_140 : vector<16x1xi32> to vector<16xi32>
    %gather3A_142 = tpu.dynamic_gather %get3A_136[%gather3A_141] in [0] : vector<16xf32>, vector<16xi32> -> vector<16xf32>
    %broadcast_in_dim3A_143 = vector.shape_cast %max3A_95 : vector<16xi32> to vector<16x1xi32>
    %gather3A_144 = vector.shape_cast %broadcast_in_dim3A_143 : vector<16x1xi32> to vector<16xi32>
    %gather3A_145 = tpu.dynamic_gather %get3A_139[%gather3A_144] in [0] : vector<16xf32>, vector<16xi32> -> vector<16xf32>
    %select_n3A_146 = arith.select %lt3A_98, %gather3A_142, %gather3A_145 : vector<16xi1>, vector<16xf32>
    %swap3A_147 = arith.constant 2 : i32
    %swap3A_148 = arith.index_cast %swap3A_147 : i32 to index
    %swap3A_149 = arith.constant 0 : index
    %swap3A_150 = tpu.vector_load %arg5[%swap3A_148, %swap3A_149] {strides = array<i32>} : memref<16x128xf32, #tpu.memory_space<vmem>>, vector<1x16xf32>,
    %swap3A_151 = vector.shape_cast %swap3A_150 : vector<1x16xf32> to vector<16xf32>
    %swap3A_152 = vector.shape_cast %select_n3A_146 : vector<16xf32> to vector<1x16xf32>
    tpu.vector_store %arg5[%swap3A_148, %swap3A_149], %swap3A_152 {strides = array<i32>} : memref<16x128xf32, #tpu.memory_space<vmem>>, vector<1x16xf32>,
    %get3A_153 = arith.constant 96 : index
    %get3A_154 = tpu.vector_load %arg4[%get3A_153] {strides = array<i32>} : memref<512xf32, #tpu.memory_space<vmem>>, vector<16xf32>,
    %get3A_155 = vector.shape_cast %get3A_154 : vector<16xf32> to vector<16xf32>
    %get3A_156 = arith.constant 112 : index
    %get3A_157 = tpu.vector_load %arg4[%get3A_156] {strides = array<i32>} : memref<512xf32, #tpu.memory_space<vmem>>, vector<16xf32>,
    %get3A_158 = vector.shape_cast %get3A_157 : vector<16xf32> to vector<16xf32>
    %broadcast_in_dim3A_159 = vector.shape_cast %min3A : vector<16xi32> to vector<16x1xi32>
    %gather3A_160 = vector.shape_cast %broadcast_in_dim3A_159 : vector<16x1xi32> to vector<16xi32>
    %gather3A_161 = tpu.dynamic_gather %get3A_155[%gather3A_160] in [0] : vector<16xf32>, vector<16xi32> -> vector<16xf32>
    %broadcast_in_dim3A_162 = vector.shape_cast %max3A_95 : vector<16xi32> to vector<16x1xi32>
    %gather3A_163 = vector.shape_cast %broadcast_in_dim3A_162 : vector<16x1xi32> to vector<16xi32>
    %gather3A_164 = tpu.dynamic_gather %get3A_158[%gather3A_163] in [0] : vector<16xf32>, vector<16xi32> -> vector<16xf32>
    %select_n3A_165 = arith.select %lt3A_98, %gather3A_161, %gather3A_164 : vector<16xi1>, vector<16xf32>
    %swap3A_166 = arith.constant 3 : i32
    %swap3A_167 = arith.index_cast %swap3A_166 : i32 to index
    %swap3A_168 = arith.constant 0 : index
    %swap3A_169 = tpu.vector_load %arg5[%swap3A_167, %swap3A_168] {strides = array<i32>} : memref<16x128xf32, #tpu.memory_space<vmem>>, vector<1x16xf32>,
    %swap3A_170 = vector.shape_cast %swap3A_169 : vector<1x16xf32> to vector<16xf32>
    %swap3A_171 = vector.shape_cast %select_n3A_165 : vector<16xf32> to vector<1x16xf32>
    tpu.vector_store %arg5[%swap3A_167, %swap3A_168], %swap3A_171 {strides = array<i32>} : memref<16x128xf32, #tpu.memory_space<vmem>>, vector<1x16xf32>,
    %get3A_172 = arith.constant 128 : index
    %get3A_173 = tpu.vector_load %arg4[%get3A_172] {strides = array<i32>} : memref<512xf32, #tpu.memory_space<vmem>>, vector<16xf32>,
    %get3A_174 = vector.shape_cast %get3A_173 : vector<16xf32> to vector<16xf32>
    %get3A_175 = arith.constant 144 : index
    %get3A_176 = tpu.vector_load %arg4[%get3A_175] {strides = array<i32>} : memref<512xf32, #tpu.memory_space<vmem>>, vector<16xf32>,
    %get3A_177 = vector.shape_cast %get3A_176 : vector<16xf32> to vector<16xf32>
    %broadcast_in_dim3A_178 = vector.shape_cast %min3A : vector<16xi32> to vector<16x1xi32>
    %gather3A_179 = vector.shape_cast %broadcast_in_dim3A_178 : vector<16x1xi32> to vector<16xi32>
    %gather3A_180 = tpu.dynamic_gather %get3A_174[%gather3A_179] in [0] : vector<16xf32>, vector<16xi32> -> vector<16xf32>
    %broadcast_in_dim3A_181 = vector.shape_cast %max3A_95 : vector<16xi32> to vector<16x1xi32>
    %gather3A_182 = vector.shape_cast %broadcast_in_dim3A_181 : vector<16x1xi32> to vector<16xi32>
    %gather3A_183 = tpu.dynamic_gather %get3A_177[%gather3A_182] in [0] : vector<16xf32>, vector<16xi32> -> vector<16xf32>
    %select_n3A_184 = arith.select %lt3A_98, %gather3A_180, %gather3A_183 : vector<16xi1>, vector<16xf32>
    %swap3A_185 = arith.constant 4 : i32
    %swap3A_186 = arith.index_cast %swap3A_185 : i32 to index
    %swap3A_187 = arith.constant 0 : index
    %swap3A_188 = tpu.vector_load %arg5[%swap3A_186, %swap3A_187] {strides = array<i32>} : memref<16x128xf32, #tpu.memory_space<vmem>>, vector<1x16xf32>,
    %swap3A_189 = vector.shape_cast %swap3A_188 : vector<1x16xf32> to vector<16xf32>
    %swap3A_190 = vector.shape_cast %select_n3A_184 : vector<16xf32> to vector<1x16xf32>
    tpu.vector_store %arg5[%swap3A_186, %swap3A_187], %swap3A_190 {strides = array<i32>} : memref<16x128xf32, #tpu.memory_space<vmem>>, vector<1x16xf32>,
    %get3A_191 = arith.constant 160 : index
    %get3A_192 = tpu.vector_load %arg4[%get3A_191] {strides = array<i32>} : memref<512xf32, #tpu.memory_space<vmem>>, vector<16xf32>,
    %get3A_193 = vector.shape_cast %get3A_192 : vector<16xf32> to vector<16xf32>
    %get3A_194 = arith.constant 176 : index
    %get3A_195 = tpu.vector_load %arg4[%get3A_194] {strides = array<i32>} : memref<512xf32, #tpu.memory_space<vmem>>, vector<16xf32>,
    %get3A_196 = vector.shape_cast %get3A_195 : vector<16xf32> to vector<16xf32>
    %broadcast_in_dim3A_197 = vector.shape_cast %min3A : vector<16xi32> to vector<16x1xi32>
    %gather3A_198 = vector.shape_cast %broadcast_in_dim3A_197 : vector<16x1xi32> to vector<16xi32>
    %gather3A_199 = tpu.dynamic_gather %get3A_193[%gather3A_198] in [0] : vector<16xf32>, vector<16xi32> -> vector<16xf32>
    %broadcast_in_dim3A_200 = vector.shape_cast %max3A_95 : vector<16xi32> to vector<16x1xi32>
    %gather3A_201 = vector.shape_cast %broadcast_in_dim3A_200 : vector<16x1xi32> to vector<16xi32>
    %gather3A_202 = tpu.dynamic_gather %get3A_196[%gather3A_201] in [0] : vector<16xf32>, vector<16xi32> -> vector<16xf32>
    %select_n3A_203 = arith.select %lt3A_98, %gather3A_199, %gather3A_202 : vector<16xi1>, vector<16xf32>
    %swap3A_204 = arith.constant 5 : i32
    %swap3A_205 = arith.index_cast %swap3A_204 : i32 to index
    %swap3A_206 = arith.constant 0 : index
    %swap3A_207 = tpu.vector_load %arg5[%swap3A_205, %swap3A_206] {strides = array<i32>} : memref<16x128xf32, #tpu.memory_space<vmem>>, vector<1x16xf32>,
    %swap3A_208 = vector.shape_cast %swap3A_207 : vector<1x16xf32> to vector<16xf32>
    %swap3A_209 = vector.shape_cast %select_n3A_203 : vector<16xf32> to vector<1x16xf32>
    tpu.vector_store %arg5[%swap3A_205, %swap3A_206], %swap3A_209 {strides = array<i32>} : memref<16x128xf32, #tpu.memory_space<vmem>>, vector<1x16xf32>,
    %get3A_210 = arith.constant 192 : index
    %get3A_211 = tpu.vector_load %arg4[%get3A_210] {strides = array<i32>} : memref<512xf32, #tpu.memory_space<vmem>>, vector<16xf32>,
    %get3A_212 = vector.shape_cast %get3A_211 : vector<16xf32> to vector<16xf32>
    %get3A_213 = arith.constant 208 : index
    %get3A_214 = tpu.vector_load %arg4[%get3A_213] {strides = array<i32>} : memref<512xf32, #tpu.memory_space<vmem>>, vector<16xf32>,
    %get3A_215 = vector.shape_cast %get3A_214 : vector<16xf32> to vector<16xf32>
    %broadcast_in_dim3A_216 = vector.shape_cast %min3A : vector<16xi32> to vector<16x1xi32>
    %gather3A_217 = vector.shape_cast %broadcast_in_dim3A_216 : vector<16x1xi32> to vector<16xi32>
    %gather3A_218 = tpu.dynamic_gather %get3A_212[%gather3A_217] in [0] : vector<16xf32>, vector<16xi32> -> vector<16xf32>
    %broadcast_in_dim3A_219 = vector.shape_cast %max3A_95 : vector<16xi32> to vector<16x1xi32>
    %gather3A_220 = vector.shape_cast %broadcast_in_dim3A_219 : vector<16x1xi32> to vector<16xi32>
    %gather3A_221 = tpu.dynamic_gather %get3A_215[%gather3A_220] in [0] : vector<16xf32>, vector<16xi32> -> vector<16xf32>
    %select_n3A_222 = arith.select %lt3A_98, %gather3A_218, %gather3A_221 : vector<16xi1>, vector<16xf32>
    %swap3A_223 = arith.constant 6 : i32
    %swap3A_224 = arith.index_cast %swap3A_223 : i32 to index
    %swap3A_225 = arith.constant 0 : index
    %swap3A_226 = tpu.vector_load %arg5[%swap3A_224, %swap3A_225] {strides = array<i32>} : memref<16x128xf32, #tpu.memory_space<vmem>>, vector<1x16xf32>,
    %swap3A_227 = vector.shape_cast %swap3A_226 : vector<1x16xf32> to vector<16xf32>
    %swap3A_228 = vector.shape_cast %select_n3A_222 : vector<16xf32> to vector<1x16xf32>
    tpu.vector_store %arg5[%swap3A_224, %swap3A_225], %swap3A_228 {strides = array<i32>} : memref<16x128xf32, #tpu.memory_space<vmem>>, vector<1x16xf32>,
    %get3A_229 = arith.constant 224 : index
    %get3A_230 = tpu.vector_load %arg4[%get3A_229] {strides = array<i32>} : memref<512xf32, #tpu.memory_space<vmem>>, vector<16xf32>,
    %get3A_231 = vector.shape_cast %get3A_230 : vector<16xf32> to vector<16xf32>
    %get3A_232 = arith.constant 240 : index
    %get3A_233 = tpu.vector_load %arg4[%get3A_232] {strides = array<i32>} : memref<512xf32, #tpu.memory_space<vmem>>, vector<16xf32>,
    %get3A_234 = vector.shape_cast %get3A_233 : vector<16xf32> to vector<16xf32>
    %broadcast_in_dim3A_235 = vector.shape_cast %min3A : vector<16xi32> to vector<16x1xi32>
    %gather3A_236 = vector.shape_cast %broadcast_in_dim3A_235 : vector<16x1xi32> to vector<16xi32>
    %gather3A_237 = tpu.dynamic_gather %get3A_231[%gather3A_236] in [0] : vector<16xf32>, vector<16xi32> -> vector<16xf32>
    %broadcast_in_dim3A_238 = vector.shape_cast %max3A_95 : vector<16xi32> to vector<16x1xi32>
    %gather3A_239 = vector.shape_cast %broadcast_in_dim3A_238 : vector<16x1xi32> to vector<16xi32>
    %gather3A_240 = tpu.dynamic_gather %get3A_234[%gather3A_239] in [0] : vector<16xf32>, vector<16xi32> -> vector<16xf32>
    %select_n3A_241 = arith.select %lt3A_98, %gather3A_237, %gather3A_240 : vector<16xi1>, vector<16xf32>
    %swap3A_242 = arith.constant 7 : i32
    %swap3A_243 = arith.index_cast %swap3A_242 : i32 to index
    %swap3A_244 = arith.constant 0 : index
    %swap3A_245 = tpu.vector_load %arg5[%swap3A_243, %swap3A_244] {strides = array<i32>} : memref<16x128xf32, #tpu.memory_space<vmem>>, vector<1x16xf32>,
    %swap3A_246 = vector.shape_cast %swap3A_245 : vector<1x16xf32> to vector<16xf32>
    %swap3A_247 = vector.shape_cast %select_n3A_241 : vector<16xf32> to vector<1x16xf32>
    tpu.vector_store %arg5[%swap3A_243, %swap3A_244], %swap3A_247 {strides = array<i32>} : memref<16x128xf32, #tpu.memory_space<vmem>>, vector<1x16xf32>,
    %get3A_248 = arith.constant 256 : index
    %get3A_249 = tpu.vector_load %arg4[%get3A_248] {strides = array<i32>} : memref<512xf32, #tpu.memory_space<vmem>>, vector<16xf32>,
    %get3A_250 = vector.shape_cast %get3A_249 : vector<16xf32> to vector<16xf32>
    %get3A_251 = arith.constant 272 : index
    %get3A_252 = tpu.vector_load %arg4[%get3A_251] {strides = array<i32>} : memref<512xf32, #tpu.memory_space<vmem>>, vector<16xf32>,
    %get3A_253 = vector.shape_cast %get3A_252 : vector<16xf32> to vector<16xf32>
    %broadcast_in_dim3A_254 = vector.shape_cast %min3A : vector<16xi32> to vector<16x1xi32>
    %gather3A_255 = vector.shape_cast %broadcast_in_dim3A_254 : vector<16x1xi32> to vector<16xi32>
    %gather3A_256 = tpu.dynamic_gather %get3A_250[%gather3A_255] in [0] : vector<16xf32>, vector<16xi32> -> vector<16xf32>
    %broadcast_in_dim3A_257 = vector.shape_cast %max3A_95 : vector<16xi32> to vector<16x1xi32>
    %gather3A_258 = vector.shape_cast %broadcast_in_dim3A_257 : vector<16x1xi32> to vector<16xi32>
    %gather3A_259 = tpu.dynamic_gather %get3A_253[%gather3A_258] in [0] : vector<16xf32>, vector<16xi32> -> vector<16xf32>
    %select_n3A_260 = arith.select %lt3A_98, %gather3A_256, %gather3A_259 : vector<16xi1>, vector<16xf32>
    %swap3A_261 = arith.constant 8 : i32
    %swap3A_262 = arith.index_cast %swap3A_261 : i32 to index
    %swap3A_263 = arith.constant 0 : index
    %swap3A_264 = tpu.vector_load %arg5[%swap3A_262, %swap3A_263] {strides = array<i32>} : memref<16x128xf32, #tpu.memory_space<vmem>>, vector<1x16xf32>,
    %swap3A_265 = vector.shape_cast %swap3A_264 : vector<1x16xf32> to vector<16xf32>
    %swap3A_266 = vector.shape_cast %select_n3A_260 : vector<16xf32> to vector<1x16xf32>
    tpu.vector_store %arg5[%swap3A_262, %swap3A_263], %swap3A_266 {strides = array<i32>} : memref<16x128xf32, #tpu.memory_space<vmem>>, vector<1x16xf32>,
    %get3A_267 = arith.constant 288 : index
    %get3A_268 = tpu.vector_load %arg4[%get3A_267] {strides = array<i32>} : memref<512xf32, #tpu.memory_space<vmem>>, vector<16xf32>,
    %get3A_269 = vector.shape_cast %get3A_268 : vector<16xf32> to vector<16xf32>
    %get3A_270 = arith.constant 304 : index
    %get3A_271 = tpu.vector_load %arg4[%get3A_270] {strides = array<i32>} : memref<512xf32, #tpu.memory_space<vmem>>, vector<16xf32>,
    %get3A_272 = vector.shape_cast %get3A_271 : vector<16xf32> to vector<16xf32>
    %broadcast_in_dim3A_273 = vector.shape_cast %min3A : vector<16xi32> to vector<16x1xi32>
    %gather3A_274 = vector.shape_cast %broadcast_in_dim3A_273 : vector<16x1xi32> to vector<16xi32>
    %gather3A_275 = tpu.dynamic_gather %get3A_269[%gather3A_274] in [0] : vector<16xf32>, vector<16xi32> -> vector<16xf32>
    %broadcast_in_dim3A_276 = vector.shape_cast %max3A_95 : vector<16xi32> to vector<16x1xi32>
    %gather3A_277 = vector.shape_cast %broadcast_in_dim3A_276 : vector<16x1xi32> to vector<16xi32>
    %gather3A_278 = tpu.dynamic_gather %get3A_272[%gather3A_277] in [0] : vector<16xf32>, vector<16xi32> -> vector<16xf32>
    %select_n3A_279 = arith.select %lt3A_98, %gather3A_275, %gather3A_278 : vector<16xi1>, vector<16xf32>
    %swap3A_280 = arith.constant 9 : i32
    %swap3A_281 = arith.index_cast %swap3A_280 : i32 to index
    %swap3A_282 = arith.constant 0 : index
    %swap3A_283 = tpu.vector_load %arg5[%swap3A_281, %swap3A_282] {strides = array<i32>} : memref<16x128xf32, #tpu.memory_space<vmem>>, vector<1x16xf32>,
    %swap3A_284 = vector.shape_cast %swap3A_283 : vector<1x16xf32> to vector<16xf32>
    %swap3A_285 = vector.shape_cast %select_n3A_279 : vector<16xf32> to vector<1x16xf32>
    tpu.vector_store %arg5[%swap3A_281, %swap3A_282], %swap3A_285 {strides = array<i32>} : memref<16x128xf32, #tpu.memory_space<vmem>>, vector<1x16xf32>,
    %get3A_286 = arith.constant 320 : index
    %get3A_287 = tpu.vector_load %arg4[%get3A_286] {strides = array<i32>} : memref<512xf32, #tpu.memory_space<vmem>>, vector<16xf32>,
    %get3A_288 = vector.shape_cast %get3A_287 : vector<16xf32> to vector<16xf32>
    %get3A_289 = arith.constant 336 : index
    %get3A_290 = tpu.vector_load %arg4[%get3A_289] {strides = array<i32>} : memref<512xf32, #tpu.memory_space<vmem>>, vector<16xf32>,
    %get3A_291 = vector.shape_cast %get3A_290 : vector<16xf32> to vector<16xf32>
    %broadcast_in_dim3A_292 = vector.shape_cast %min3A : vector<16xi32> to vector<16x1xi32>
    %gather3A_293 = vector.shape_cast %broadcast_in_dim3A_292 : vector<16x1xi32> to vector<16xi32>
    %gather3A_294 = tpu.dynamic_gather %get3A_288[%gather3A_293] in [0] : vector<16xf32>, vector<16xi32> -> vector<16xf32>
    %broadcast_in_dim3A_295 = vector.shape_cast %max3A_95 : vector<16xi32> to vector<16x1xi32>
    %gather3A_296 = vector.shape_cast %broadcast_in_dim3A_295 : vector<16x1xi32> to vector<16xi32>
    %gather3A_297 = tpu.dynamic_gather %get3A_291[%gather3A_296] in [0] : vector<16xf32>, vector<16xi32> -> vector<16xf32>
    %select_n3A_298 = arith.select %lt3A_98, %gather3A_294, %gather3A_297 : vector<16xi1>, vector<16xf32>
    %swap3A_299 = arith.constant 10 : i32
    %swap3A_300 = arith.index_cast %swap3A_299 : i32 to index
    %swap3A_301 = arith.constant 0 : index
    %swap3A_302 = tpu.vector_load %arg5[%swap3A_300, %swap3A_301] {strides = array<i32>} : memref<16x128xf32, #tpu.memory_space<vmem>>, vector<1x16xf32>,
    %swap3A_303 = vector.shape_cast %swap3A_302 : vector<1x16xf32> to vector<16xf32>
    %swap3A_304 = vector.shape_cast %select_n3A_298 : vector<16xf32> to vector<1x16xf32>
    tpu.vector_store %arg5[%swap3A_300, %swap3A_301], %swap3A_304 {strides = array<i32>} : memref<16x128xf32, #tpu.memory_space<vmem>>, vector<1x16xf32>,
    %get3A_305 = arith.constant 352 : index
    %get3A_306 = tpu.vector_load %arg4[%get3A_305] {strides = array<i32>} : memref<512xf32, #tpu.memory_space<vmem>>, vector<16xf32>,
    %get3A_307 = vector.shape_cast %get3A_306 : vector<16xf32> to vector<16xf32>
    %get3A_308 = arith.constant 368 : index
    %get3A_309 = tpu.vector_load %arg4[%get3A_308] {strides = array<i32>} : memref<512xf32, #tpu.memory_space<vmem>>, vector<16xf32>,
    %get3A_310 = vector.shape_cast %get3A_309 : vector<16xf32> to vector<16xf32>
    %broadcast_in_dim3A_311 = vector.shape_cast %min3A : vector<16xi32> to vector<16x1xi32>
    %gather3A_312 = vector.shape_cast %broadcast_in_dim3A_311 : vector<16x1xi32> to vector<16xi32>
    %gather3A_313 = tpu.dynamic_gather %get3A_307[%gather3A_312] in [0] : vector<16xf32>, vector<16xi32> -> vector<16xf32>
    %broadcast_in_dim3A_314 = vector.shape_cast %max3A_95 : vector<16xi32> to vector<16x1xi32>
    %gather3A_315 = vector.shape_cast %broadcast_in_dim3A_314 : vector<16x1xi32> to vector<16xi32>
    %gather3A_316 = tpu.dynamic_gather %get3A_310[%gather3A_315] in [0] : vector<16xf32>, vector<16xi32> -> vector<16xf32>
    %select_n3A_317 = arith.select %lt3A_98, %gather3A_313, %gather3A_316 : vector<16xi1>, vector<16xf32>
    %swap3A_318 = arith.constant 11 : i32
    %swap3A_319 = arith.index_cast %swap3A_318 : i32 to index
    %swap3A_320 = arith.constant 0 : index
    %swap3A_321 = tpu.vector_load %arg5[%swap3A_319, %swap3A_320] {strides = array<i32>} : memref<16x128xf32, #tpu.memory_space<vmem>>, vector<1x16xf32>,
    %swap3A_322 = vector.shape_cast %swap3A_321 : vector<1x16xf32> to vector<16xf32>
    %swap3A_323 = vector.shape_cast %select_n3A_317 : vector<16xf32> to vector<1x16xf32>
    tpu.vector_store %arg5[%swap3A_319, %swap3A_320], %swap3A_323 {strides = array<i32>} : memref<16x128xf32, #tpu.memory_space<vmem>>, vector<1x16xf32>,
    %get3A_324 = arith.constant 384 : index
    %get3A_325 = tpu.vector_load %arg4[%get3A_324] {strides = array<i32>} : memref<512xf32, #tpu.memory_space<vmem>>, vector<16xf32>,
    %get3A_326 = vector.shape_cast %get3A_325 : vector<16xf32> to vector<16xf32>
    %get3A_327 = arith.constant 400 : index
    %get3A_328 = tpu.vector_load %arg4[%get3A_327] {strides = array<i32>} : memref<512xf32, #tpu.memory_space<vmem>>, vector<16xf32>,
    %get3A_329 = vector.shape_cast %get3A_328 : vector<16xf32> to vector<16xf32>
    %broadcast_in_dim3A_330 = vector.shape_cast %min3A : vector<16xi32> to vector<16x1xi32>
    %gather3A_331 = vector.shape_cast %broadcast_in_dim3A_330 : vector<16x1xi32> to vector<16xi32>
    %gather3A_332 = tpu.dynamic_gather %get3A_326[%gather3A_331] in [0] : vector<16xf32>, vector<16xi32> -> vector<16xf32>
    %broadcast_in_dim3A_333 = vector.shape_cast %max3A_95 : vector<16xi32> to vector<16x1xi32>
    %gather3A_334 = vector.shape_cast %broadcast_in_dim3A_333 : vector<16x1xi32> to vector<16xi32>
    %gather3A_335 = tpu.dynamic_gather %get3A_329[%gather3A_334] in [0] : vector<16xf32>, vector<16xi32> -> vector<16xf32>
    %select_n3A_336 = arith.select %lt3A_98, %gather3A_332, %gather3A_335 : vector<16xi1>, vector<16xf32>
    %swap3A_337 = arith.constant 12 : i32
    %swap3A_338 = arith.index_cast %swap3A_337 : i32 to index
    %swap3A_339 = arith.constant 0 : index
    %swap3A_340 = tpu.vector_load %arg5[%swap3A_338, %swap3A_339] {strides = array<i32>} : memref<16x128xf32, #tpu.memory_space<vmem>>, vector<1x16xf32>,
    %swap3A_341 = vector.shape_cast %swap3A_340 : vector<1x16xf32> to vector<16xf32>
    %swap3A_342 = vector.shape_cast %select_n3A_336 : vector<16xf32> to vector<1x16xf32>
    tpu.vector_store %arg5[%swap3A_338, %swap3A_339], %swap3A_342 {strides = array<i32>} : memref<16x128xf32, #tpu.memory_space<vmem>>, vector<1x16xf32>,
    %get3A_343 = arith.constant 416 : index
    %get3A_344 = tpu.vector_load %arg4[%get3A_343] {strides = array<i32>} : memref<512xf32, #tpu.memory_space<vmem>>, vector<16xf32>,
    %get3A_345 = vector.shape_cast %get3A_344 : vector<16xf32> to vector<16xf32>
    %get3A_346 = arith.constant 432 : index
    %get3A_347 = tpu.vector_load %arg4[%get3A_346] {strides = array<i32>} : memref<512xf32, #tpu.memory_space<vmem>>, vector<16xf32>,
    %get3A_348 = vector.shape_cast %get3A_347 : vector<16xf32> to vector<16xf32>
    %broadcast_in_dim3A_349 = vector.shape_cast %min3A : vector<16xi32> to vector<16x1xi32>
    %gather3A_350 = vector.shape_cast %broadcast_in_dim3A_349 : vector<16x1xi32> to vector<16xi32>
    %gather3A_351 = tpu.dynamic_gather %get3A_345[%gather3A_350] in [0] : vector<16xf32>, vector<16xi32> -> vector<16xf32>
    %broadcast_in_dim3A_352 = vector.shape_cast %max3A_95 : vector<16xi32> to vector<16x1xi32>
    %gather3A_353 = vector.shape_cast %broadcast_in_dim3A_352 : vector<16x1xi32> to vector<16xi32>
    %gather3A_354 = tpu.dynamic_gather %get3A_348[%gather3A_353] in [0] : vector<16xf32>, vector<16xi32> -> vector<16xf32>
    %select_n3A_355 = arith.select %lt3A_98, %gather3A_351, %gather3A_354 : vector<16xi1>, vector<16xf32>
    %swap3A_356 = arith.constant 13 : i32
    %swap3A_357 = arith.index_cast %swap3A_356 : i32 to index
    %swap3A_358 = arith.constant 0 : index
    %swap3A_359 = tpu.vector_load %arg5[%swap3A_357, %swap3A_358] {strides = array<i32>} : memref<16x128xf32, #tpu.memory_space<vmem>>, vector<1x16xf32>,
    %swap3A_360 = vector.shape_cast %swap3A_359 : vector<1x16xf32> to vector<16xf32>
    %swap3A_361 = vector.shape_cast %select_n3A_355 : vector<16xf32> to vector<1x16xf32>
    tpu.vector_store %arg5[%swap3A_357, %swap3A_358], %swap3A_361 {strides = array<i32>} : memref<16x128xf32, #tpu.memory_space<vmem>>, vector<1x16xf32>,
    %get3A_362 = arith.constant 448 : index
    %get3A_363 = tpu.vector_load %arg4[%get3A_362] {strides = array<i32>} : memref<512xf32, #tpu.memory_space<vmem>>, vector<16xf32>,
    %get3A_364 = vector.shape_cast %get3A_363 : vector<16xf32> to vector<16xf32>
    %get3A_365 = arith.constant 464 : index
    %get3A_366 = tpu.vector_load %arg4[%get3A_365] {strides = array<i32>} : memref<512xf32, #tpu.memory_space<vmem>>, vector<16xf32>,
    %get3A_367 = vector.shape_cast %get3A_366 : vector<16xf32> to vector<16xf32>
    %broadcast_in_dim3A_368 = vector.shape_cast %min3A : vector<16xi32> to vector<16x1xi32>
    %gather3A_369 = vector.shape_cast %broadcast_in_dim3A_368 : vector<16x1xi32> to vector<16xi32>
    %gather3A_370 = tpu.dynamic_gather %get3A_364[%gather3A_369] in [0] : vector<16xf32>, vector<16xi32> -> vector<16xf32>
    %broadcast_in_dim3A_371 = vector.shape_cast %max3A_95 : vector<16xi32> to vector<16x1xi32>
    %gather3A_372 = vector.shape_cast %broadcast_in_dim3A_371 : vector<16x1xi32> to vector<16xi32>
    %gather3A_373 = tpu.dynamic_gather %get3A_367[%gather3A_372] in [0] : vector<16xf32>, vector<16xi32> -> vector<16xf32>
    %select_n3A_374 = arith.select %lt3A_98, %gather3A_370, %gather3A_373 : vector<16xi1>, vector<16xf32>
    %swap3A_375 = arith.constant 14 : i32
    %swap3A_376 = arith.index_cast %swap3A_375 : i32 to index
    %swap3A_377 = arith.constant 0 : index
    %swap3A_378 = tpu.vector_load %arg5[%swap3A_376, %swap3A_377] {strides = array<i32>} : memref<16x128xf32, #tpu.memory_space<vmem>>, vector<1x16xf32>,
    %swap3A_379 = vector.shape_cast %swap3A_378 : vector<1x16xf32> to vector<16xf32>
    %swap3A_380 = vector.shape_cast %select_n3A_374 : vector<16xf32> to vector<1x16xf32>
    tpu.vector_store %arg5[%swap3A_376, %swap3A_377], %swap3A_380 {strides = array<i32>} : memref<16x128xf32, #tpu.memory_space<vmem>>, vector<1x16xf32>,
    %get3A_381 = arith.constant 480 : index
    %get3A_382 = tpu.vector_load %arg4[%get3A_381] {strides = array<i32>} : memref<512xf32, #tpu.memory_space<vmem>>, vector<16xf32>,
    %get3A_383 = vector.shape_cast %get3A_382 : vector<16xf32> to vector<16xf32>
    %get3A_384 = arith.constant 496 : index
    %get3A_385 = tpu.vector_load %arg4[%get3A_384] {strides = array<i32>} : memref<512xf32, #tpu.memory_space<vmem>>, vector<16xf32>,
    %get3A_386 = vector.shape_cast %get3A_385 : vector<16xf32> to vector<16xf32>
    %broadcast_in_dim3A_387 = vector.shape_cast %min3A : vector<16xi32> to vector<16x1xi32>
    %gather3A_388 = vector.shape_cast %broadcast_in_dim3A_387 : vector<16x1xi32> to vector<16xi32>
    %gather3A_389 = tpu.dynamic_gather %get3A_383[%gather3A_388] in [0] : vector<16xf32>, vector<16xi32> -> vector<16xf32>
    %broadcast_in_dim3A_390 = vector.shape_cast %max3A_95 : vector<16xi32> to vector<16x1xi32>
    %gather3A_391 = vector.shape_cast %broadcast_in_dim3A_390 : vector<16x1xi32> to vector<16xi32>
    %gather3A_392 = tpu.dynamic_gather %get3A_386[%gather3A_391] in [0] : vector<16xf32>, vector<16xi32> -> vector<16xf32>
    %select_n3A_393 = arith.select %lt3A_98, %gather3A_389, %gather3A_392 : vector<16xi1>, vector<16xf32>
    %swap3A_394 = arith.constant 15 : i32
    %swap3A_395 = arith.index_cast %swap3A_394 : i32 to index
    %swap3A_396 = arith.constant 0 : index
    %swap3A_397 = tpu.vector_load %arg5[%swap3A_395, %swap3A_396] {strides = array<i32>} : memref<16x128xf32, #tpu.memory_space<vmem>>, vector<1x16xf32>,
    %swap3A_398 = vector.shape_cast %swap3A_397 : vector<1x16xf32> to vector<16xf32>
    %swap3A_399 = vector.shape_cast %select_n3A_393 : vector<16xf32> to vector<1x16xf32>
    tpu.vector_store %arg5[%swap3A_395, %swap3A_396], %swap3A_399 {strides = array<i32>} : memref<16x128xf32, #tpu.memory_space<vmem>>, vector<1x16xf32>,
    %broadcast_in_dim3A_400 = arith.constant 0 : i32
    %broadcast_in_dim3A_401 = vector.broadcast %broadcast_in_dim3A_400 : i32 to vector<16xi32>
    %broadcast_in_dim3A_402 = arith.constant 1 : i32
    %broadcast_in_dim3A_403 = vector.broadcast %broadcast_in_dim3A_402 : i32 to vector<16xi32>
    %add3A_404 = arith.constant 16 : i32
    %add3A_405 = arith.addi %mul3A_2, %add3A_404 : i32
    %broadcast_in_dim3A_406 = vector.broadcast %add3A_405 : i32 to vector<16xi32>
    %add3A_407 = arith.addi %iota3A, %broadcast_in_dim3A_406 : vector<16xi32>
    %broadcast_in_dim3A_408 = arith.constant 2047 : i32
    %broadcast_in_dim3A_409 = vector.broadcast %broadcast_in_dim3A_408 : i32 to vector<16xi32>
    %sub3A_410 = arith.subi %broadcast_in_dim3A_409, %add3A_407 : vector<16xi32>
    %max3A_411 = arith.maxsi %sub3A_410, %broadcast_in_dim3A_401 : vector<16xi32>
    %broadcast_in_dim3A_412 = arith.constant 16 : i32
    %broadcast_in_dim3A_413 = vector.broadcast %broadcast_in_dim3A_412 : i32 to vector<16xi32>
    %broadcast_in_dim3A_414 = arith.constant 19 : i32
    %broadcast_in_dim3A_415 = vector.broadcast %broadcast_in_dim3A_414 : i32 to vector<16xi32>
    %ge3A_416 = arith.cmpi sge, %max3A_411, %broadcast_in_dim3A_415 : vector<16xi32>
    %select_n3A_417 = arith.select %ge3A_416, %broadcast_in_dim3A_403, %broadcast_in_dim3A_401 : vector<16xi1>, vector<16xi32>
    %add3A_418 = arith.addi %broadcast_in_dim3A_413, %select_n3A_417 : vector<16xi32>
    %broadcast_in_dim3A_419 = arith.constant 21 : i32
    %broadcast_in_dim3A_420 = vector.broadcast %broadcast_in_dim3A_419 : i32 to vector<16xi32>
    %ge3A_421 = arith.cmpi sge, %max3A_411, %broadcast_in_dim3A_420 : vector<16xi32>
    %select_n3A_422 = arith.select %ge3A_421, %broadcast_in_dim3A_403, %broadcast_in_dim3A_401 : vector<16xi1>, vector<16xi32>
    %add3A_423 = arith.addi %add3A_418, %select_n3A_422 : vector<16xi32>
    %broadcast_in_dim3A_424 = arith.constant 24 : i32
    %broadcast_in_dim3A_425 = vector.broadcast %broadcast_in_dim3A_424 : i32 to vector<16xi32>
    %ge3A_426 = arith.cmpi sge, %max3A_411, %broadcast_in_dim3A_425 : vector<16xi32>
    %select_n3A_427 = arith.select %ge3A_426, %broadcast_in_dim3A_403, %broadcast_in_dim3A_401 : vector<16xi1>, vector<16xi32>
    %add3A_428 = arith.addi %add3A_423, %select_n3A_427 : vector<16xi32>
    %broadcast_in_dim3A_429 = arith.constant 27 : i32
    %broadcast_in_dim3A_430 = vector.broadcast %broadcast_in_dim3A_429 : i32 to vector<16xi32>
    %ge3A_431 = arith.cmpi sge, %max3A_411, %broadcast_in_dim3A_430 : vector<16xi32>
    %select_n3A_432 = arith.select %ge3A_431, %broadcast_in_dim3A_403, %broadcast_in_dim3A_401 : vector<16xi1>, vector<16xi32>
    %add3A_433 = arith.addi %add3A_428, %select_n3A_432 : vector<16xi32>
    %broadcast_in_dim3A_434 = arith.constant 31 : i32
    %broadcast_in_dim3A_435 = vector.broadcast %broadcast_in_dim3A_434 : i32 to vector<16xi32>
    %ge3A_436 = arith.cmpi sge, %max3A_411, %broadcast_in_dim3A_435 : vector<16xi32>
    %select_n3A_437 = arith.select %ge3A_436, %broadcast_in_dim3A_403, %broadcast_in_dim3A_401 : vector<16xi1>, vector<16xi32>
    %add3A_438 = arith.addi %add3A_433, %select_n3A_437 : vector<16xi32>
    %broadcast_in_dim3A_439 = arith.constant 35 : i32
    %broadcast_in_dim3A_440 = vector.broadcast %broadcast_in_dim3A_439 : i32 to vector<16xi32>
    %ge3A_441 = arith.cmpi sge, %max3A_411, %broadcast_in_dim3A_440 : vector<16xi32>
    %select_n3A_442 = arith.select %ge3A_441, %broadcast_in_dim3A_403, %broadcast_in_dim3A_401 : vector<16xi1>, vector<16xi32>
    %add3A_443 = arith.addi %add3A_438, %select_n3A_442 : vector<16xi32>
    %broadcast_in_dim3A_444 = arith.constant 40 : i32
    %broadcast_in_dim3A_445 = vector.broadcast %broadcast_in_dim3A_444 : i32 to vector<16xi32>
    %ge3A_446 = arith.cmpi sge, %max3A_411, %broadcast_in_dim3A_445 : vector<16xi32>
    %select_n3A_447 = arith.select %ge3A_446, %broadcast_in_dim3A_403, %broadcast_in_dim3A_401 : vector<16xi1>, vector<16xi32>
    %add3A_448 = arith.addi %add3A_443, %select_n3A_447 : vector<16xi32>
    %broadcast_in_dim3A_449 = arith.constant 46 : i32
    %broadcast_in_dim3A_450 = vector.broadcast %broadcast_in_dim3A_449 : i32 to vector<16xi32>
    %ge3A_451 = arith.cmpi sge, %max3A_411, %broadcast_in_dim3A_450 : vector<16xi32>
    %select_n3A_452 = arith.select %ge3A_451, %broadcast_in_dim3A_403, %broadcast_in_dim3A_401 : vector<16xi1>, vector<16xi32>
    %add3A_453 = arith.addi %add3A_448, %select_n3A_452 : vector<16xi32>
    %broadcast_in_dim3A_454 = arith.constant 52 : i32
    %broadcast_in_dim3A_455 = vector.broadcast %broadcast_in_dim3A_454 : i32 to vector<16xi32>
    %ge3A_456 = arith.cmpi sge, %max3A_411, %broadcast_in_dim3A_455 : vector<16xi32>
    %select_n3A_457 = arith.select %ge3A_456, %broadcast_in_dim3A_403, %broadcast_in_dim3A_401 : vector<16xi1>, vector<16xi32>
    %add3A_458 = arith.addi %add3A_453, %select_n3A_457 : vector<16xi32>
    %broadcast_in_dim3A_459 = arith.constant 59 : i32
    %broadcast_in_dim3A_460 = vector.broadcast %broadcast_in_dim3A_459 : i32 to vector<16xi32>
    %ge3A_461 = arith.cmpi sge, %max3A_411, %broadcast_in_dim3A_460 : vector<16xi32>
    %select_n3A_462 = arith.select %ge3A_461, %broadcast_in_dim3A_403, %broadcast_in_dim3A_401 : vector<16xi1>, vector<16xi32>
    %add3A_463 = arith.addi %add3A_458, %select_n3A_462 : vector<16xi32>
    %broadcast_in_dim3A_464 = arith.constant 67 : i32
    %broadcast_in_dim3A_465 = vector.broadcast %broadcast_in_dim3A_464 : i32 to vector<16xi32>
    %ge3A_466 = arith.cmpi sge, %max3A_411, %broadcast_in_dim3A_465 : vector<16xi32>
    %select_n3A_467 = arith.select %ge3A_466, %broadcast_in_dim3A_403, %broadcast_in_dim3A_401 : vector<16xi1>, vector<16xi32>
    %add3A_468 = arith.addi %add3A_463, %select_n3A_467 : vector<16xi32>
    %broadcast_in_dim3A_469 = arith.constant 77 : i32
    %broadcast_in_dim3A_470 = vector.broadcast %broadcast_in_dim3A_469 : i32 to vector<16xi32>
    %ge3A_471 = arith.cmpi sge, %max3A_411, %broadcast_in_dim3A_470 : vector<16xi32>
    %select_n3A_472 = arith.select %ge3A_471, %broadcast_in_dim3A_403, %broadcast_in_dim3A_401 : vector<16xi1>, vector<16xi32>
    %add3A_473 = arith.addi %add3A_468, %select_n3A_472 : vector<16xi32>
    %broadcast_in_dim3A_474 = arith.constant 87 : i32
    %broadcast_in_dim3A_475 = vector.broadcast %broadcast_in_dim3A_474 : i32 to vector<16xi32>
    %ge3A_476 = arith.cmpi sge, %max3A_411, %broadcast_in_dim3A_475 : vector<16xi32>
    %select_n3A_477 = arith.select %ge3A_476, %broadcast_in_dim3A_403, %broadcast_in_dim3A_401 : vector<16xi1>, vector<16xi32>
    %add3A_478 = arith.addi %add3A_473, %select_n3A_477 : vector<16xi32>
    %broadcast_in_dim3A_479 = arith.constant 99 : i32
    %broadcast_in_dim3A_480 = vector.broadcast %broadcast_in_dim3A_479 : i32 to vector<16xi32>
    %ge3A_481 = arith.cmpi sge, %max3A_411, %broadcast_in_dim3A_480 : vector<16xi32>
    %select_n3A_482 = arith.select %ge3A_481, %broadcast_in_dim3A_403, %broadcast_in_dim3A_401 : vector<16xi1>, vector<16xi32>
    %add3A_483 = arith.addi %add3A_478, %select_n3A_482 : vector<16xi32>
    %broadcast_in_dim3A_484 = arith.constant 113 : i32
    %broadcast_in_dim3A_485 = vector.broadcast %broadcast_in_dim3A_484 : i32 to vector<16xi32>
    %ge3A_486 = arith.cmpi sge, %max3A_411, %broadcast_in_dim3A_485 : vector<16xi32>
    %select_n3A_487 = arith.select %ge3A_486, %broadcast_in_dim3A_403, %broadcast_in_dim3A_401 : vector<16xi1>, vector<16xi32>
    %add3A_488 = arith.addi %add3A_483, %select_n3A_487 : vector<16xi32>
    %broadcast_in_dim3A_489 = arith.constant 16 : i32
    %broadcast_in_dim3A_490 = vector.broadcast %broadcast_in_dim3A_489 : i32 to vector<16xi32>
    %lt3A_491 = arith.cmpi slt, %max3A_411, %broadcast_in_dim3A_490 : vector<16xi32>
    %select_n3A_492 = arith.select %lt3A_491, %max3A_411, %add3A_488 : vector<16xi1>, vector<16xi32>
    %broadcast_in_dim3A_493 = arith.constant 15 : i32
    %broadcast_in_dim3A_494 = vector.broadcast %broadcast_in_dim3A_493 : i32 to vector<16xi32>
    %min3A_495 = arith.minsi %select_n3A_492, %broadcast_in_dim3A_494 : vector<16xi32>
    %broadcast_in_dim3A_496 = arith.constant 16 : i32
    %broadcast_in_dim3A_497 = vector.broadcast %broadcast_in_dim3A_496 : i32 to vector<16xi32>
    %sub3A_498 = arith.subi %select_n3A_492, %broadcast_in_dim3A_497 : vector<16xi32>
    %max3A_499 = arith.maxsi %sub3A_498, %broadcast_in_dim3A_401 : vector<16xi32>
    %broadcast_in_dim3A_500 = arith.constant 16 : i32
    %broadcast_in_dim3A_501 = vector.broadcast %broadcast_in_dim3A_500 : i32 to vector<16xi32>
    %lt3A_502 = arith.cmpi slt, %select_n3A_492, %broadcast_in_dim3A_501 : vector<16xi32>
    %get3A_503 = arith.constant 0 : index
    %get3A_504 = tpu.vector_load %arg4[%get3A_503] {strides = array<i32>} : memref<512xf32, #tpu.memory_space<vmem>>, vector<16xf32>,
    %get3A_505 = vector.shape_cast %get3A_504 : vector<16xf32> to vector<16xf32>
    %get3A_506 = arith.constant 16 : index
    %get3A_507 = tpu.vector_load %arg4[%get3A_506] {strides = array<i32>} : memref<512xf32, #tpu.memory_space<vmem>>, vector<16xf32>,
    %get3A_508 = vector.shape_cast %get3A_507 : vector<16xf32> to vector<16xf32>
    %broadcast_in_dim3A_509 = vector.shape_cast %min3A_495 : vector<16xi32> to vector<16x1xi32>
    %gather3A_510 = vector.shape_cast %broadcast_in_dim3A_509 : vector<16x1xi32> to vector<16xi32>
    %gather3A_511 = tpu.dynamic_gather %get3A_505[%gather3A_510] in [0] : vector<16xf32>, vector<16xi32> -> vector<16xf32>
    %broadcast_in_dim3A_512 = vector.shape_cast %max3A_499 : vector<16xi32> to vector<16x1xi32>
    %gather3A_513 = vector.shape_cast %broadcast_in_dim3A_512 : vector<16x1xi32> to vector<16xi32>
    %gather3A_514 = tpu.dynamic_gather %get3A_508[%gather3A_513] in [0] : vector<16xf32>, vector<16xi32> -> vector<16xf32>
    %select_n3A_515 = arith.select %lt3A_502, %gather3A_511, %gather3A_514 : vector<16xi1>, vector<16xf32>
    %swap3A_516 = arith.constant 0 : i32
    %swap3A_517 = arith.index_cast %swap3A_516 : i32 to index
    %swap3A_518 = arith.constant 16 : index
    %swap3A_519 = tpu.vector_load %arg5[%swap3A_517, %swap3A_518] {strides = array<i32>} : memref<16x128xf32, #tpu.memory_space<vmem>>, vector<1x16xf32>,
    %swap3A_520 = vector.shape_cast %swap3A_519 : vector<1x16xf32> to vector<16xf32>
    %swap3A_521 = vector.shape_cast %select_n3A_515 : vector<16xf32> to vector<1x16xf32>
    tpu.vector_store %arg5[%swap3A_517, %swap3A_518], %swap3A_521 {strides = array<i32>} : memref<16x128xf32, #tpu.memory_space<vmem>>, vector<1x16xf32>,
    %get3A_522 = arith.constant 32 : index
    %get3A_523 = tpu.vector_load %arg4[%get3A_522] {strides = array<i32>} : memref<512xf32, #tpu.memory_space<vmem>>, vector<16xf32>,
    %get3A_524 = vector.shape_cast %get3A_523 : vector<16xf32> to vector<16xf32>
    %get3A_525 = arith.constant 48 : index
    %get3A_526 = tpu.vector_load %arg4[%get3A_525] {strides = array<i32>} : memref<512xf32, #tpu.memory_space<vmem>>, vector<16xf32>,
    %get3A_527 = vector.shape_cast %get3A_526 : vector<16xf32> to vector<16xf32>
    %broadcast_in_dim3A_528 = vector.shape_cast %min3A_495 : vector<16xi32> to vector<16x1xi32>
    %gather3A_529 = vector.shape_cast %broadcast_in_dim3A_528 : vector<16x1xi32> to vector<16xi32>
    %gather3A_530 = tpu.dynamic_gather %get3A_524[%gather3A_529] in [0] : vector<16xf32>, vector<16xi32> -> vector<16xf32>
    %broadcast_in_dim3A_531 = vector.shape_cast %max3A_499 : vector<16xi32> to vector<16x1xi32>
    %gather3A_532 = vector.shape_cast %broadcast_in_dim3A_531 : vector<16x1xi32> to vector<16xi32>
    %gather3A_533 = tpu.dynamic_gather %get3A_527[%gather3A_532] in [0] : vector<16xf32>, vector<16xi32> -> vector<16xf32>
    %select_n3A_534 = arith.select %lt3A_502, %gather3A_530, %gather3A_533 : vector<16xi1>, vector<16xf32>
    %swap3A_535 = arith.constant 1 : i32
    %swap3A_536 = arith.index_cast %swap3A_535 : i32 to index
    %swap3A_537 = arith.constant 16 : index
    %swap3A_538 = tpu.vector_load %arg5[%swap3A_536, %swap3A_537] {strides = array<i32>} : memref<16x128xf32, #tpu.memory_space<vmem>>, vector<1x16xf32>,
    %swap3A_539 = vector.shape_cast %swap3A_538 : vector<1x16xf32> to vector<16xf32>
    %swap3A_540 = vector.shape_cast %select_n3A_534 : vector<16xf32> to vector<1x16xf32>
    tpu.vector_store %arg5[%swap3A_536, %swap3A_537], %swap3A_540 {strides = array<i32>} : memref<16x128xf32, #tpu.memory_space<vmem>>, vector<1x16xf32>,
    %get3A_541 = arith.constant 64 : index
    %get3A_542 = tpu.vector_load %arg4[%get3A_541] {strides = array<i32>} : memref<512xf32, #tpu.memory_space<vmem>>, vector<16xf32>,
    %get3A_543 = vector.shape_cast %get3A_542 : vector<16xf32> to vector<16xf32>
    %get3A_544 = arith.constant 80 : index
    %get3A_545 = tpu.vector_load %arg4[%get3A_544] {strides = array<i32>} : memref<512xf32, #tpu.memory_space<vmem>>, vector<16xf32>,
    %get3A_546 = vector.shape_cast %get3A_545 : vector<16xf32> to vector<16xf32>
    %broadcast_in_dim3A_547 = vector.shape_cast %min3A_495 : vector<16xi32> to vector<16x1xi32>
    %gather3A_548 = vector.shape_cast %broadcast_in_dim3A_547 : vector<16x1xi32> to vector<16xi32>
    %gather3A_549 = tpu.dynamic_gather %get3A_543[%gather3A_548] in [0] : vector<16xf32>, vector<16xi32> -> vector<16xf32>
    %broadcast_in_dim3A_550 = vector.shape_cast %max3A_499 : vector<16xi32> to vector<16x1xi32>
    %gather3A_551 = vector.shape_cast %broadcast_in_dim3A_550 : vector<16x1xi32> to vector<16xi32>
    %gather3A_552 = tpu.dynamic_gather %get3A_546[%gather3A_551] in [0] : vector<16xf32>, vector<16xi32> -> vector<16xf32>
    %select_n3A_553 = arith.select %lt3A_502, %gather3A_549, %gather3A_552 : vector<16xi1>, vector<16xf32>
    %swap3A_554 = arith.constant 2 : i32
    %swap3A_555 = arith.index_cast %swap3A_554 : i32 to index
    %swap3A_556 = arith.constant 16 : index
    %swap3A_557 = tpu.vector_load %arg5[%swap3A_555, %swap3A_556] {strides = array<i32>} : memref<16x128xf32, #tpu.memory_space<vmem>>, vector<1x16xf32>,
    %swap3A_558 = vector.shape_cast %swap3A_557 : vector<1x16xf32> to vector<16xf32>
    %swap3A_559 = vector.shape_cast %select_n3A_553 : vector<16xf32> to vector<1x16xf32>
    tpu.vector_store %arg5[%swap3A_555, %swap3A_556], %swap3A_559 {strides = array<i32>} : memref<16x128xf32, #tpu.memory_space<vmem>>, vector<1x16xf32>,
    %get3A_560 = arith.constant 96 : index
    %get3A_561 = tpu.vector_load %arg4[%get3A_560] {strides = array<i32>} : memref<512xf32, #tpu.memory_space<vmem>>, vector<16xf32>,
    %get3A_562 = vector.shape_cast %get3A_561 : vector<16xf32> to vector<16xf32>
    %get3A_563 = arith.constant 112 : index
    %get3A_564 = tpu.vector_load %arg4[%get3A_563] {strides = array<i32>} : memref<512xf32, #tpu.memory_space<vmem>>, vector<16xf32>,
    %get3A_565 = vector.shape_cast %get3A_564 : vector<16xf32> to vector<16xf32>
    %broadcast_in_dim3A_566 = vector.shape_cast %min3A_495 : vector<16xi32> to vector<16x1xi32>
    %gather3A_567 = vector.shape_cast %broadcast_in_dim3A_566 : vector<16x1xi32> to vector<16xi32>
    %gather3A_568 = tpu.dynamic_gather %get3A_562[%gather3A_567] in [0] : vector<16xf32>, vector<16xi32> -> vector<16xf32>
    %broadcast_in_dim3A_569 = vector.shape_cast %max3A_499 : vector<16xi32> to vector<16x1xi32>
    %gather3A_570 = vector.shape_cast %broadcast_in_dim3A_569 : vector<16x1xi32> to vector<16xi32>
    %gather3A_571 = tpu.dynamic_gather %get3A_565[%gather3A_570] in [0] : vector<16xf32>, vector<16xi32> -> vector<16xf32>
    %select_n3A_572 = arith.select %lt3A_502, %gather3A_568, %gather3A_571 : vector<16xi1>, vector<16xf32>
    %swap3A_573 = arith.constant 3 : i32
    %swap3A_574 = arith.index_cast %swap3A_573 : i32 to index
    %swap3A_575 = arith.constant 16 : index
    %swap3A_576 = tpu.vector_load %arg5[%swap3A_574, %swap3A_575] {strides = array<i32>} : memref<16x128xf32, #tpu.memory_space<vmem>>, vector<1x16xf32>,
    %swap3A_577 = vector.shape_cast %swap3A_576 : vector<1x16xf32> to vector<16xf32>
    %swap3A_578 = vector.shape_cast %select_n3A_572 : vector<16xf32> to vector<1x16xf32>
    tpu.vector_store %arg5[%swap3A_574, %swap3A_575], %swap3A_578 {strides = array<i32>} : memref<16x128xf32, #tpu.memory_space<vmem>>, vector<1x16xf32>,
    %get3A_579 = arith.constant 128 : index
    %get3A_580 = tpu.vector_load %arg4[%get3A_579] {strides = array<i32>} : memref<512xf32, #tpu.memory_space<vmem>>, vector<16xf32>,
    %get3A_581 = vector.shape_cast %get3A_580 : vector<16xf32> to vector<16xf32>
    %get3A_582 = arith.constant 144 : index
    %get3A_583 = tpu.vector_load %arg4[%get3A_582] {strides = array<i32>} : memref<512xf32, #tpu.memory_space<vmem>>, vector<16xf32>,
    %get3A_584 = vector.shape_cast %get3A_583 : vector<16xf32> to vector<16xf32>
    %broadcast_in_dim3A_585 = vector.shape_cast %min3A_495 : vector<16xi32> to vector<16x1xi32>
    %gather3A_586 = vector.shape_cast %broadcast_in_dim3A_585 : vector<16x1xi32> to vector<16xi32>
    %gather3A_587 = tpu.dynamic_gather %get3A_581[%gather3A_586] in [0] : vector<16xf32>, vector<16xi32> -> vector<16xf32>
    %broadcast_in_dim3A_588 = vector.shape_cast %max3A_499 : vector<16xi32> to vector<16x1xi32>
    %gather3A_589 = vector.shape_cast %broadcast_in_dim3A_588 : vector<16x1xi32> to vector<16xi32>
    %gather3A_590 = tpu.dynamic_gather %get3A_584[%gather3A_589] in [0] : vector<16xf32>, vector<16xi32> -> vector<16xf32>
    %select_n3A_591 = arith.select %lt3A_502, %gather3A_587, %gather3A_590 : vector<16xi1>, vector<16xf32>
    %swap3A_592 = arith.constant 4 : i32
    %swap3A_593 = arith.index_cast %swap3A_592 : i32 to index
    %swap3A_594 = arith.constant 16 : index
    %swap3A_595 = tpu.vector_load %arg5[%swap3A_593, %swap3A_594] {strides = array<i32>} : memref<16x128xf32, #tpu.memory_space<vmem>>, vector<1x16xf32>,
    %swap3A_596 = vector.shape_cast %swap3A_595 : vector<1x16xf32> to vector<16xf32>
    %swap3A_597 = vector.shape_cast %select_n3A_591 : vector<16xf32> to vector<1x16xf32>
    tpu.vector_store %arg5[%swap3A_593, %swap3A_594], %swap3A_597 {strides = array<i32>} : memref<16x128xf32, #tpu.memory_space<vmem>>, vector<1x16xf32>,
    %get3A_598 = arith.constant 160 : index
    %get3A_599 = tpu.vector_load %arg4[%get3A_598] {strides = array<i32>} : memref<512xf32, #tpu.memory_space<vmem>>, vector<16xf32>,
    %get3A_600 = vector.shape_cast %get3A_599 : vector<16xf32> to vector<16xf32>
    %get3A_601 = arith.constant 176 : index
    %get3A_602 = tpu.vector_load %arg4[%get3A_601] {strides = array<i32>} : memref<512xf32, #tpu.memory_space<vmem>>, vector<16xf32>,
    %get3A_603 = vector.shape_cast %get3A_602 : vector<16xf32> to vector<16xf32>
    %broadcast_in_dim3A_604 = vector.shape_cast %min3A_495 : vector<16xi32> to vector<16x1xi32>
    %gather3A_605 = vector.shape_cast %broadcast_in_dim3A_604 : vector<16x1xi32> to vector<16xi32>
    %gather3A_606 = tpu.dynamic_gather %get3A_600[%gather3A_605] in [0] : vector<16xf32>, vector<16xi32> -> vector<16xf32>
    %broadcast_in_dim3A_607 = vector.shape_cast %max3A_499 : vector<16xi32> to vector<16x1xi32>
    %gather3A_608 = vector.shape_cast %broadcast_in_dim3A_607 : vector<16x1xi32> to vector<16xi32>
    %gather3A_609 = tpu.dynamic_gather %get3A_603[%gather3A_608] in [0] : vector<16xf32>, vector<16xi32> -> vector<16xf32>
    %select_n3A_610 = arith.select %lt3A_502, %gather3A_606, %gather3A_609 : vector<16xi1>, vector<16xf32>
    %swap3A_611 = arith.constant 5 : i32
    %swap3A_612 = arith.index_cast %swap3A_611 : i32 to index
    %swap3A_613 = arith.constant 16 : index
    %swap3A_614 = tpu.vector_load %arg5[%swap3A_612, %swap3A_613] {strides = array<i32>} : memref<16x128xf32, #tpu.memory_space<vmem>>, vector<1x16xf32>,
    %swap3A_615 = vector.shape_cast %swap3A_614 : vector<1x16xf32> to vector<16xf32>
    %swap3A_616 = vector.shape_cast %select_n3A_610 : vector<16xf32> to vector<1x16xf32>
    tpu.vector_store %arg5[%swap3A_612, %swap3A_613], %swap3A_616 {strides = array<i32>} : memref<16x128xf32, #tpu.memory_space<vmem>>, vector<1x16xf32>,
    %get3A_617 = arith.constant 192 : index
    %get3A_618 = tpu.vector_load %arg4[%get3A_617] {strides = array<i32>} : memref<512xf32, #tpu.memory_space<vmem>>, vector<16xf32>,
    %get3A_619 = vector.shape_cast %get3A_618 : vector<16xf32> to vector<16xf32>
    %get3A_620 = arith.constant 208 : index
    %get3A_621 = tpu.vector_load %arg4[%get3A_620] {strides = array<i32>} : memref<512xf32, #tpu.memory_space<vmem>>, vector<16xf32>,
    %get3A_622 = vector.shape_cast %get3A_621 : vector<16xf32> to vector<16xf32>
    %broadcast_in_dim3A_623 = vector.shape_cast %min3A_495 : vector<16xi32> to vector<16x1xi32>
    %gather3A_624 = vector.shape_cast %broadcast_in_dim3A_623 : vector<16x1xi32> to vector<16xi32>
    %gather3A_625 = tpu.dynamic_gather %get3A_619[%gather3A_624] in [0] : vector<16xf32>, vector<16xi32> -> vector<16xf32>
    %broadcast_in_dim3A_626 = vector.shape_cast %max3A_499 : vector<16xi32> to vector<16x1xi32>
    %gather3A_627 = vector.shape_cast %broadcast_in_dim3A_626 : vector<16x1xi32> to vector<16xi32>
    %gather3A_628 = tpu.dynamic_gather %get3A_622[%gather3A_627] in [0] : vector<16xf32>, vector<16xi32> -> vector<16xf32>
    %select_n3A_629 = arith.select %lt3A_502, %gather3A_625, %gather3A_628 : vector<16xi1>, vector<16xf32>
    %swap3A_630 = arith.constant 6 : i32
    %swap3A_631 = arith.index_cast %swap3A_630 : i32 to index
    %swap3A_632 = arith.constant 16 : index
    %swap3A_633 = tpu.vector_load %arg5[%swap3A_631, %swap3A_632] {strides = array<i32>} : memref<16x128xf32, #tpu.memory_space<vmem>>, vector<1x16xf32>,
    %swap3A_634 = vector.shape_cast %swap3A_633 : vector<1x16xf32> to vector<16xf32>
    %swap3A_635 = vector.shape_cast %select_n3A_629 : vector<16xf32> to vector<1x16xf32>
    tpu.vector_store %arg5[%swap3A_631, %swap3A_632], %swap3A_635 {strides = array<i32>} : memref<16x128xf32, #tpu.memory_space<vmem>>, vector<1x16xf32>,
    %get3A_636 = arith.constant 224 : index
    %get3A_637 = tpu.vector_load %arg4[%get3A_636] {strides = array<i32>} : memref<512xf32, #tpu.memory_space<vmem>>, vector<16xf32>,
    %get3A_638 = vector.shape_cast %get3A_637 : vector<16xf32> to vector<16xf32>
    %get3A_639 = arith.constant 240 : index
    %get3A_640 = tpu.vector_load %arg4[%get3A_639] {strides = array<i32>} : memref<512xf32, #tpu.memory_space<vmem>>, vector<16xf32>,
    %get3A_641 = vector.shape_cast %get3A_640 : vector<16xf32> to vector<16xf32>
    %broadcast_in_dim3A_642 = vector.shape_cast %min3A_495 : vector<16xi32> to vector<16x1xi32>
    %gather3A_643 = vector.shape_cast %broadcast_in_dim3A_642 : vector<16x1xi32> to vector<16xi32>
    %gather3A_644 = tpu.dynamic_gather %get3A_638[%gather3A_643] in [0] : vector<16xf32>, vector<16xi32> -> vector<16xf32>
    %broadcast_in_dim3A_645 = vector.shape_cast %max3A_499 : vector<16xi32> to vector<16x1xi32>
    %gather3A_646 = vector.shape_cast %broadcast_in_dim3A_645 : vector<16x1xi32> to vector<16xi32>
    %gather3A_647 = tpu.dynamic_gather %get3A_641[%gather3A_646] in [0] : vector<16xf32>, vector<16xi32> -> vector<16xf32>
    %select_n3A_648 = arith.select %lt3A_502, %gather3A_644, %gather3A_647 : vector<16xi1>, vector<16xf32>
    %swap3A_649 = arith.constant 7 : i32
    %swap3A_650 = arith.index_cast %swap3A_649 : i32 to index
    %swap3A_651 = arith.constant 16 : index
    %swap3A_652 = tpu.vector_load %arg5[%swap3A_650, %swap3A_651] {strides = array<i32>} : memref<16x128xf32, #tpu.memory_space<vmem>>, vector<1x16xf32>,
    %swap3A_653 = vector.shape_cast %swap3A_652 : vector<1x16xf32> to vector<16xf32>
    %swap3A_654 = vector.shape_cast %select_n3A_648 : vector<16xf32> to vector<1x16xf32>
    tpu.vector_store %arg5[%swap3A_650, %swap3A_651], %swap3A_654 {strides = array<i32>} : memref<16x128xf32, #tpu.memory_space<vmem>>, vector<1x16xf32>,
    %get3A_655 = arith.constant 256 : index
    %get3A_656 = tpu.vector_load %arg4[%get3A_655] {strides = array<i32>} : memref<512xf32, #tpu.memory_space<vmem>>, vector<16xf32>,
    %get3A_657 = vector.shape_cast %get3A_656 : vector<16xf32> to vector<16xf32>
    %get3A_658 = arith.constant 272 : index
    %get3A_659 = tpu.vector_load %arg4[%get3A_658] {strides = array<i32>} : memref<512xf32, #tpu.memory_space<vmem>>, vector<16xf32>,
    %get3A_660 = vector.shape_cast %get3A_659 : vector<16xf32> to vector<16xf32>
    %broadcast_in_dim3A_661 = vector.shape_cast %min3A_495 : vector<16xi32> to vector<16x1xi32>
    %gather3A_662 = vector.shape_cast %broadcast_in_dim3A_661 : vector<16x1xi32> to vector<16xi32>
    %gather3A_663 = tpu.dynamic_gather %get3A_657[%gather3A_662] in [0] : vector<16xf32>, vector<16xi32> -> vector<16xf32>
    %broadcast_in_dim3A_664 = vector.shape_cast %max3A_499 : vector<16xi32> to vector<16x1xi32>
    %gather3A_665 = vector.shape_cast %broadcast_in_dim3A_664 : vector<16x1xi32> to vector<16xi32>
    %gather3A_666 = tpu.dynamic_gather %get3A_660[%gather3A_665] in [0] : vector<16xf32>, vector<16xi32> -> vector<16xf32>
    %select_n3A_667 = arith.select %lt3A_502, %gather3A_663, %gather3A_666 : vector<16xi1>, vector<16xf32>
    %swap3A_668 = arith.constant 8 : i32
    %swap3A_669 = arith.index_cast %swap3A_668 : i32 to index
    %swap3A_670 = arith.constant 16 : index
    %swap3A_671 = tpu.vector_load %arg5[%swap3A_669, %swap3A_670] {strides = array<i32>} : memref<16x128xf32, #tpu.memory_space<vmem>>, vector<1x16xf32>,
    %swap3A_672 = vector.shape_cast %swap3A_671 : vector<1x16xf32> to vector<16xf32>
    %swap3A_673 = vector.shape_cast %select_n3A_667 : vector<16xf32> to vector<1x16xf32>
    tpu.vector_store %arg5[%swap3A_669, %swap3A_670], %swap3A_673 {strides = array<i32>} : memref<16x128xf32, #tpu.memory_space<vmem>>, vector<1x16xf32>,
    %get3A_674 = arith.constant 288 : index
    %get3A_675 = tpu.vector_load %arg4[%get3A_674] {strides = array<i32>} : memref<512xf32, #tpu.memory_space<vmem>>, vector<16xf32>,
    %get3A_676 = vector.shape_cast %get3A_675 : vector<16xf32> to vector<16xf32>
    %get3A_677 = arith.constant 304 : index
    %get3A_678 = tpu.vector_load %arg4[%get3A_677] {strides = array<i32>} : memref<512xf32, #tpu.memory_space<vmem>>, vector<16xf32>,
    %get3A_679 = vector.shape_cast %get3A_678 : vector<16xf32> to vector<16xf32>
    %broadcast_in_dim3A_680 = vector.shape_cast %min3A_495 : vector<16xi32> to vector<16x1xi32>
    %gather3A_681 = vector.shape_cast %broadcast_in_dim3A_680 : vector<16x1xi32> to vector<16xi32>
    %gather3A_682 = tpu.dynamic_gather %get3A_676[%gather3A_681] in [0] : vector<16xf32>, vector<16xi32> -> vector<16xf32>
    %broadcast_in_dim3A_683 = vector.shape_cast %max3A_499 : vector<16xi32> to vector<16x1xi32>
    %gather3A_684 = vector.shape_cast %broadcast_in_dim3A_683 : vector<16x1xi32> to vector<16xi32>
    %gather3A_685 = tpu.dynamic_gather %get3A_679[%gather3A_684] in [0] : vector<16xf32>, vector<16xi32> -> vector<16xf32>
    %select_n3A_686 = arith.select %lt3A_502, %gather3A_682, %gather3A_685 : vector<16xi1>, vector<16xf32>
    %swap3A_687 = arith.constant 9 : i32
    %swap3A_688 = arith.index_cast %swap3A_687 : i32 to index
    %swap3A_689 = arith.constant 16 : index
    %swap3A_690 = tpu.vector_load %arg5[%swap3A_688, %swap3A_689] {strides = array<i32>} : memref<16x128xf32, #tpu.memory_space<vmem>>, vector<1x16xf32>,
    %swap3A_691 = vector.shape_cast %swap3A_690 : vector<1x16xf32> to vector<16xf32>
    %swap3A_692 = vector.shape_cast %select_n3A_686 : vector<16xf32> to vector<1x16xf32>
    tpu.vector_store %arg5[%swap3A_688, %swap3A_689], %swap3A_692 {strides = array<i32>} : memref<16x128xf32, #tpu.memory_space<vmem>>, vector<1x16xf32>,
    %get3A_693 = arith.constant 320 : index
    %get3A_694 = tpu.vector_load %arg4[%get3A_693] {strides = array<i32>} : memref<512xf32, #tpu.memory_space<vmem>>, vector<16xf32>,
    %get3A_695 = vector.shape_cast %get3A_694 : vector<16xf32> to vector<16xf32>
    %get3A_696 = arith.constant 336 : index
    %get3A_697 = tpu.vector_load %arg4[%get3A_696] {strides = array<i32>} : memref<512xf32, #tpu.memory_space<vmem>>, vector<16xf32>,
    %get3A_698 = vector.shape_cast %get3A_697 : vector<16xf32> to vector<16xf32>
    %broadcast_in_dim3A_699 = vector.shape_cast %min3A_495 : vector<16xi32> to vector<16x1xi32>
    %gather3A_700 = vector.shape_cast %broadcast_in_dim3A_699 : vector<16x1xi32> to vector<16xi32>
    %gather3A_701 = tpu.dynamic_gather %get3A_695[%gather3A_700] in [0] : vector<16xf32>, vector<16xi32> -> vector<16xf32>
    %broadcast_in_dim3A_702 = vector.shape_cast %max3A_499 : vector<16xi32> to vector<16x1xi32>
    %gather3A_703 = vector.shape_cast %broadcast_in_dim3A_702 : vector<16x1xi32> to vector<16xi32>
    %gather3A_704 = tpu.dynamic_gather %get3A_698[%gather3A_703] in [0] : vector<16xf32>, vector<16xi32> -> vector<16xf32>
    %select_n3A_705 = arith.select %lt3A_502, %gather3A_701, %gather3A_704 : vector<16xi1>, vector<16xf32>
    %swap3A_706 = arith.constant 10 : i32
    %swap3A_707 = arith.index_cast %swap3A_706 : i32 to index
    %swap3A_708 = arith.constant 16 : index
    %swap3A_709 = tpu.vector_load %arg5[%swap3A_707, %swap3A_708] {strides = array<i32>} : memref<16x128xf32, #tpu.memory_space<vmem>>, vector<1x16xf32>,
    %swap3A_710 = vector.shape_cast %swap3A_709 : vector<1x16xf32> to vector<16xf32>
    %swap3A_711 = vector.shape_cast %select_n3A_705 : vector<16xf32> to vector<1x16xf32>
    tpu.vector_store %arg5[%swap3A_707, %swap3A_708], %swap3A_711 {strides = array<i32>} : memref<16x128xf32, #tpu.memory_space<vmem>>, vector<1x16xf32>,
    %get3A_712 = arith.constant 352 : index
    %get3A_713 = tpu.vector_load %arg4[%get3A_712] {strides = array<i32>} : memref<512xf32, #tpu.memory_space<vmem>>, vector<16xf32>,
    %get3A_714 = vector.shape_cast %get3A_713 : vector<16xf32> to vector<16xf32>
    %get3A_715 = arith.constant 368 : index
    %get3A_716 = tpu.vector_load %arg4[%get3A_715] {strides = array<i32>} : memref<512xf32, #tpu.memory_space<vmem>>, vector<16xf32>,
    %get3A_717 = vector.shape_cast %get3A_716 : vector<16xf32> to vector<16xf32>
    %broadcast_in_dim3A_718 = vector.shape_cast %min3A_495 : vector<16xi32> to vector<16x1xi32>
    %gather3A_719 = vector.shape_cast %broadcast_in_dim3A_718 : vector<16x1xi32> to vector<16xi32>
    %gather3A_720 = tpu.dynamic_gather %get3A_714[%gather3A_719] in [0] : vector<16xf32>, vector<16xi32> -> vector<16xf32>
    %broadcast_in_dim3A_721 = vector.shape_cast %max3A_499 : vector<16xi32> to vector<16x1xi32>
    %gather3A_722 = vector.shape_cast %broadcast_in_dim3A_721 : vector<16x1xi32> to vector<16xi32>
    %gather3A_723 = tpu.dynamic_gather %get3A_717[%gather3A_722] in [0] : vector<16xf32>, vector<16xi32> -> vector<16xf32>
    %select_n3A_724 = arith.select %lt3A_502, %gather3A_720, %gather3A_723 : vector<16xi1>, vector<16xf32>
    %swap3A_725 = arith.constant 11 : i32
    %swap3A_726 = arith.index_cast %swap3A_725 : i32 to index
    %swap3A_727 = arith.constant 16 : index
    %swap3A_728 = tpu.vector_load %arg5[%swap3A_726, %swap3A_727] {strides = array<i32>} : memref<16x128xf32, #tpu.memory_space<vmem>>, vector<1x16xf32>,
    %swap3A_729 = vector.shape_cast %swap3A_728 : vector<1x16xf32> to vector<16xf32>
    %swap3A_730 = vector.shape_cast %select_n3A_724 : vector<16xf32> to vector<1x16xf32>
    tpu.vector_store %arg5[%swap3A_726, %swap3A_727], %swap3A_730 {strides = array<i32>} : memref<16x128xf32, #tpu.memory_space<vmem>>, vector<1x16xf32>,
    %get3A_731 = arith.constant 384 : index
    %get3A_732 = tpu.vector_load %arg4[%get3A_731] {strides = array<i32>} : memref<512xf32, #tpu.memory_space<vmem>>, vector<16xf32>,
    %get3A_733 = vector.shape_cast %get3A_732 : vector<16xf32> to vector<16xf32>
    %get3A_734 = arith.constant 400 : index
    %get3A_735 = tpu.vector_load %arg4[%get3A_734] {strides = array<i32>} : memref<512xf32, #tpu.memory_space<vmem>>, vector<16xf32>,
    %get3A_736 = vector.shape_cast %get3A_735 : vector<16xf32> to vector<16xf32>
    %broadcast_in_dim3A_737 = vector.shape_cast %min3A_495 : vector<16xi32> to vector<16x1xi32>
    %gather3A_738 = vector.shape_cast %broadcast_in_dim3A_737 : vector<16x1xi32> to vector<16xi32>
    %gather3A_739 = tpu.dynamic_gather %get3A_733[%gather3A_738] in [0] : vector<16xf32>, vector<16xi32> -> vector<16xf32>
    %broadcast_in_dim3A_740 = vector.shape_cast %max3A_499 : vector<16xi32> to vector<16x1xi32>
    %gather3A_741 = vector.shape_cast %broadcast_in_dim3A_740 : vector<16x1xi32> to vector<16xi32>
    %gather3A_742 = tpu.dynamic_gather %get3A_736[%gather3A_741] in [0] : vector<16xf32>, vector<16xi32> -> vector<16xf32>
    %select_n3A_743 = arith.select %lt3A_502, %gather3A_739, %gather3A_742 : vector<16xi1>, vector<16xf32>
    %swap3A_744 = arith.constant 12 : i32
    %swap3A_745 = arith.index_cast %swap3A_744 : i32 to index
    %swap3A_746 = arith.constant 16 : index
    %swap3A_747 = tpu.vector_load %arg5[%swap3A_745, %swap3A_746] {strides = array<i32>} : memref<16x128xf32, #tpu.memory_space<vmem>>, vector<1x16xf32>,
    %swap3A_748 = vector.shape_cast %swap3A_747 : vector<1x16xf32> to vector<16xf32>
    %swap3A_749 = vector.shape_cast %select_n3A_743 : vector<16xf32> to vector<1x16xf32>
    tpu.vector_store %arg5[%swap3A_745, %swap3A_746], %swap3A_749 {strides = array<i32>} : memref<16x128xf32, #tpu.memory_space<vmem>>, vector<1x16xf32>,
    %get3A_750 = arith.constant 416 : index
    %get3A_751 = tpu.vector_load %arg4[%get3A_750] {strides = array<i32>} : memref<512xf32, #tpu.memory_space<vmem>>, vector<16xf32>,
    %get3A_752 = vector.shape_cast %get3A_751 : vector<16xf32> to vector<16xf32>
    %get3A_753 = arith.constant 432 : index
    %get3A_754 = tpu.vector_load %arg4[%get3A_753] {strides = array<i32>} : memref<512xf32, #tpu.memory_space<vmem>>, vector<16xf32>,
    %get3A_755 = vector.shape_cast %get3A_754 : vector<16xf32> to vector<16xf32>
    %broadcast_in_dim3A_756 = vector.shape_cast %min3A_495 : vector<16xi32> to vector<16x1xi32>
    %gather3A_757 = vector.shape_cast %broadcast_in_dim3A_756 : vector<16x1xi32> to vector<16xi32>
    %gather3A_758 = tpu.dynamic_gather %get3A_752[%gather3A_757] in [0] : vector<16xf32>, vector<16xi32> -> vector<16xf32>
    %broadcast_in_dim3A_759 = vector.shape_cast %max3A_499 : vector<16xi32> to vector<16x1xi32>
    %gather3A_760 = vector.shape_cast %broadcast_in_dim3A_759 : vector<16x1xi32> to vector<16xi32>
    %gather3A_761 = tpu.dynamic_gather %get3A_755[%gather3A_760] in [0] : vector<16xf32>, vector<16xi32> -> vector<16xf32>
    %select_n3A_762 = arith.select %lt3A_502, %gather3A_758, %gather3A_761 : vector<16xi1>, vector<16xf32>
    %swap3A_763 = arith.constant 13 : i32
    %swap3A_764 = arith.index_cast %swap3A_763 : i32 to index
    %swap3A_765 = arith.constant 16 : index
    %swap3A_766 = tpu.vector_load %arg5[%swap3A_764, %swap3A_765] {strides = array<i32>} : memref<16x128xf32, #tpu.memory_space<vmem>>, vector<1x16xf32>,
    %swap3A_767 = vector.shape_cast %swap3A_766 : vector<1x16xf32> to vector<16xf32>
    %swap3A_768 = vector.shape_cast %select_n3A_762 : vector<16xf32> to vector<1x16xf32>
    tpu.vector_store %arg5[%swap3A_764, %swap3A_765], %swap3A_768 {strides = array<i32>} : memref<16x128xf32, #tpu.memory_space<vmem>>, vector<1x16xf32>,
    %get3A_769 = arith.constant 448 : index
    %get3A_770 = tpu.vector_load %arg4[%get3A_769] {strides = array<i32>} : memref<512xf32, #tpu.memory_space<vmem>>, vector<16xf32>,
    %get3A_771 = vector.shape_cast %get3A_770 : vector<16xf32> to vector<16xf32>
    %get3A_772 = arith.constant 464 : index
    %get3A_773 = tpu.vector_load %arg4[%get3A_772] {strides = array<i32>} : memref<512xf32, #tpu.memory_space<vmem>>, vector<16xf32>,
    %get3A_774 = vector.shape_cast %get3A_773 : vector<16xf32> to vector<16xf32>
    %broadcast_in_dim3A_775 = vector.shape_cast %min3A_495 : vector<16xi32> to vector<16x1xi32>
    %gather3A_776 = vector.shape_cast %broadcast_in_dim3A_775 : vector<16x1xi32> to vector<16xi32>
    %gather3A_777 = tpu.dynamic_gather %get3A_771[%gather3A_776] in [0] : vector<16xf32>, vector<16xi32> -> vector<16xf32>
    %broadcast_in_dim3A_778 = vector.shape_cast %max3A_499 : vector<16xi32> to vector<16x1xi32>
    %gather3A_779 = vector.shape_cast %broadcast_in_dim3A_778 : vector<16x1xi32> to vector<16xi32>
    %gather3A_780 = tpu.dynamic_gather %get3A_774[%gather3A_779] in [0] : vector<16xf32>, vector<16xi32> -> vector<16xf32>
    %select_n3A_781 = arith.select %lt3A_502, %gather3A_777, %gather3A_780 : vector<16xi1>, vector<16xf32>
    %swap3A_782 = arith.constant 14 : i32
    %swap3A_783 = arith.index_cast %swap3A_782 : i32 to index
    %swap3A_784 = arith.constant 16 : index
    %swap3A_785 = tpu.vector_load %arg5[%swap3A_783, %swap3A_784] {strides = array<i32>} : memref<16x128xf32, #tpu.memory_space<vmem>>, vector<1x16xf32>,
    %swap3A_786 = vector.shape_cast %swap3A_785 : vector<1x16xf32> to vector<16xf32>
    %swap3A_787 = vector.shape_cast %select_n3A_781 : vector<16xf32> to vector<1x16xf32>
    tpu.vector_store %arg5[%swap3A_783, %swap3A_784], %swap3A_787 {strides = array<i32>} : memref<16x128xf32, #tpu.memory_space<vmem>>, vector<1x16xf32>,
    %get3A_788 = arith.constant 480 : index
    %get3A_789 = tpu.vector_load %arg4[%get3A_788] {strides = array<i32>} : memref<512xf32, #tpu.memory_space<vmem>>, vector<16xf32>,
    %get3A_790 = vector.shape_cast %get3A_789 : vector<16xf32> to vector<16xf32>
    %get3A_791 = arith.constant 496 : index
    %get3A_792 = tpu.vector_load %arg4[%get3A_791] {strides = array<i32>} : memref<512xf32, #tpu.memory_space<vmem>>, vector<16xf32>,
    %get3A_793 = vector.shape_cast %get3A_792 : vector<16xf32> to vector<16xf32>
    %broadcast_in_dim3A_794 = vector.shape_cast %min3A_495 : vector<16xi32> to vector<16x1xi32>
    %gather3A_795 = vector.shape_cast %broadcast_in_dim3A_794 : vector<16x1xi32> to vector<16xi32>
    %gather3A_796 = tpu.dynamic_gather %get3A_790[%gather3A_795] in [0] : vector<16xf32>, vector<16xi32> -> vector<16xf32>
    %broadcast_in_dim3A_797 = vector.shape_cast %max3A_499 : vector<16xi32> to vector<16x1xi32>
    %gather3A_798 = vector.shape_cast %broadcast_in_dim3A_797 : vector<16x1xi32> to vector<16xi32>
    %gather3A_799 = tpu.dynamic_gather %get3A_793[%gather3A_798] in [0] : vector<16xf32>, vector<16xi32> -> vector<16xf32>
    %select_n3A_800 = arith.select %lt3A_502, %gather3A_796, %gather3A_799 : vector<16xi1>, vector<16xf32>
    %swap3A_801 = arith.constant 15 : i32
    %swap3A_802 = arith.index_cast %swap3A_801 : i32 to index
    %swap3A_803 = arith.constant 16 : index
    %swap3A_804 = tpu.vector_load %arg5[%swap3A_802, %swap3A_803] {strides = array<i32>} : memref<16x128xf32, #tpu.memory_space<vmem>>, vector<1x16xf32>,
    %swap3A_805 = vector.shape_cast %swap3A_804 : vector<1x16xf32> to vector<16xf32>
    %swap3A_806 = vector.shape_cast %select_n3A_800 : vector<16xf32> to vector<1x16xf32>
    tpu.vector_store %arg5[%swap3A_802, %swap3A_803], %swap3A_806 {strides = array<i32>} : memref<16x128xf32, #tpu.memory_space<vmem>>, vector<1x16xf32>,
    %broadcast_in_dim3A_807 = arith.constant 0 : i32
    %broadcast_in_dim3A_808 = vector.broadcast %broadcast_in_dim3A_807 : i32 to vector<16xi32>
    %broadcast_in_dim3A_809 = arith.constant 1 : i32
    %broadcast_in_dim3A_810 = vector.broadcast %broadcast_in_dim3A_809 : i32 to vector<16xi32>
    %add3A_811 = arith.constant 32 : i32
    %add3A_812 = arith.addi %mul3A_2, %add3A_811 : i32
    %broadcast_in_dim3A_813 = vector.broadcast %add3A_812 : i32 to vector<16xi32>
    %add3A_814 = arith.addi %iota3A, %broadcast_in_dim3A_813 : vector<16xi32>
    %broadcast_in_dim3A_815 = arith.constant 2047 : i32
    %broadcast_in_dim3A_816 = vector.broadcast %broadcast_in_dim3A_815 : i32 to vector<16xi32>
    %sub3A_817 = arith.subi %broadcast_in_dim3A_816, %add3A_814 : vector<16xi32>
    %max3A_818 = arith.maxsi %sub3A_817, %broadcast_in_dim3A_808 : vector<16xi32>
    %broadcast_in_dim3A_819 = arith.constant 16 : i32
    %broadcast_in_dim3A_820 = vector.broadcast %broadcast_in_dim3A_819 : i32 to vector<16xi32>
    %broadcast_in_dim3A_821 = arith.constant 19 : i32
    %broadcast_in_dim3A_822 = vector.broadcast %broadcast_in_dim3A_821 : i32 to vector<16xi32>
    %ge3A_823 = arith.cmpi sge, %max3A_818, %broadcast_in_dim3A_822 : vector<16xi32>
    %select_n3A_824 = arith.select %ge3A_823, %broadcast_in_dim3A_810, %broadcast_in_dim3A_808 : vector<16xi1>, vector<16xi32>
    %add3A_825 = arith.addi %broadcast_in_dim3A_820, %select_n3A_824 : vector<16xi32>
    %broadcast_in_dim3A_826 = arith.constant 21 : i32
    %broadcast_in_dim3A_827 = vector.broadcast %broadcast_in_dim3A_826 : i32 to vector<16xi32>
    %ge3A_828 = arith.cmpi sge, %max3A_818, %broadcast_in_dim3A_827 : vector<16xi32>
    %select_n3A_829 = arith.select %ge3A_828, %broadcast_in_dim3A_810, %broadcast_in_dim3A_808 : vector<16xi1>, vector<16xi32>
    %add3A_830 = arith.addi %add3A_825, %select_n3A_829 : vector<16xi32>
    %broadcast_in_dim3A_831 = arith.constant 24 : i32
    %broadcast_in_dim3A_832 = vector.broadcast %broadcast_in_dim3A_831 : i32 to vector<16xi32>
    %ge3A_833 = arith.cmpi sge, %max3A_818, %broadcast_in_dim3A_832 : vector<16xi32>
    %select_n3A_834 = arith.select %ge3A_833, %broadcast_in_dim3A_810, %broadcast_in_dim3A_808 : vector<16xi1>, vector<16xi32>
    %add3A_835 = arith.addi %add3A_830, %select_n3A_834 : vector<16xi32>
    %broadcast_in_dim3A_836 = arith.constant 27 : i32
    %broadcast_in_dim3A_837 = vector.broadcast %broadcast_in_dim3A_836 : i32 to vector<16xi32>
    %ge3A_838 = arith.cmpi sge, %max3A_818, %broadcast_in_dim3A_837 : vector<16xi32>
    %select_n3A_839 = arith.select %ge3A_838, %broadcast_in_dim3A_810, %broadcast_in_dim3A_808 : vector<16xi1>, vector<16xi32>
    %add3A_840 = arith.addi %add3A_835, %select_n3A_839 : vector<16xi32>
    %broadcast_in_dim3A_841 = arith.constant 31 : i32
    %broadcast_in_dim3A_842 = vector.broadcast %broadcast_in_dim3A_841 : i32 to vector<16xi32>
    %ge3A_843 = arith.cmpi sge, %max3A_818, %broadcast_in_dim3A_842 : vector<16xi32>
    %select_n3A_844 = arith.select %ge3A_843, %broadcast_in_dim3A_810, %broadcast_in_dim3A_808 : vector<16xi1>, vector<16xi32>
    %add3A_845 = arith.addi %add3A_840, %select_n3A_844 : vector<16xi32>
    %broadcast_in_dim3A_846 = arith.constant 35 : i32
    %broadcast_in_dim3A_847 = vector.broadcast %broadcast_in_dim3A_846 : i32 to vector<16xi32>
    %ge3A_848 = arith.cmpi sge, %max3A_818, %broadcast_in_dim3A_847 : vector<16xi32>
    %select_n3A_849 = arith.select %ge3A_848, %broadcast_in_dim3A_810, %broadcast_in_dim3A_808 : vector<16xi1>, vector<16xi32>
    %add3A_850 = arith.addi %add3A_845, %select_n3A_849 : vector<16xi32>
    %broadcast_in_dim3A_851 = arith.constant 40 : i32
    %broadcast_in_dim3A_852 = vector.broadcast %broadcast_in_dim3A_851 : i32 to vector<16xi32>
    %ge3A_853 = arith.cmpi sge, %max3A_818, %broadcast_in_dim3A_852 : vector<16xi32>
    %select_n3A_854 = arith.select %ge3A_853, %broadcast_in_dim3A_810, %broadcast_in_dim3A_808 : vector<16xi1>, vector<16xi32>
    %add3A_855 = arith.addi %add3A_850, %select_n3A_854 : vector<16xi32>
    %broadcast_in_dim3A_856 = arith.constant 46 : i32
    %broadcast_in_dim3A_857 = vector.broadcast %broadcast_in_dim3A_856 : i32 to vector<16xi32>
    %ge3A_858 = arith.cmpi sge, %max3A_818, %broadcast_in_dim3A_857 : vector<16xi32>
    %select_n3A_859 = arith.select %ge3A_858, %broadcast_in_dim3A_810, %broadcast_in_dim3A_808 : vector<16xi1>, vector<16xi32>
    %add3A_860 = arith.addi %add3A_855, %select_n3A_859 : vector<16xi32>
    %broadcast_in_dim3A_861 = arith.constant 52 : i32
    %broadcast_in_dim3A_862 = vector.broadcast %broadcast_in_dim3A_861 : i32 to vector<16xi32>
    %ge3A_863 = arith.cmpi sge, %max3A_818, %broadcast_in_dim3A_862 : vector<16xi32>
    %select_n3A_864 = arith.select %ge3A_863, %broadcast_in_dim3A_810, %broadcast_in_dim3A_808 : vector<16xi1>, vector<16xi32>
    %add3A_865 = arith.addi %add3A_860, %select_n3A_864 : vector<16xi32>
    %broadcast_in_dim3A_866 = arith.constant 59 : i32
    %broadcast_in_dim3A_867 = vector.broadcast %broadcast_in_dim3A_866 : i32 to vector<16xi32>
    %ge3A_868 = arith.cmpi sge, %max3A_818, %broadcast_in_dim3A_867 : vector<16xi32>
    %select_n3A_869 = arith.select %ge3A_868, %broadcast_in_dim3A_810, %broadcast_in_dim3A_808 : vector<16xi1>, vector<16xi32>
    %add3A_870 = arith.addi %add3A_865, %select_n3A_869 : vector<16xi32>
    %broadcast_in_dim3A_871 = arith.constant 67 : i32
    %broadcast_in_dim3A_872 = vector.broadcast %broadcast_in_dim3A_871 : i32 to vector<16xi32>
    %ge3A_873 = arith.cmpi sge, %max3A_818, %broadcast_in_dim3A_872 : vector<16xi32>
    %select_n3A_874 = arith.select %ge3A_873, %broadcast_in_dim3A_810, %broadcast_in_dim3A_808 : vector<16xi1>, vector<16xi32>
    %add3A_875 = arith.addi %add3A_870, %select_n3A_874 : vector<16xi32>
    %broadcast_in_dim3A_876 = arith.constant 77 : i32
    %broadcast_in_dim3A_877 = vector.broadcast %broadcast_in_dim3A_876 : i32 to vector<16xi32>
    %ge3A_878 = arith.cmpi sge, %max3A_818, %broadcast_in_dim3A_877 : vector<16xi32>
    %select_n3A_879 = arith.select %ge3A_878, %broadcast_in_dim3A_810, %broadcast_in_dim3A_808 : vector<16xi1>, vector<16xi32>
    %add3A_880 = arith.addi %add3A_875, %select_n3A_879 : vector<16xi32>
    %broadcast_in_dim3A_881 = arith.constant 87 : i32
    %broadcast_in_dim3A_882 = vector.broadcast %broadcast_in_dim3A_881 : i32 to vector<16xi32>
    %ge3A_883 = arith.cmpi sge, %max3A_818, %broadcast_in_dim3A_882 : vector<16xi32>
    %select_n3A_884 = arith.select %ge3A_883, %broadcast_in_dim3A_810, %broadcast_in_dim3A_808 : vector<16xi1>, vector<16xi32>
    %add3A_885 = arith.addi %add3A_880, %select_n3A_884 : vector<16xi32>
    %broadcast_in_dim3A_886 = arith.constant 99 : i32
    %broadcast_in_dim3A_887 = vector.broadcast %broadcast_in_dim3A_886 : i32 to vector<16xi32>
    %ge3A_888 = arith.cmpi sge, %max3A_818, %broadcast_in_dim3A_887 : vector<16xi32>
    %select_n3A_889 = arith.select %ge3A_888, %broadcast_in_dim3A_810, %broadcast_in_dim3A_808 : vector<16xi1>, vector<16xi32>
    %add3A_890 = arith.addi %add3A_885, %select_n3A_889 : vector<16xi32>
    %broadcast_in_dim3A_891 = arith.constant 113 : i32
    %broadcast_in_dim3A_892 = vector.broadcast %broadcast_in_dim3A_891 : i32 to vector<16xi32>
    %ge3A_893 = arith.cmpi sge, %max3A_818, %broadcast_in_dim3A_892 : vector<16xi32>
    %select_n3A_894 = arith.select %ge3A_893, %broadcast_in_dim3A_810, %broadcast_in_dim3A_808 : vector<16xi1>, vector<16xi32>
    %add3A_895 = arith.addi %add3A_890, %select_n3A_894 : vector<16xi32>
    %broadcast_in_dim3A_896 = arith.constant 16 : i32
    %broadcast_in_dim3A_897 = vector.broadcast %broadcast_in_dim3A_896 : i32 to vector<16xi32>
    %lt3A_898 = arith.cmpi slt, %max3A_818, %broadcast_in_dim3A_897 : vector<16xi32>
    %select_n3A_899 = arith.select %lt3A_898, %max3A_818, %add3A_895 : vector<16xi1>, vector<16xi32>
    %broadcast_in_dim3A_900 = arith.constant 15 : i32
    %broadcast_in_dim3A_901 = vector.broadcast %broadcast_in_dim3A_900 : i32 to vector<16xi32>
    %min3A_902 = arith.minsi %select_n3A_899, %broadcast_in_dim3A_901 : vector<16xi32>
    %broadcast_in_dim3A_903 = arith.constant 16 : i32
    %broadcast_in_dim3A_904 = vector.broadcast %broadcast_in_dim3A_903 : i32 to vector<16xi32>
    %sub3A_905 = arith.subi %select_n3A_899, %broadcast_in_dim3A_904 : vector<16xi32>
    %max3A_906 = arith.maxsi %sub3A_905, %broadcast_in_dim3A_808 : vector<16xi32>
    %broadcast_in_dim3A_907 = arith.constant 16 : i32
    %broadcast_in_dim3A_908 = vector.broadcast %broadcast_in_dim3A_907 : i32 to vector<16xi32>
    %lt3A_909 = arith.cmpi slt, %select_n3A_899, %broadcast_in_dim3A_908 : vector<16xi32>
    %get3A_910 = arith.constant 0 : index
    %get3A_911 = tpu.vector_load %arg4[%get3A_910] {strides = array<i32>} : memref<512xf32, #tpu.memory_space<vmem>>, vector<16xf32>,
    %get3A_912 = vector.shape_cast %get3A_911 : vector<16xf32> to vector<16xf32>
    %get3A_913 = arith.constant 16 : index
    %get3A_914 = tpu.vector_load %arg4[%get3A_913] {strides = array<i32>} : memref<512xf32, #tpu.memory_space<vmem>>, vector<16xf32>,
    %get3A_915 = vector.shape_cast %get3A_914 : vector<16xf32> to vector<16xf32>
    %broadcast_in_dim3A_916 = vector.shape_cast %min3A_902 : vector<16xi32> to vector<16x1xi32>
    %gather3A_917 = vector.shape_cast %broadcast_in_dim3A_916 : vector<16x1xi32> to vector<16xi32>
    %gather3A_918 = tpu.dynamic_gather %get3A_912[%gather3A_917] in [0] : vector<16xf32>, vector<16xi32> -> vector<16xf32>
    %broadcast_in_dim3A_919 = vector.shape_cast %max3A_906 : vector<16xi32> to vector<16x1xi32>
    %gather3A_920 = vector.shape_cast %broadcast_in_dim3A_919 : vector<16x1xi32> to vector<16xi32>
    %gather3A_921 = tpu.dynamic_gather %get3A_915[%gather3A_920] in [0] : vector<16xf32>, vector<16xi32> -> vector<16xf32>
    %select_n3A_922 = arith.select %lt3A_909, %gather3A_918, %gather3A_921 : vector<16xi1>, vector<16xf32>
    %swap3A_923 = arith.constant 0 : i32
    %swap3A_924 = arith.index_cast %swap3A_923 : i32 to index
    %swap3A_925 = arith.constant 32 : index
    %swap3A_926 = tpu.vector_load %arg5[%swap3A_924, %swap3A_925] {strides = array<i32>} : memref<16x128xf32, #tpu.memory_space<vmem>>, vector<1x16xf32>,
    %swap3A_927 = vector.shape_cast %swap3A_926 : vector<1x16xf32> to vector<16xf32>
    %swap3A_928 = vector.shape_cast %select_n3A_922 : vector<16xf32> to vector<1x16xf32>
    tpu.vector_store %arg5[%swap3A_924, %swap3A_925], %swap3A_928 {strides = array<i32>} : memref<16x128xf32, #tpu.memory_space<vmem>>, vector<1x16xf32>,
    %get3A_929 = arith.constant 32 : index
    %get3A_930 = tpu.vector_load %arg4[%get3A_929] {strides = array<i32>} : memref<512xf32, #tpu.memory_space<vmem>>, vector<16xf32>,
    %get3A_931 = vector.shape_cast %get3A_930 : vector<16xf32> to vector<16xf32>
    %get3A_932 = arith.constant 48 : index
    %get3A_933 = tpu.vector_load %arg4[%get3A_932] {strides = array<i32>} : memref<512xf32, #tpu.memory_space<vmem>>, vector<16xf32>,
    %get3A_934 = vector.shape_cast %get3A_933 : vector<16xf32> to vector<16xf32>
    %broadcast_in_dim3A_935 = vector.shape_cast %min3A_902 : vector<16xi32> to vector<16x1xi32>
    %gather3A_936 = vector.shape_cast %broadcast_in_dim3A_935 : vector<16x1xi32> to vector<16xi32>
    %gather3A_937 = tpu.dynamic_gather %get3A_931[%gather3A_936] in [0] : vector<16xf32>, vector<16xi32> -> vector<16xf32>
    %broadcast_in_dim3A_938 = vector.shape_cast %max3A_906 : vector<16xi32> to vector<16x1xi32>
    %gather3A_939 = vector.shape_cast %broadcast_in_dim3A_938 : vector<16x1xi32> to vector<16xi32>
    %gather3A_940 = tpu.dynamic_gather %get3A_934[%gather3A_939] in [0] : vector<16xf32>, vector<16xi32> -> vector<16xf32>
    %select_n3A_941 = arith.select %lt3A_909, %gather3A_937, %gather3A_940 : vector<16xi1>, vector<16xf32>
    %swap3A_942 = arith.constant 1 : i32
    %swap3A_943 = arith.index_cast %swap3A_942 : i32 to index
    %swap3A_944 = arith.constant 32 : index
    %swap3A_945 = tpu.vector_load %arg5[%swap3A_943, %swap3A_944] {strides = array<i32>} : memref<16x128xf32, #tpu.memory_space<vmem>>, vector<1x16xf32>,
    %swap3A_946 = vector.shape_cast %swap3A_945 : vector<1x16xf32> to vector<16xf32>
    %swap3A_947 = vector.shape_cast %select_n3A_941 : vector<16xf32> to vector<1x16xf32>
    tpu.vector_store %arg5[%swap3A_943, %swap3A_944], %swap3A_947 {strides = array<i32>} : memref<16x128xf32, #tpu.memory_space<vmem>>, vector<1x16xf32>,
    %get3A_948 = arith.constant 64 : index
    %get3A_949 = tpu.vector_load %arg4[%get3A_948] {strides = array<i32>} : memref<512xf32, #tpu.memory_space<vmem>>, vector<16xf32>,
    %get3A_950 = vector.shape_cast %get3A_949 : vector<16xf32> to vector<16xf32>
    %get3A_951 = arith.constant 80 : index
    %get3A_952 = tpu.vector_load %arg4[%get3A_951] {strides = array<i32>} : memref<512xf32, #tpu.memory_space<vmem>>, vector<16xf32>,
    %get3A_953 = vector.shape_cast %get3A_952 : vector<16xf32> to vector<16xf32>
    %broadcast_in_dim3A_954 = vector.shape_cast %min3A_902 : vector<16xi32> to vector<16x1xi32>
    %gather3A_955 = vector.shape_cast %broadcast_in_dim3A_954 : vector<16x1xi32> to vector<16xi32>
    %gather3A_956 = tpu.dynamic_gather %get3A_950[%gather3A_955] in [0] : vector<16xf32>, vector<16xi32> -> vector<16xf32>
    %broadcast_in_dim3A_957 = vector.shape_cast %max3A_906 : vector<16xi32> to vector<16x1xi32>
    %gather3A_958 = vector.shape_cast %broadcast_in_dim3A_957 : vector<16x1xi32> to vector<16xi32>
    %gather3A_959 = tpu.dynamic_gather %get3A_953[%gather3A_958] in [0] : vector<16xf32>, vector<16xi32> -> vector<16xf32>
    %select_n3A_960 = arith.select %lt3A_909, %gather3A_956, %gather3A_959 : vector<16xi1>, vector<16xf32>
    %swap3A_961 = arith.constant 2 : i32
    %swap3A_962 = arith.index_cast %swap3A_961 : i32 to index
    %swap3A_963 = arith.constant 32 : index
    %swap3A_964 = tpu.vector_load %arg5[%swap3A_962, %swap3A_963] {strides = array<i32>} : memref<16x128xf32, #tpu.memory_space<vmem>>, vector<1x16xf32>,
    %swap3A_965 = vector.shape_cast %swap3A_964 : vector<1x16xf32> to vector<16xf32>
    %swap3A_966 = vector.shape_cast %select_n3A_960 : vector<16xf32> to vector<1x16xf32>
    tpu.vector_store %arg5[%swap3A_962, %swap3A_963], %swap3A_966 {strides = array<i32>} : memref<16x128xf32, #tpu.memory_space<vmem>>, vector<1x16xf32>,
    %get3A_967 = arith.constant 96 : index
    %get3A_968 = tpu.vector_load %arg4[%get3A_967] {strides = array<i32>} : memref<512xf32, #tpu.memory_space<vmem>>, vector<16xf32>,
    %get3A_969 = vector.shape_cast %get3A_968 : vector<16xf32> to vector<16xf32>
    %get3A_970 = arith.constant 112 : index
    %get3A_971 = tpu.vector_load %arg4[%get3A_970] {strides = array<i32>} : memref<512xf32, #tpu.memory_space<vmem>>, vector<16xf32>,
    %get3A_972 = vector.shape_cast %get3A_971 : vector<16xf32> to vector<16xf32>
    %broadcast_in_dim3A_973 = vector.shape_cast %min3A_902 : vector<16xi32> to vector<16x1xi32>
    %gather3A_974 = vector.shape_cast %broadcast_in_dim3A_973 : vector<16x1xi32> to vector<16xi32>
    %gather3A_975 = tpu.dynamic_gather %get3A_969[%gather3A_974] in [0] : vector<16xf32>, vector<16xi32> -> vector<16xf32>
    %broadcast_in_dim3A_976 = vector.shape_cast %max3A_906 : vector<16xi32> to vector<16x1xi32>
    %gather3A_977 = vector.shape_cast %broadcast_in_dim3A_976 : vector<16x1xi32> to vector<16xi32>
    %gather3A_978 = tpu.dynamic_gather %get3A_972[%gather3A_977] in [0] : vector<16xf32>, vector<16xi32> -> vector<16xf32>
    %select_n3A_979 = arith.select %lt3A_909, %gather3A_975, %gather3A_978 : vector<16xi1>, vector<16xf32>
    %swap3A_980 = arith.constant 3 : i32
    %swap3A_981 = arith.index_cast %swap3A_980 : i32 to index
    %swap3A_982 = arith.constant 32 : index
    %swap3A_983 = tpu.vector_load %arg5[%swap3A_981, %swap3A_982] {strides = array<i32>} : memref<16x128xf32, #tpu.memory_space<vmem>>, vector<1x16xf32>,
    %swap3A_984 = vector.shape_cast %swap3A_983 : vector<1x16xf32> to vector<16xf32>
    %swap3A_985 = vector.shape_cast %select_n3A_979 : vector<16xf32> to vector<1x16xf32>
    tpu.vector_store %arg5[%swap3A_981, %swap3A_982], %swap3A_985 {strides = array<i32>} : memref<16x128xf32, #tpu.memory_space<vmem>>, vector<1x16xf32>,
    %get3A_986 = arith.constant 128 : index
    %get3A_987 = tpu.vector_load %arg4[%get3A_986] {strides = array<i32>} : memref<512xf32, #tpu.memory_space<vmem>>, vector<16xf32>,
    %get3A_988 = vector.shape_cast %get3A_987 : vector<16xf32> to vector<16xf32>
    %get3A_989 = arith.constant 144 : index
    %get3A_990 = tpu.vector_load %arg4[%get3A_989] {strides = array<i32>} : memref<512xf32, #tpu.memory_space<vmem>>, vector<16xf32>,
    %get3A_991 = vector.shape_cast %get3A_990 : vector<16xf32> to vector<16xf32>
    %broadcast_in_dim3A_992 = vector.shape_cast %min3A_902 : vector<16xi32> to vector<16x1xi32>
    %gather3A_993 = vector.shape_cast %broadcast_in_dim3A_992 : vector<16x1xi32> to vector<16xi32>
    %gather3A_994 = tpu.dynamic_gather %get3A_988[%gather3A_993] in [0] : vector<16xf32>, vector<16xi32> -> vector<16xf32>
    %broadcast_in_dim3A_995 = vector.shape_cast %max3A_906 : vector<16xi32> to vector<16x1xi32>
    %gather3A_996 = vector.shape_cast %broadcast_in_dim3A_995 : vector<16x1xi32> to vector<16xi32>
    %gather3A_997 = tpu.dynamic_gather %get3A_991[%gather3A_996] in [0] : vector<16xf32>, vector<16xi32> -> vector<16xf32>
    %select_n3A_998 = arith.select %lt3A_909, %gather3A_994, %gather3A_997 : vector<16xi1>, vector<16xf32>
    %swap3A_999 = arith.constant 4 : i32
    %swap3A_1000 = arith.index_cast %swap3A_999 : i32 to index
    %swap3A_1001 = arith.constant 32 : index
    %swap3A_1002 = tpu.vector_load %arg5[%swap3A_1000, %swap3A_1001] {strides = array<i32>} : memref<16x128xf32, #tpu.memory_space<vmem>>, vector<1x16xf32>,
    %swap3A_1003 = vector.shape_cast %swap3A_1002 : vector<1x16xf32> to vector<16xf32>
    %swap3A_1004 = vector.shape_cast %select_n3A_998 : vector<16xf32> to vector<1x16xf32>
    tpu.vector_store %arg5[%swap3A_1000, %swap3A_1001], %swap3A_1004 {strides = array<i32>} : memref<16x128xf32, #tpu.memory_space<vmem>>, vector<1x16xf32>,
    %get3A_1005 = arith.constant 160 : index
    %get3A_1006 = tpu.vector_load %arg4[%get3A_1005] {strides = array<i32>} : memref<512xf32, #tpu.memory_space<vmem>>, vector<16xf32>,
    %get3A_1007 = vector.shape_cast %get3A_1006 : vector<16xf32> to vector<16xf32>
    %get3A_1008 = arith.constant 176 : index
    %get3A_1009 = tpu.vector_load %arg4[%get3A_1008] {strides = array<i32>} : memref<512xf32, #tpu.memory_space<vmem>>, vector<16xf32>,
    %get3A_1010 = vector.shape_cast %get3A_1009 : vector<16xf32> to vector<16xf32>
    %broadcast_in_dim3A_1011 = vector.shape_cast %min3A_902 : vector<16xi32> to vector<16x1xi32>
    %gather3A_1012 = vector.shape_cast %broadcast_in_dim3A_1011 : vector<16x1xi32> to vector<16xi32>
    %gather3A_1013 = tpu.dynamic_gather %get3A_1007[%gather3A_1012] in [0] : vector<16xf32>, vector<16xi32> -> vector<16xf32>
    %broadcast_in_dim3A_1014 = vector.shape_cast %max3A_906 : vector<16xi32> to vector<16x1xi32>
    %gather3A_1015 = vector.shape_cast %broadcast_in_dim3A_1014 : vector<16x1xi32> to vector<16xi32>
    %gather3A_1016 = tpu.dynamic_gather %get3A_1010[%gather3A_1015] in [0] : vector<16xf32>, vector<16xi32> -> vector<16xf32>
    %select_n3A_1017 = arith.select %lt3A_909, %gather3A_1013, %gather3A_1016 : vector<16xi1>, vector<16xf32>
    %swap3A_1018 = arith.constant 5 : i32
    %swap3A_1019 = arith.index_cast %swap3A_1018 : i32 to index
    %swap3A_1020 = arith.constant 32 : index
    %swap3A_1021 = tpu.vector_load %arg5[%swap3A_1019, %swap3A_1020] {strides = array<i32>} : memref<16x128xf32, #tpu.memory_space<vmem>>, vector<1x16xf32>,
    %swap3A_1022 = vector.shape_cast %swap3A_1021 : vector<1x16xf32> to vector<16xf32>
    %swap3A_1023 = vector.shape_cast %select_n3A_1017 : vector<16xf32> to vector<1x16xf32>
    tpu.vector_store %arg5[%swap3A_1019, %swap3A_1020], %swap3A_1023 {strides = array<i32>} : memref<16x128xf32, #tpu.memory_space<vmem>>, vector<1x16xf32>,
    %get3A_1024 = arith.constant 192 : index
    %get3A_1025 = tpu.vector_load %arg4[%get3A_1024] {strides = array<i32>} : memref<512xf32, #tpu.memory_space<vmem>>, vector<16xf32>,
    %get3A_1026 = vector.shape_cast %get3A_1025 : vector<16xf32> to vector<16xf32>
    %get3A_1027 = arith.constant 208 : index
    %get3A_1028 = tpu.vector_load %arg4[%get3A_1027] {strides = array<i32>} : memref<512xf32, #tpu.memory_space<vmem>>, vector<16xf32>,
    %get3A_1029 = vector.shape_cast %get3A_1028 : vector<16xf32> to vector<16xf32>
    %broadcast_in_dim3A_1030 = vector.shape_cast %min3A_902 : vector<16xi32> to vector<16x1xi32>
    %gather3A_1031 = vector.shape_cast %broadcast_in_dim3A_1030 : vector<16x1xi32> to vector<16xi32>
    %gather3A_1032 = tpu.dynamic_gather %get3A_1026[%gather3A_1031] in [0] : vector<16xf32>, vector<16xi32> -> vector<16xf32>
    %broadcast_in_dim3A_1033 = vector.shape_cast %max3A_906 : vector<16xi32> to vector<16x1xi32>
    %gather3A_1034 = vector.shape_cast %broadcast_in_dim3A_1033 : vector<16x1xi32> to vector<16xi32>
    %gather3A_1035 = tpu.dynamic_gather %get3A_1029[%gather3A_1034] in [0] : vector<16xf32>, vector<16xi32> -> vector<16xf32>
    %select_n3A_1036 = arith.select %lt3A_909, %gather3A_1032, %gather3A_1035 : vector<16xi1>, vector<16xf32>
    %swap3A_1037 = arith.constant 6 : i32
    %swap3A_1038 = arith.index_cast %swap3A_1037 : i32 to index
    %swap3A_1039 = arith.constant 32 : index
    %swap3A_1040 = tpu.vector_load %arg5[%swap3A_1038, %swap3A_1039] {strides = array<i32>} : memref<16x128xf32, #tpu.memory_space<vmem>>, vector<1x16xf32>,
    %swap3A_1041 = vector.shape_cast %swap3A_1040 : vector<1x16xf32> to vector<16xf32>
    %swap3A_1042 = vector.shape_cast %select_n3A_1036 : vector<16xf32> to vector<1x16xf32>
    tpu.vector_store %arg5[%swap3A_1038, %swap3A_1039], %swap3A_1042 {strides = array<i32>} : memref<16x128xf32, #tpu.memory_space<vmem>>, vector<1x16xf32>,
    %get3A_1043 = arith.constant 224 : index
    %get3A_1044 = tpu.vector_load %arg4[%get3A_1043] {strides = array<i32>} : memref<512xf32, #tpu.memory_space<vmem>>, vector<16xf32>,
    %get3A_1045 = vector.shape_cast %get3A_1044 : vector<16xf32> to vector<16xf32>
    %get3A_1046 = arith.constant 240 : index
    %get3A_1047 = tpu.vector_load %arg4[%get3A_1046] {strides = array<i32>} : memref<512xf32, #tpu.memory_space<vmem>>, vector<16xf32>,
    %get3A_1048 = vector.shape_cast %get3A_1047 : vector<16xf32> to vector<16xf32>
    %broadcast_in_dim3A_1049 = vector.shape_cast %min3A_902 : vector<16xi32> to vector<16x1xi32>
    %gather3A_1050 = vector.shape_cast %broadcast_in_dim3A_1049 : vector<16x1xi32> to vector<16xi32>
    %gather3A_1051 = tpu.dynamic_gather %get3A_1045[%gather3A_1050] in [0] : vector<16xf32>, vector<16xi32> -> vector<16xf32>
    %broadcast_in_dim3A_1052 = vector.shape_cast %max3A_906 : vector<16xi32> to vector<16x1xi32>
    %gather3A_1053 = vector.shape_cast %broadcast_in_dim3A_1052 : vector<16x1xi32> to vector<16xi32>
    %gather3A_1054 = tpu.dynamic_gather %get3A_1048[%gather3A_1053] in [0] : vector<16xf32>, vector<16xi32> -> vector<16xf32>
    %select_n3A_1055 = arith.select %lt3A_909, %gather3A_1051, %gather3A_1054 : vector<16xi1>, vector<16xf32>
    %swap3A_1056 = arith.constant 7 : i32
    %swap3A_1057 = arith.index_cast %swap3A_1056 : i32 to index
    %swap3A_1058 = arith.constant 32 : index
    %swap3A_1059 = tpu.vector_load %arg5[%swap3A_1057, %swap3A_1058] {strides = array<i32>} : memref<16x128xf32, #tpu.memory_space<vmem>>, vector<1x16xf32>,
    %swap3A_1060 = vector.shape_cast %swap3A_1059 : vector<1x16xf32> to vector<16xf32>
    %swap3A_1061 = vector.shape_cast %select_n3A_1055 : vector<16xf32> to vector<1x16xf32>
    tpu.vector_store %arg5[%swap3A_1057, %swap3A_1058], %swap3A_1061 {strides = array<i32>} : memref<16x128xf32, #tpu.memory_space<vmem>>, vector<1x16xf32>,
    %get3A_1062 = arith.constant 256 : index
    %get3A_1063 = tpu.vector_load %arg4[%get3A_1062] {strides = array<i32>} : memref<512xf32, #tpu.memory_space<vmem>>, vector<16xf32>,
    %get3A_1064 = vector.shape_cast %get3A_1063 : vector<16xf32> to vector<16xf32>
    %get3A_1065 = arith.constant 272 : index
    %get3A_1066 = tpu.vector_load %arg4[%get3A_1065] {strides = array<i32>} : memref<512xf32, #tpu.memory_space<vmem>>, vector<16xf32>,
    %get3A_1067 = vector.shape_cast %get3A_1066 : vector<16xf32> to vector<16xf32>
    %broadcast_in_dim3A_1068 = vector.shape_cast %min3A_902 : vector<16xi32> to vector<16x1xi32>
    %gather3A_1069 = vector.shape_cast %broadcast_in_dim3A_1068 : vector<16x1xi32> to vector<16xi32>
    %gather3A_1070 = tpu.dynamic_gather %get3A_1064[%gather3A_1069] in [0] : vector<16xf32>, vector<16xi32> -> vector<16xf32>
    %broadcast_in_dim3A_1071 = vector.shape_cast %max3A_906 : vector<16xi32> to vector<16x1xi32>
    %gather3A_1072 = vector.shape_cast %broadcast_in_dim3A_1071 : vector<16x1xi32> to vector<16xi32>
    %gather3A_1073 = tpu.dynamic_gather %get3A_1067[%gather3A_1072] in [0] : vector<16xf32>, vector<16xi32> -> vector<16xf32>
    %select_n3A_1074 = arith.select %lt3A_909, %gather3A_1070, %gather3A_1073 : vector<16xi1>, vector<16xf32>
    %swap3A_1075 = arith.constant 8 : i32
    %swap3A_1076 = arith.index_cast %swap3A_1075 : i32 to index
    %swap3A_1077 = arith.constant 32 : index
    %swap3A_1078 = tpu.vector_load %arg5[%swap3A_1076, %swap3A_1077] {strides = array<i32>} : memref<16x128xf32, #tpu.memory_space<vmem>>, vector<1x16xf32>,
    %swap3A_1079 = vector.shape_cast %swap3A_1078 : vector<1x16xf32> to vector<16xf32>
    %swap3A_1080 = vector.shape_cast %select_n3A_1074 : vector<16xf32> to vector<1x16xf32>
    tpu.vector_store %arg5[%swap3A_1076, %swap3A_1077], %swap3A_1080 {strides = array<i32>} : memref<16x128xf32, #tpu.memory_space<vmem>>, vector<1x16xf32>,
    %get3A_1081 = arith.constant 288 : index
    %get3A_1082 = tpu.vector_load %arg4[%get3A_1081] {strides = array<i32>} : memref<512xf32, #tpu.memory_space<vmem>>, vector<16xf32>,
    %get3A_1083 = vector.shape_cast %get3A_1082 : vector<16xf32> to vector<16xf32>
    %get3A_1084 = arith.constant 304 : index
    %get3A_1085 = tpu.vector_load %arg4[%get3A_1084] {strides = array<i32>} : memref<512xf32, #tpu.memory_space<vmem>>, vector<16xf32>,
    %get3A_1086 = vector.shape_cast %get3A_1085 : vector<16xf32> to vector<16xf32>
    %broadcast_in_dim3A_1087 = vector.shape_cast %min3A_902 : vector<16xi32> to vector<16x1xi32>
    %gather3A_1088 = vector.shape_cast %broadcast_in_dim3A_1087 : vector<16x1xi32> to vector<16xi32>
    %gather3A_1089 = tpu.dynamic_gather %get3A_1083[%gather3A_1088] in [0] : vector<16xf32>, vector<16xi32> -> vector<16xf32>
    %broadcast_in_dim3A_1090 = vector.shape_cast %max3A_906 : vector<16xi32> to vector<16x1xi32>
    %gather3A_1091 = vector.shape_cast %broadcast_in_dim3A_1090 : vector<16x1xi32> to vector<16xi32>
    %gather3A_1092 = tpu.dynamic_gather %get3A_1086[%gather3A_1091] in [0] : vector<16xf32>, vector<16xi32> -> vector<16xf32>
    %select_n3A_1093 = arith.select %lt3A_909, %gather3A_1089, %gather3A_1092 : vector<16xi1>, vector<16xf32>
    %swap3A_1094 = arith.constant 9 : i32
    %swap3A_1095 = arith.index_cast %swap3A_1094 : i32 to index
    %swap3A_1096 = arith.constant 32 : index
    %swap3A_1097 = tpu.vector_load %arg5[%swap3A_1095, %swap3A_1096] {strides = array<i32>} : memref<16x128xf32, #tpu.memory_space<vmem>>, vector<1x16xf32>,
    %swap3A_1098 = vector.shape_cast %swap3A_1097 : vector<1x16xf32> to vector<16xf32>
    %swap3A_1099 = vector.shape_cast %select_n3A_1093 : vector<16xf32> to vector<1x16xf32>
    tpu.vector_store %arg5[%swap3A_1095, %swap3A_1096], %swap3A_1099 {strides = array<i32>} : memref<16x128xf32, #tpu.memory_space<vmem>>, vector<1x16xf32>,
    %get3A_1100 = arith.constant 320 : index
    %get3A_1101 = tpu.vector_load %arg4[%get3A_1100] {strides = array<i32>} : memref<512xf32, #tpu.memory_space<vmem>>, vector<16xf32>,
    %get3A_1102 = vector.shape_cast %get3A_1101 : vector<16xf32> to vector<16xf32>
    %get3A_1103 = arith.constant 336 : index
    %get3A_1104 = tpu.vector_load %arg4[%get3A_1103] {strides = array<i32>} : memref<512xf32, #tpu.memory_space<vmem>>, vector<16xf32>,
    %get3A_1105 = vector.shape_cast %get3A_1104 : vector<16xf32> to vector<16xf32>
    %broadcast_in_dim3A_1106 = vector.shape_cast %min3A_902 : vector<16xi32> to vector<16x1xi32>
    %gather3A_1107 = vector.shape_cast %broadcast_in_dim3A_1106 : vector<16x1xi32> to vector<16xi32>
    %gather3A_1108 = tpu.dynamic_gather %get3A_1102[%gather3A_1107] in [0] : vector<16xf32>, vector<16xi32> -> vector<16xf32>
    %broadcast_in_dim3A_1109 = vector.shape_cast %max3A_906 : vector<16xi32> to vector<16x1xi32>
    %gather3A_1110 = vector.shape_cast %broadcast_in_dim3A_1109 : vector<16x1xi32> to vector<16xi32>
    %gather3A_1111 = tpu.dynamic_gather %get3A_1105[%gather3A_1110] in [0] : vector<16xf32>, vector<16xi32> -> vector<16xf32>
    %select_n3A_1112 = arith.select %lt3A_909, %gather3A_1108, %gather3A_1111 : vector<16xi1>, vector<16xf32>
    %swap3A_1113 = arith.constant 10 : i32
    %swap3A_1114 = arith.index_cast %swap3A_1113 : i32 to index
    %swap3A_1115 = arith.constant 32 : index
    %swap3A_1116 = tpu.vector_load %arg5[%swap3A_1114, %swap3A_1115] {strides = array<i32>} : memref<16x128xf32, #tpu.memory_space<vmem>>, vector<1x16xf32>,
    %swap3A_1117 = vector.shape_cast %swap3A_1116 : vector<1x16xf32> to vector<16xf32>
    %swap3A_1118 = vector.shape_cast %select_n3A_1112 : vector<16xf32> to vector<1x16xf32>
    tpu.vector_store %arg5[%swap3A_1114, %swap3A_1115], %swap3A_1118 {strides = array<i32>} : memref<16x128xf32, #tpu.memory_space<vmem>>, vector<1x16xf32>,
    %get3A_1119 = arith.constant 352 : index
    %get3A_1120 = tpu.vector_load %arg4[%get3A_1119] {strides = array<i32>} : memref<512xf32, #tpu.memory_space<vmem>>, vector<16xf32>,
    %get3A_1121 = vector.shape_cast %get3A_1120 : vector<16xf32> to vector<16xf32>
    %get3A_1122 = arith.constant 368 : index
    %get3A_1123 = tpu.vector_load %arg4[%get3A_1122] {strides = array<i32>} : memref<512xf32, #tpu.memory_space<vmem>>, vector<16xf32>,
    %get3A_1124 = vector.shape_cast %get3A_1123 : vector<16xf32> to vector<16xf32>
    %broadcast_in_dim3A_1125 = vector.shape_cast %min3A_902 : vector<16xi32> to vector<16x1xi32>
    %gather3A_1126 = vector.shape_cast %broadcast_in_dim3A_1125 : vector<16x1xi32> to vector<16xi32>
    %gather3A_1127 = tpu.dynamic_gather %get3A_1121[%gather3A_1126] in [0] : vector<16xf32>, vector<16xi32> -> vector<16xf32>
    %broadcast_in_dim3A_1128 = vector.shape_cast %max3A_906 : vector<16xi32> to vector<16x1xi32>
    %gather3A_1129 = vector.shape_cast %broadcast_in_dim3A_1128 : vector<16x1xi32> to vector<16xi32>
    %gather3A_1130 = tpu.dynamic_gather %get3A_1124[%gather3A_1129] in [0] : vector<16xf32>, vector<16xi32> -> vector<16xf32>
    %select_n3A_1131 = arith.select %lt3A_909, %gather3A_1127, %gather3A_1130 : vector<16xi1>, vector<16xf32>
    %swap3A_1132 = arith.constant 11 : i32
    %swap3A_1133 = arith.index_cast %swap3A_1132 : i32 to index
    %swap3A_1134 = arith.constant 32 : index
    %swap3A_1135 = tpu.vector_load %arg5[%swap3A_1133, %swap3A_1134] {strides = array<i32>} : memref<16x128xf32, #tpu.memory_space<vmem>>, vector<1x16xf32>,
    %swap3A_1136 = vector.shape_cast %swap3A_1135 : vector<1x16xf32> to vector<16xf32>
    %swap3A_1137 = vector.shape_cast %select_n3A_1131 : vector<16xf32> to vector<1x16xf32>
    tpu.vector_store %arg5[%swap3A_1133, %swap3A_1134], %swap3A_1137 {strides = array<i32>} : memref<16x128xf32, #tpu.memory_space<vmem>>, vector<1x16xf32>,
    %get3A_1138 = arith.constant 384 : index
    %get3A_1139 = tpu.vector_load %arg4[%get3A_1138] {strides = array<i32>} : memref<512xf32, #tpu.memory_space<vmem>>, vector<16xf32>,
    %get3A_1140 = vector.shape_cast %get3A_1139 : vector<16xf32> to vector<16xf32>
    %get3A_1141 = arith.constant 400 : index
    %get3A_1142 = tpu.vector_load %arg4[%get3A_1141] {strides = array<i32>} : memref<512xf32, #tpu.memory_space<vmem>>, vector<16xf32>,
    %get3A_1143 = vector.shape_cast %get3A_1142 : vector<16xf32> to vector<16xf32>
    %broadcast_in_dim3A_1144 = vector.shape_cast %min3A_902 : vector<16xi32> to vector<16x1xi32>
    %gather3A_1145 = vector.shape_cast %broadcast_in_dim3A_1144 : vector<16x1xi32> to vector<16xi32>
    %gather3A_1146 = tpu.dynamic_gather %get3A_1140[%gather3A_1145] in [0] : vector<16xf32>, vector<16xi32> -> vector<16xf32>
    %broadcast_in_dim3A_1147 = vector.shape_cast %max3A_906 : vector<16xi32> to vector<16x1xi32>
    %gather3A_1148 = vector.shape_cast %broadcast_in_dim3A_1147 : vector<16x1xi32> to vector<16xi32>
    %gather3A_1149 = tpu.dynamic_gather %get3A_1143[%gather3A_1148] in [0] : vector<16xf32>, vector<16xi32> -> vector<16xf32>
    %select_n3A_1150 = arith.select %lt3A_909, %gather3A_1146, %gather3A_1149 : vector<16xi1>, vector<16xf32>
    %swap3A_1151 = arith.constant 12 : i32
    %swap3A_1152 = arith.index_cast %swap3A_1151 : i32 to index
    %swap3A_1153 = arith.constant 32 : index
    %swap3A_1154 = tpu.vector_load %arg5[%swap3A_1152, %swap3A_1153] {strides = array<i32>} : memref<16x128xf32, #tpu.memory_space<vmem>>, vector<1x16xf32>,
    %swap3A_1155 = vector.shape_cast %swap3A_1154 : vector<1x16xf32> to vector<16xf32>
    %swap3A_1156 = vector.shape_cast %select_n3A_1150 : vector<16xf32> to vector<1x16xf32>
    tpu.vector_store %arg5[%swap3A_1152, %swap3A_1153], %swap3A_1156 {strides = array<i32>} : memref<16x128xf32, #tpu.memory_space<vmem>>, vector<1x16xf32>,
    %get3A_1157 = arith.constant 416 : index
    %get3A_1158 = tpu.vector_load %arg4[%get3A_1157] {strides = array<i32>} : memref<512xf32, #tpu.memory_space<vmem>>, vector<16xf32>,
    %get3A_1159 = vector.shape_cast %get3A_1158 : vector<16xf32> to vector<16xf32>
    %get3A_1160 = arith.constant 432 : index
    %get3A_1161 = tpu.vector_load %arg4[%get3A_1160] {strides = array<i32>} : memref<512xf32, #tpu.memory_space<vmem>>, vector<16xf32>,
    %get3A_1162 = vector.shape_cast %get3A_1161 : vector<16xf32> to vector<16xf32>
    %broadcast_in_dim3A_1163 = vector.shape_cast %min3A_902 : vector<16xi32> to vector<16x1xi32>
    %gather3A_1164 = vector.shape_cast %broadcast_in_dim3A_1163 : vector<16x1xi32> to vector<16xi32>
    %gather3A_1165 = tpu.dynamic_gather %get3A_1159[%gather3A_1164] in [0] : vector<16xf32>, vector<16xi32> -> vector<16xf32>
    %broadcast_in_dim3A_1166 = vector.shape_cast %max3A_906 : vector<16xi32> to vector<16x1xi32>
    %gather3A_1167 = vector.shape_cast %broadcast_in_dim3A_1166 : vector<16x1xi32> to vector<16xi32>
    %gather3A_1168 = tpu.dynamic_gather %get3A_1162[%gather3A_1167] in [0] : vector<16xf32>, vector<16xi32> -> vector<16xf32>
    %select_n3A_1169 = arith.select %lt3A_909, %gather3A_1165, %gather3A_1168 : vector<16xi1>, vector<16xf32>
    %swap3A_1170 = arith.constant 13 : i32
    %swap3A_1171 = arith.index_cast %swap3A_1170 : i32 to index
    %swap3A_1172 = arith.constant 32 : index
    %swap3A_1173 = tpu.vector_load %arg5[%swap3A_1171, %swap3A_1172] {strides = array<i32>} : memref<16x128xf32, #tpu.memory_space<vmem>>, vector<1x16xf32>,
    %swap3A_1174 = vector.shape_cast %swap3A_1173 : vector<1x16xf32> to vector<16xf32>
    %swap3A_1175 = vector.shape_cast %select_n3A_1169 : vector<16xf32> to vector<1x16xf32>
    tpu.vector_store %arg5[%swap3A_1171, %swap3A_1172], %swap3A_1175 {strides = array<i32>} : memref<16x128xf32, #tpu.memory_space<vmem>>, vector<1x16xf32>,
    %get3A_1176 = arith.constant 448 : index
    %get3A_1177 = tpu.vector_load %arg4[%get3A_1176] {strides = array<i32>} : memref<512xf32, #tpu.memory_space<vmem>>, vector<16xf32>,
    %get3A_1178 = vector.shape_cast %get3A_1177 : vector<16xf32> to vector<16xf32>
    %get3A_1179 = arith.constant 464 : index
    %get3A_1180 = tpu.vector_load %arg4[%get3A_1179] {strides = array<i32>} : memref<512xf32, #tpu.memory_space<vmem>>, vector<16xf32>,
    %get3A_1181 = vector.shape_cast %get3A_1180 : vector<16xf32> to vector<16xf32>
    %broadcast_in_dim3A_1182 = vector.shape_cast %min3A_902 : vector<16xi32> to vector<16x1xi32>
    %gather3A_1183 = vector.shape_cast %broadcast_in_dim3A_1182 : vector<16x1xi32> to vector<16xi32>
    %gather3A_1184 = tpu.dynamic_gather %get3A_1178[%gather3A_1183] in [0] : vector<16xf32>, vector<16xi32> -> vector<16xf32>
    %broadcast_in_dim3A_1185 = vector.shape_cast %max3A_906 : vector<16xi32> to vector<16x1xi32>
    %gather3A_1186 = vector.shape_cast %broadcast_in_dim3A_1185 : vector<16x1xi32> to vector<16xi32>
    %gather3A_1187 = tpu.dynamic_gather %get3A_1181[%gather3A_1186] in [0] : vector<16xf32>, vector<16xi32> -> vector<16xf32>
    %select_n3A_1188 = arith.select %lt3A_909, %gather3A_1184, %gather3A_1187 : vector<16xi1>, vector<16xf32>
    %swap3A_1189 = arith.constant 14 : i32
    %swap3A_1190 = arith.index_cast %swap3A_1189 : i32 to index
    %swap3A_1191 = arith.constant 32 : index
    %swap3A_1192 = tpu.vector_load %arg5[%swap3A_1190, %swap3A_1191] {strides = array<i32>} : memref<16x128xf32, #tpu.memory_space<vmem>>, vector<1x16xf32>,
    %swap3A_1193 = vector.shape_cast %swap3A_1192 : vector<1x16xf32> to vector<16xf32>
    %swap3A_1194 = vector.shape_cast %select_n3A_1188 : vector<16xf32> to vector<1x16xf32>
    tpu.vector_store %arg5[%swap3A_1190, %swap3A_1191], %swap3A_1194 {strides = array<i32>} : memref<16x128xf32, #tpu.memory_space<vmem>>, vector<1x16xf32>,
    %get3A_1195 = arith.constant 480 : index
    %get3A_1196 = tpu.vector_load %arg4[%get3A_1195] {strides = array<i32>} : memref<512xf32, #tpu.memory_space<vmem>>, vector<16xf32>,
    %get3A_1197 = vector.shape_cast %get3A_1196 : vector<16xf32> to vector<16xf32>
    %get3A_1198 = arith.constant 496 : index
    %get3A_1199 = tpu.vector_load %arg4[%get3A_1198] {strides = array<i32>} : memref<512xf32, #tpu.memory_space<vmem>>, vector<16xf32>,
    %get3A_1200 = vector.shape_cast %get3A_1199 : vector<16xf32> to vector<16xf32>
    %broadcast_in_dim3A_1201 = vector.shape_cast %min3A_902 : vector<16xi32> to vector<16x1xi32>
    %gather3A_1202 = vector.shape_cast %broadcast_in_dim3A_1201 : vector<16x1xi32> to vector<16xi32>
    %gather3A_1203 = tpu.dynamic_gather %get3A_1197[%gather3A_1202] in [0] : vector<16xf32>, vector<16xi32> -> vector<16xf32>
    %broadcast_in_dim3A_1204 = vector.shape_cast %max3A_906 : vector<16xi32> to vector<16x1xi32>
    %gather3A_1205 = vector.shape_cast %broadcast_in_dim3A_1204 : vector<16x1xi32> to vector<16xi32>
    %gather3A_1206 = tpu.dynamic_gather %get3A_1200[%gather3A_1205] in [0] : vector<16xf32>, vector<16xi32> -> vector<16xf32>
    %select_n3A_1207 = arith.select %lt3A_909, %gather3A_1203, %gather3A_1206 : vector<16xi1>, vector<16xf32>
    %swap3A_1208 = arith.constant 15 : i32
    %swap3A_1209 = arith.index_cast %swap3A_1208 : i32 to index
    %swap3A_1210 = arith.constant 32 : index
    %swap3A_1211 = tpu.vector_load %arg5[%swap3A_1209, %swap3A_1210] {strides = array<i32>} : memref<16x128xf32, #tpu.memory_space<vmem>>, vector<1x16xf32>,
    %swap3A_1212 = vector.shape_cast %swap3A_1211 : vector<1x16xf32> to vector<16xf32>
    %swap3A_1213 = vector.shape_cast %select_n3A_1207 : vector<16xf32> to vector<1x16xf32>
    tpu.vector_store %arg5[%swap3A_1209, %swap3A_1210], %swap3A_1213 {strides = array<i32>} : memref<16x128xf32, #tpu.memory_space<vmem>>, vector<1x16xf32>,
    %broadcast_in_dim3A_1214 = arith.constant 0 : i32
    %broadcast_in_dim3A_1215 = vector.broadcast %broadcast_in_dim3A_1214 : i32 to vector<16xi32>
    %broadcast_in_dim3A_1216 = arith.constant 1 : i32
    %broadcast_in_dim3A_1217 = vector.broadcast %broadcast_in_dim3A_1216 : i32 to vector<16xi32>
    %add3A_1218 = arith.constant 48 : i32
    %add3A_1219 = arith.addi %mul3A_2, %add3A_1218 : i32
    %broadcast_in_dim3A_1220 = vector.broadcast %add3A_1219 : i32 to vector<16xi32>
    %add3A_1221 = arith.addi %iota3A, %broadcast_in_dim3A_1220 : vector<16xi32>
    %broadcast_in_dim3A_1222 = arith.constant 2047 : i32
    %broadcast_in_dim3A_1223 = vector.broadcast %broadcast_in_dim3A_1222 : i32 to vector<16xi32>
    %sub3A_1224 = arith.subi %broadcast_in_dim3A_1223, %add3A_1221 : vector<16xi32>
    %max3A_1225 = arith.maxsi %sub3A_1224, %broadcast_in_dim3A_1215 : vector<16xi32>
    %broadcast_in_dim3A_1226 = arith.constant 16 : i32
    %broadcast_in_dim3A_1227 = vector.broadcast %broadcast_in_dim3A_1226 : i32 to vector<16xi32>
    %broadcast_in_dim3A_1228 = arith.constant 19 : i32
    %broadcast_in_dim3A_1229 = vector.broadcast %broadcast_in_dim3A_1228 : i32 to vector<16xi32>
    %ge3A_1230 = arith.cmpi sge, %max3A_1225, %broadcast_in_dim3A_1229 : vector<16xi32>
    %select_n3A_1231 = arith.select %ge3A_1230, %broadcast_in_dim3A_1217, %broadcast_in_dim3A_1215 : vector<16xi1>, vector<16xi32>
    %add3A_1232 = arith.addi %broadcast_in_dim3A_1227, %select_n3A_1231 : vector<16xi32>
    %broadcast_in_dim3A_1233 = arith.constant 21 : i32
    %broadcast_in_dim3A_1234 = vector.broadcast %broadcast_in_dim3A_1233 : i32 to vector<16xi32>
    %ge3A_1235 = arith.cmpi sge, %max3A_1225, %broadcast_in_dim3A_1234 : vector<16xi32>
    %select_n3A_1236 = arith.select %ge3A_1235, %broadcast_in_dim3A_1217, %broadcast_in_dim3A_1215 : vector<16xi1>, vector<16xi32>
    %add3A_1237 = arith.addi %add3A_1232, %select_n3A_1236 : vector<16xi32>
    %broadcast_in_dim3A_1238 = arith.constant 24 : i32
    %broadcast_in_dim3A_1239 = vector.broadcast %broadcast_in_dim3A_1238 : i32 to vector<16xi32>
    %ge3A_1240 = arith.cmpi sge, %max3A_1225, %broadcast_in_dim3A_1239 : vector<16xi32>
    %select_n3A_1241 = arith.select %ge3A_1240, %broadcast_in_dim3A_1217, %broadcast_in_dim3A_1215 : vector<16xi1>, vector<16xi32>
    %add3A_1242 = arith.addi %add3A_1237, %select_n3A_1241 : vector<16xi32>
    %broadcast_in_dim3A_1243 = arith.constant 27 : i32
    %broadcast_in_dim3A_1244 = vector.broadcast %broadcast_in_dim3A_1243 : i32 to vector<16xi32>
    %ge3A_1245 = arith.cmpi sge, %max3A_1225, %broadcast_in_dim3A_1244 : vector<16xi32>
    %select_n3A_1246 = arith.select %ge3A_1245, %broadcast_in_dim3A_1217, %broadcast_in_dim3A_1215 : vector<16xi1>, vector<16xi32>
    %add3A_1247 = arith.addi %add3A_1242, %select_n3A_1246 : vector<16xi32>
    %broadcast_in_dim3A_1248 = arith.constant 31 : i32
    %broadcast_in_dim3A_1249 = vector.broadcast %broadcast_in_dim3A_1248 : i32 to vector<16xi32>
    %ge3A_1250 = arith.cmpi sge, %max3A_1225, %broadcast_in_dim3A_1249 : vector<16xi32>
    %select_n3A_1251 = arith.select %ge3A_1250, %broadcast_in_dim3A_1217, %broadcast_in_dim3A_1215 : vector<16xi1>, vector<16xi32>
    %add3A_1252 = arith.addi %add3A_1247, %select_n3A_1251 : vector<16xi32>
    %broadcast_in_dim3A_1253 = arith.constant 35 : i32
    %broadcast_in_dim3A_1254 = vector.broadcast %broadcast_in_dim3A_1253 : i32 to vector<16xi32>
    %ge3A_1255 = arith.cmpi sge, %max3A_1225, %broadcast_in_dim3A_1254 : vector<16xi32>
    %select_n3A_1256 = arith.select %ge3A_1255, %broadcast_in_dim3A_1217, %broadcast_in_dim3A_1215 : vector<16xi1>, vector<16xi32>
    %add3A_1257 = arith.addi %add3A_1252, %select_n3A_1256 : vector<16xi32>
    %broadcast_in_dim3A_1258 = arith.constant 40 : i32
    %broadcast_in_dim3A_1259 = vector.broadcast %broadcast_in_dim3A_1258 : i32 to vector<16xi32>
    %ge3A_1260 = arith.cmpi sge, %max3A_1225, %broadcast_in_dim3A_1259 : vector<16xi32>
    %select_n3A_1261 = arith.select %ge3A_1260, %broadcast_in_dim3A_1217, %broadcast_in_dim3A_1215 : vector<16xi1>, vector<16xi32>
    %add3A_1262 = arith.addi %add3A_1257, %select_n3A_1261 : vector<16xi32>
    %broadcast_in_dim3A_1263 = arith.constant 46 : i32
    %broadcast_in_dim3A_1264 = vector.broadcast %broadcast_in_dim3A_1263 : i32 to vector<16xi32>
    %ge3A_1265 = arith.cmpi sge, %max3A_1225, %broadcast_in_dim3A_1264 : vector<16xi32>
    %select_n3A_1266 = arith.select %ge3A_1265, %broadcast_in_dim3A_1217, %broadcast_in_dim3A_1215 : vector<16xi1>, vector<16xi32>
    %add3A_1267 = arith.addi %add3A_1262, %select_n3A_1266 : vector<16xi32>
    %broadcast_in_dim3A_1268 = arith.constant 52 : i32
    %broadcast_in_dim3A_1269 = vector.broadcast %broadcast_in_dim3A_1268 : i32 to vector<16xi32>
    %ge3A_1270 = arith.cmpi sge, %max3A_1225, %broadcast_in_dim3A_1269 : vector<16xi32>
    %select_n3A_1271 = arith.select %ge3A_1270, %broadcast_in_dim3A_1217, %broadcast_in_dim3A_1215 : vector<16xi1>, vector<16xi32>
    %add3A_1272 = arith.addi %add3A_1267, %select_n3A_1271 : vector<16xi32>
    %broadcast_in_dim3A_1273 = arith.constant 59 : i32
    %broadcast_in_dim3A_1274 = vector.broadcast %broadcast_in_dim3A_1273 : i32 to vector<16xi32>
    %ge3A_1275 = arith.cmpi sge, %max3A_1225, %broadcast_in_dim3A_1274 : vector<16xi32>
    %select_n3A_1276 = arith.select %ge3A_1275, %broadcast_in_dim3A_1217, %broadcast_in_dim3A_1215 : vector<16xi1>, vector<16xi32>
    %add3A_1277 = arith.addi %add3A_1272, %select_n3A_1276 : vector<16xi32>
    %broadcast_in_dim3A_1278 = arith.constant 67 : i32
    %broadcast_in_dim3A_1279 = vector.broadcast %broadcast_in_dim3A_1278 : i32 to vector<16xi32>
    %ge3A_1280 = arith.cmpi sge, %max3A_1225, %broadcast_in_dim3A_1279 : vector<16xi32>
    %select_n3A_1281 = arith.select %ge3A_1280, %broadcast_in_dim3A_1217, %broadcast_in_dim3A_1215 : vector<16xi1>, vector<16xi32>
    %add3A_1282 = arith.addi %add3A_1277, %select_n3A_1281 : vector<16xi32>
    %broadcast_in_dim3A_1283 = arith.constant 77 : i32
    %broadcast_in_dim3A_1284 = vector.broadcast %broadcast_in_dim3A_1283 : i32 to vector<16xi32>
    %ge3A_1285 = arith.cmpi sge, %max3A_1225, %broadcast_in_dim3A_1284 : vector<16xi32>
    %select_n3A_1286 = arith.select %ge3A_1285, %broadcast_in_dim3A_1217, %broadcast_in_dim3A_1215 : vector<16xi1>, vector<16xi32>
    %add3A_1287 = arith.addi %add3A_1282, %select_n3A_1286 : vector<16xi32>
    %broadcast_in_dim3A_1288 = arith.constant 87 : i32
    %broadcast_in_dim3A_1289 = vector.broadcast %broadcast_in_dim3A_1288 : i32 to vector<16xi32>
    %ge3A_1290 = arith.cmpi sge, %max3A_1225, %broadcast_in_dim3A_1289 : vector<16xi32>
    %select_n3A_1291 = arith.select %ge3A_1290, %broadcast_in_dim3A_1217, %broadcast_in_dim3A_1215 : vector<16xi1>, vector<16xi32>
    %add3A_1292 = arith.addi %add3A_1287, %select_n3A_1291 : vector<16xi32>
    %broadcast_in_dim3A_1293 = arith.constant 99 : i32
    %broadcast_in_dim3A_1294 = vector.broadcast %broadcast_in_dim3A_1293 : i32 to vector<16xi32>
    %ge3A_1295 = arith.cmpi sge, %max3A_1225, %broadcast_in_dim3A_1294 : vector<16xi32>
    %select_n3A_1296 = arith.select %ge3A_1295, %broadcast_in_dim3A_1217, %broadcast_in_dim3A_1215 : vector<16xi1>, vector<16xi32>
    %add3A_1297 = arith.addi %add3A_1292, %select_n3A_1296 : vector<16xi32>
    %broadcast_in_dim3A_1298 = arith.constant 113 : i32
    %broadcast_in_dim3A_1299 = vector.broadcast %broadcast_in_dim3A_1298 : i32 to vector<16xi32>
    %ge3A_1300 = arith.cmpi sge, %max3A_1225, %broadcast_in_dim3A_1299 : vector<16xi32>
    %select_n3A_1301 = arith.select %ge3A_1300, %broadcast_in_dim3A_1217, %broadcast_in_dim3A_1215 : vector<16xi1>, vector<16xi32>
    %add3A_1302 = arith.addi %add3A_1297, %select_n3A_1301 : vector<16xi32>
    %broadcast_in_dim3A_1303 = arith.constant 16 : i32
    %broadcast_in_dim3A_1304 = vector.broadcast %broadcast_in_dim3A_1303 : i32 to vector<16xi32>
    %lt3A_1305 = arith.cmpi slt, %max3A_1225, %broadcast_in_dim3A_1304 : vector<16xi32>
    %select_n3A_1306 = arith.select %lt3A_1305, %max3A_1225, %add3A_1302 : vector<16xi1>, vector<16xi32>
    %broadcast_in_dim3A_1307 = arith.constant 15 : i32
    %broadcast_in_dim3A_1308 = vector.broadcast %broadcast_in_dim3A_1307 : i32 to vector<16xi32>
    %min3A_1309 = arith.minsi %select_n3A_1306, %broadcast_in_dim3A_1308 : vector<16xi32>
    %broadcast_in_dim3A_1310 = arith.constant 16 : i32
    %broadcast_in_dim3A_1311 = vector.broadcast %broadcast_in_dim3A_1310 : i32 to vector<16xi32>
    %sub3A_1312 = arith.subi %select_n3A_1306, %broadcast_in_dim3A_1311 : vector<16xi32>
    %max3A_1313 = arith.maxsi %sub3A_1312, %broadcast_in_dim3A_1215 : vector<16xi32>
    %broadcast_in_dim3A_1314 = arith.constant 16 : i32
    %broadcast_in_dim3A_1315 = vector.broadcast %broadcast_in_dim3A_1314 : i32 to vector<16xi32>
    %lt3A_1316 = arith.cmpi slt, %select_n3A_1306, %broadcast_in_dim3A_1315 : vector<16xi32>
    %get3A_1317 = arith.constant 0 : index
    %get3A_1318 = tpu.vector_load %arg4[%get3A_1317] {strides = array<i32>} : memref<512xf32, #tpu.memory_space<vmem>>, vector<16xf32>,
    %get3A_1319 = vector.shape_cast %get3A_1318 : vector<16xf32> to vector<16xf32>
    %get3A_1320 = arith.constant 16 : index
    %get3A_1321 = tpu.vector_load %arg4[%get3A_1320] {strides = array<i32>} : memref<512xf32, #tpu.memory_space<vmem>>, vector<16xf32>,
    %get3A_1322 = vector.shape_cast %get3A_1321 : vector<16xf32> to vector<16xf32>
    %broadcast_in_dim3A_1323 = vector.shape_cast %min3A_1309 : vector<16xi32> to vector<16x1xi32>
    %gather3A_1324 = vector.shape_cast %broadcast_in_dim3A_1323 : vector<16x1xi32> to vector<16xi32>
    %gather3A_1325 = tpu.dynamic_gather %get3A_1319[%gather3A_1324] in [0] : vector<16xf32>, vector<16xi32> -> vector<16xf32>
    %broadcast_in_dim3A_1326 = vector.shape_cast %max3A_1313 : vector<16xi32> to vector<16x1xi32>
    %gather3A_1327 = vector.shape_cast %broadcast_in_dim3A_1326 : vector<16x1xi32> to vector<16xi32>
    %gather3A_1328 = tpu.dynamic_gather %get3A_1322[%gather3A_1327] in [0] : vector<16xf32>, vector<16xi32> -> vector<16xf32>
    %select_n3A_1329 = arith.select %lt3A_1316, %gather3A_1325, %gather3A_1328 : vector<16xi1>, vector<16xf32>
    %swap3A_1330 = arith.constant 0 : i32
    %swap3A_1331 = arith.index_cast %swap3A_1330 : i32 to index
    %swap3A_1332 = arith.constant 48 : index
    %swap3A_1333 = tpu.vector_load %arg5[%swap3A_1331, %swap3A_1332] {strides = array<i32>} : memref<16x128xf32, #tpu.memory_space<vmem>>, vector<1x16xf32>,
    %swap3A_1334 = vector.shape_cast %swap3A_1333 : vector<1x16xf32> to vector<16xf32>
    %swap3A_1335 = vector.shape_cast %select_n3A_1329 : vector<16xf32> to vector<1x16xf32>
    tpu.vector_store %arg5[%swap3A_1331, %swap3A_1332], %swap3A_1335 {strides = array<i32>} : memref<16x128xf32, #tpu.memory_space<vmem>>, vector<1x16xf32>,
    %get3A_1336 = arith.constant 32 : index
    %get3A_1337 = tpu.vector_load %arg4[%get3A_1336] {strides = array<i32>} : memref<512xf32, #tpu.memory_space<vmem>>, vector<16xf32>,
    %get3A_1338 = vector.shape_cast %get3A_1337 : vector<16xf32> to vector<16xf32>
    %get3A_1339 = arith.constant 48 : index
    %get3A_1340 = tpu.vector_load %arg4[%get3A_1339] {strides = array<i32>} : memref<512xf32, #tpu.memory_space<vmem>>, vector<16xf32>,
    %get3A_1341 = vector.shape_cast %get3A_1340 : vector<16xf32> to vector<16xf32>
    %broadcast_in_dim3A_1342 = vector.shape_cast %min3A_1309 : vector<16xi32> to vector<16x1xi32>
    %gather3A_1343 = vector.shape_cast %broadcast_in_dim3A_1342 : vector<16x1xi32> to vector<16xi32>
    %gather3A_1344 = tpu.dynamic_gather %get3A_1338[%gather3A_1343] in [0] : vector<16xf32>, vector<16xi32> -> vector<16xf32>
    %broadcast_in_dim3A_1345 = vector.shape_cast %max3A_1313 : vector<16xi32> to vector<16x1xi32>
    %gather3A_1346 = vector.shape_cast %broadcast_in_dim3A_1345 : vector<16x1xi32> to vector<16xi32>
    %gather3A_1347 = tpu.dynamic_gather %get3A_1341[%gather3A_1346] in [0] : vector<16xf32>, vector<16xi32> -> vector<16xf32>
    %select_n3A_1348 = arith.select %lt3A_1316, %gather3A_1344, %gather3A_1347 : vector<16xi1>, vector<16xf32>
    %swap3A_1349 = arith.constant 1 : i32
    %swap3A_1350 = arith.index_cast %swap3A_1349 : i32 to index
    %swap3A_1351 = arith.constant 48 : index
    %swap3A_1352 = tpu.vector_load %arg5[%swap3A_1350, %swap3A_1351] {strides = array<i32>} : memref<16x128xf32, #tpu.memory_space<vmem>>, vector<1x16xf32>,
    %swap3A_1353 = vector.shape_cast %swap3A_1352 : vector<1x16xf32> to vector<16xf32>
    %swap3A_1354 = vector.shape_cast %select_n3A_1348 : vector<16xf32> to vector<1x16xf32>
    tpu.vector_store %arg5[%swap3A_1350, %swap3A_1351], %swap3A_1354 {strides = array<i32>} : memref<16x128xf32, #tpu.memory_space<vmem>>, vector<1x16xf32>,
    %get3A_1355 = arith.constant 64 : index
    %get3A_1356 = tpu.vector_load %arg4[%get3A_1355] {strides = array<i32>} : memref<512xf32, #tpu.memory_space<vmem>>, vector<16xf32>,
    %get3A_1357 = vector.shape_cast %get3A_1356 : vector<16xf32> to vector<16xf32>
    %get3A_1358 = arith.constant 80 : index
    %get3A_1359 = tpu.vector_load %arg4[%get3A_1358] {strides = array<i32>} : memref<512xf32, #tpu.memory_space<vmem>>, vector<16xf32>,
    %get3A_1360 = vector.shape_cast %get3A_1359 : vector<16xf32> to vector<16xf32>
    %broadcast_in_dim3A_1361 = vector.shape_cast %min3A_1309 : vector<16xi32> to vector<16x1xi32>
    %gather3A_1362 = vector.shape_cast %broadcast_in_dim3A_1361 : vector<16x1xi32> to vector<16xi32>
    %gather3A_1363 = tpu.dynamic_gather %get3A_1357[%gather3A_1362] in [0] : vector<16xf32>, vector<16xi32> -> vector<16xf32>
    %broadcast_in_dim3A_1364 = vector.shape_cast %max3A_1313 : vector<16xi32> to vector<16x1xi32>
    %gather3A_1365 = vector.shape_cast %broadcast_in_dim3A_1364 : vector<16x1xi32> to vector<16xi32>
    %gather3A_1366 = tpu.dynamic_gather %get3A_1360[%gather3A_1365] in [0] : vector<16xf32>, vector<16xi32> -> vector<16xf32>
    %select_n3A_1367 = arith.select %lt3A_1316, %gather3A_1363, %gather3A_1366 : vector<16xi1>, vector<16xf32>
    %swap3A_1368 = arith.constant 2 : i32
    %swap3A_1369 = arith.index_cast %swap3A_1368 : i32 to index
    %swap3A_1370 = arith.constant 48 : index
    %swap3A_1371 = tpu.vector_load %arg5[%swap3A_1369, %swap3A_1370] {strides = array<i32>} : memref<16x128xf32, #tpu.memory_space<vmem>>, vector<1x16xf32>,
    %swap3A_1372 = vector.shape_cast %swap3A_1371 : vector<1x16xf32> to vector<16xf32>
    %swap3A_1373 = vector.shape_cast %select_n3A_1367 : vector<16xf32> to vector<1x16xf32>
    tpu.vector_store %arg5[%swap3A_1369, %swap3A_1370], %swap3A_1373 {strides = array<i32>} : memref<16x128xf32, #tpu.memory_space<vmem>>, vector<1x16xf32>,
    %get3A_1374 = arith.constant 96 : index
    %get3A_1375 = tpu.vector_load %arg4[%get3A_1374] {strides = array<i32>} : memref<512xf32, #tpu.memory_space<vmem>>, vector<16xf32>,
    %get3A_1376 = vector.shape_cast %get3A_1375 : vector<16xf32> to vector<16xf32>
    %get3A_1377 = arith.constant 112 : index
    %get3A_1378 = tpu.vector_load %arg4[%get3A_1377] {strides = array<i32>} : memref<512xf32, #tpu.memory_space<vmem>>, vector<16xf32>,
    %get3A_1379 = vector.shape_cast %get3A_1378 : vector<16xf32> to vector<16xf32>
    %broadcast_in_dim3A_1380 = vector.shape_cast %min3A_1309 : vector<16xi32> to vector<16x1xi32>
    %gather3A_1381 = vector.shape_cast %broadcast_in_dim3A_1380 : vector<16x1xi32> to vector<16xi32>
    %gather3A_1382 = tpu.dynamic_gather %get3A_1376[%gather3A_1381] in [0] : vector<16xf32>, vector<16xi32> -> vector<16xf32>
    %broadcast_in_dim3A_1383 = vector.shape_cast %max3A_1313 : vector<16xi32> to vector<16x1xi32>
    %gather3A_1384 = vector.shape_cast %broadcast_in_dim3A_1383 : vector<16x1xi32> to vector<16xi32>
    %gather3A_1385 = tpu.dynamic_gather %get3A_1379[%gather3A_1384] in [0] : vector<16xf32>, vector<16xi32> -> vector<16xf32>
    %select_n3A_1386 = arith.select %lt3A_1316, %gather3A_1382, %gather3A_1385 : vector<16xi1>, vector<16xf32>
    %swap3A_1387 = arith.constant 3 : i32
    %swap3A_1388 = arith.index_cast %swap3A_1387 : i32 to index
    %swap3A_1389 = arith.constant 48 : index
    %swap3A_1390 = tpu.vector_load %arg5[%swap3A_1388, %swap3A_1389] {strides = array<i32>} : memref<16x128xf32, #tpu.memory_space<vmem>>, vector<1x16xf32>,
    %swap3A_1391 = vector.shape_cast %swap3A_1390 : vector<1x16xf32> to vector<16xf32>
    %swap3A_1392 = vector.shape_cast %select_n3A_1386 : vector<16xf32> to vector<1x16xf32>
    tpu.vector_store %arg5[%swap3A_1388, %swap3A_1389], %swap3A_1392 {strides = array<i32>} : memref<16x128xf32, #tpu.memory_space<vmem>>, vector<1x16xf32>,
    %get3A_1393 = arith.constant 128 : index
    %get3A_1394 = tpu.vector_load %arg4[%get3A_1393] {strides = array<i32>} : memref<512xf32, #tpu.memory_space<vmem>>, vector<16xf32>,
    %get3A_1395 = vector.shape_cast %get3A_1394 : vector<16xf32> to vector<16xf32>
    %get3A_1396 = arith.constant 144 : index
    %get3A_1397 = tpu.vector_load %arg4[%get3A_1396] {strides = array<i32>} : memref<512xf32, #tpu.memory_space<vmem>>, vector<16xf32>,
    %get3A_1398 = vector.shape_cast %get3A_1397 : vector<16xf32> to vector<16xf32>
    %broadcast_in_dim3A_1399 = vector.shape_cast %min3A_1309 : vector<16xi32> to vector<16x1xi32>
    %gather3A_1400 = vector.shape_cast %broadcast_in_dim3A_1399 : vector<16x1xi32> to vector<16xi32>
    %gather3A_1401 = tpu.dynamic_gather %get3A_1395[%gather3A_1400] in [0] : vector<16xf32>, vector<16xi32> -> vector<16xf32>
    %broadcast_in_dim3A_1402 = vector.shape_cast %max3A_1313 : vector<16xi32> to vector<16x1xi32>
    %gather3A_1403 = vector.shape_cast %broadcast_in_dim3A_1402 : vector<16x1xi32> to vector<16xi32>
    %gather3A_1404 = tpu.dynamic_gather %get3A_1398[%gather3A_1403] in [0] : vector<16xf32>, vector<16xi32> -> vector<16xf32>
    %select_n3A_1405 = arith.select %lt3A_1316, %gather3A_1401, %gather3A_1404 : vector<16xi1>, vector<16xf32>
    %swap3A_1406 = arith.constant 4 : i32
    %swap3A_1407 = arith.index_cast %swap3A_1406 : i32 to index
    %swap3A_1408 = arith.constant 48 : index
    %swap3A_1409 = tpu.vector_load %arg5[%swap3A_1407, %swap3A_1408] {strides = array<i32>} : memref<16x128xf32, #tpu.memory_space<vmem>>, vector<1x16xf32>,
    %swap3A_1410 = vector.shape_cast %swap3A_1409 : vector<1x16xf32> to vector<16xf32>
    %swap3A_1411 = vector.shape_cast %select_n3A_1405 : vector<16xf32> to vector<1x16xf32>
    tpu.vector_store %arg5[%swap3A_1407, %swap3A_1408], %swap3A_1411 {strides = array<i32>} : memref<16x128xf32, #tpu.memory_space<vmem>>, vector<1x16xf32>,
    %get3A_1412 = arith.constant 160 : index
    %get3A_1413 = tpu.vector_load %arg4[%get3A_1412] {strides = array<i32>} : memref<512xf32, #tpu.memory_space<vmem>>, vector<16xf32>,
    %get3A_1414 = vector.shape_cast %get3A_1413 : vector<16xf32> to vector<16xf32>
    %get3A_1415 = arith.constant 176 : index
    %get3A_1416 = tpu.vector_load %arg4[%get3A_1415] {strides = array<i32>} : memref<512xf32, #tpu.memory_space<vmem>>, vector<16xf32>,
    %get3A_1417 = vector.shape_cast %get3A_1416 : vector<16xf32> to vector<16xf32>
    %broadcast_in_dim3A_1418 = vector.shape_cast %min3A_1309 : vector<16xi32> to vector<16x1xi32>
    %gather3A_1419 = vector.shape_cast %broadcast_in_dim3A_1418 : vector<16x1xi32> to vector<16xi32>
    %gather3A_1420 = tpu.dynamic_gather %get3A_1414[%gather3A_1419] in [0] : vector<16xf32>, vector<16xi32> -> vector<16xf32>
    %broadcast_in_dim3A_1421 = vector.shape_cast %max3A_1313 : vector<16xi32> to vector<16x1xi32>
    %gather3A_1422 = vector.shape_cast %broadcast_in_dim3A_1421 : vector<16x1xi32> to vector<16xi32>
    %gather3A_1423 = tpu.dynamic_gather %get3A_1417[%gather3A_1422] in [0] : vector<16xf32>, vector<16xi32> -> vector<16xf32>
    %select_n3A_1424 = arith.select %lt3A_1316, %gather3A_1420, %gather3A_1423 : vector<16xi1>, vector<16xf32>
    %swap3A_1425 = arith.constant 5 : i32
    %swap3A_1426 = arith.index_cast %swap3A_1425 : i32 to index
    %swap3A_1427 = arith.constant 48 : index
    %swap3A_1428 = tpu.vector_load %arg5[%swap3A_1426, %swap3A_1427] {strides = array<i32>} : memref<16x128xf32, #tpu.memory_space<vmem>>, vector<1x16xf32>,
    %swap3A_1429 = vector.shape_cast %swap3A_1428 : vector<1x16xf32> to vector<16xf32>
    %swap3A_1430 = vector.shape_cast %select_n3A_1424 : vector<16xf32> to vector<1x16xf32>
    tpu.vector_store %arg5[%swap3A_1426, %swap3A_1427], %swap3A_1430 {strides = array<i32>} : memref<16x128xf32, #tpu.memory_space<vmem>>, vector<1x16xf32>,
    %get3A_1431 = arith.constant 192 : index
    %get3A_1432 = tpu.vector_load %arg4[%get3A_1431] {strides = array<i32>} : memref<512xf32, #tpu.memory_space<vmem>>, vector<16xf32>,
    %get3A_1433 = vector.shape_cast %get3A_1432 : vector<16xf32> to vector<16xf32>
    %get3A_1434 = arith.constant 208 : index
    %get3A_1435 = tpu.vector_load %arg4[%get3A_1434] {strides = array<i32>} : memref<512xf32, #tpu.memory_space<vmem>>, vector<16xf32>,
    %get3A_1436 = vector.shape_cast %get3A_1435 : vector<16xf32> to vector<16xf32>
    %broadcast_in_dim3A_1437 = vector.shape_cast %min3A_1309 : vector<16xi32> to vector<16x1xi32>
    %gather3A_1438 = vector.shape_cast %broadcast_in_dim3A_1437 : vector<16x1xi32> to vector<16xi32>
    %gather3A_1439 = tpu.dynamic_gather %get3A_1433[%gather3A_1438] in [0] : vector<16xf32>, vector<16xi32> -> vector<16xf32>
    %broadcast_in_dim3A_1440 = vector.shape_cast %max3A_1313 : vector<16xi32> to vector<16x1xi32>
    %gather3A_1441 = vector.shape_cast %broadcast_in_dim3A_1440 : vector<16x1xi32> to vector<16xi32>
    %gather3A_1442 = tpu.dynamic_gather %get3A_1436[%gather3A_1441] in [0] : vector<16xf32>, vector<16xi32> -> vector<16xf32>
    %select_n3A_1443 = arith.select %lt3A_1316, %gather3A_1439, %gather3A_1442 : vector<16xi1>, vector<16xf32>
    %swap3A_1444 = arith.constant 6 : i32
    %swap3A_1445 = arith.index_cast %swap3A_1444 : i32 to index
    %swap3A_1446 = arith.constant 48 : index
    %swap3A_1447 = tpu.vector_load %arg5[%swap3A_1445, %swap3A_1446] {strides = array<i32>} : memref<16x128xf32, #tpu.memory_space<vmem>>, vector<1x16xf32>,
    %swap3A_1448 = vector.shape_cast %swap3A_1447 : vector<1x16xf32> to vector<16xf32>
    %swap3A_1449 = vector.shape_cast %select_n3A_1443 : vector<16xf32> to vector<1x16xf32>
    tpu.vector_store %arg5[%swap3A_1445, %swap3A_1446], %swap3A_1449 {strides = array<i32>} : memref<16x128xf32, #tpu.memory_space<vmem>>, vector<1x16xf32>,
    %get3A_1450 = arith.constant 224 : index
    %get3A_1451 = tpu.vector_load %arg4[%get3A_1450] {strides = array<i32>} : memref<512xf32, #tpu.memory_space<vmem>>, vector<16xf32>,
    %get3A_1452 = vector.shape_cast %get3A_1451 : vector<16xf32> to vector<16xf32>
    %get3A_1453 = arith.constant 240 : index
    %get3A_1454 = tpu.vector_load %arg4[%get3A_1453] {strides = array<i32>} : memref<512xf32, #tpu.memory_space<vmem>>, vector<16xf32>,
    %get3A_1455 = vector.shape_cast %get3A_1454 : vector<16xf32> to vector<16xf32>
    %broadcast_in_dim3A_1456 = vector.shape_cast %min3A_1309 : vector<16xi32> to vector<16x1xi32>
    %gather3A_1457 = vector.shape_cast %broadcast_in_dim3A_1456 : vector<16x1xi32> to vector<16xi32>
    %gather3A_1458 = tpu.dynamic_gather %get3A_1452[%gather3A_1457] in [0] : vector<16xf32>, vector<16xi32> -> vector<16xf32>
    %broadcast_in_dim3A_1459 = vector.shape_cast %max3A_1313 : vector<16xi32> to vector<16x1xi32>
    %gather3A_1460 = vector.shape_cast %broadcast_in_dim3A_1459 : vector<16x1xi32> to vector<16xi32>
    %gather3A_1461 = tpu.dynamic_gather %get3A_1455[%gather3A_1460] in [0] : vector<16xf32>, vector<16xi32> -> vector<16xf32>
    %select_n3A_1462 = arith.select %lt3A_1316, %gather3A_1458, %gather3A_1461 : vector<16xi1>, vector<16xf32>
    %swap3A_1463 = arith.constant 7 : i32
    %swap3A_1464 = arith.index_cast %swap3A_1463 : i32 to index
    %swap3A_1465 = arith.constant 48 : index
    %swap3A_1466 = tpu.vector_load %arg5[%swap3A_1464, %swap3A_1465] {strides = array<i32>} : memref<16x128xf32, #tpu.memory_space<vmem>>, vector<1x16xf32>,
    %swap3A_1467 = vector.shape_cast %swap3A_1466 : vector<1x16xf32> to vector<16xf32>
    %swap3A_1468 = vector.shape_cast %select_n3A_1462 : vector<16xf32> to vector<1x16xf32>
    tpu.vector_store %arg5[%swap3A_1464, %swap3A_1465], %swap3A_1468 {strides = array<i32>} : memref<16x128xf32, #tpu.memory_space<vmem>>, vector<1x16xf32>,
    %get3A_1469 = arith.constant 256 : index
    %get3A_1470 = tpu.vector_load %arg4[%get3A_1469] {strides = array<i32>} : memref<512xf32, #tpu.memory_space<vmem>>, vector<16xf32>,
    %get3A_1471 = vector.shape_cast %get3A_1470 : vector<16xf32> to vector<16xf32>
    %get3A_1472 = arith.constant 272 : index
    %get3A_1473 = tpu.vector_load %arg4[%get3A_1472] {strides = array<i32>} : memref<512xf32, #tpu.memory_space<vmem>>, vector<16xf32>,
    %get3A_1474 = vector.shape_cast %get3A_1473 : vector<16xf32> to vector<16xf32>
    %broadcast_in_dim3A_1475 = vector.shape_cast %min3A_1309 : vector<16xi32> to vector<16x1xi32>
    %gather3A_1476 = vector.shape_cast %broadcast_in_dim3A_1475 : vector<16x1xi32> to vector<16xi32>
    %gather3A_1477 = tpu.dynamic_gather %get3A_1471[%gather3A_1476] in [0] : vector<16xf32>, vector<16xi32> -> vector<16xf32>
    %broadcast_in_dim3A_1478 = vector.shape_cast %max3A_1313 : vector<16xi32> to vector<16x1xi32>
    %gather3A_1479 = vector.shape_cast %broadcast_in_dim3A_1478 : vector<16x1xi32> to vector<16xi32>
    %gather3A_1480 = tpu.dynamic_gather %get3A_1474[%gather3A_1479] in [0] : vector<16xf32>, vector<16xi32> -> vector<16xf32>
    %select_n3A_1481 = arith.select %lt3A_1316, %gather3A_1477, %gather3A_1480 : vector<16xi1>, vector<16xf32>
    %swap3A_1482 = arith.constant 8 : i32
    %swap3A_1483 = arith.index_cast %swap3A_1482 : i32 to index
    %swap3A_1484 = arith.constant 48 : index
    %swap3A_1485 = tpu.vector_load %arg5[%swap3A_1483, %swap3A_1484] {strides = array<i32>} : memref<16x128xf32, #tpu.memory_space<vmem>>, vector<1x16xf32>,
    %swap3A_1486 = vector.shape_cast %swap3A_1485 : vector<1x16xf32> to vector<16xf32>
    %swap3A_1487 = vector.shape_cast %select_n3A_1481 : vector<16xf32> to vector<1x16xf32>
    tpu.vector_store %arg5[%swap3A_1483, %swap3A_1484], %swap3A_1487 {strides = array<i32>} : memref<16x128xf32, #tpu.memory_space<vmem>>, vector<1x16xf32>,
    %get3A_1488 = arith.constant 288 : index
    %get3A_1489 = tpu.vector_load %arg4[%get3A_1488] {strides = array<i32>} : memref<512xf32, #tpu.memory_space<vmem>>, vector<16xf32>,
    %get3A_1490 = vector.shape_cast %get3A_1489 : vector<16xf32> to vector<16xf32>
    %get3A_1491 = arith.constant 304 : index
    %get3A_1492 = tpu.vector_load %arg4[%get3A_1491] {strides = array<i32>} : memref<512xf32, #tpu.memory_space<vmem>>, vector<16xf32>,
    %get3A_1493 = vector.shape_cast %get3A_1492 : vector<16xf32> to vector<16xf32>
    %broadcast_in_dim3A_1494 = vector.shape_cast %min3A_1309 : vector<16xi32> to vector<16x1xi32>
    %gather3A_1495 = vector.shape_cast %broadcast_in_dim3A_1494 : vector<16x1xi32> to vector<16xi32>
    %gather3A_1496 = tpu.dynamic_gather %get3A_1490[%gather3A_1495] in [0] : vector<16xf32>, vector<16xi32> -> vector<16xf32>
    %broadcast_in_dim3A_1497 = vector.shape_cast %max3A_1313 : vector<16xi32> to vector<16x1xi32>
    %gather3A_1498 = vector.shape_cast %broadcast_in_dim3A_1497 : vector<16x1xi32> to vector<16xi32>
    %gather3A_1499 = tpu.dynamic_gather %get3A_1493[%gather3A_1498] in [0] : vector<16xf32>, vector<16xi32> -> vector<16xf32>
    %select_n3A_1500 = arith.select %lt3A_1316, %gather3A_1496, %gather3A_1499 : vector<16xi1>, vector<16xf32>
    %swap3A_1501 = arith.constant 9 : i32
    %swap3A_1502 = arith.index_cast %swap3A_1501 : i32 to index
    %swap3A_1503 = arith.constant 48 : index
    %swap3A_1504 = tpu.vector_load %arg5[%swap3A_1502, %swap3A_1503] {strides = array<i32>} : memref<16x128xf32, #tpu.memory_space<vmem>>, vector<1x16xf32>,
    %swap3A_1505 = vector.shape_cast %swap3A_1504 : vector<1x16xf32> to vector<16xf32>
    %swap3A_1506 = vector.shape_cast %select_n3A_1500 : vector<16xf32> to vector<1x16xf32>
    tpu.vector_store %arg5[%swap3A_1502, %swap3A_1503], %swap3A_1506 {strides = array<i32>} : memref<16x128xf32, #tpu.memory_space<vmem>>, vector<1x16xf32>,
    %get3A_1507 = arith.constant 320 : index
    %get3A_1508 = tpu.vector_load %arg4[%get3A_1507] {strides = array<i32>} : memref<512xf32, #tpu.memory_space<vmem>>, vector<16xf32>,
    %get3A_1509 = vector.shape_cast %get3A_1508 : vector<16xf32> to vector<16xf32>
    %get3A_1510 = arith.constant 336 : index
    %get3A_1511 = tpu.vector_load %arg4[%get3A_1510] {strides = array<i32>} : memref<512xf32, #tpu.memory_space<vmem>>, vector<16xf32>,
    %get3A_1512 = vector.shape_cast %get3A_1511 : vector<16xf32> to vector<16xf32>
    %broadcast_in_dim3A_1513 = vector.shape_cast %min3A_1309 : vector<16xi32> to vector<16x1xi32>
    %gather3A_1514 = vector.shape_cast %broadcast_in_dim3A_1513 : vector<16x1xi32> to vector<16xi32>
    %gather3A_1515 = tpu.dynamic_gather %get3A_1509[%gather3A_1514] in [0] : vector<16xf32>, vector<16xi32> -> vector<16xf32>
    %broadcast_in_dim3A_1516 = vector.shape_cast %max3A_1313 : vector<16xi32> to vector<16x1xi32>
    %gather3A_1517 = vector.shape_cast %broadcast_in_dim3A_1516 : vector<16x1xi32> to vector<16xi32>
    %gather3A_1518 = tpu.dynamic_gather %get3A_1512[%gather3A_1517] in [0] : vector<16xf32>, vector<16xi32> -> vector<16xf32>
    %select_n3A_1519 = arith.select %lt3A_1316, %gather3A_1515, %gather3A_1518 : vector<16xi1>, vector<16xf32>
    %swap3A_1520 = arith.constant 10 : i32
    %swap3A_1521 = arith.index_cast %swap3A_1520 : i32 to index
    %swap3A_1522 = arith.constant 48 : index
    %swap3A_1523 = tpu.vector_load %arg5[%swap3A_1521, %swap3A_1522] {strides = array<i32>} : memref<16x128xf32, #tpu.memory_space<vmem>>, vector<1x16xf32>,
    %swap3A_1524 = vector.shape_cast %swap3A_1523 : vector<1x16xf32> to vector<16xf32>
    %swap3A_1525 = vector.shape_cast %select_n3A_1519 : vector<16xf32> to vector<1x16xf32>
    tpu.vector_store %arg5[%swap3A_1521, %swap3A_1522], %swap3A_1525 {strides = array<i32>} : memref<16x128xf32, #tpu.memory_space<vmem>>, vector<1x16xf32>,
    %get3A_1526 = arith.constant 352 : index
    %get3A_1527 = tpu.vector_load %arg4[%get3A_1526] {strides = array<i32>} : memref<512xf32, #tpu.memory_space<vmem>>, vector<16xf32>,
    %get3A_1528 = vector.shape_cast %get3A_1527 : vector<16xf32> to vector<16xf32>
    %get3A_1529 = arith.constant 368 : index
    %get3A_1530 = tpu.vector_load %arg4[%get3A_1529] {strides = array<i32>} : memref<512xf32, #tpu.memory_space<vmem>>, vector<16xf32>,
    %get3A_1531 = vector.shape_cast %get3A_1530 : vector<16xf32> to vector<16xf32>
    %broadcast_in_dim3A_1532 = vector.shape_cast %min3A_1309 : vector<16xi32> to vector<16x1xi32>
    %gather3A_1533 = vector.shape_cast %broadcast_in_dim3A_1532 : vector<16x1xi32> to vector<16xi32>
    %gather3A_1534 = tpu.dynamic_gather %get3A_1528[%gather3A_1533] in [0] : vector<16xf32>, vector<16xi32> -> vector<16xf32>
    %broadcast_in_dim3A_1535 = vector.shape_cast %max3A_1313 : vector<16xi32> to vector<16x1xi32>
    %gather3A_1536 = vector.shape_cast %broadcast_in_dim3A_1535 : vector<16x1xi32> to vector<16xi32>
    %gather3A_1537 = tpu.dynamic_gather %get3A_1531[%gather3A_1536] in [0] : vector<16xf32>, vector<16xi32> -> vector<16xf32>
    %select_n3A_1538 = arith.select %lt3A_1316, %gather3A_1534, %gather3A_1537 : vector<16xi1>, vector<16xf32>
    %swap3A_1539 = arith.constant 11 : i32
    %swap3A_1540 = arith.index_cast %swap3A_1539 : i32 to index
    %swap3A_1541 = arith.constant 48 : index
    %swap3A_1542 = tpu.vector_load %arg5[%swap3A_1540, %swap3A_1541] {strides = array<i32>} : memref<16x128xf32, #tpu.memory_space<vmem>>, vector<1x16xf32>,
    %swap3A_1543 = vector.shape_cast %swap3A_1542 : vector<1x16xf32> to vector<16xf32>
    %swap3A_1544 = vector.shape_cast %select_n3A_1538 : vector<16xf32> to vector<1x16xf32>
    tpu.vector_store %arg5[%swap3A_1540, %swap3A_1541], %swap3A_1544 {strides = array<i32>} : memref<16x128xf32, #tpu.memory_space<vmem>>, vector<1x16xf32>,
    %get3A_1545 = arith.constant 384 : index
    %get3A_1546 = tpu.vector_load %arg4[%get3A_1545] {strides = array<i32>} : memref<512xf32, #tpu.memory_space<vmem>>, vector<16xf32>,
    %get3A_1547 = vector.shape_cast %get3A_1546 : vector<16xf32> to vector<16xf32>
    %get3A_1548 = arith.constant 400 : index
    %get3A_1549 = tpu.vector_load %arg4[%get3A_1548] {strides = array<i32>} : memref<512xf32, #tpu.memory_space<vmem>>, vector<16xf32>,
    %get3A_1550 = vector.shape_cast %get3A_1549 : vector<16xf32> to vector<16xf32>
    %broadcast_in_dim3A_1551 = vector.shape_cast %min3A_1309 : vector<16xi32> to vector<16x1xi32>
    %gather3A_1552 = vector.shape_cast %broadcast_in_dim3A_1551 : vector<16x1xi32> to vector<16xi32>
    %gather3A_1553 = tpu.dynamic_gather %get3A_1547[%gather3A_1552] in [0] : vector<16xf32>, vector<16xi32> -> vector<16xf32>
    %broadcast_in_dim3A_1554 = vector.shape_cast %max3A_1313 : vector<16xi32> to vector<16x1xi32>
    %gather3A_1555 = vector.shape_cast %broadcast_in_dim3A_1554 : vector<16x1xi32> to vector<16xi32>
    %gather3A_1556 = tpu.dynamic_gather %get3A_1550[%gather3A_1555] in [0] : vector<16xf32>, vector<16xi32> -> vector<16xf32>
    %select_n3A_1557 = arith.select %lt3A_1316, %gather3A_1553, %gather3A_1556 : vector<16xi1>, vector<16xf32>
    %swap3A_1558 = arith.constant 12 : i32
    %swap3A_1559 = arith.index_cast %swap3A_1558 : i32 to index
    %swap3A_1560 = arith.constant 48 : index
    %swap3A_1561 = tpu.vector_load %arg5[%swap3A_1559, %swap3A_1560] {strides = array<i32>} : memref<16x128xf32, #tpu.memory_space<vmem>>, vector<1x16xf32>,
    %swap3A_1562 = vector.shape_cast %swap3A_1561 : vector<1x16xf32> to vector<16xf32>
    %swap3A_1563 = vector.shape_cast %select_n3A_1557 : vector<16xf32> to vector<1x16xf32>
    tpu.vector_store %arg5[%swap3A_1559, %swap3A_1560], %swap3A_1563 {strides = array<i32>} : memref<16x128xf32, #tpu.memory_space<vmem>>, vector<1x16xf32>,
    %get3A_1564 = arith.constant 416 : index
    %get3A_1565 = tpu.vector_load %arg4[%get3A_1564] {strides = array<i32>} : memref<512xf32, #tpu.memory_space<vmem>>, vector<16xf32>,
    %get3A_1566 = vector.shape_cast %get3A_1565 : vector<16xf32> to vector<16xf32>
    %get3A_1567 = arith.constant 432 : index
    %get3A_1568 = tpu.vector_load %arg4[%get3A_1567] {strides = array<i32>} : memref<512xf32, #tpu.memory_space<vmem>>, vector<16xf32>,
    %get3A_1569 = vector.shape_cast %get3A_1568 : vector<16xf32> to vector<16xf32>
    %broadcast_in_dim3A_1570 = vector.shape_cast %min3A_1309 : vector<16xi32> to vector<16x1xi32>
    %gather3A_1571 = vector.shape_cast %broadcast_in_dim3A_1570 : vector<16x1xi32> to vector<16xi32>
    %gather3A_1572 = tpu.dynamic_gather %get3A_1566[%gather3A_1571] in [0] : vector<16xf32>, vector<16xi32> -> vector<16xf32>
    %broadcast_in_dim3A_1573 = vector.shape_cast %max3A_1313 : vector<16xi32> to vector<16x1xi32>
    %gather3A_1574 = vector.shape_cast %broadcast_in_dim3A_1573 : vector<16x1xi32> to vector<16xi32>
    %gather3A_1575 = tpu.dynamic_gather %get3A_1569[%gather3A_1574] in [0] : vector<16xf32>, vector<16xi32> -> vector<16xf32>
    %select_n3A_1576 = arith.select %lt3A_1316, %gather3A_1572, %gather3A_1575 : vector<16xi1>, vector<16xf32>
    %swap3A_1577 = arith.constant 13 : i32
    %swap3A_1578 = arith.index_cast %swap3A_1577 : i32 to index
    %swap3A_1579 = arith.constant 48 : index
    %swap3A_1580 = tpu.vector_load %arg5[%swap3A_1578, %swap3A_1579] {strides = array<i32>} : memref<16x128xf32, #tpu.memory_space<vmem>>, vector<1x16xf32>,
    %swap3A_1581 = vector.shape_cast %swap3A_1580 : vector<1x16xf32> to vector<16xf32>
    %swap3A_1582 = vector.shape_cast %select_n3A_1576 : vector<16xf32> to vector<1x16xf32>
    tpu.vector_store %arg5[%swap3A_1578, %swap3A_1579], %swap3A_1582 {strides = array<i32>} : memref<16x128xf32, #tpu.memory_space<vmem>>, vector<1x16xf32>,
    %get3A_1583 = arith.constant 448 : index
    %get3A_1584 = tpu.vector_load %arg4[%get3A_1583] {strides = array<i32>} : memref<512xf32, #tpu.memory_space<vmem>>, vector<16xf32>,
    %get3A_1585 = vector.shape_cast %get3A_1584 : vector<16xf32> to vector<16xf32>
    %get3A_1586 = arith.constant 464 : index
    %get3A_1587 = tpu.vector_load %arg4[%get3A_1586] {strides = array<i32>} : memref<512xf32, #tpu.memory_space<vmem>>, vector<16xf32>,
    %get3A_1588 = vector.shape_cast %get3A_1587 : vector<16xf32> to vector<16xf32>
    %broadcast_in_dim3A_1589 = vector.shape_cast %min3A_1309 : vector<16xi32> to vector<16x1xi32>
    %gather3A_1590 = vector.shape_cast %broadcast_in_dim3A_1589 : vector<16x1xi32> to vector<16xi32>
    %gather3A_1591 = tpu.dynamic_gather %get3A_1585[%gather3A_1590] in [0] : vector<16xf32>, vector<16xi32> -> vector<16xf32>
    %broadcast_in_dim3A_1592 = vector.shape_cast %max3A_1313 : vector<16xi32> to vector<16x1xi32>
    %gather3A_1593 = vector.shape_cast %broadcast_in_dim3A_1592 : vector<16x1xi32> to vector<16xi32>
    %gather3A_1594 = tpu.dynamic_gather %get3A_1588[%gather3A_1593] in [0] : vector<16xf32>, vector<16xi32> -> vector<16xf32>
    %select_n3A_1595 = arith.select %lt3A_1316, %gather3A_1591, %gather3A_1594 : vector<16xi1>, vector<16xf32>
    %swap3A_1596 = arith.constant 14 : i32
    %swap3A_1597 = arith.index_cast %swap3A_1596 : i32 to index
    %swap3A_1598 = arith.constant 48 : index
    %swap3A_1599 = tpu.vector_load %arg5[%swap3A_1597, %swap3A_1598] {strides = array<i32>} : memref<16x128xf32, #tpu.memory_space<vmem>>, vector<1x16xf32>,
    %swap3A_1600 = vector.shape_cast %swap3A_1599 : vector<1x16xf32> to vector<16xf32>
    %swap3A_1601 = vector.shape_cast %select_n3A_1595 : vector<16xf32> to vector<1x16xf32>
    tpu.vector_store %arg5[%swap3A_1597, %swap3A_1598], %swap3A_1601 {strides = array<i32>} : memref<16x128xf32, #tpu.memory_space<vmem>>, vector<1x16xf32>,
    %get3A_1602 = arith.constant 480 : index
    %get3A_1603 = tpu.vector_load %arg4[%get3A_1602] {strides = array<i32>} : memref<512xf32, #tpu.memory_space<vmem>>, vector<16xf32>,
    %get3A_1604 = vector.shape_cast %get3A_1603 : vector<16xf32> to vector<16xf32>
    %get3A_1605 = arith.constant 496 : index
    %get3A_1606 = tpu.vector_load %arg4[%get3A_1605] {strides = array<i32>} : memref<512xf32, #tpu.memory_space<vmem>>, vector<16xf32>,
    %get3A_1607 = vector.shape_cast %get3A_1606 : vector<16xf32> to vector<16xf32>
    %broadcast_in_dim3A_1608 = vector.shape_cast %min3A_1309 : vector<16xi32> to vector<16x1xi32>
    %gather3A_1609 = vector.shape_cast %broadcast_in_dim3A_1608 : vector<16x1xi32> to vector<16xi32>
    %gather3A_1610 = tpu.dynamic_gather %get3A_1604[%gather3A_1609] in [0] : vector<16xf32>, vector<16xi32> -> vector<16xf32>
    %broadcast_in_dim3A_1611 = vector.shape_cast %max3A_1313 : vector<16xi32> to vector<16x1xi32>
    %gather3A_1612 = vector.shape_cast %broadcast_in_dim3A_1611 : vector<16x1xi32> to vector<16xi32>
    %gather3A_1613 = tpu.dynamic_gather %get3A_1607[%gather3A_1612] in [0] : vector<16xf32>, vector<16xi32> -> vector<16xf32>
    %select_n3A_1614 = arith.select %lt3A_1316, %gather3A_1610, %gather3A_1613 : vector<16xi1>, vector<16xf32>
    %swap3A_1615 = arith.constant 15 : i32
    %swap3A_1616 = arith.index_cast %swap3A_1615 : i32 to index
    %swap3A_1617 = arith.constant 48 : index
    %swap3A_1618 = tpu.vector_load %arg5[%swap3A_1616, %swap3A_1617] {strides = array<i32>} : memref<16x128xf32, #tpu.memory_space<vmem>>, vector<1x16xf32>,
    %swap3A_1619 = vector.shape_cast %swap3A_1618 : vector<1x16xf32> to vector<16xf32>
    %swap3A_1620 = vector.shape_cast %select_n3A_1614 : vector<16xf32> to vector<1x16xf32>
    tpu.vector_store %arg5[%swap3A_1616, %swap3A_1617], %swap3A_1620 {strides = array<i32>} : memref<16x128xf32, #tpu.memory_space<vmem>>, vector<1x16xf32>,
    %broadcast_in_dim3A_1621 = arith.constant 0 : i32
    %broadcast_in_dim3A_1622 = vector.broadcast %broadcast_in_dim3A_1621 : i32 to vector<16xi32>
    %broadcast_in_dim3A_1623 = arith.constant 1 : i32
    %broadcast_in_dim3A_1624 = vector.broadcast %broadcast_in_dim3A_1623 : i32 to vector<16xi32>
    %add3A_1625 = arith.constant 64 : i32
    %add3A_1626 = arith.addi %mul3A_2, %add3A_1625 : i32
    %broadcast_in_dim3A_1627 = vector.broadcast %add3A_1626 : i32 to vector<16xi32>
    %add3A_1628 = arith.addi %iota3A, %broadcast_in_dim3A_1627 : vector<16xi32>
    %broadcast_in_dim3A_1629 = arith.constant 2047 : i32
    %broadcast_in_dim3A_1630 = vector.broadcast %broadcast_in_dim3A_1629 : i32 to vector<16xi32>
    %sub3A_1631 = arith.subi %broadcast_in_dim3A_1630, %add3A_1628 : vector<16xi32>
    %max3A_1632 = arith.maxsi %sub3A_1631, %broadcast_in_dim3A_1622 : vector<16xi32>
    %broadcast_in_dim3A_1633 = arith.constant 16 : i32
    %broadcast_in_dim3A_1634 = vector.broadcast %broadcast_in_dim3A_1633 : i32 to vector<16xi32>
    %broadcast_in_dim3A_1635 = arith.constant 19 : i32
    %broadcast_in_dim3A_1636 = vector.broadcast %broadcast_in_dim3A_1635 : i32 to vector<16xi32>
    %ge3A_1637 = arith.cmpi sge, %max3A_1632, %broadcast_in_dim3A_1636 : vector<16xi32>
    %select_n3A_1638 = arith.select %ge3A_1637, %broadcast_in_dim3A_1624, %broadcast_in_dim3A_1622 : vector<16xi1>, vector<16xi32>
    %add3A_1639 = arith.addi %broadcast_in_dim3A_1634, %select_n3A_1638 : vector<16xi32>
    %broadcast_in_dim3A_1640 = arith.constant 21 : i32
    %broadcast_in_dim3A_1641 = vector.broadcast %broadcast_in_dim3A_1640 : i32 to vector<16xi32>
    %ge3A_1642 = arith.cmpi sge, %max3A_1632, %broadcast_in_dim3A_1641 : vector<16xi32>
    %select_n3A_1643 = arith.select %ge3A_1642, %broadcast_in_dim3A_1624, %broadcast_in_dim3A_1622 : vector<16xi1>, vector<16xi32>
    %add3A_1644 = arith.addi %add3A_1639, %select_n3A_1643 : vector<16xi32>
    %broadcast_in_dim3A_1645 = arith.constant 24 : i32
    %broadcast_in_dim3A_1646 = vector.broadcast %broadcast_in_dim3A_1645 : i32 to vector<16xi32>
    %ge3A_1647 = arith.cmpi sge, %max3A_1632, %broadcast_in_dim3A_1646 : vector<16xi32>
    %select_n3A_1648 = arith.select %ge3A_1647, %broadcast_in_dim3A_1624, %broadcast_in_dim3A_1622 : vector<16xi1>, vector<16xi32>
    %add3A_1649 = arith.addi %add3A_1644, %select_n3A_1648 : vector<16xi32>
    %broadcast_in_dim3A_1650 = arith.constant 27 : i32
    %broadcast_in_dim3A_1651 = vector.broadcast %broadcast_in_dim3A_1650 : i32 to vector<16xi32>
    %ge3A_1652 = arith.cmpi sge, %max3A_1632, %broadcast_in_dim3A_1651 : vector<16xi32>
    %select_n3A_1653 = arith.select %ge3A_1652, %broadcast_in_dim3A_1624, %broadcast_in_dim3A_1622 : vector<16xi1>, vector<16xi32>
    %add3A_1654 = arith.addi %add3A_1649, %select_n3A_1653 : vector<16xi32>
    %broadcast_in_dim3A_1655 = arith.constant 31 : i32
    %broadcast_in_dim3A_1656 = vector.broadcast %broadcast_in_dim3A_1655 : i32 to vector<16xi32>
    %ge3A_1657 = arith.cmpi sge, %max3A_1632, %broadcast_in_dim3A_1656 : vector<16xi32>
    %select_n3A_1658 = arith.select %ge3A_1657, %broadcast_in_dim3A_1624, %broadcast_in_dim3A_1622 : vector<16xi1>, vector<16xi32>
    %add3A_1659 = arith.addi %add3A_1654, %select_n3A_1658 : vector<16xi32>
    %broadcast_in_dim3A_1660 = arith.constant 35 : i32
    %broadcast_in_dim3A_1661 = vector.broadcast %broadcast_in_dim3A_1660 : i32 to vector<16xi32>
    %ge3A_1662 = arith.cmpi sge, %max3A_1632, %broadcast_in_dim3A_1661 : vector<16xi32>
    %select_n3A_1663 = arith.select %ge3A_1662, %broadcast_in_dim3A_1624, %broadcast_in_dim3A_1622 : vector<16xi1>, vector<16xi32>
    %add3A_1664 = arith.addi %add3A_1659, %select_n3A_1663 : vector<16xi32>
    %broadcast_in_dim3A_1665 = arith.constant 40 : i32
    %broadcast_in_dim3A_1666 = vector.broadcast %broadcast_in_dim3A_1665 : i32 to vector<16xi32>
    %ge3A_1667 = arith.cmpi sge, %max3A_1632, %broadcast_in_dim3A_1666 : vector<16xi32>
    %select_n3A_1668 = arith.select %ge3A_1667, %broadcast_in_dim3A_1624, %broadcast_in_dim3A_1622 : vector<16xi1>, vector<16xi32>
    %add3A_1669 = arith.addi %add3A_1664, %select_n3A_1668 : vector<16xi32>
    %broadcast_in_dim3A_1670 = arith.constant 46 : i32
    %broadcast_in_dim3A_1671 = vector.broadcast %broadcast_in_dim3A_1670 : i32 to vector<16xi32>
    %ge3A_1672 = arith.cmpi sge, %max3A_1632, %broadcast_in_dim3A_1671 : vector<16xi32>
    %select_n3A_1673 = arith.select %ge3A_1672, %broadcast_in_dim3A_1624, %broadcast_in_dim3A_1622 : vector<16xi1>, vector<16xi32>
    %add3A_1674 = arith.addi %add3A_1669, %select_n3A_1673 : vector<16xi32>
    %broadcast_in_dim3A_1675 = arith.constant 52 : i32
    %broadcast_in_dim3A_1676 = vector.broadcast %broadcast_in_dim3A_1675 : i32 to vector<16xi32>
    %ge3A_1677 = arith.cmpi sge, %max3A_1632, %broadcast_in_dim3A_1676 : vector<16xi32>
    %select_n3A_1678 = arith.select %ge3A_1677, %broadcast_in_dim3A_1624, %broadcast_in_dim3A_1622 : vector<16xi1>, vector<16xi32>
    %add3A_1679 = arith.addi %add3A_1674, %select_n3A_1678 : vector<16xi32>
    %broadcast_in_dim3A_1680 = arith.constant 59 : i32
    %broadcast_in_dim3A_1681 = vector.broadcast %broadcast_in_dim3A_1680 : i32 to vector<16xi32>
    %ge3A_1682 = arith.cmpi sge, %max3A_1632, %broadcast_in_dim3A_1681 : vector<16xi32>
    %select_n3A_1683 = arith.select %ge3A_1682, %broadcast_in_dim3A_1624, %broadcast_in_dim3A_1622 : vector<16xi1>, vector<16xi32>
    %add3A_1684 = arith.addi %add3A_1679, %select_n3A_1683 : vector<16xi32>
    %broadcast_in_dim3A_1685 = arith.constant 67 : i32
    %broadcast_in_dim3A_1686 = vector.broadcast %broadcast_in_dim3A_1685 : i32 to vector<16xi32>
    %ge3A_1687 = arith.cmpi sge, %max3A_1632, %broadcast_in_dim3A_1686 : vector<16xi32>
    %select_n3A_1688 = arith.select %ge3A_1687, %broadcast_in_dim3A_1624, %broadcast_in_dim3A_1622 : vector<16xi1>, vector<16xi32>
    %add3A_1689 = arith.addi %add3A_1684, %select_n3A_1688 : vector<16xi32>
    %broadcast_in_dim3A_1690 = arith.constant 77 : i32
    %broadcast_in_dim3A_1691 = vector.broadcast %broadcast_in_dim3A_1690 : i32 to vector<16xi32>
    %ge3A_1692 = arith.cmpi sge, %max3A_1632, %broadcast_in_dim3A_1691 : vector<16xi32>
    %select_n3A_1693 = arith.select %ge3A_1692, %broadcast_in_dim3A_1624, %broadcast_in_dim3A_1622 : vector<16xi1>, vector<16xi32>
    %add3A_1694 = arith.addi %add3A_1689, %select_n3A_1693 : vector<16xi32>
    %broadcast_in_dim3A_1695 = arith.constant 87 : i32
    %broadcast_in_dim3A_1696 = vector.broadcast %broadcast_in_dim3A_1695 : i32 to vector<16xi32>
    %ge3A_1697 = arith.cmpi sge, %max3A_1632, %broadcast_in_dim3A_1696 : vector<16xi32>
    %select_n3A_1698 = arith.select %ge3A_1697, %broadcast_in_dim3A_1624, %broadcast_in_dim3A_1622 : vector<16xi1>, vector<16xi32>
    %add3A_1699 = arith.addi %add3A_1694, %select_n3A_1698 : vector<16xi32>
    %broadcast_in_dim3A_1700 = arith.constant 99 : i32
    %broadcast_in_dim3A_1701 = vector.broadcast %broadcast_in_dim3A_1700 : i32 to vector<16xi32>
    %ge3A_1702 = arith.cmpi sge, %max3A_1632, %broadcast_in_dim3A_1701 : vector<16xi32>
    %select_n3A_1703 = arith.select %ge3A_1702, %broadcast_in_dim3A_1624, %broadcast_in_dim3A_1622 : vector<16xi1>, vector<16xi32>
    %add3A_1704 = arith.addi %add3A_1699, %select_n3A_1703 : vector<16xi32>
    %broadcast_in_dim3A_1705 = arith.constant 113 : i32
    %broadcast_in_dim3A_1706 = vector.broadcast %broadcast_in_dim3A_1705 : i32 to vector<16xi32>
    %ge3A_1707 = arith.cmpi sge, %max3A_1632, %broadcast_in_dim3A_1706 : vector<16xi32>
    %select_n3A_1708 = arith.select %ge3A_1707, %broadcast_in_dim3A_1624, %broadcast_in_dim3A_1622 : vector<16xi1>, vector<16xi32>
    %add3A_1709 = arith.addi %add3A_1704, %select_n3A_1708 : vector<16xi32>
    %broadcast_in_dim3A_1710 = arith.constant 16 : i32
    %broadcast_in_dim3A_1711 = vector.broadcast %broadcast_in_dim3A_1710 : i32 to vector<16xi32>
    %lt3A_1712 = arith.cmpi slt, %max3A_1632, %broadcast_in_dim3A_1711 : vector<16xi32>
    %select_n3A_1713 = arith.select %lt3A_1712, %max3A_1632, %add3A_1709 : vector<16xi1>, vector<16xi32>
    %broadcast_in_dim3A_1714 = arith.constant 15 : i32
    %broadcast_in_dim3A_1715 = vector.broadcast %broadcast_in_dim3A_1714 : i32 to vector<16xi32>
    %min3A_1716 = arith.minsi %select_n3A_1713, %broadcast_in_dim3A_1715 : vector<16xi32>
    %broadcast_in_dim3A_1717 = arith.constant 16 : i32
    %broadcast_in_dim3A_1718 = vector.broadcast %broadcast_in_dim3A_1717 : i32 to vector<16xi32>
    %sub3A_1719 = arith.subi %select_n3A_1713, %broadcast_in_dim3A_1718 : vector<16xi32>
    %max3A_1720 = arith.maxsi %sub3A_1719, %broadcast_in_dim3A_1622 : vector<16xi32>
    %broadcast_in_dim3A_1721 = arith.constant 16 : i32
    %broadcast_in_dim3A_1722 = vector.broadcast %broadcast_in_dim3A_1721 : i32 to vector<16xi32>
    %lt3A_1723 = arith.cmpi slt, %select_n3A_1713, %broadcast_in_dim3A_1722 : vector<16xi32>
    %get3A_1724 = arith.constant 0 : index
    %get3A_1725 = tpu.vector_load %arg4[%get3A_1724] {strides = array<i32>} : memref<512xf32, #tpu.memory_space<vmem>>, vector<16xf32>,
    %get3A_1726 = vector.shape_cast %get3A_1725 : vector<16xf32> to vector<16xf32>
    %get3A_1727 = arith.constant 16 : index
    %get3A_1728 = tpu.vector_load %arg4[%get3A_1727] {strides = array<i32>} : memref<512xf32, #tpu.memory_space<vmem>>, vector<16xf32>,
    %get3A_1729 = vector.shape_cast %get3A_1728 : vector<16xf32> to vector<16xf32>
    %broadcast_in_dim3A_1730 = vector.shape_cast %min3A_1716 : vector<16xi32> to vector<16x1xi32>
    %gather3A_1731 = vector.shape_cast %broadcast_in_dim3A_1730 : vector<16x1xi32> to vector<16xi32>
    %gather3A_1732 = tpu.dynamic_gather %get3A_1726[%gather3A_1731] in [0] : vector<16xf32>, vector<16xi32> -> vector<16xf32>
    %broadcast_in_dim3A_1733 = vector.shape_cast %max3A_1720 : vector<16xi32> to vector<16x1xi32>
    %gather3A_1734 = vector.shape_cast %broadcast_in_dim3A_1733 : vector<16x1xi32> to vector<16xi32>
    %gather3A_1735 = tpu.dynamic_gather %get3A_1729[%gather3A_1734] in [0] : vector<16xf32>, vector<16xi32> -> vector<16xf32>
    %select_n3A_1736 = arith.select %lt3A_1723, %gather3A_1732, %gather3A_1735 : vector<16xi1>, vector<16xf32>
    %swap3A_1737 = arith.constant 0 : i32
    %swap3A_1738 = arith.index_cast %swap3A_1737 : i32 to index
    %swap3A_1739 = arith.constant 64 : index
    %swap3A_1740 = tpu.vector_load %arg5[%swap3A_1738, %swap3A_1739] {strides = array<i32>} : memref<16x128xf32, #tpu.memory_space<vmem>>, vector<1x16xf32>,
    %swap3A_1741 = vector.shape_cast %swap3A_1740 : vector<1x16xf32> to vector<16xf32>
    %swap3A_1742 = vector.shape_cast %select_n3A_1736 : vector<16xf32> to vector<1x16xf32>
    tpu.vector_store %arg5[%swap3A_1738, %swap3A_1739], %swap3A_1742 {strides = array<i32>} : memref<16x128xf32, #tpu.memory_space<vmem>>, vector<1x16xf32>,
    %get3A_1743 = arith.constant 32 : index
    %get3A_1744 = tpu.vector_load %arg4[%get3A_1743] {strides = array<i32>} : memref<512xf32, #tpu.memory_space<vmem>>, vector<16xf32>,
    %get3A_1745 = vector.shape_cast %get3A_1744 : vector<16xf32> to vector<16xf32>
    %get3A_1746 = arith.constant 48 : index
    %get3A_1747 = tpu.vector_load %arg4[%get3A_1746] {strides = array<i32>} : memref<512xf32, #tpu.memory_space<vmem>>, vector<16xf32>,
    %get3A_1748 = vector.shape_cast %get3A_1747 : vector<16xf32> to vector<16xf32>
    %broadcast_in_dim3A_1749 = vector.shape_cast %min3A_1716 : vector<16xi32> to vector<16x1xi32>
    %gather3A_1750 = vector.shape_cast %broadcast_in_dim3A_1749 : vector<16x1xi32> to vector<16xi32>
    %gather3A_1751 = tpu.dynamic_gather %get3A_1745[%gather3A_1750] in [0] : vector<16xf32>, vector<16xi32> -> vector<16xf32>
    %broadcast_in_dim3A_1752 = vector.shape_cast %max3A_1720 : vector<16xi32> to vector<16x1xi32>
    %gather3A_1753 = vector.shape_cast %broadcast_in_dim3A_1752 : vector<16x1xi32> to vector<16xi32>
    %gather3A_1754 = tpu.dynamic_gather %get3A_1748[%gather3A_1753] in [0] : vector<16xf32>, vector<16xi32> -> vector<16xf32>
    %select_n3A_1755 = arith.select %lt3A_1723, %gather3A_1751, %gather3A_1754 : vector<16xi1>, vector<16xf32>
    %swap3A_1756 = arith.constant 1 : i32
    %swap3A_1757 = arith.index_cast %swap3A_1756 : i32 to index
    %swap3A_1758 = arith.constant 64 : index
    %swap3A_1759 = tpu.vector_load %arg5[%swap3A_1757, %swap3A_1758] {strides = array<i32>} : memref<16x128xf32, #tpu.memory_space<vmem>>, vector<1x16xf32>,
    %swap3A_1760 = vector.shape_cast %swap3A_1759 : vector<1x16xf32> to vector<16xf32>
    %swap3A_1761 = vector.shape_cast %select_n3A_1755 : vector<16xf32> to vector<1x16xf32>
    tpu.vector_store %arg5[%swap3A_1757, %swap3A_1758], %swap3A_1761 {strides = array<i32>} : memref<16x128xf32, #tpu.memory_space<vmem>>, vector<1x16xf32>,
    %get3A_1762 = arith.constant 64 : index
    %get3A_1763 = tpu.vector_load %arg4[%get3A_1762] {strides = array<i32>} : memref<512xf32, #tpu.memory_space<vmem>>, vector<16xf32>,
    %get3A_1764 = vector.shape_cast %get3A_1763 : vector<16xf32> to vector<16xf32>
    %get3A_1765 = arith.constant 80 : index
    %get3A_1766 = tpu.vector_load %arg4[%get3A_1765] {strides = array<i32>} : memref<512xf32, #tpu.memory_space<vmem>>, vector<16xf32>,
    %get3A_1767 = vector.shape_cast %get3A_1766 : vector<16xf32> to vector<16xf32>
    %broadcast_in_dim3A_1768 = vector.shape_cast %min3A_1716 : vector<16xi32> to vector<16x1xi32>
    %gather3A_1769 = vector.shape_cast %broadcast_in_dim3A_1768 : vector<16x1xi32> to vector<16xi32>
    %gather3A_1770 = tpu.dynamic_gather %get3A_1764[%gather3A_1769] in [0] : vector<16xf32>, vector<16xi32> -> vector<16xf32>
    %broadcast_in_dim3A_1771 = vector.shape_cast %max3A_1720 : vector<16xi32> to vector<16x1xi32>
    %gather3A_1772 = vector.shape_cast %broadcast_in_dim3A_1771 : vector<16x1xi32> to vector<16xi32>
    %gather3A_1773 = tpu.dynamic_gather %get3A_1767[%gather3A_1772] in [0] : vector<16xf32>, vector<16xi32> -> vector<16xf32>
    %select_n3A_1774 = arith.select %lt3A_1723, %gather3A_1770, %gather3A_1773 : vector<16xi1>, vector<16xf32>
    %swap3A_1775 = arith.constant 2 : i32
    %swap3A_1776 = arith.index_cast %swap3A_1775 : i32 to index
    %swap3A_1777 = arith.constant 64 : index
    %swap3A_1778 = tpu.vector_load %arg5[%swap3A_1776, %swap3A_1777] {strides = array<i32>} : memref<16x128xf32, #tpu.memory_space<vmem>>, vector<1x16xf32>,
    %swap3A_1779 = vector.shape_cast %swap3A_1778 : vector<1x16xf32> to vector<16xf32>
    %swap3A_1780 = vector.shape_cast %select_n3A_1774 : vector<16xf32> to vector<1x16xf32>
    tpu.vector_store %arg5[%swap3A_1776, %swap3A_1777], %swap3A_1780 {strides = array<i32>} : memref<16x128xf32, #tpu.memory_space<vmem>>, vector<1x16xf32>,
    %get3A_1781 = arith.constant 96 : index
    %get3A_1782 = tpu.vector_load %arg4[%get3A_1781] {strides = array<i32>} : memref<512xf32, #tpu.memory_space<vmem>>, vector<16xf32>,
    %get3A_1783 = vector.shape_cast %get3A_1782 : vector<16xf32> to vector<16xf32>
    %get3A_1784 = arith.constant 112 : index
    %get3A_1785 = tpu.vector_load %arg4[%get3A_1784] {strides = array<i32>} : memref<512xf32, #tpu.memory_space<vmem>>, vector<16xf32>,
    %get3A_1786 = vector.shape_cast %get3A_1785 : vector<16xf32> to vector<16xf32>
    %broadcast_in_dim3A_1787 = vector.shape_cast %min3A_1716 : vector<16xi32> to vector<16x1xi32>
    %gather3A_1788 = vector.shape_cast %broadcast_in_dim3A_1787 : vector<16x1xi32> to vector<16xi32>
    %gather3A_1789 = tpu.dynamic_gather %get3A_1783[%gather3A_1788] in [0] : vector<16xf32>, vector<16xi32> -> vector<16xf32>
    %broadcast_in_dim3A_1790 = vector.shape_cast %max3A_1720 : vector<16xi32> to vector<16x1xi32>
    %gather3A_1791 = vector.shape_cast %broadcast_in_dim3A_1790 : vector<16x1xi32> to vector<16xi32>
    %gather3A_1792 = tpu.dynamic_gather %get3A_1786[%gather3A_1791] in [0] : vector<16xf32>, vector<16xi32> -> vector<16xf32>
    %select_n3A_1793 = arith.select %lt3A_1723, %gather3A_1789, %gather3A_1792 : vector<16xi1>, vector<16xf32>
    %swap3A_1794 = arith.constant 3 : i32
    %swap3A_1795 = arith.index_cast %swap3A_1794 : i32 to index
    %swap3A_1796 = arith.constant 64 : index
    %swap3A_1797 = tpu.vector_load %arg5[%swap3A_1795, %swap3A_1796] {strides = array<i32>} : memref<16x128xf32, #tpu.memory_space<vmem>>, vector<1x16xf32>,
    %swap3A_1798 = vector.shape_cast %swap3A_1797 : vector<1x16xf32> to vector<16xf32>
    %swap3A_1799 = vector.shape_cast %select_n3A_1793 : vector<16xf32> to vector<1x16xf32>
    tpu.vector_store %arg5[%swap3A_1795, %swap3A_1796], %swap3A_1799 {strides = array<i32>} : memref<16x128xf32, #tpu.memory_space<vmem>>, vector<1x16xf32>,
    %get3A_1800 = arith.constant 128 : index
    %get3A_1801 = tpu.vector_load %arg4[%get3A_1800] {strides = array<i32>} : memref<512xf32, #tpu.memory_space<vmem>>, vector<16xf32>,
    %get3A_1802 = vector.shape_cast %get3A_1801 : vector<16xf32> to vector<16xf32>
    %get3A_1803 = arith.constant 144 : index
    %get3A_1804 = tpu.vector_load %arg4[%get3A_1803] {strides = array<i32>} : memref<512xf32, #tpu.memory_space<vmem>>, vector<16xf32>,
    %get3A_1805 = vector.shape_cast %get3A_1804 : vector<16xf32> to vector<16xf32>
    %broadcast_in_dim3A_1806 = vector.shape_cast %min3A_1716 : vector<16xi32> to vector<16x1xi32>
    %gather3A_1807 = vector.shape_cast %broadcast_in_dim3A_1806 : vector<16x1xi32> to vector<16xi32>
    %gather3A_1808 = tpu.dynamic_gather %get3A_1802[%gather3A_1807] in [0] : vector<16xf32>, vector<16xi32> -> vector<16xf32>
    %broadcast_in_dim3A_1809 = vector.shape_cast %max3A_1720 : vector<16xi32> to vector<16x1xi32>
    %gather3A_1810 = vector.shape_cast %broadcast_in_dim3A_1809 : vector<16x1xi32> to vector<16xi32>
    %gather3A_1811 = tpu.dynamic_gather %get3A_1805[%gather3A_1810] in [0] : vector<16xf32>, vector<16xi32> -> vector<16xf32>
    %select_n3A_1812 = arith.select %lt3A_1723, %gather3A_1808, %gather3A_1811 : vector<16xi1>, vector<16xf32>
    %swap3A_1813 = arith.constant 4 : i32
    %swap3A_1814 = arith.index_cast %swap3A_1813 : i32 to index
    %swap3A_1815 = arith.constant 64 : index
    %swap3A_1816 = tpu.vector_load %arg5[%swap3A_1814, %swap3A_1815] {strides = array<i32>} : memref<16x128xf32, #tpu.memory_space<vmem>>, vector<1x16xf32>,
    %swap3A_1817 = vector.shape_cast %swap3A_1816 : vector<1x16xf32> to vector<16xf32>
    %swap3A_1818 = vector.shape_cast %select_n3A_1812 : vector<16xf32> to vector<1x16xf32>
    tpu.vector_store %arg5[%swap3A_1814, %swap3A_1815], %swap3A_1818 {strides = array<i32>} : memref<16x128xf32, #tpu.memory_space<vmem>>, vector<1x16xf32>,
    %get3A_1819 = arith.constant 160 : index
    %get3A_1820 = tpu.vector_load %arg4[%get3A_1819] {strides = array<i32>} : memref<512xf32, #tpu.memory_space<vmem>>, vector<16xf32>,
    %get3A_1821 = vector.shape_cast %get3A_1820 : vector<16xf32> to vector<16xf32>
    %get3A_1822 = arith.constant 176 : index
    %get3A_1823 = tpu.vector_load %arg4[%get3A_1822] {strides = array<i32>} : memref<512xf32, #tpu.memory_space<vmem>>, vector<16xf32>,
    %get3A_1824 = vector.shape_cast %get3A_1823 : vector<16xf32> to vector<16xf32>
    %broadcast_in_dim3A_1825 = vector.shape_cast %min3A_1716 : vector<16xi32> to vector<16x1xi32>
    %gather3A_1826 = vector.shape_cast %broadcast_in_dim3A_1825 : vector<16x1xi32> to vector<16xi32>
    %gather3A_1827 = tpu.dynamic_gather %get3A_1821[%gather3A_1826] in [0] : vector<16xf32>, vector<16xi32> -> vector<16xf32>
    %broadcast_in_dim3A_1828 = vector.shape_cast %max3A_1720 : vector<16xi32> to vector<16x1xi32>
    %gather3A_1829 = vector.shape_cast %broadcast_in_dim3A_1828 : vector<16x1xi32> to vector<16xi32>
    %gather3A_1830 = tpu.dynamic_gather %get3A_1824[%gather3A_1829] in [0] : vector<16xf32>, vector<16xi32> -> vector<16xf32>
    %select_n3A_1831 = arith.select %lt3A_1723, %gather3A_1827, %gather3A_1830 : vector<16xi1>, vector<16xf32>
    %swap3A_1832 = arith.constant 5 : i32
    %swap3A_1833 = arith.index_cast %swap3A_1832 : i32 to index
    %swap3A_1834 = arith.constant 64 : index
    %swap3A_1835 = tpu.vector_load %arg5[%swap3A_1833, %swap3A_1834] {strides = array<i32>} : memref<16x128xf32, #tpu.memory_space<vmem>>, vector<1x16xf32>,
    %swap3A_1836 = vector.shape_cast %swap3A_1835 : vector<1x16xf32> to vector<16xf32>
    %swap3A_1837 = vector.shape_cast %select_n3A_1831 : vector<16xf32> to vector<1x16xf32>
    tpu.vector_store %arg5[%swap3A_1833, %swap3A_1834], %swap3A_1837 {strides = array<i32>} : memref<16x128xf32, #tpu.memory_space<vmem>>, vector<1x16xf32>,
    %get3A_1838 = arith.constant 192 : index
    %get3A_1839 = tpu.vector_load %arg4[%get3A_1838] {strides = array<i32>} : memref<512xf32, #tpu.memory_space<vmem>>, vector<16xf32>,
    %get3A_1840 = vector.shape_cast %get3A_1839 : vector<16xf32> to vector<16xf32>
    %get3A_1841 = arith.constant 208 : index
    %get3A_1842 = tpu.vector_load %arg4[%get3A_1841] {strides = array<i32>} : memref<512xf32, #tpu.memory_space<vmem>>, vector<16xf32>,
    %get3A_1843 = vector.shape_cast %get3A_1842 : vector<16xf32> to vector<16xf32>
    %broadcast_in_dim3A_1844 = vector.shape_cast %min3A_1716 : vector<16xi32> to vector<16x1xi32>
    %gather3A_1845 = vector.shape_cast %broadcast_in_dim3A_1844 : vector<16x1xi32> to vector<16xi32>
    %gather3A_1846 = tpu.dynamic_gather %get3A_1840[%gather3A_1845] in [0] : vector<16xf32>, vector<16xi32> -> vector<16xf32>
    %broadcast_in_dim3A_1847 = vector.shape_cast %max3A_1720 : vector<16xi32> to vector<16x1xi32>
    %gather3A_1848 = vector.shape_cast %broadcast_in_dim3A_1847 : vector<16x1xi32> to vector<16xi32>
    %gather3A_1849 = tpu.dynamic_gather %get3A_1843[%gather3A_1848] in [0] : vector<16xf32>, vector<16xi32> -> vector<16xf32>
    %select_n3A_1850 = arith.select %lt3A_1723, %gather3A_1846, %gather3A_1849 : vector<16xi1>, vector<16xf32>
    %swap3A_1851 = arith.constant 6 : i32
    %swap3A_1852 = arith.index_cast %swap3A_1851 : i32 to index
    %swap3A_1853 = arith.constant 64 : index
    %swap3A_1854 = tpu.vector_load %arg5[%swap3A_1852, %swap3A_1853] {strides = array<i32>} : memref<16x128xf32, #tpu.memory_space<vmem>>, vector<1x16xf32>,
    %swap3A_1855 = vector.shape_cast %swap3A_1854 : vector<1x16xf32> to vector<16xf32>
    %swap3A_1856 = vector.shape_cast %select_n3A_1850 : vector<16xf32> to vector<1x16xf32>
    tpu.vector_store %arg5[%swap3A_1852, %swap3A_1853], %swap3A_1856 {strides = array<i32>} : memref<16x128xf32, #tpu.memory_space<vmem>>, vector<1x16xf32>,
    %get3A_1857 = arith.constant 224 : index
    %get3A_1858 = tpu.vector_load %arg4[%get3A_1857] {strides = array<i32>} : memref<512xf32, #tpu.memory_space<vmem>>, vector<16xf32>,
    %get3A_1859 = vector.shape_cast %get3A_1858 : vector<16xf32> to vector<16xf32>
    %get3A_1860 = arith.constant 240 : index
    %get3A_1861 = tpu.vector_load %arg4[%get3A_1860] {strides = array<i32>} : memref<512xf32, #tpu.memory_space<vmem>>, vector<16xf32>,
    %get3A_1862 = vector.shape_cast %get3A_1861 : vector<16xf32> to vector<16xf32>
    %broadcast_in_dim3A_1863 = vector.shape_cast %min3A_1716 : vector<16xi32> to vector<16x1xi32>
    %gather3A_1864 = vector.shape_cast %broadcast_in_dim3A_1863 : vector<16x1xi32> to vector<16xi32>
    %gather3A_1865 = tpu.dynamic_gather %get3A_1859[%gather3A_1864] in [0] : vector<16xf32>, vector<16xi32> -> vector<16xf32>
    %broadcast_in_dim3A_1866 = vector.shape_cast %max3A_1720 : vector<16xi32> to vector<16x1xi32>
    %gather3A_1867 = vector.shape_cast %broadcast_in_dim3A_1866 : vector<16x1xi32> to vector<16xi32>
    %gather3A_1868 = tpu.dynamic_gather %get3A_1862[%gather3A_1867] in [0] : vector<16xf32>, vector<16xi32> -> vector<16xf32>
    %select_n3A_1869 = arith.select %lt3A_1723, %gather3A_1865, %gather3A_1868 : vector<16xi1>, vector<16xf32>
    %swap3A_1870 = arith.constant 7 : i32
    %swap3A_1871 = arith.index_cast %swap3A_1870 : i32 to index
    %swap3A_1872 = arith.constant 64 : index
    %swap3A_1873 = tpu.vector_load %arg5[%swap3A_1871, %swap3A_1872] {strides = array<i32>} : memref<16x128xf32, #tpu.memory_space<vmem>>, vector<1x16xf32>,
    %swap3A_1874 = vector.shape_cast %swap3A_1873 : vector<1x16xf32> to vector<16xf32>
    %swap3A_1875 = vector.shape_cast %select_n3A_1869 : vector<16xf32> to vector<1x16xf32>
    tpu.vector_store %arg5[%swap3A_1871, %swap3A_1872], %swap3A_1875 {strides = array<i32>} : memref<16x128xf32, #tpu.memory_space<vmem>>, vector<1x16xf32>,
    %get3A_1876 = arith.constant 256 : index
    %get3A_1877 = tpu.vector_load %arg4[%get3A_1876] {strides = array<i32>} : memref<512xf32, #tpu.memory_space<vmem>>, vector<16xf32>,
    %get3A_1878 = vector.shape_cast %get3A_1877 : vector<16xf32> to vector<16xf32>
    %get3A_1879 = arith.constant 272 : index
    %get3A_1880 = tpu.vector_load %arg4[%get3A_1879] {strides = array<i32>} : memref<512xf32, #tpu.memory_space<vmem>>, vector<16xf32>,
    %get3A_1881 = vector.shape_cast %get3A_1880 : vector<16xf32> to vector<16xf32>
    %broadcast_in_dim3A_1882 = vector.shape_cast %min3A_1716 : vector<16xi32> to vector<16x1xi32>
    %gather3A_1883 = vector.shape_cast %broadcast_in_dim3A_1882 : vector<16x1xi32> to vector<16xi32>
    %gather3A_1884 = tpu.dynamic_gather %get3A_1878[%gather3A_1883] in [0] : vector<16xf32>, vector<16xi32> -> vector<16xf32>
    %broadcast_in_dim3A_1885 = vector.shape_cast %max3A_1720 : vector<16xi32> to vector<16x1xi32>
    %gather3A_1886 = vector.shape_cast %broadcast_in_dim3A_1885 : vector<16x1xi32> to vector<16xi32>
    %gather3A_1887 = tpu.dynamic_gather %get3A_1881[%gather3A_1886] in [0] : vector<16xf32>, vector<16xi32> -> vector<16xf32>
    %select_n3A_1888 = arith.select %lt3A_1723, %gather3A_1884, %gather3A_1887 : vector<16xi1>, vector<16xf32>
    %swap3A_1889 = arith.constant 8 : i32
    %swap3A_1890 = arith.index_cast %swap3A_1889 : i32 to index
    %swap3A_1891 = arith.constant 64 : index
    %swap3A_1892 = tpu.vector_load %arg5[%swap3A_1890, %swap3A_1891] {strides = array<i32>} : memref<16x128xf32, #tpu.memory_space<vmem>>, vector<1x16xf32>,
    %swap3A_1893 = vector.shape_cast %swap3A_1892 : vector<1x16xf32> to vector<16xf32>
    %swap3A_1894 = vector.shape_cast %select_n3A_1888 : vector<16xf32> to vector<1x16xf32>
    tpu.vector_store %arg5[%swap3A_1890, %swap3A_1891], %swap3A_1894 {strides = array<i32>} : memref<16x128xf32, #tpu.memory_space<vmem>>, vector<1x16xf32>,
    %get3A_1895 = arith.constant 288 : index
    %get3A_1896 = tpu.vector_load %arg4[%get3A_1895] {strides = array<i32>} : memref<512xf32, #tpu.memory_space<vmem>>, vector<16xf32>,
    %get3A_1897 = vector.shape_cast %get3A_1896 : vector<16xf32> to vector<16xf32>
    %get3A_1898 = arith.constant 304 : index
    %get3A_1899 = tpu.vector_load %arg4[%get3A_1898] {strides = array<i32>} : memref<512xf32, #tpu.memory_space<vmem>>, vector<16xf32>,
    %get3A_1900 = vector.shape_cast %get3A_1899 : vector<16xf32> to vector<16xf32>
    %broadcast_in_dim3A_1901 = vector.shape_cast %min3A_1716 : vector<16xi32> to vector<16x1xi32>
    %gather3A_1902 = vector.shape_cast %broadcast_in_dim3A_1901 : vector<16x1xi32> to vector<16xi32>
    %gather3A_1903 = tpu.dynamic_gather %get3A_1897[%gather3A_1902] in [0] : vector<16xf32>, vector<16xi32> -> vector<16xf32>
    %broadcast_in_dim3A_1904 = vector.shape_cast %max3A_1720 : vector<16xi32> to vector<16x1xi32>
    %gather3A_1905 = vector.shape_cast %broadcast_in_dim3A_1904 : vector<16x1xi32> to vector<16xi32>
    %gather3A_1906 = tpu.dynamic_gather %get3A_1900[%gather3A_1905] in [0] : vector<16xf32>, vector<16xi32> -> vector<16xf32>
    %select_n3A_1907 = arith.select %lt3A_1723, %gather3A_1903, %gather3A_1906 : vector<16xi1>, vector<16xf32>
    %swap3A_1908 = arith.constant 9 : i32
    %swap3A_1909 = arith.index_cast %swap3A_1908 : i32 to index
    %swap3A_1910 = arith.constant 64 : index
    %swap3A_1911 = tpu.vector_load %arg5[%swap3A_1909, %swap3A_1910] {strides = array<i32>} : memref<16x128xf32, #tpu.memory_space<vmem>>, vector<1x16xf32>,
    %swap3A_1912 = vector.shape_cast %swap3A_1911 : vector<1x16xf32> to vector<16xf32>
    %swap3A_1913 = vector.shape_cast %select_n3A_1907 : vector<16xf32> to vector<1x16xf32>
    tpu.vector_store %arg5[%swap3A_1909, %swap3A_1910], %swap3A_1913 {strides = array<i32>} : memref<16x128xf32, #tpu.memory_space<vmem>>, vector<1x16xf32>,
    %get3A_1914 = arith.constant 320 : index
    %get3A_1915 = tpu.vector_load %arg4[%get3A_1914] {strides = array<i32>} : memref<512xf32, #tpu.memory_space<vmem>>, vector<16xf32>,
    %get3A_1916 = vector.shape_cast %get3A_1915 : vector<16xf32> to vector<16xf32>
    %get3A_1917 = arith.constant 336 : index
    %get3A_1918 = tpu.vector_load %arg4[%get3A_1917] {strides = array<i32>} : memref<512xf32, #tpu.memory_space<vmem>>, vector<16xf32>,
    %get3A_1919 = vector.shape_cast %get3A_1918 : vector<16xf32> to vector<16xf32>
    %broadcast_in_dim3A_1920 = vector.shape_cast %min3A_1716 : vector<16xi32> to vector<16x1xi32>
    %gather3A_1921 = vector.shape_cast %broadcast_in_dim3A_1920 : vector<16x1xi32> to vector<16xi32>
    %gather3A_1922 = tpu.dynamic_gather %get3A_1916[%gather3A_1921] in [0] : vector<16xf32>, vector<16xi32> -> vector<16xf32>
    %broadcast_in_dim3A_1923 = vector.shape_cast %max3A_1720 : vector<16xi32> to vector<16x1xi32>
    %gather3A_1924 = vector.shape_cast %broadcast_in_dim3A_1923 : vector<16x1xi32> to vector<16xi32>
    %gather3A_1925 = tpu.dynamic_gather %get3A_1919[%gather3A_1924] in [0] : vector<16xf32>, vector<16xi32> -> vector<16xf32>
    %select_n3A_1926 = arith.select %lt3A_1723, %gather3A_1922, %gather3A_1925 : vector<16xi1>, vector<16xf32>
    %swap3A_1927 = arith.constant 10 : i32
    %swap3A_1928 = arith.index_cast %swap3A_1927 : i32 to index
    %swap3A_1929 = arith.constant 64 : index
    %swap3A_1930 = tpu.vector_load %arg5[%swap3A_1928, %swap3A_1929] {strides = array<i32>} : memref<16x128xf32, #tpu.memory_space<vmem>>, vector<1x16xf32>,
    %swap3A_1931 = vector.shape_cast %swap3A_1930 : vector<1x16xf32> to vector<16xf32>
    %swap3A_1932 = vector.shape_cast %select_n3A_1926 : vector<16xf32> to vector<1x16xf32>
    tpu.vector_store %arg5[%swap3A_1928, %swap3A_1929], %swap3A_1932 {strides = array<i32>} : memref<16x128xf32, #tpu.memory_space<vmem>>, vector<1x16xf32>,
    %get3A_1933 = arith.constant 352 : index
    %get3A_1934 = tpu.vector_load %arg4[%get3A_1933] {strides = array<i32>} : memref<512xf32, #tpu.memory_space<vmem>>, vector<16xf32>,
    %get3A_1935 = vector.shape_cast %get3A_1934 : vector<16xf32> to vector<16xf32>
    %get3A_1936 = arith.constant 368 : index
    %get3A_1937 = tpu.vector_load %arg4[%get3A_1936] {strides = array<i32>} : memref<512xf32, #tpu.memory_space<vmem>>, vector<16xf32>,
    %get3A_1938 = vector.shape_cast %get3A_1937 : vector<16xf32> to vector<16xf32>
    %broadcast_in_dim3A_1939 = vector.shape_cast %min3A_1716 : vector<16xi32> to vector<16x1xi32>
    %gather3A_1940 = vector.shape_cast %broadcast_in_dim3A_1939 : vector<16x1xi32> to vector<16xi32>
    %gather3A_1941 = tpu.dynamic_gather %get3A_1935[%gather3A_1940] in [0] : vector<16xf32>, vector<16xi32> -> vector<16xf32>
    %broadcast_in_dim3A_1942 = vector.shape_cast %max3A_1720 : vector<16xi32> to vector<16x1xi32>
    %gather3A_1943 = vector.shape_cast %broadcast_in_dim3A_1942 : vector<16x1xi32> to vector<16xi32>
    %gather3A_1944 = tpu.dynamic_gather %get3A_1938[%gather3A_1943] in [0] : vector<16xf32>, vector<16xi32> -> vector<16xf32>
    %select_n3A_1945 = arith.select %lt3A_1723, %gather3A_1941, %gather3A_1944 : vector<16xi1>, vector<16xf32>
    %swap3A_1946 = arith.constant 11 : i32
    %swap3A_1947 = arith.index_cast %swap3A_1946 : i32 to index
    %swap3A_1948 = arith.constant 64 : index
    %swap3A_1949 = tpu.vector_load %arg5[%swap3A_1947, %swap3A_1948] {strides = array<i32>} : memref<16x128xf32, #tpu.memory_space<vmem>>, vector<1x16xf32>,
    %swap3A_1950 = vector.shape_cast %swap3A_1949 : vector<1x16xf32> to vector<16xf32>
    %swap3A_1951 = vector.shape_cast %select_n3A_1945 : vector<16xf32> to vector<1x16xf32>
    tpu.vector_store %arg5[%swap3A_1947, %swap3A_1948], %swap3A_1951 {strides = array<i32>} : memref<16x128xf32, #tpu.memory_space<vmem>>, vector<1x16xf32>,
    %get3A_1952 = arith.constant 384 : index
    %get3A_1953 = tpu.vector_load %arg4[%get3A_1952] {strides = array<i32>} : memref<512xf32, #tpu.memory_space<vmem>>, vector<16xf32>,
    %get3A_1954 = vector.shape_cast %get3A_1953 : vector<16xf32> to vector<16xf32>
    %get3A_1955 = arith.constant 400 : index
    %get3A_1956 = tpu.vector_load %arg4[%get3A_1955] {strides = array<i32>} : memref<512xf32, #tpu.memory_space<vmem>>, vector<16xf32>,
    %get3A_1957 = vector.shape_cast %get3A_1956 : vector<16xf32> to vector<16xf32>
    %broadcast_in_dim3A_1958 = vector.shape_cast %min3A_1716 : vector<16xi32> to vector<16x1xi32>
    %gather3A_1959 = vector.shape_cast %broadcast_in_dim3A_1958 : vector<16x1xi32> to vector<16xi32>
    %gather3A_1960 = tpu.dynamic_gather %get3A_1954[%gather3A_1959] in [0] : vector<16xf32>, vector<16xi32> -> vector<16xf32>
    %broadcast_in_dim3A_1961 = vector.shape_cast %max3A_1720 : vector<16xi32> to vector<16x1xi32>
    %gather3A_1962 = vector.shape_cast %broadcast_in_dim3A_1961 : vector<16x1xi32> to vector<16xi32>
    %gather3A_1963 = tpu.dynamic_gather %get3A_1957[%gather3A_1962] in [0] : vector<16xf32>, vector<16xi32> -> vector<16xf32>
    %select_n3A_1964 = arith.select %lt3A_1723, %gather3A_1960, %gather3A_1963 : vector<16xi1>, vector<16xf32>
    %swap3A_1965 = arith.constant 12 : i32
    %swap3A_1966 = arith.index_cast %swap3A_1965 : i32 to index
    %swap3A_1967 = arith.constant 64 : index
    %swap3A_1968 = tpu.vector_load %arg5[%swap3A_1966, %swap3A_1967] {strides = array<i32>} : memref<16x128xf32, #tpu.memory_space<vmem>>, vector<1x16xf32>,
    %swap3A_1969 = vector.shape_cast %swap3A_1968 : vector<1x16xf32> to vector<16xf32>
    %swap3A_1970 = vector.shape_cast %select_n3A_1964 : vector<16xf32> to vector<1x16xf32>
    tpu.vector_store %arg5[%swap3A_1966, %swap3A_1967], %swap3A_1970 {strides = array<i32>} : memref<16x128xf32, #tpu.memory_space<vmem>>, vector<1x16xf32>,
    %get3A_1971 = arith.constant 416 : index
    %get3A_1972 = tpu.vector_load %arg4[%get3A_1971] {strides = array<i32>} : memref<512xf32, #tpu.memory_space<vmem>>, vector<16xf32>,
    %get3A_1973 = vector.shape_cast %get3A_1972 : vector<16xf32> to vector<16xf32>
    %get3A_1974 = arith.constant 432 : index
    %get3A_1975 = tpu.vector_load %arg4[%get3A_1974] {strides = array<i32>} : memref<512xf32, #tpu.memory_space<vmem>>, vector<16xf32>,
    %get3A_1976 = vector.shape_cast %get3A_1975 : vector<16xf32> to vector<16xf32>
    %broadcast_in_dim3A_1977 = vector.shape_cast %min3A_1716 : vector<16xi32> to vector<16x1xi32>
    %gather3A_1978 = vector.shape_cast %broadcast_in_dim3A_1977 : vector<16x1xi32> to vector<16xi32>
    %gather3A_1979 = tpu.dynamic_gather %get3A_1973[%gather3A_1978] in [0] : vector<16xf32>, vector<16xi32> -> vector<16xf32>
    %broadcast_in_dim3A_1980 = vector.shape_cast %max3A_1720 : vector<16xi32> to vector<16x1xi32>
    %gather3A_1981 = vector.shape_cast %broadcast_in_dim3A_1980 : vector<16x1xi32> to vector<16xi32>
    %gather3A_1982 = tpu.dynamic_gather %get3A_1976[%gather3A_1981] in [0] : vector<16xf32>, vector<16xi32> -> vector<16xf32>
    %select_n3A_1983 = arith.select %lt3A_1723, %gather3A_1979, %gather3A_1982 : vector<16xi1>, vector<16xf32>
    %swap3A_1984 = arith.constant 13 : i32
    %swap3A_1985 = arith.index_cast %swap3A_1984 : i32 to index
    %swap3A_1986 = arith.constant 64 : index
    %swap3A_1987 = tpu.vector_load %arg5[%swap3A_1985, %swap3A_1986] {strides = array<i32>} : memref<16x128xf32, #tpu.memory_space<vmem>>, vector<1x16xf32>,
    %swap3A_1988 = vector.shape_cast %swap3A_1987 : vector<1x16xf32> to vector<16xf32>
    %swap3A_1989 = vector.shape_cast %select_n3A_1983 : vector<16xf32> to vector<1x16xf32>
    tpu.vector_store %arg5[%swap3A_1985, %swap3A_1986], %swap3A_1989 {strides = array<i32>} : memref<16x128xf32, #tpu.memory_space<vmem>>, vector<1x16xf32>,
    %get3A_1990 = arith.constant 448 : index
    %get3A_1991 = tpu.vector_load %arg4[%get3A_1990] {strides = array<i32>} : memref<512xf32, #tpu.memory_space<vmem>>, vector<16xf32>,
    %get3A_1992 = vector.shape_cast %get3A_1991 : vector<16xf32> to vector<16xf32>
    %get3A_1993 = arith.constant 464 : index
    %get3A_1994 = tpu.vector_load %arg4[%get3A_1993] {strides = array<i32>} : memref<512xf32, #tpu.memory_space<vmem>>, vector<16xf32>,
    %get3A_1995 = vector.shape_cast %get3A_1994 : vector<16xf32> to vector<16xf32>
    %broadcast_in_dim3A_1996 = vector.shape_cast %min3A_1716 : vector<16xi32> to vector<16x1xi32>
    %gather3A_1997 = vector.shape_cast %broadcast_in_dim3A_1996 : vector<16x1xi32> to vector<16xi32>
    %gather3A_1998 = tpu.dynamic_gather %get3A_1992[%gather3A_1997] in [0] : vector<16xf32>, vector<16xi32> -> vector<16xf32>
    %broadcast_in_dim3A_1999 = vector.shape_cast %max3A_1720 : vector<16xi32> to vector<16x1xi32>
    %gather3A_2000 = vector.shape_cast %broadcast_in_dim3A_1999 : vector<16x1xi32> to vector<16xi32>
    %gather3A_2001 = tpu.dynamic_gather %get3A_1995[%gather3A_2000] in [0] : vector<16xf32>, vector<16xi32> -> vector<16xf32>
    %select_n3A_2002 = arith.select %lt3A_1723, %gather3A_1998, %gather3A_2001 : vector<16xi1>, vector<16xf32>
    %swap3A_2003 = arith.constant 14 : i32
    %swap3A_2004 = arith.index_cast %swap3A_2003 : i32 to index
    %swap3A_2005 = arith.constant 64 : index
    %swap3A_2006 = tpu.vector_load %arg5[%swap3A_2004, %swap3A_2005] {strides = array<i32>} : memref<16x128xf32, #tpu.memory_space<vmem>>, vector<1x16xf32>,
    %swap3A_2007 = vector.shape_cast %swap3A_2006 : vector<1x16xf32> to vector<16xf32>
    %swap3A_2008 = vector.shape_cast %select_n3A_2002 : vector<16xf32> to vector<1x16xf32>
    tpu.vector_store %arg5[%swap3A_2004, %swap3A_2005], %swap3A_2008 {strides = array<i32>} : memref<16x128xf32, #tpu.memory_space<vmem>>, vector<1x16xf32>,
    %get3A_2009 = arith.constant 480 : index
    %get3A_2010 = tpu.vector_load %arg4[%get3A_2009] {strides = array<i32>} : memref<512xf32, #tpu.memory_space<vmem>>, vector<16xf32>,
    %get3A_2011 = vector.shape_cast %get3A_2010 : vector<16xf32> to vector<16xf32>
    %get3A_2012 = arith.constant 496 : index
    %get3A_2013 = tpu.vector_load %arg4[%get3A_2012] {strides = array<i32>} : memref<512xf32, #tpu.memory_space<vmem>>, vector<16xf32>,
    %get3A_2014 = vector.shape_cast %get3A_2013 : vector<16xf32> to vector<16xf32>
    %broadcast_in_dim3A_2015 = vector.shape_cast %min3A_1716 : vector<16xi32> to vector<16x1xi32>
    %gather3A_2016 = vector.shape_cast %broadcast_in_dim3A_2015 : vector<16x1xi32> to vector<16xi32>
    %gather3A_2017 = tpu.dynamic_gather %get3A_2011[%gather3A_2016] in [0] : vector<16xf32>, vector<16xi32> -> vector<16xf32>
    %broadcast_in_dim3A_2018 = vector.shape_cast %max3A_1720 : vector<16xi32> to vector<16x1xi32>
    %gather3A_2019 = vector.shape_cast %broadcast_in_dim3A_2018 : vector<16x1xi32> to vector<16xi32>
    %gather3A_2020 = tpu.dynamic_gather %get3A_2014[%gather3A_2019] in [0] : vector<16xf32>, vector<16xi32> -> vector<16xf32>
    %select_n3A_2021 = arith.select %lt3A_1723, %gather3A_2017, %gather3A_2020 : vector<16xi1>, vector<16xf32>
    %swap3A_2022 = arith.constant 15 : i32
    %swap3A_2023 = arith.index_cast %swap3A_2022 : i32 to index
    %swap3A_2024 = arith.constant 64 : index
    %swap3A_2025 = tpu.vector_load %arg5[%swap3A_2023, %swap3A_2024] {strides = array<i32>} : memref<16x128xf32, #tpu.memory_space<vmem>>, vector<1x16xf32>,
    %swap3A_2026 = vector.shape_cast %swap3A_2025 : vector<1x16xf32> to vector<16xf32>
    %swap3A_2027 = vector.shape_cast %select_n3A_2021 : vector<16xf32> to vector<1x16xf32>
    tpu.vector_store %arg5[%swap3A_2023, %swap3A_2024], %swap3A_2027 {strides = array<i32>} : memref<16x128xf32, #tpu.memory_space<vmem>>, vector<1x16xf32>,
    %broadcast_in_dim3A_2028 = arith.constant 0 : i32
    %broadcast_in_dim3A_2029 = vector.broadcast %broadcast_in_dim3A_2028 : i32 to vector<16xi32>
    %broadcast_in_dim3A_2030 = arith.constant 1 : i32
    %broadcast_in_dim3A_2031 = vector.broadcast %broadcast_in_dim3A_2030 : i32 to vector<16xi32>
    %add3A_2032 = arith.constant 80 : i32
    %add3A_2033 = arith.addi %mul3A_2, %add3A_2032 : i32
    %broadcast_in_dim3A_2034 = vector.broadcast %add3A_2033 : i32 to vector<16xi32>
    %add3A_2035 = arith.addi %iota3A, %broadcast_in_dim3A_2034 : vector<16xi32>
    %broadcast_in_dim3A_2036 = arith.constant 2047 : i32
    %broadcast_in_dim3A_2037 = vector.broadcast %broadcast_in_dim3A_2036 : i32 to vector<16xi32>
    %sub3A_2038 = arith.subi %broadcast_in_dim3A_2037, %add3A_2035 : vector<16xi32>
    %max3A_2039 = arith.maxsi %sub3A_2038, %broadcast_in_dim3A_2029 : vector<16xi32>
    %broadcast_in_dim3A_2040 = arith.constant 16 : i32
    %broadcast_in_dim3A_2041 = vector.broadcast %broadcast_in_dim3A_2040 : i32 to vector<16xi32>
    %broadcast_in_dim3A_2042 = arith.constant 19 : i32
    %broadcast_in_dim3A_2043 = vector.broadcast %broadcast_in_dim3A_2042 : i32 to vector<16xi32>
    %ge3A_2044 = arith.cmpi sge, %max3A_2039, %broadcast_in_dim3A_2043 : vector<16xi32>
    %select_n3A_2045 = arith.select %ge3A_2044, %broadcast_in_dim3A_2031, %broadcast_in_dim3A_2029 : vector<16xi1>, vector<16xi32>
    %add3A_2046 = arith.addi %broadcast_in_dim3A_2041, %select_n3A_2045 : vector<16xi32>
    %broadcast_in_dim3A_2047 = arith.constant 21 : i32
    %broadcast_in_dim3A_2048 = vector.broadcast %broadcast_in_dim3A_2047 : i32 to vector<16xi32>
    %ge3A_2049 = arith.cmpi sge, %max3A_2039, %broadcast_in_dim3A_2048 : vector<16xi32>
    %select_n3A_2050 = arith.select %ge3A_2049, %broadcast_in_dim3A_2031, %broadcast_in_dim3A_2029 : vector<16xi1>, vector<16xi32>
    %add3A_2051 = arith.addi %add3A_2046, %select_n3A_2050 : vector<16xi32>
    %broadcast_in_dim3A_2052 = arith.constant 24 : i32
    %broadcast_in_dim3A_2053 = vector.broadcast %broadcast_in_dim3A_2052 : i32 to vector<16xi32>
    %ge3A_2054 = arith.cmpi sge, %max3A_2039, %broadcast_in_dim3A_2053 : vector<16xi32>
    %select_n3A_2055 = arith.select %ge3A_2054, %broadcast_in_dim3A_2031, %broadcast_in_dim3A_2029 : vector<16xi1>, vector<16xi32>
    %add3A_2056 = arith.addi %add3A_2051, %select_n3A_2055 : vector<16xi32>
    %broadcast_in_dim3A_2057 = arith.constant 27 : i32
    %broadcast_in_dim3A_2058 = vector.broadcast %broadcast_in_dim3A_2057 : i32 to vector<16xi32>
    %ge3A_2059 = arith.cmpi sge, %max3A_2039, %broadcast_in_dim3A_2058 : vector<16xi32>
    %select_n3A_2060 = arith.select %ge3A_2059, %broadcast_in_dim3A_2031, %broadcast_in_dim3A_2029 : vector<16xi1>, vector<16xi32>
    %add3A_2061 = arith.addi %add3A_2056, %select_n3A_2060 : vector<16xi32>
    %broadcast_in_dim3A_2062 = arith.constant 31 : i32
    %broadcast_in_dim3A_2063 = vector.broadcast %broadcast_in_dim3A_2062 : i32 to vector<16xi32>
    %ge3A_2064 = arith.cmpi sge, %max3A_2039, %broadcast_in_dim3A_2063 : vector<16xi32>
    %select_n3A_2065 = arith.select %ge3A_2064, %broadcast_in_dim3A_2031, %broadcast_in_dim3A_2029 : vector<16xi1>, vector<16xi32>
    %add3A_2066 = arith.addi %add3A_2061, %select_n3A_2065 : vector<16xi32>
    %broadcast_in_dim3A_2067 = arith.constant 35 : i32
    %broadcast_in_dim3A_2068 = vector.broadcast %broadcast_in_dim3A_2067 : i32 to vector<16xi32>
    %ge3A_2069 = arith.cmpi sge, %max3A_2039, %broadcast_in_dim3A_2068 : vector<16xi32>
    %select_n3A_2070 = arith.select %ge3A_2069, %broadcast_in_dim3A_2031, %broadcast_in_dim3A_2029 : vector<16xi1>, vector<16xi32>
    %add3A_2071 = arith.addi %add3A_2066, %select_n3A_2070 : vector<16xi32>
    %broadcast_in_dim3A_2072 = arith.constant 40 : i32
    %broadcast_in_dim3A_2073 = vector.broadcast %broadcast_in_dim3A_2072 : i32 to vector<16xi32>
    %ge3A_2074 = arith.cmpi sge, %max3A_2039, %broadcast_in_dim3A_2073 : vector<16xi32>
    %select_n3A_2075 = arith.select %ge3A_2074, %broadcast_in_dim3A_2031, %broadcast_in_dim3A_2029 : vector<16xi1>, vector<16xi32>
    %add3A_2076 = arith.addi %add3A_2071, %select_n3A_2075 : vector<16xi32>
    %broadcast_in_dim3A_2077 = arith.constant 46 : i32
    %broadcast_in_dim3A_2078 = vector.broadcast %broadcast_in_dim3A_2077 : i32 to vector<16xi32>
    %ge3A_2079 = arith.cmpi sge, %max3A_2039, %broadcast_in_dim3A_2078 : vector<16xi32>
    %select_n3A_2080 = arith.select %ge3A_2079, %broadcast_in_dim3A_2031, %broadcast_in_dim3A_2029 : vector<16xi1>, vector<16xi32>
    %add3A_2081 = arith.addi %add3A_2076, %select_n3A_2080 : vector<16xi32>
    %broadcast_in_dim3A_2082 = arith.constant 52 : i32
    %broadcast_in_dim3A_2083 = vector.broadcast %broadcast_in_dim3A_2082 : i32 to vector<16xi32>
    %ge3A_2084 = arith.cmpi sge, %max3A_2039, %broadcast_in_dim3A_2083 : vector<16xi32>
    %select_n3A_2085 = arith.select %ge3A_2084, %broadcast_in_dim3A_2031, %broadcast_in_dim3A_2029 : vector<16xi1>, vector<16xi32>
    %add3A_2086 = arith.addi %add3A_2081, %select_n3A_2085 : vector<16xi32>
    %broadcast_in_dim3A_2087 = arith.constant 59 : i32
    %broadcast_in_dim3A_2088 = vector.broadcast %broadcast_in_dim3A_2087 : i32 to vector<16xi32>
    %ge3A_2089 = arith.cmpi sge, %max3A_2039, %broadcast_in_dim3A_2088 : vector<16xi32>
    %select_n3A_2090 = arith.select %ge3A_2089, %broadcast_in_dim3A_2031, %broadcast_in_dim3A_2029 : vector<16xi1>, vector<16xi32>
    %add3A_2091 = arith.addi %add3A_2086, %select_n3A_2090 : vector<16xi32>
    %broadcast_in_dim3A_2092 = arith.constant 67 : i32
    %broadcast_in_dim3A_2093 = vector.broadcast %broadcast_in_dim3A_2092 : i32 to vector<16xi32>
    %ge3A_2094 = arith.cmpi sge, %max3A_2039, %broadcast_in_dim3A_2093 : vector<16xi32>
    %select_n3A_2095 = arith.select %ge3A_2094, %broadcast_in_dim3A_2031, %broadcast_in_dim3A_2029 : vector<16xi1>, vector<16xi32>
    %add3A_2096 = arith.addi %add3A_2091, %select_n3A_2095 : vector<16xi32>
    %broadcast_in_dim3A_2097 = arith.constant 77 : i32
    %broadcast_in_dim3A_2098 = vector.broadcast %broadcast_in_dim3A_2097 : i32 to vector<16xi32>
    %ge3A_2099 = arith.cmpi sge, %max3A_2039, %broadcast_in_dim3A_2098 : vector<16xi32>
    %select_n3A_2100 = arith.select %ge3A_2099, %broadcast_in_dim3A_2031, %broadcast_in_dim3A_2029 : vector<16xi1>, vector<16xi32>
    %add3A_2101 = arith.addi %add3A_2096, %select_n3A_2100 : vector<16xi32>
    %broadcast_in_dim3A_2102 = arith.constant 87 : i32
    %broadcast_in_dim3A_2103 = vector.broadcast %broadcast_in_dim3A_2102 : i32 to vector<16xi32>
    %ge3A_2104 = arith.cmpi sge, %max3A_2039, %broadcast_in_dim3A_2103 : vector<16xi32>
    %select_n3A_2105 = arith.select %ge3A_2104, %broadcast_in_dim3A_2031, %broadcast_in_dim3A_2029 : vector<16xi1>, vector<16xi32>
    %add3A_2106 = arith.addi %add3A_2101, %select_n3A_2105 : vector<16xi32>
    %broadcast_in_dim3A_2107 = arith.constant 99 : i32
    %broadcast_in_dim3A_2108 = vector.broadcast %broadcast_in_dim3A_2107 : i32 to vector<16xi32>
    %ge3A_2109 = arith.cmpi sge, %max3A_2039, %broadcast_in_dim3A_2108 : vector<16xi32>
    %select_n3A_2110 = arith.select %ge3A_2109, %broadcast_in_dim3A_2031, %broadcast_in_dim3A_2029 : vector<16xi1>, vector<16xi32>
    %add3A_2111 = arith.addi %add3A_2106, %select_n3A_2110 : vector<16xi32>
    %broadcast_in_dim3A_2112 = arith.constant 113 : i32
    %broadcast_in_dim3A_2113 = vector.broadcast %broadcast_in_dim3A_2112 : i32 to vector<16xi32>
    %ge3A_2114 = arith.cmpi sge, %max3A_2039, %broadcast_in_dim3A_2113 : vector<16xi32>
    %select_n3A_2115 = arith.select %ge3A_2114, %broadcast_in_dim3A_2031, %broadcast_in_dim3A_2029 : vector<16xi1>, vector<16xi32>
    %add3A_2116 = arith.addi %add3A_2111, %select_n3A_2115 : vector<16xi32>
    %broadcast_in_dim3A_2117 = arith.constant 16 : i32
    %broadcast_in_dim3A_2118 = vector.broadcast %broadcast_in_dim3A_2117 : i32 to vector<16xi32>
    %lt3A_2119 = arith.cmpi slt, %max3A_2039, %broadcast_in_dim3A_2118 : vector<16xi32>
    %select_n3A_2120 = arith.select %lt3A_2119, %max3A_2039, %add3A_2116 : vector<16xi1>, vector<16xi32>
    %broadcast_in_dim3A_2121 = arith.constant 15 : i32
    %broadcast_in_dim3A_2122 = vector.broadcast %broadcast_in_dim3A_2121 : i32 to vector<16xi32>
    %min3A_2123 = arith.minsi %select_n3A_2120, %broadcast_in_dim3A_2122 : vector<16xi32>
    %broadcast_in_dim3A_2124 = arith.constant 16 : i32
    %broadcast_in_dim3A_2125 = vector.broadcast %broadcast_in_dim3A_2124 : i32 to vector<16xi32>
    %sub3A_2126 = arith.subi %select_n3A_2120, %broadcast_in_dim3A_2125 : vector<16xi32>
    %max3A_2127 = arith.maxsi %sub3A_2126, %broadcast_in_dim3A_2029 : vector<16xi32>
    %broadcast_in_dim3A_2128 = arith.constant 16 : i32
    %broadcast_in_dim3A_2129 = vector.broadcast %broadcast_in_dim3A_2128 : i32 to vector<16xi32>
    %lt3A_2130 = arith.cmpi slt, %select_n3A_2120, %broadcast_in_dim3A_2129 : vector<16xi32>
    %get3A_2131 = arith.constant 0 : index
    %get3A_2132 = tpu.vector_load %arg4[%get3A_2131] {strides = array<i32>} : memref<512xf32, #tpu.memory_space<vmem>>, vector<16xf32>,
    %get3A_2133 = vector.shape_cast %get3A_2132 : vector<16xf32> to vector<16xf32>
    %get3A_2134 = arith.constant 16 : index
    %get3A_2135 = tpu.vector_load %arg4[%get3A_2134] {strides = array<i32>} : memref<512xf32, #tpu.memory_space<vmem>>, vector<16xf32>,
    %get3A_2136 = vector.shape_cast %get3A_2135 : vector<16xf32> to vector<16xf32>
    %broadcast_in_dim3A_2137 = vector.shape_cast %min3A_2123 : vector<16xi32> to vector<16x1xi32>
    %gather3A_2138 = vector.shape_cast %broadcast_in_dim3A_2137 : vector<16x1xi32> to vector<16xi32>
    %gather3A_2139 = tpu.dynamic_gather %get3A_2133[%gather3A_2138] in [0] : vector<16xf32>, vector<16xi32> -> vector<16xf32>
    %broadcast_in_dim3A_2140 = vector.shape_cast %max3A_2127 : vector<16xi32> to vector<16x1xi32>
    %gather3A_2141 = vector.shape_cast %broadcast_in_dim3A_2140 : vector<16x1xi32> to vector<16xi32>
    %gather3A_2142 = tpu.dynamic_gather %get3A_2136[%gather3A_2141] in [0] : vector<16xf32>, vector<16xi32> -> vector<16xf32>
    %select_n3A_2143 = arith.select %lt3A_2130, %gather3A_2139, %gather3A_2142 : vector<16xi1>, vector<16xf32>
    %swap3A_2144 = arith.constant 0 : i32
    %swap3A_2145 = arith.index_cast %swap3A_2144 : i32 to index
    %swap3A_2146 = arith.constant 80 : index
    %swap3A_2147 = tpu.vector_load %arg5[%swap3A_2145, %swap3A_2146] {strides = array<i32>} : memref<16x128xf32, #tpu.memory_space<vmem>>, vector<1x16xf32>,
    %swap3A_2148 = vector.shape_cast %swap3A_2147 : vector<1x16xf32> to vector<16xf32>
    %swap3A_2149 = vector.shape_cast %select_n3A_2143 : vector<16xf32> to vector<1x16xf32>
    tpu.vector_store %arg5[%swap3A_2145, %swap3A_2146], %swap3A_2149 {strides = array<i32>} : memref<16x128xf32, #tpu.memory_space<vmem>>, vector<1x16xf32>,
    %get3A_2150 = arith.constant 32 : index
    %get3A_2151 = tpu.vector_load %arg4[%get3A_2150] {strides = array<i32>} : memref<512xf32, #tpu.memory_space<vmem>>, vector<16xf32>,
    %get3A_2152 = vector.shape_cast %get3A_2151 : vector<16xf32> to vector<16xf32>
    %get3A_2153 = arith.constant 48 : index
    %get3A_2154 = tpu.vector_load %arg4[%get3A_2153] {strides = array<i32>} : memref<512xf32, #tpu.memory_space<vmem>>, vector<16xf32>,
    %get3A_2155 = vector.shape_cast %get3A_2154 : vector<16xf32> to vector<16xf32>
    %broadcast_in_dim3A_2156 = vector.shape_cast %min3A_2123 : vector<16xi32> to vector<16x1xi32>
    %gather3A_2157 = vector.shape_cast %broadcast_in_dim3A_2156 : vector<16x1xi32> to vector<16xi32>
    %gather3A_2158 = tpu.dynamic_gather %get3A_2152[%gather3A_2157] in [0] : vector<16xf32>, vector<16xi32> -> vector<16xf32>
    %broadcast_in_dim3A_2159 = vector.shape_cast %max3A_2127 : vector<16xi32> to vector<16x1xi32>
    %gather3A_2160 = vector.shape_cast %broadcast_in_dim3A_2159 : vector<16x1xi32> to vector<16xi32>
    %gather3A_2161 = tpu.dynamic_gather %get3A_2155[%gather3A_2160] in [0] : vector<16xf32>, vector<16xi32> -> vector<16xf32>
    %select_n3A_2162 = arith.select %lt3A_2130, %gather3A_2158, %gather3A_2161 : vector<16xi1>, vector<16xf32>
    %swap3A_2163 = arith.constant 1 : i32
    %swap3A_2164 = arith.index_cast %swap3A_2163 : i32 to index
    %swap3A_2165 = arith.constant 80 : index
    %swap3A_2166 = tpu.vector_load %arg5[%swap3A_2164, %swap3A_2165] {strides = array<i32>} : memref<16x128xf32, #tpu.memory_space<vmem>>, vector<1x16xf32>,
    %swap3A_2167 = vector.shape_cast %swap3A_2166 : vector<1x16xf32> to vector<16xf32>
    %swap3A_2168 = vector.shape_cast %select_n3A_2162 : vector<16xf32> to vector<1x16xf32>
    tpu.vector_store %arg5[%swap3A_2164, %swap3A_2165], %swap3A_2168 {strides = array<i32>} : memref<16x128xf32, #tpu.memory_space<vmem>>, vector<1x16xf32>,
    %get3A_2169 = arith.constant 64 : index
    %get3A_2170 = tpu.vector_load %arg4[%get3A_2169] {strides = array<i32>} : memref<512xf32, #tpu.memory_space<vmem>>, vector<16xf32>,
    %get3A_2171 = vector.shape_cast %get3A_2170 : vector<16xf32> to vector<16xf32>
    %get3A_2172 = arith.constant 80 : index
    %get3A_2173 = tpu.vector_load %arg4[%get3A_2172] {strides = array<i32>} : memref<512xf32, #tpu.memory_space<vmem>>, vector<16xf32>,
    %get3A_2174 = vector.shape_cast %get3A_2173 : vector<16xf32> to vector<16xf32>
    %broadcast_in_dim3A_2175 = vector.shape_cast %min3A_2123 : vector<16xi32> to vector<16x1xi32>
    %gather3A_2176 = vector.shape_cast %broadcast_in_dim3A_2175 : vector<16x1xi32> to vector<16xi32>
    %gather3A_2177 = tpu.dynamic_gather %get3A_2171[%gather3A_2176] in [0] : vector<16xf32>, vector<16xi32> -> vector<16xf32>
    %broadcast_in_dim3A_2178 = vector.shape_cast %max3A_2127 : vector<16xi32> to vector<16x1xi32>
    %gather3A_2179 = vector.shape_cast %broadcast_in_dim3A_2178 : vector<16x1xi32> to vector<16xi32>
    %gather3A_2180 = tpu.dynamic_gather %get3A_2174[%gather3A_2179] in [0] : vector<16xf32>, vector<16xi32> -> vector<16xf32>
    %select_n3A_2181 = arith.select %lt3A_2130, %gather3A_2177, %gather3A_2180 : vector<16xi1>, vector<16xf32>
    %swap3A_2182 = arith.constant 2 : i32
    %swap3A_2183 = arith.index_cast %swap3A_2182 : i32 to index
    %swap3A_2184 = arith.constant 80 : index
    %swap3A_2185 = tpu.vector_load %arg5[%swap3A_2183, %swap3A_2184] {strides = array<i32>} : memref<16x128xf32, #tpu.memory_space<vmem>>, vector<1x16xf32>,
    %swap3A_2186 = vector.shape_cast %swap3A_2185 : vector<1x16xf32> to vector<16xf32>
    %swap3A_2187 = vector.shape_cast %select_n3A_2181 : vector<16xf32> to vector<1x16xf32>
    tpu.vector_store %arg5[%swap3A_2183, %swap3A_2184], %swap3A_2187 {strides = array<i32>} : memref<16x128xf32, #tpu.memory_space<vmem>>, vector<1x16xf32>,
    %get3A_2188 = arith.constant 96 : index
    %get3A_2189 = tpu.vector_load %arg4[%get3A_2188] {strides = array<i32>} : memref<512xf32, #tpu.memory_space<vmem>>, vector<16xf32>,
    %get3A_2190 = vector.shape_cast %get3A_2189 : vector<16xf32> to vector<16xf32>
    %get3A_2191 = arith.constant 112 : index
    %get3A_2192 = tpu.vector_load %arg4[%get3A_2191] {strides = array<i32>} : memref<512xf32, #tpu.memory_space<vmem>>, vector<16xf32>,
    %get3A_2193 = vector.shape_cast %get3A_2192 : vector<16xf32> to vector<16xf32>
    %broadcast_in_dim3A_2194 = vector.shape_cast %min3A_2123 : vector<16xi32> to vector<16x1xi32>
    %gather3A_2195 = vector.shape_cast %broadcast_in_dim3A_2194 : vector<16x1xi32> to vector<16xi32>
    %gather3A_2196 = tpu.dynamic_gather %get3A_2190[%gather3A_2195] in [0] : vector<16xf32>, vector<16xi32> -> vector<16xf32>
    %broadcast_in_dim3A_2197 = vector.shape_cast %max3A_2127 : vector<16xi32> to vector<16x1xi32>
    %gather3A_2198 = vector.shape_cast %broadcast_in_dim3A_2197 : vector<16x1xi32> to vector<16xi32>
    %gather3A_2199 = tpu.dynamic_gather %get3A_2193[%gather3A_2198] in [0] : vector<16xf32>, vector<16xi32> -> vector<16xf32>
    %select_n3A_2200 = arith.select %lt3A_2130, %gather3A_2196, %gather3A_2199 : vector<16xi1>, vector<16xf32>
    %swap3A_2201 = arith.constant 3 : i32
    %swap3A_2202 = arith.index_cast %swap3A_2201 : i32 to index
    %swap3A_2203 = arith.constant 80 : index
    %swap3A_2204 = tpu.vector_load %arg5[%swap3A_2202, %swap3A_2203] {strides = array<i32>} : memref<16x128xf32, #tpu.memory_space<vmem>>, vector<1x16xf32>,
    %swap3A_2205 = vector.shape_cast %swap3A_2204 : vector<1x16xf32> to vector<16xf32>
    %swap3A_2206 = vector.shape_cast %select_n3A_2200 : vector<16xf32> to vector<1x16xf32>
    tpu.vector_store %arg5[%swap3A_2202, %swap3A_2203], %swap3A_2206 {strides = array<i32>} : memref<16x128xf32, #tpu.memory_space<vmem>>, vector<1x16xf32>,
    %get3A_2207 = arith.constant 128 : index
    %get3A_2208 = tpu.vector_load %arg4[%get3A_2207] {strides = array<i32>} : memref<512xf32, #tpu.memory_space<vmem>>, vector<16xf32>,
    %get3A_2209 = vector.shape_cast %get3A_2208 : vector<16xf32> to vector<16xf32>
    %get3A_2210 = arith.constant 144 : index
    %get3A_2211 = tpu.vector_load %arg4[%get3A_2210] {strides = array<i32>} : memref<512xf32, #tpu.memory_space<vmem>>, vector<16xf32>,
    %get3A_2212 = vector.shape_cast %get3A_2211 : vector<16xf32> to vector<16xf32>
    %broadcast_in_dim3A_2213 = vector.shape_cast %min3A_2123 : vector<16xi32> to vector<16x1xi32>
    %gather3A_2214 = vector.shape_cast %broadcast_in_dim3A_2213 : vector<16x1xi32> to vector<16xi32>
    %gather3A_2215 = tpu.dynamic_gather %get3A_2209[%gather3A_2214] in [0] : vector<16xf32>, vector<16xi32> -> vector<16xf32>
    %broadcast_in_dim3A_2216 = vector.shape_cast %max3A_2127 : vector<16xi32> to vector<16x1xi32>
    %gather3A_2217 = vector.shape_cast %broadcast_in_dim3A_2216 : vector<16x1xi32> to vector<16xi32>
    %gather3A_2218 = tpu.dynamic_gather %get3A_2212[%gather3A_2217] in [0] : vector<16xf32>, vector<16xi32> -> vector<16xf32>
    %select_n3A_2219 = arith.select %lt3A_2130, %gather3A_2215, %gather3A_2218 : vector<16xi1>, vector<16xf32>
    %swap3A_2220 = arith.constant 4 : i32
    %swap3A_2221 = arith.index_cast %swap3A_2220 : i32 to index
    %swap3A_2222 = arith.constant 80 : index
    %swap3A_2223 = tpu.vector_load %arg5[%swap3A_2221, %swap3A_2222] {strides = array<i32>} : memref<16x128xf32, #tpu.memory_space<vmem>>, vector<1x16xf32>,
    %swap3A_2224 = vector.shape_cast %swap3A_2223 : vector<1x16xf32> to vector<16xf32>
    %swap3A_2225 = vector.shape_cast %select_n3A_2219 : vector<16xf32> to vector<1x16xf32>
    tpu.vector_store %arg5[%swap3A_2221, %swap3A_2222], %swap3A_2225 {strides = array<i32>} : memref<16x128xf32, #tpu.memory_space<vmem>>, vector<1x16xf32>,
    %get3A_2226 = arith.constant 160 : index
    %get3A_2227 = tpu.vector_load %arg4[%get3A_2226] {strides = array<i32>} : memref<512xf32, #tpu.memory_space<vmem>>, vector<16xf32>,
    %get3A_2228 = vector.shape_cast %get3A_2227 : vector<16xf32> to vector<16xf32>
    %get3A_2229 = arith.constant 176 : index
    %get3A_2230 = tpu.vector_load %arg4[%get3A_2229] {strides = array<i32>} : memref<512xf32, #tpu.memory_space<vmem>>, vector<16xf32>,
    %get3A_2231 = vector.shape_cast %get3A_2230 : vector<16xf32> to vector<16xf32>
    %broadcast_in_dim3A_2232 = vector.shape_cast %min3A_2123 : vector<16xi32> to vector<16x1xi32>
    %gather3A_2233 = vector.shape_cast %broadcast_in_dim3A_2232 : vector<16x1xi32> to vector<16xi32>
    %gather3A_2234 = tpu.dynamic_gather %get3A_2228[%gather3A_2233] in [0] : vector<16xf32>, vector<16xi32> -> vector<16xf32>
    %broadcast_in_dim3A_2235 = vector.shape_cast %max3A_2127 : vector<16xi32> to vector<16x1xi32>
    %gather3A_2236 = vector.shape_cast %broadcast_in_dim3A_2235 : vector<16x1xi32> to vector<16xi32>
    %gather3A_2237 = tpu.dynamic_gather %get3A_2231[%gather3A_2236] in [0] : vector<16xf32>, vector<16xi32> -> vector<16xf32>
    %select_n3A_2238 = arith.select %lt3A_2130, %gather3A_2234, %gather3A_2237 : vector<16xi1>, vector<16xf32>
    %swap3A_2239 = arith.constant 5 : i32
    %swap3A_2240 = arith.index_cast %swap3A_2239 : i32 to index
    %swap3A_2241 = arith.constant 80 : index
    %swap3A_2242 = tpu.vector_load %arg5[%swap3A_2240, %swap3A_2241] {strides = array<i32>} : memref<16x128xf32, #tpu.memory_space<vmem>>, vector<1x16xf32>,
    %swap3A_2243 = vector.shape_cast %swap3A_2242 : vector<1x16xf32> to vector<16xf32>
    %swap3A_2244 = vector.shape_cast %select_n3A_2238 : vector<16xf32> to vector<1x16xf32>
    tpu.vector_store %arg5[%swap3A_2240, %swap3A_2241], %swap3A_2244 {strides = array<i32>} : memref<16x128xf32, #tpu.memory_space<vmem>>, vector<1x16xf32>,
    %get3A_2245 = arith.constant 192 : index
    %get3A_2246 = tpu.vector_load %arg4[%get3A_2245] {strides = array<i32>} : memref<512xf32, #tpu.memory_space<vmem>>, vector<16xf32>,
    %get3A_2247 = vector.shape_cast %get3A_2246 : vector<16xf32> to vector<16xf32>
    %get3A_2248 = arith.constant 208 : index
    %get3A_2249 = tpu.vector_load %arg4[%get3A_2248] {strides = array<i32>} : memref<512xf32, #tpu.memory_space<vmem>>, vector<16xf32>,
    %get3A_2250 = vector.shape_cast %get3A_2249 : vector<16xf32> to vector<16xf32>
    %broadcast_in_dim3A_2251 = vector.shape_cast %min3A_2123 : vector<16xi32> to vector<16x1xi32>
    %gather3A_2252 = vector.shape_cast %broadcast_in_dim3A_2251 : vector<16x1xi32> to vector<16xi32>
    %gather3A_2253 = tpu.dynamic_gather %get3A_2247[%gather3A_2252] in [0] : vector<16xf32>, vector<16xi32> -> vector<16xf32>
    %broadcast_in_dim3A_2254 = vector.shape_cast %max3A_2127 : vector<16xi32> to vector<16x1xi32>
    %gather3A_2255 = vector.shape_cast %broadcast_in_dim3A_2254 : vector<16x1xi32> to vector<16xi32>
    %gather3A_2256 = tpu.dynamic_gather %get3A_2250[%gather3A_2255] in [0] : vector<16xf32>, vector<16xi32> -> vector<16xf32>
    %select_n3A_2257 = arith.select %lt3A_2130, %gather3A_2253, %gather3A_2256 : vector<16xi1>, vector<16xf32>
    %swap3A_2258 = arith.constant 6 : i32
    %swap3A_2259 = arith.index_cast %swap3A_2258 : i32 to index
    %swap3A_2260 = arith.constant 80 : index
    %swap3A_2261 = tpu.vector_load %arg5[%swap3A_2259, %swap3A_2260] {strides = array<i32>} : memref<16x128xf32, #tpu.memory_space<vmem>>, vector<1x16xf32>,
    %swap3A_2262 = vector.shape_cast %swap3A_2261 : vector<1x16xf32> to vector<16xf32>
    %swap3A_2263 = vector.shape_cast %select_n3A_2257 : vector<16xf32> to vector<1x16xf32>
    tpu.vector_store %arg5[%swap3A_2259, %swap3A_2260], %swap3A_2263 {strides = array<i32>} : memref<16x128xf32, #tpu.memory_space<vmem>>, vector<1x16xf32>,
    %get3A_2264 = arith.constant 224 : index
    %get3A_2265 = tpu.vector_load %arg4[%get3A_2264] {strides = array<i32>} : memref<512xf32, #tpu.memory_space<vmem>>, vector<16xf32>,
    %get3A_2266 = vector.shape_cast %get3A_2265 : vector<16xf32> to vector<16xf32>
    %get3A_2267 = arith.constant 240 : index
    %get3A_2268 = tpu.vector_load %arg4[%get3A_2267] {strides = array<i32>} : memref<512xf32, #tpu.memory_space<vmem>>, vector<16xf32>,
    %get3A_2269 = vector.shape_cast %get3A_2268 : vector<16xf32> to vector<16xf32>
    %broadcast_in_dim3A_2270 = vector.shape_cast %min3A_2123 : vector<16xi32> to vector<16x1xi32>
    %gather3A_2271 = vector.shape_cast %broadcast_in_dim3A_2270 : vector<16x1xi32> to vector<16xi32>
    %gather3A_2272 = tpu.dynamic_gather %get3A_2266[%gather3A_2271] in [0] : vector<16xf32>, vector<16xi32> -> vector<16xf32>
    %broadcast_in_dim3A_2273 = vector.shape_cast %max3A_2127 : vector<16xi32> to vector<16x1xi32>
    %gather3A_2274 = vector.shape_cast %broadcast_in_dim3A_2273 : vector<16x1xi32> to vector<16xi32>
    %gather3A_2275 = tpu.dynamic_gather %get3A_2269[%gather3A_2274] in [0] : vector<16xf32>, vector<16xi32> -> vector<16xf32>
    %select_n3A_2276 = arith.select %lt3A_2130, %gather3A_2272, %gather3A_2275 : vector<16xi1>, vector<16xf32>
    %swap3A_2277 = arith.constant 7 : i32
    %swap3A_2278 = arith.index_cast %swap3A_2277 : i32 to index
    %swap3A_2279 = arith.constant 80 : index
    %swap3A_2280 = tpu.vector_load %arg5[%swap3A_2278, %swap3A_2279] {strides = array<i32>} : memref<16x128xf32, #tpu.memory_space<vmem>>, vector<1x16xf32>,
    %swap3A_2281 = vector.shape_cast %swap3A_2280 : vector<1x16xf32> to vector<16xf32>
    %swap3A_2282 = vector.shape_cast %select_n3A_2276 : vector<16xf32> to vector<1x16xf32>
    tpu.vector_store %arg5[%swap3A_2278, %swap3A_2279], %swap3A_2282 {strides = array<i32>} : memref<16x128xf32, #tpu.memory_space<vmem>>, vector<1x16xf32>,
    %get3A_2283 = arith.constant 256 : index
    %get3A_2284 = tpu.vector_load %arg4[%get3A_2283] {strides = array<i32>} : memref<512xf32, #tpu.memory_space<vmem>>, vector<16xf32>,
    %get3A_2285 = vector.shape_cast %get3A_2284 : vector<16xf32> to vector<16xf32>
    %get3A_2286 = arith.constant 272 : index
    %get3A_2287 = tpu.vector_load %arg4[%get3A_2286] {strides = array<i32>} : memref<512xf32, #tpu.memory_space<vmem>>, vector<16xf32>,
    %get3A_2288 = vector.shape_cast %get3A_2287 : vector<16xf32> to vector<16xf32>
    %broadcast_in_dim3A_2289 = vector.shape_cast %min3A_2123 : vector<16xi32> to vector<16x1xi32>
    %gather3A_2290 = vector.shape_cast %broadcast_in_dim3A_2289 : vector<16x1xi32> to vector<16xi32>
    %gather3A_2291 = tpu.dynamic_gather %get3A_2285[%gather3A_2290] in [0] : vector<16xf32>, vector<16xi32> -> vector<16xf32>
    %broadcast_in_dim3A_2292 = vector.shape_cast %max3A_2127 : vector<16xi32> to vector<16x1xi32>
    %gather3A_2293 = vector.shape_cast %broadcast_in_dim3A_2292 : vector<16x1xi32> to vector<16xi32>
    %gather3A_2294 = tpu.dynamic_gather %get3A_2288[%gather3A_2293] in [0] : vector<16xf32>, vector<16xi32> -> vector<16xf32>
    %select_n3A_2295 = arith.select %lt3A_2130, %gather3A_2291, %gather3A_2294 : vector<16xi1>, vector<16xf32>
    %swap3A_2296 = arith.constant 8 : i32
    %swap3A_2297 = arith.index_cast %swap3A_2296 : i32 to index
    %swap3A_2298 = arith.constant 80 : index
    %swap3A_2299 = tpu.vector_load %arg5[%swap3A_2297, %swap3A_2298] {strides = array<i32>} : memref<16x128xf32, #tpu.memory_space<vmem>>, vector<1x16xf32>,
    %swap3A_2300 = vector.shape_cast %swap3A_2299 : vector<1x16xf32> to vector<16xf32>
    %swap3A_2301 = vector.shape_cast %select_n3A_2295 : vector<16xf32> to vector<1x16xf32>
    tpu.vector_store %arg5[%swap3A_2297, %swap3A_2298], %swap3A_2301 {strides = array<i32>} : memref<16x128xf32, #tpu.memory_space<vmem>>, vector<1x16xf32>,
    %get3A_2302 = arith.constant 288 : index
    %get3A_2303 = tpu.vector_load %arg4[%get3A_2302] {strides = array<i32>} : memref<512xf32, #tpu.memory_space<vmem>>, vector<16xf32>,
    %get3A_2304 = vector.shape_cast %get3A_2303 : vector<16xf32> to vector<16xf32>
    %get3A_2305 = arith.constant 304 : index
    %get3A_2306 = tpu.vector_load %arg4[%get3A_2305] {strides = array<i32>} : memref<512xf32, #tpu.memory_space<vmem>>, vector<16xf32>,
    %get3A_2307 = vector.shape_cast %get3A_2306 : vector<16xf32> to vector<16xf32>
    %broadcast_in_dim3A_2308 = vector.shape_cast %min3A_2123 : vector<16xi32> to vector<16x1xi32>
    %gather3A_2309 = vector.shape_cast %broadcast_in_dim3A_2308 : vector<16x1xi32> to vector<16xi32>
    %gather3A_2310 = tpu.dynamic_gather %get3A_2304[%gather3A_2309] in [0] : vector<16xf32>, vector<16xi32> -> vector<16xf32>
    %broadcast_in_dim3A_2311 = vector.shape_cast %max3A_2127 : vector<16xi32> to vector<16x1xi32>
    %gather3A_2312 = vector.shape_cast %broadcast_in_dim3A_2311 : vector<16x1xi32> to vector<16xi32>
    %gather3A_2313 = tpu.dynamic_gather %get3A_2307[%gather3A_2312] in [0] : vector<16xf32>, vector<16xi32> -> vector<16xf32>
    %select_n3A_2314 = arith.select %lt3A_2130, %gather3A_2310, %gather3A_2313 : vector<16xi1>, vector<16xf32>
    %swap3A_2315 = arith.constant 9 : i32
    %swap3A_2316 = arith.index_cast %swap3A_2315 : i32 to index
    %swap3A_2317 = arith.constant 80 : index
    %swap3A_2318 = tpu.vector_load %arg5[%swap3A_2316, %swap3A_2317] {strides = array<i32>} : memref<16x128xf32, #tpu.memory_space<vmem>>, vector<1x16xf32>,
    %swap3A_2319 = vector.shape_cast %swap3A_2318 : vector<1x16xf32> to vector<16xf32>
    %swap3A_2320 = vector.shape_cast %select_n3A_2314 : vector<16xf32> to vector<1x16xf32>
    tpu.vector_store %arg5[%swap3A_2316, %swap3A_2317], %swap3A_2320 {strides = array<i32>} : memref<16x128xf32, #tpu.memory_space<vmem>>, vector<1x16xf32>,
    %get3A_2321 = arith.constant 320 : index
    %get3A_2322 = tpu.vector_load %arg4[%get3A_2321] {strides = array<i32>} : memref<512xf32, #tpu.memory_space<vmem>>, vector<16xf32>,
    %get3A_2323 = vector.shape_cast %get3A_2322 : vector<16xf32> to vector<16xf32>
    %get3A_2324 = arith.constant 336 : index
    %get3A_2325 = tpu.vector_load %arg4[%get3A_2324] {strides = array<i32>} : memref<512xf32, #tpu.memory_space<vmem>>, vector<16xf32>,
    %get3A_2326 = vector.shape_cast %get3A_2325 : vector<16xf32> to vector<16xf32>
    %broadcast_in_dim3A_2327 = vector.shape_cast %min3A_2123 : vector<16xi32> to vector<16x1xi32>
    %gather3A_2328 = vector.shape_cast %broadcast_in_dim3A_2327 : vector<16x1xi32> to vector<16xi32>
    %gather3A_2329 = tpu.dynamic_gather %get3A_2323[%gather3A_2328] in [0] : vector<16xf32>, vector<16xi32> -> vector<16xf32>
    %broadcast_in_dim3A_2330 = vector.shape_cast %max3A_2127 : vector<16xi32> to vector<16x1xi32>
    %gather3A_2331 = vector.shape_cast %broadcast_in_dim3A_2330 : vector<16x1xi32> to vector<16xi32>
    %gather3A_2332 = tpu.dynamic_gather %get3A_2326[%gather3A_2331] in [0] : vector<16xf32>, vector<16xi32> -> vector<16xf32>
    %select_n3A_2333 = arith.select %lt3A_2130, %gather3A_2329, %gather3A_2332 : vector<16xi1>, vector<16xf32>
    %swap3A_2334 = arith.constant 10 : i32
    %swap3A_2335 = arith.index_cast %swap3A_2334 : i32 to index
    %swap3A_2336 = arith.constant 80 : index
    %swap3A_2337 = tpu.vector_load %arg5[%swap3A_2335, %swap3A_2336] {strides = array<i32>} : memref<16x128xf32, #tpu.memory_space<vmem>>, vector<1x16xf32>,
    %swap3A_2338 = vector.shape_cast %swap3A_2337 : vector<1x16xf32> to vector<16xf32>
    %swap3A_2339 = vector.shape_cast %select_n3A_2333 : vector<16xf32> to vector<1x16xf32>
    tpu.vector_store %arg5[%swap3A_2335, %swap3A_2336], %swap3A_2339 {strides = array<i32>} : memref<16x128xf32, #tpu.memory_space<vmem>>, vector<1x16xf32>,
    %get3A_2340 = arith.constant 352 : index
    %get3A_2341 = tpu.vector_load %arg4[%get3A_2340] {strides = array<i32>} : memref<512xf32, #tpu.memory_space<vmem>>, vector<16xf32>,
    %get3A_2342 = vector.shape_cast %get3A_2341 : vector<16xf32> to vector<16xf32>
    %get3A_2343 = arith.constant 368 : index
    %get3A_2344 = tpu.vector_load %arg4[%get3A_2343] {strides = array<i32>} : memref<512xf32, #tpu.memory_space<vmem>>, vector<16xf32>,
    %get3A_2345 = vector.shape_cast %get3A_2344 : vector<16xf32> to vector<16xf32>
    %broadcast_in_dim3A_2346 = vector.shape_cast %min3A_2123 : vector<16xi32> to vector<16x1xi32>
    %gather3A_2347 = vector.shape_cast %broadcast_in_dim3A_2346 : vector<16x1xi32> to vector<16xi32>
    %gather3A_2348 = tpu.dynamic_gather %get3A_2342[%gather3A_2347] in [0] : vector<16xf32>, vector<16xi32> -> vector<16xf32>
    %broadcast_in_dim3A_2349 = vector.shape_cast %max3A_2127 : vector<16xi32> to vector<16x1xi32>
    %gather3A_2350 = vector.shape_cast %broadcast_in_dim3A_2349 : vector<16x1xi32> to vector<16xi32>
    %gather3A_2351 = tpu.dynamic_gather %get3A_2345[%gather3A_2350] in [0] : vector<16xf32>, vector<16xi32> -> vector<16xf32>
    %select_n3A_2352 = arith.select %lt3A_2130, %gather3A_2348, %gather3A_2351 : vector<16xi1>, vector<16xf32>
    %swap3A_2353 = arith.constant 11 : i32
    %swap3A_2354 = arith.index_cast %swap3A_2353 : i32 to index
    %swap3A_2355 = arith.constant 80 : index
    %swap3A_2356 = tpu.vector_load %arg5[%swap3A_2354, %swap3A_2355] {strides = array<i32>} : memref<16x128xf32, #tpu.memory_space<vmem>>, vector<1x16xf32>,
    %swap3A_2357 = vector.shape_cast %swap3A_2356 : vector<1x16xf32> to vector<16xf32>
    %swap3A_2358 = vector.shape_cast %select_n3A_2352 : vector<16xf32> to vector<1x16xf32>
    tpu.vector_store %arg5[%swap3A_2354, %swap3A_2355], %swap3A_2358 {strides = array<i32>} : memref<16x128xf32, #tpu.memory_space<vmem>>, vector<1x16xf32>,
    %get3A_2359 = arith.constant 384 : index
    %get3A_2360 = tpu.vector_load %arg4[%get3A_2359] {strides = array<i32>} : memref<512xf32, #tpu.memory_space<vmem>>, vector<16xf32>,
    %get3A_2361 = vector.shape_cast %get3A_2360 : vector<16xf32> to vector<16xf32>
    %get3A_2362 = arith.constant 400 : index
    %get3A_2363 = tpu.vector_load %arg4[%get3A_2362] {strides = array<i32>} : memref<512xf32, #tpu.memory_space<vmem>>, vector<16xf32>,
    %get3A_2364 = vector.shape_cast %get3A_2363 : vector<16xf32> to vector<16xf32>
    %broadcast_in_dim3A_2365 = vector.shape_cast %min3A_2123 : vector<16xi32> to vector<16x1xi32>
    %gather3A_2366 = vector.shape_cast %broadcast_in_dim3A_2365 : vector<16x1xi32> to vector<16xi32>
    %gather3A_2367 = tpu.dynamic_gather %get3A_2361[%gather3A_2366] in [0] : vector<16xf32>, vector<16xi32> -> vector<16xf32>
    %broadcast_in_dim3A_2368 = vector.shape_cast %max3A_2127 : vector<16xi32> to vector<16x1xi32>
    %gather3A_2369 = vector.shape_cast %broadcast_in_dim3A_2368 : vector<16x1xi32> to vector<16xi32>
    %gather3A_2370 = tpu.dynamic_gather %get3A_2364[%gather3A_2369] in [0] : vector<16xf32>, vector<16xi32> -> vector<16xf32>
    %select_n3A_2371 = arith.select %lt3A_2130, %gather3A_2367, %gather3A_2370 : vector<16xi1>, vector<16xf32>
    %swap3A_2372 = arith.constant 12 : i32
    %swap3A_2373 = arith.index_cast %swap3A_2372 : i32 to index
    %swap3A_2374 = arith.constant 80 : index
    %swap3A_2375 = tpu.vector_load %arg5[%swap3A_2373, %swap3A_2374] {strides = array<i32>} : memref<16x128xf32, #tpu.memory_space<vmem>>, vector<1x16xf32>,
    %swap3A_2376 = vector.shape_cast %swap3A_2375 : vector<1x16xf32> to vector<16xf32>
    %swap3A_2377 = vector.shape_cast %select_n3A_2371 : vector<16xf32> to vector<1x16xf32>
    tpu.vector_store %arg5[%swap3A_2373, %swap3A_2374], %swap3A_2377 {strides = array<i32>} : memref<16x128xf32, #tpu.memory_space<vmem>>, vector<1x16xf32>,
    %get3A_2378 = arith.constant 416 : index
    %get3A_2379 = tpu.vector_load %arg4[%get3A_2378] {strides = array<i32>} : memref<512xf32, #tpu.memory_space<vmem>>, vector<16xf32>,
    %get3A_2380 = vector.shape_cast %get3A_2379 : vector<16xf32> to vector<16xf32>
    %get3A_2381 = arith.constant 432 : index
    %get3A_2382 = tpu.vector_load %arg4[%get3A_2381] {strides = array<i32>} : memref<512xf32, #tpu.memory_space<vmem>>, vector<16xf32>,
    %get3A_2383 = vector.shape_cast %get3A_2382 : vector<16xf32> to vector<16xf32>
    %broadcast_in_dim3A_2384 = vector.shape_cast %min3A_2123 : vector<16xi32> to vector<16x1xi32>
    %gather3A_2385 = vector.shape_cast %broadcast_in_dim3A_2384 : vector<16x1xi32> to vector<16xi32>
    %gather3A_2386 = tpu.dynamic_gather %get3A_2380[%gather3A_2385] in [0] : vector<16xf32>, vector<16xi32> -> vector<16xf32>
    %broadcast_in_dim3A_2387 = vector.shape_cast %max3A_2127 : vector<16xi32> to vector<16x1xi32>
    %gather3A_2388 = vector.shape_cast %broadcast_in_dim3A_2387 : vector<16x1xi32> to vector<16xi32>
    %gather3A_2389 = tpu.dynamic_gather %get3A_2383[%gather3A_2388] in [0] : vector<16xf32>, vector<16xi32> -> vector<16xf32>
    %select_n3A_2390 = arith.select %lt3A_2130, %gather3A_2386, %gather3A_2389 : vector<16xi1>, vector<16xf32>
    %swap3A_2391 = arith.constant 13 : i32
    %swap3A_2392 = arith.index_cast %swap3A_2391 : i32 to index
    %swap3A_2393 = arith.constant 80 : index
    %swap3A_2394 = tpu.vector_load %arg5[%swap3A_2392, %swap3A_2393] {strides = array<i32>} : memref<16x128xf32, #tpu.memory_space<vmem>>, vector<1x16xf32>,
    %swap3A_2395 = vector.shape_cast %swap3A_2394 : vector<1x16xf32> to vector<16xf32>
    %swap3A_2396 = vector.shape_cast %select_n3A_2390 : vector<16xf32> to vector<1x16xf32>
    tpu.vector_store %arg5[%swap3A_2392, %swap3A_2393], %swap3A_2396 {strides = array<i32>} : memref<16x128xf32, #tpu.memory_space<vmem>>, vector<1x16xf32>,
    %get3A_2397 = arith.constant 448 : index
    %get3A_2398 = tpu.vector_load %arg4[%get3A_2397] {strides = array<i32>} : memref<512xf32, #tpu.memory_space<vmem>>, vector<16xf32>,
    %get3A_2399 = vector.shape_cast %get3A_2398 : vector<16xf32> to vector<16xf32>
    %get3A_2400 = arith.constant 464 : index
    %get3A_2401 = tpu.vector_load %arg4[%get3A_2400] {strides = array<i32>} : memref<512xf32, #tpu.memory_space<vmem>>, vector<16xf32>,
    %get3A_2402 = vector.shape_cast %get3A_2401 : vector<16xf32> to vector<16xf32>
    %broadcast_in_dim3A_2403 = vector.shape_cast %min3A_2123 : vector<16xi32> to vector<16x1xi32>
    %gather3A_2404 = vector.shape_cast %broadcast_in_dim3A_2403 : vector<16x1xi32> to vector<16xi32>
    %gather3A_2405 = tpu.dynamic_gather %get3A_2399[%gather3A_2404] in [0] : vector<16xf32>, vector<16xi32> -> vector<16xf32>
    %broadcast_in_dim3A_2406 = vector.shape_cast %max3A_2127 : vector<16xi32> to vector<16x1xi32>
    %gather3A_2407 = vector.shape_cast %broadcast_in_dim3A_2406 : vector<16x1xi32> to vector<16xi32>
    %gather3A_2408 = tpu.dynamic_gather %get3A_2402[%gather3A_2407] in [0] : vector<16xf32>, vector<16xi32> -> vector<16xf32>
    %select_n3A_2409 = arith.select %lt3A_2130, %gather3A_2405, %gather3A_2408 : vector<16xi1>, vector<16xf32>
    %swap3A_2410 = arith.constant 14 : i32
    %swap3A_2411 = arith.index_cast %swap3A_2410 : i32 to index
    %swap3A_2412 = arith.constant 80 : index
    %swap3A_2413 = tpu.vector_load %arg5[%swap3A_2411, %swap3A_2412] {strides = array<i32>} : memref<16x128xf32, #tpu.memory_space<vmem>>, vector<1x16xf32>,
    %swap3A_2414 = vector.shape_cast %swap3A_2413 : vector<1x16xf32> to vector<16xf32>
    %swap3A_2415 = vector.shape_cast %select_n3A_2409 : vector<16xf32> to vector<1x16xf32>
    tpu.vector_store %arg5[%swap3A_2411, %swap3A_2412], %swap3A_2415 {strides = array<i32>} : memref<16x128xf32, #tpu.memory_space<vmem>>, vector<1x16xf32>,
    %get3A_2416 = arith.constant 480 : index
    %get3A_2417 = tpu.vector_load %arg4[%get3A_2416] {strides = array<i32>} : memref<512xf32, #tpu.memory_space<vmem>>, vector<16xf32>,
    %get3A_2418 = vector.shape_cast %get3A_2417 : vector<16xf32> to vector<16xf32>
    %get3A_2419 = arith.constant 496 : index
    %get3A_2420 = tpu.vector_load %arg4[%get3A_2419] {strides = array<i32>} : memref<512xf32, #tpu.memory_space<vmem>>, vector<16xf32>,
    %get3A_2421 = vector.shape_cast %get3A_2420 : vector<16xf32> to vector<16xf32>
    %broadcast_in_dim3A_2422 = vector.shape_cast %min3A_2123 : vector<16xi32> to vector<16x1xi32>
    %gather3A_2423 = vector.shape_cast %broadcast_in_dim3A_2422 : vector<16x1xi32> to vector<16xi32>
    %gather3A_2424 = tpu.dynamic_gather %get3A_2418[%gather3A_2423] in [0] : vector<16xf32>, vector<16xi32> -> vector<16xf32>
    %broadcast_in_dim3A_2425 = vector.shape_cast %max3A_2127 : vector<16xi32> to vector<16x1xi32>
    %gather3A_2426 = vector.shape_cast %broadcast_in_dim3A_2425 : vector<16x1xi32> to vector<16xi32>
    %gather3A_2427 = tpu.dynamic_gather %get3A_2421[%gather3A_2426] in [0] : vector<16xf32>, vector<16xi32> -> vector<16xf32>
    %select_n3A_2428 = arith.select %lt3A_2130, %gather3A_2424, %gather3A_2427 : vector<16xi1>, vector<16xf32>
    %swap3A_2429 = arith.constant 15 : i32
    %swap3A_2430 = arith.index_cast %swap3A_2429 : i32 to index
    %swap3A_2431 = arith.constant 80 : index
    %swap3A_2432 = tpu.vector_load %arg5[%swap3A_2430, %swap3A_2431] {strides = array<i32>} : memref<16x128xf32, #tpu.memory_space<vmem>>, vector<1x16xf32>,
    %swap3A_2433 = vector.shape_cast %swap3A_2432 : vector<1x16xf32> to vector<16xf32>
    %swap3A_2434 = vector.shape_cast %select_n3A_2428 : vector<16xf32> to vector<1x16xf32>
    tpu.vector_store %arg5[%swap3A_2430, %swap3A_2431], %swap3A_2434 {strides = array<i32>} : memref<16x128xf32, #tpu.memory_space<vmem>>, vector<1x16xf32>,
    %broadcast_in_dim3A_2435 = arith.constant 0 : i32
    %broadcast_in_dim3A_2436 = vector.broadcast %broadcast_in_dim3A_2435 : i32 to vector<16xi32>
    %broadcast_in_dim3A_2437 = arith.constant 1 : i32
    %broadcast_in_dim3A_2438 = vector.broadcast %broadcast_in_dim3A_2437 : i32 to vector<16xi32>
    %add3A_2439 = arith.constant 96 : i32
    %add3A_2440 = arith.addi %mul3A_2, %add3A_2439 : i32
    %broadcast_in_dim3A_2441 = vector.broadcast %add3A_2440 : i32 to vector<16xi32>
    %add3A_2442 = arith.addi %iota3A, %broadcast_in_dim3A_2441 : vector<16xi32>
    %broadcast_in_dim3A_2443 = arith.constant 2047 : i32
    %broadcast_in_dim3A_2444 = vector.broadcast %broadcast_in_dim3A_2443 : i32 to vector<16xi32>
    %sub3A_2445 = arith.subi %broadcast_in_dim3A_2444, %add3A_2442 : vector<16xi32>
    %max3A_2446 = arith.maxsi %sub3A_2445, %broadcast_in_dim3A_2436 : vector<16xi32>
    %broadcast_in_dim3A_2447 = arith.constant 16 : i32
    %broadcast_in_dim3A_2448 = vector.broadcast %broadcast_in_dim3A_2447 : i32 to vector<16xi32>
    %broadcast_in_dim3A_2449 = arith.constant 19 : i32
    %broadcast_in_dim3A_2450 = vector.broadcast %broadcast_in_dim3A_2449 : i32 to vector<16xi32>
    %ge3A_2451 = arith.cmpi sge, %max3A_2446, %broadcast_in_dim3A_2450 : vector<16xi32>
    %select_n3A_2452 = arith.select %ge3A_2451, %broadcast_in_dim3A_2438, %broadcast_in_dim3A_2436 : vector<16xi1>, vector<16xi32>
    %add3A_2453 = arith.addi %broadcast_in_dim3A_2448, %select_n3A_2452 : vector<16xi32>
    %broadcast_in_dim3A_2454 = arith.constant 21 : i32
    %broadcast_in_dim3A_2455 = vector.broadcast %broadcast_in_dim3A_2454 : i32 to vector<16xi32>
    %ge3A_2456 = arith.cmpi sge, %max3A_2446, %broadcast_in_dim3A_2455 : vector<16xi32>
    %select_n3A_2457 = arith.select %ge3A_2456, %broadcast_in_dim3A_2438, %broadcast_in_dim3A_2436 : vector<16xi1>, vector<16xi32>
    %add3A_2458 = arith.addi %add3A_2453, %select_n3A_2457 : vector<16xi32>
    %broadcast_in_dim3A_2459 = arith.constant 24 : i32
    %broadcast_in_dim3A_2460 = vector.broadcast %broadcast_in_dim3A_2459 : i32 to vector<16xi32>
    %ge3A_2461 = arith.cmpi sge, %max3A_2446, %broadcast_in_dim3A_2460 : vector<16xi32>
    %select_n3A_2462 = arith.select %ge3A_2461, %broadcast_in_dim3A_2438, %broadcast_in_dim3A_2436 : vector<16xi1>, vector<16xi32>
    %add3A_2463 = arith.addi %add3A_2458, %select_n3A_2462 : vector<16xi32>
    %broadcast_in_dim3A_2464 = arith.constant 27 : i32
    %broadcast_in_dim3A_2465 = vector.broadcast %broadcast_in_dim3A_2464 : i32 to vector<16xi32>
    %ge3A_2466 = arith.cmpi sge, %max3A_2446, %broadcast_in_dim3A_2465 : vector<16xi32>
    %select_n3A_2467 = arith.select %ge3A_2466, %broadcast_in_dim3A_2438, %broadcast_in_dim3A_2436 : vector<16xi1>, vector<16xi32>
    %add3A_2468 = arith.addi %add3A_2463, %select_n3A_2467 : vector<16xi32>
    %broadcast_in_dim3A_2469 = arith.constant 31 : i32
    %broadcast_in_dim3A_2470 = vector.broadcast %broadcast_in_dim3A_2469 : i32 to vector<16xi32>
    %ge3A_2471 = arith.cmpi sge, %max3A_2446, %broadcast_in_dim3A_2470 : vector<16xi32>
    %select_n3A_2472 = arith.select %ge3A_2471, %broadcast_in_dim3A_2438, %broadcast_in_dim3A_2436 : vector<16xi1>, vector<16xi32>
    %add3A_2473 = arith.addi %add3A_2468, %select_n3A_2472 : vector<16xi32>
    %broadcast_in_dim3A_2474 = arith.constant 35 : i32
    %broadcast_in_dim3A_2475 = vector.broadcast %broadcast_in_dim3A_2474 : i32 to vector<16xi32>
    %ge3A_2476 = arith.cmpi sge, %max3A_2446, %broadcast_in_dim3A_2475 : vector<16xi32>
    %select_n3A_2477 = arith.select %ge3A_2476, %broadcast_in_dim3A_2438, %broadcast_in_dim3A_2436 : vector<16xi1>, vector<16xi32>
    %add3A_2478 = arith.addi %add3A_2473, %select_n3A_2477 : vector<16xi32>
    %broadcast_in_dim3A_2479 = arith.constant 40 : i32
    %broadcast_in_dim3A_2480 = vector.broadcast %broadcast_in_dim3A_2479 : i32 to vector<16xi32>
    %ge3A_2481 = arith.cmpi sge, %max3A_2446, %broadcast_in_dim3A_2480 : vector<16xi32>
    %select_n3A_2482 = arith.select %ge3A_2481, %broadcast_in_dim3A_2438, %broadcast_in_dim3A_2436 : vector<16xi1>, vector<16xi32>
    %add3A_2483 = arith.addi %add3A_2478, %select_n3A_2482 : vector<16xi32>
    %broadcast_in_dim3A_2484 = arith.constant 46 : i32
    %broadcast_in_dim3A_2485 = vector.broadcast %broadcast_in_dim3A_2484 : i32 to vector<16xi32>
    %ge3A_2486 = arith.cmpi sge, %max3A_2446, %broadcast_in_dim3A_2485 : vector<16xi32>
    %select_n3A_2487 = arith.select %ge3A_2486, %broadcast_in_dim3A_2438, %broadcast_in_dim3A_2436 : vector<16xi1>, vector<16xi32>
    %add3A_2488 = arith.addi %add3A_2483, %select_n3A_2487 : vector<16xi32>
    %broadcast_in_dim3A_2489 = arith.constant 52 : i32
    %broadcast_in_dim3A_2490 = vector.broadcast %broadcast_in_dim3A_2489 : i32 to vector<16xi32>
    %ge3A_2491 = arith.cmpi sge, %max3A_2446, %broadcast_in_dim3A_2490 : vector<16xi32>
    %select_n3A_2492 = arith.select %ge3A_2491, %broadcast_in_dim3A_2438, %broadcast_in_dim3A_2436 : vector<16xi1>, vector<16xi32>
    %add3A_2493 = arith.addi %add3A_2488, %select_n3A_2492 : vector<16xi32>
    %broadcast_in_dim3A_2494 = arith.constant 59 : i32
    %broadcast_in_dim3A_2495 = vector.broadcast %broadcast_in_dim3A_2494 : i32 to vector<16xi32>
    %ge3A_2496 = arith.cmpi sge, %max3A_2446, %broadcast_in_dim3A_2495 : vector<16xi32>
    %select_n3A_2497 = arith.select %ge3A_2496, %broadcast_in_dim3A_2438, %broadcast_in_dim3A_2436 : vector<16xi1>, vector<16xi32>
    %add3A_2498 = arith.addi %add3A_2493, %select_n3A_2497 : vector<16xi32>
    %broadcast_in_dim3A_2499 = arith.constant 67 : i32
    %broadcast_in_dim3A_2500 = vector.broadcast %broadcast_in_dim3A_2499 : i32 to vector<16xi32>
    %ge3A_2501 = arith.cmpi sge, %max3A_2446, %broadcast_in_dim3A_2500 : vector<16xi32>
    %select_n3A_2502 = arith.select %ge3A_2501, %broadcast_in_dim3A_2438, %broadcast_in_dim3A_2436 : vector<16xi1>, vector<16xi32>
    %add3A_2503 = arith.addi %add3A_2498, %select_n3A_2502 : vector<16xi32>
    %broadcast_in_dim3A_2504 = arith.constant 77 : i32
    %broadcast_in_dim3A_2505 = vector.broadcast %broadcast_in_dim3A_2504 : i32 to vector<16xi32>
    %ge3A_2506 = arith.cmpi sge, %max3A_2446, %broadcast_in_dim3A_2505 : vector<16xi32>
    %select_n3A_2507 = arith.select %ge3A_2506, %broadcast_in_dim3A_2438, %broadcast_in_dim3A_2436 : vector<16xi1>, vector<16xi32>
    %add3A_2508 = arith.addi %add3A_2503, %select_n3A_2507 : vector<16xi32>
    %broadcast_in_dim3A_2509 = arith.constant 87 : i32
    %broadcast_in_dim3A_2510 = vector.broadcast %broadcast_in_dim3A_2509 : i32 to vector<16xi32>
    %ge3A_2511 = arith.cmpi sge, %max3A_2446, %broadcast_in_dim3A_2510 : vector<16xi32>
    %select_n3A_2512 = arith.select %ge3A_2511, %broadcast_in_dim3A_2438, %broadcast_in_dim3A_2436 : vector<16xi1>, vector<16xi32>
    %add3A_2513 = arith.addi %add3A_2508, %select_n3A_2512 : vector<16xi32>
    %broadcast_in_dim3A_2514 = arith.constant 99 : i32
    %broadcast_in_dim3A_2515 = vector.broadcast %broadcast_in_dim3A_2514 : i32 to vector<16xi32>
    %ge3A_2516 = arith.cmpi sge, %max3A_2446, %broadcast_in_dim3A_2515 : vector<16xi32>
    %select_n3A_2517 = arith.select %ge3A_2516, %broadcast_in_dim3A_2438, %broadcast_in_dim3A_2436 : vector<16xi1>, vector<16xi32>
    %add3A_2518 = arith.addi %add3A_2513, %select_n3A_2517 : vector<16xi32>
    %broadcast_in_dim3A_2519 = arith.constant 113 : i32
    %broadcast_in_dim3A_2520 = vector.broadcast %broadcast_in_dim3A_2519 : i32 to vector<16xi32>
    %ge3A_2521 = arith.cmpi sge, %max3A_2446, %broadcast_in_dim3A_2520 : vector<16xi32>
    %select_n3A_2522 = arith.select %ge3A_2521, %broadcast_in_dim3A_2438, %broadcast_in_dim3A_2436 : vector<16xi1>, vector<16xi32>
    %add3A_2523 = arith.addi %add3A_2518, %select_n3A_2522 : vector<16xi32>
    %broadcast_in_dim3A_2524 = arith.constant 16 : i32
    %broadcast_in_dim3A_2525 = vector.broadcast %broadcast_in_dim3A_2524 : i32 to vector<16xi32>
    %lt3A_2526 = arith.cmpi slt, %max3A_2446, %broadcast_in_dim3A_2525 : vector<16xi32>
    %select_n3A_2527 = arith.select %lt3A_2526, %max3A_2446, %add3A_2523 : vector<16xi1>, vector<16xi32>
    %broadcast_in_dim3A_2528 = arith.constant 15 : i32
    %broadcast_in_dim3A_2529 = vector.broadcast %broadcast_in_dim3A_2528 : i32 to vector<16xi32>
    %min3A_2530 = arith.minsi %select_n3A_2527, %broadcast_in_dim3A_2529 : vector<16xi32>
    %broadcast_in_dim3A_2531 = arith.constant 16 : i32
    %broadcast_in_dim3A_2532 = vector.broadcast %broadcast_in_dim3A_2531 : i32 to vector<16xi32>
    %sub3A_2533 = arith.subi %select_n3A_2527, %broadcast_in_dim3A_2532 : vector<16xi32>
    %max3A_2534 = arith.maxsi %sub3A_2533, %broadcast_in_dim3A_2436 : vector<16xi32>
    %broadcast_in_dim3A_2535 = arith.constant 16 : i32
    %broadcast_in_dim3A_2536 = vector.broadcast %broadcast_in_dim3A_2535 : i32 to vector<16xi32>
    %lt3A_2537 = arith.cmpi slt, %select_n3A_2527, %broadcast_in_dim3A_2536 : vector<16xi32>
    %get3A_2538 = arith.constant 0 : index
    %get3A_2539 = tpu.vector_load %arg4[%get3A_2538] {strides = array<i32>} : memref<512xf32, #tpu.memory_space<vmem>>, vector<16xf32>,
    %get3A_2540 = vector.shape_cast %get3A_2539 : vector<16xf32> to vector<16xf32>
    %get3A_2541 = arith.constant 16 : index
    %get3A_2542 = tpu.vector_load %arg4[%get3A_2541] {strides = array<i32>} : memref<512xf32, #tpu.memory_space<vmem>>, vector<16xf32>,
    %get3A_2543 = vector.shape_cast %get3A_2542 : vector<16xf32> to vector<16xf32>
    %broadcast_in_dim3A_2544 = vector.shape_cast %min3A_2530 : vector<16xi32> to vector<16x1xi32>
    %gather3A_2545 = vector.shape_cast %broadcast_in_dim3A_2544 : vector<16x1xi32> to vector<16xi32>
    %gather3A_2546 = tpu.dynamic_gather %get3A_2540[%gather3A_2545] in [0] : vector<16xf32>, vector<16xi32> -> vector<16xf32>
    %broadcast_in_dim3A_2547 = vector.shape_cast %max3A_2534 : vector<16xi32> to vector<16x1xi32>
    %gather3A_2548 = vector.shape_cast %broadcast_in_dim3A_2547 : vector<16x1xi32> to vector<16xi32>
    %gather3A_2549 = tpu.dynamic_gather %get3A_2543[%gather3A_2548] in [0] : vector<16xf32>, vector<16xi32> -> vector<16xf32>
    %select_n3A_2550 = arith.select %lt3A_2537, %gather3A_2546, %gather3A_2549 : vector<16xi1>, vector<16xf32>
    %swap3A_2551 = arith.constant 0 : i32
    %swap3A_2552 = arith.index_cast %swap3A_2551 : i32 to index
    %swap3A_2553 = arith.constant 96 : index
    %swap3A_2554 = tpu.vector_load %arg5[%swap3A_2552, %swap3A_2553] {strides = array<i32>} : memref<16x128xf32, #tpu.memory_space<vmem>>, vector<1x16xf32>,
    %swap3A_2555 = vector.shape_cast %swap3A_2554 : vector<1x16xf32> to vector<16xf32>
    %swap3A_2556 = vector.shape_cast %select_n3A_2550 : vector<16xf32> to vector<1x16xf32>
    tpu.vector_store %arg5[%swap3A_2552, %swap3A_2553], %swap3A_2556 {strides = array<i32>} : memref<16x128xf32, #tpu.memory_space<vmem>>, vector<1x16xf32>,
    %get3A_2557 = arith.constant 32 : index
    %get3A_2558 = tpu.vector_load %arg4[%get3A_2557] {strides = array<i32>} : memref<512xf32, #tpu.memory_space<vmem>>, vector<16xf32>,
    %get3A_2559 = vector.shape_cast %get3A_2558 : vector<16xf32> to vector<16xf32>
    %get3A_2560 = arith.constant 48 : index
    %get3A_2561 = tpu.vector_load %arg4[%get3A_2560] {strides = array<i32>} : memref<512xf32, #tpu.memory_space<vmem>>, vector<16xf32>,
    %get3A_2562 = vector.shape_cast %get3A_2561 : vector<16xf32> to vector<16xf32>
    %broadcast_in_dim3A_2563 = vector.shape_cast %min3A_2530 : vector<16xi32> to vector<16x1xi32>
    %gather3A_2564 = vector.shape_cast %broadcast_in_dim3A_2563 : vector<16x1xi32> to vector<16xi32>
    %gather3A_2565 = tpu.dynamic_gather %get3A_2559[%gather3A_2564] in [0] : vector<16xf32>, vector<16xi32> -> vector<16xf32>
    %broadcast_in_dim3A_2566 = vector.shape_cast %max3A_2534 : vector<16xi32> to vector<16x1xi32>
    %gather3A_2567 = vector.shape_cast %broadcast_in_dim3A_2566 : vector<16x1xi32> to vector<16xi32>
    %gather3A_2568 = tpu.dynamic_gather %get3A_2562[%gather3A_2567] in [0] : vector<16xf32>, vector<16xi32> -> vector<16xf32>
    %select_n3A_2569 = arith.select %lt3A_2537, %gather3A_2565, %gather3A_2568 : vector<16xi1>, vector<16xf32>
    %swap3A_2570 = arith.constant 1 : i32
    %swap3A_2571 = arith.index_cast %swap3A_2570 : i32 to index
    %swap3A_2572 = arith.constant 96 : index
    %swap3A_2573 = tpu.vector_load %arg5[%swap3A_2571, %swap3A_2572] {strides = array<i32>} : memref<16x128xf32, #tpu.memory_space<vmem>>, vector<1x16xf32>,
    %swap3A_2574 = vector.shape_cast %swap3A_2573 : vector<1x16xf32> to vector<16xf32>
    %swap3A_2575 = vector.shape_cast %select_n3A_2569 : vector<16xf32> to vector<1x16xf32>
    tpu.vector_store %arg5[%swap3A_2571, %swap3A_2572], %swap3A_2575 {strides = array<i32>} : memref<16x128xf32, #tpu.memory_space<vmem>>, vector<1x16xf32>,
    %get3A_2576 = arith.constant 64 : index
    %get3A_2577 = tpu.vector_load %arg4[%get3A_2576] {strides = array<i32>} : memref<512xf32, #tpu.memory_space<vmem>>, vector<16xf32>,
    %get3A_2578 = vector.shape_cast %get3A_2577 : vector<16xf32> to vector<16xf32>
    %get3A_2579 = arith.constant 80 : index
    %get3A_2580 = tpu.vector_load %arg4[%get3A_2579] {strides = array<i32>} : memref<512xf32, #tpu.memory_space<vmem>>, vector<16xf32>,
    %get3A_2581 = vector.shape_cast %get3A_2580 : vector<16xf32> to vector<16xf32>
    %broadcast_in_dim3A_2582 = vector.shape_cast %min3A_2530 : vector<16xi32> to vector<16x1xi32>
    %gather3A_2583 = vector.shape_cast %broadcast_in_dim3A_2582 : vector<16x1xi32> to vector<16xi32>
    %gather3A_2584 = tpu.dynamic_gather %get3A_2578[%gather3A_2583] in [0] : vector<16xf32>, vector<16xi32> -> vector<16xf32>
    %broadcast_in_dim3A_2585 = vector.shape_cast %max3A_2534 : vector<16xi32> to vector<16x1xi32>
    %gather3A_2586 = vector.shape_cast %broadcast_in_dim3A_2585 : vector<16x1xi32> to vector<16xi32>
    %gather3A_2587 = tpu.dynamic_gather %get3A_2581[%gather3A_2586] in [0] : vector<16xf32>, vector<16xi32> -> vector<16xf32>
    %select_n3A_2588 = arith.select %lt3A_2537, %gather3A_2584, %gather3A_2587 : vector<16xi1>, vector<16xf32>
    %swap3A_2589 = arith.constant 2 : i32
    %swap3A_2590 = arith.index_cast %swap3A_2589 : i32 to index
    %swap3A_2591 = arith.constant 96 : index
    %swap3A_2592 = tpu.vector_load %arg5[%swap3A_2590, %swap3A_2591] {strides = array<i32>} : memref<16x128xf32, #tpu.memory_space<vmem>>, vector<1x16xf32>,
    %swap3A_2593 = vector.shape_cast %swap3A_2592 : vector<1x16xf32> to vector<16xf32>
    %swap3A_2594 = vector.shape_cast %select_n3A_2588 : vector<16xf32> to vector<1x16xf32>
    tpu.vector_store %arg5[%swap3A_2590, %swap3A_2591], %swap3A_2594 {strides = array<i32>} : memref<16x128xf32, #tpu.memory_space<vmem>>, vector<1x16xf32>,
    %get3A_2595 = arith.constant 96 : index
    %get3A_2596 = tpu.vector_load %arg4[%get3A_2595] {strides = array<i32>} : memref<512xf32, #tpu.memory_space<vmem>>, vector<16xf32>,
    %get3A_2597 = vector.shape_cast %get3A_2596 : vector<16xf32> to vector<16xf32>
    %get3A_2598 = arith.constant 112 : index
    %get3A_2599 = tpu.vector_load %arg4[%get3A_2598] {strides = array<i32>} : memref<512xf32, #tpu.memory_space<vmem>>, vector<16xf32>,
    %get3A_2600 = vector.shape_cast %get3A_2599 : vector<16xf32> to vector<16xf32>
    %broadcast_in_dim3A_2601 = vector.shape_cast %min3A_2530 : vector<16xi32> to vector<16x1xi32>
    %gather3A_2602 = vector.shape_cast %broadcast_in_dim3A_2601 : vector<16x1xi32> to vector<16xi32>
    %gather3A_2603 = tpu.dynamic_gather %get3A_2597[%gather3A_2602] in [0] : vector<16xf32>, vector<16xi32> -> vector<16xf32>
    %broadcast_in_dim3A_2604 = vector.shape_cast %max3A_2534 : vector<16xi32> to vector<16x1xi32>
    %gather3A_2605 = vector.shape_cast %broadcast_in_dim3A_2604 : vector<16x1xi32> to vector<16xi32>
    %gather3A_2606 = tpu.dynamic_gather %get3A_2600[%gather3A_2605] in [0] : vector<16xf32>, vector<16xi32> -> vector<16xf32>
    %select_n3A_2607 = arith.select %lt3A_2537, %gather3A_2603, %gather3A_2606 : vector<16xi1>, vector<16xf32>
    %swap3A_2608 = arith.constant 3 : i32
    %swap3A_2609 = arith.index_cast %swap3A_2608 : i32 to index
    %swap3A_2610 = arith.constant 96 : index
    %swap3A_2611 = tpu.vector_load %arg5[%swap3A_2609, %swap3A_2610] {strides = array<i32>} : memref<16x128xf32, #tpu.memory_space<vmem>>, vector<1x16xf32>,
    %swap3A_2612 = vector.shape_cast %swap3A_2611 : vector<1x16xf32> to vector<16xf32>
    %swap3A_2613 = vector.shape_cast %select_n3A_2607 : vector<16xf32> to vector<1x16xf32>
    tpu.vector_store %arg5[%swap3A_2609, %swap3A_2610], %swap3A_2613 {strides = array<i32>} : memref<16x128xf32, #tpu.memory_space<vmem>>, vector<1x16xf32>,
    %get3A_2614 = arith.constant 128 : index
    %get3A_2615 = tpu.vector_load %arg4[%get3A_2614] {strides = array<i32>} : memref<512xf32, #tpu.memory_space<vmem>>, vector<16xf32>,
    %get3A_2616 = vector.shape_cast %get3A_2615 : vector<16xf32> to vector<16xf32>
    %get3A_2617 = arith.constant 144 : index
    %get3A_2618 = tpu.vector_load %arg4[%get3A_2617] {strides = array<i32>} : memref<512xf32, #tpu.memory_space<vmem>>, vector<16xf32>,
    %get3A_2619 = vector.shape_cast %get3A_2618 : vector<16xf32> to vector<16xf32>
    %broadcast_in_dim3A_2620 = vector.shape_cast %min3A_2530 : vector<16xi32> to vector<16x1xi32>
    %gather3A_2621 = vector.shape_cast %broadcast_in_dim3A_2620 : vector<16x1xi32> to vector<16xi32>
    %gather3A_2622 = tpu.dynamic_gather %get3A_2616[%gather3A_2621] in [0] : vector<16xf32>, vector<16xi32> -> vector<16xf32>
    %broadcast_in_dim3A_2623 = vector.shape_cast %max3A_2534 : vector<16xi32> to vector<16x1xi32>
    %gather3A_2624 = vector.shape_cast %broadcast_in_dim3A_2623 : vector<16x1xi32> to vector<16xi32>
    %gather3A_2625 = tpu.dynamic_gather %get3A_2619[%gather3A_2624] in [0] : vector<16xf32>, vector<16xi32> -> vector<16xf32>
    %select_n3A_2626 = arith.select %lt3A_2537, %gather3A_2622, %gather3A_2625 : vector<16xi1>, vector<16xf32>
    %swap3A_2627 = arith.constant 4 : i32
    %swap3A_2628 = arith.index_cast %swap3A_2627 : i32 to index
    %swap3A_2629 = arith.constant 96 : index
    %swap3A_2630 = tpu.vector_load %arg5[%swap3A_2628, %swap3A_2629] {strides = array<i32>} : memref<16x128xf32, #tpu.memory_space<vmem>>, vector<1x16xf32>,
    %swap3A_2631 = vector.shape_cast %swap3A_2630 : vector<1x16xf32> to vector<16xf32>
    %swap3A_2632 = vector.shape_cast %select_n3A_2626 : vector<16xf32> to vector<1x16xf32>
    tpu.vector_store %arg5[%swap3A_2628, %swap3A_2629], %swap3A_2632 {strides = array<i32>} : memref<16x128xf32, #tpu.memory_space<vmem>>, vector<1x16xf32>,
    %get3A_2633 = arith.constant 160 : index
    %get3A_2634 = tpu.vector_load %arg4[%get3A_2633] {strides = array<i32>} : memref<512xf32, #tpu.memory_space<vmem>>, vector<16xf32>,
    %get3A_2635 = vector.shape_cast %get3A_2634 : vector<16xf32> to vector<16xf32>
    %get3A_2636 = arith.constant 176 : index
    %get3A_2637 = tpu.vector_load %arg4[%get3A_2636] {strides = array<i32>} : memref<512xf32, #tpu.memory_space<vmem>>, vector<16xf32>,
    %get3A_2638 = vector.shape_cast %get3A_2637 : vector<16xf32> to vector<16xf32>
    %broadcast_in_dim3A_2639 = vector.shape_cast %min3A_2530 : vector<16xi32> to vector<16x1xi32>
    %gather3A_2640 = vector.shape_cast %broadcast_in_dim3A_2639 : vector<16x1xi32> to vector<16xi32>
    %gather3A_2641 = tpu.dynamic_gather %get3A_2635[%gather3A_2640] in [0] : vector<16xf32>, vector<16xi32> -> vector<16xf32>
    %broadcast_in_dim3A_2642 = vector.shape_cast %max3A_2534 : vector<16xi32> to vector<16x1xi32>
    %gather3A_2643 = vector.shape_cast %broadcast_in_dim3A_2642 : vector<16x1xi32> to vector<16xi32>
    %gather3A_2644 = tpu.dynamic_gather %get3A_2638[%gather3A_2643] in [0] : vector<16xf32>, vector<16xi32> -> vector<16xf32>
    %select_n3A_2645 = arith.select %lt3A_2537, %gather3A_2641, %gather3A_2644 : vector<16xi1>, vector<16xf32>
    %swap3A_2646 = arith.constant 5 : i32
    %swap3A_2647 = arith.index_cast %swap3A_2646 : i32 to index
    %swap3A_2648 = arith.constant 96 : index
    %swap3A_2649 = tpu.vector_load %arg5[%swap3A_2647, %swap3A_2648] {strides = array<i32>} : memref<16x128xf32, #tpu.memory_space<vmem>>, vector<1x16xf32>,
    %swap3A_2650 = vector.shape_cast %swap3A_2649 : vector<1x16xf32> to vector<16xf32>
    %swap3A_2651 = vector.shape_cast %select_n3A_2645 : vector<16xf32> to vector<1x16xf32>
    tpu.vector_store %arg5[%swap3A_2647, %swap3A_2648], %swap3A_2651 {strides = array<i32>} : memref<16x128xf32, #tpu.memory_space<vmem>>, vector<1x16xf32>,
    %get3A_2652 = arith.constant 192 : index
    %get3A_2653 = tpu.vector_load %arg4[%get3A_2652] {strides = array<i32>} : memref<512xf32, #tpu.memory_space<vmem>>, vector<16xf32>,
    %get3A_2654 = vector.shape_cast %get3A_2653 : vector<16xf32> to vector<16xf32>
    %get3A_2655 = arith.constant 208 : index
    %get3A_2656 = tpu.vector_load %arg4[%get3A_2655] {strides = array<i32>} : memref<512xf32, #tpu.memory_space<vmem>>, vector<16xf32>,
    %get3A_2657 = vector.shape_cast %get3A_2656 : vector<16xf32> to vector<16xf32>
    %broadcast_in_dim3A_2658 = vector.shape_cast %min3A_2530 : vector<16xi32> to vector<16x1xi32>
    %gather3A_2659 = vector.shape_cast %broadcast_in_dim3A_2658 : vector<16x1xi32> to vector<16xi32>
    %gather3A_2660 = tpu.dynamic_gather %get3A_2654[%gather3A_2659] in [0] : vector<16xf32>, vector<16xi32> -> vector<16xf32>
    %broadcast_in_dim3A_2661 = vector.shape_cast %max3A_2534 : vector<16xi32> to vector<16x1xi32>
    %gather3A_2662 = vector.shape_cast %broadcast_in_dim3A_2661 : vector<16x1xi32> to vector<16xi32>
    %gather3A_2663 = tpu.dynamic_gather %get3A_2657[%gather3A_2662] in [0] : vector<16xf32>, vector<16xi32> -> vector<16xf32>
    %select_n3A_2664 = arith.select %lt3A_2537, %gather3A_2660, %gather3A_2663 : vector<16xi1>, vector<16xf32>
    %swap3A_2665 = arith.constant 6 : i32
    %swap3A_2666 = arith.index_cast %swap3A_2665 : i32 to index
    %swap3A_2667 = arith.constant 96 : index
    %swap3A_2668 = tpu.vector_load %arg5[%swap3A_2666, %swap3A_2667] {strides = array<i32>} : memref<16x128xf32, #tpu.memory_space<vmem>>, vector<1x16xf32>,
    %swap3A_2669 = vector.shape_cast %swap3A_2668 : vector<1x16xf32> to vector<16xf32>
    %swap3A_2670 = vector.shape_cast %select_n3A_2664 : vector<16xf32> to vector<1x16xf32>
    tpu.vector_store %arg5[%swap3A_2666, %swap3A_2667], %swap3A_2670 {strides = array<i32>} : memref<16x128xf32, #tpu.memory_space<vmem>>, vector<1x16xf32>,
    %get3A_2671 = arith.constant 224 : index
    %get3A_2672 = tpu.vector_load %arg4[%get3A_2671] {strides = array<i32>} : memref<512xf32, #tpu.memory_space<vmem>>, vector<16xf32>,
    %get3A_2673 = vector.shape_cast %get3A_2672 : vector<16xf32> to vector<16xf32>
    %get3A_2674 = arith.constant 240 : index
    %get3A_2675 = tpu.vector_load %arg4[%get3A_2674] {strides = array<i32>} : memref<512xf32, #tpu.memory_space<vmem>>, vector<16xf32>,
    %get3A_2676 = vector.shape_cast %get3A_2675 : vector<16xf32> to vector<16xf32>
    %broadcast_in_dim3A_2677 = vector.shape_cast %min3A_2530 : vector<16xi32> to vector<16x1xi32>
    %gather3A_2678 = vector.shape_cast %broadcast_in_dim3A_2677 : vector<16x1xi32> to vector<16xi32>
    %gather3A_2679 = tpu.dynamic_gather %get3A_2673[%gather3A_2678] in [0] : vector<16xf32>, vector<16xi32> -> vector<16xf32>
    %broadcast_in_dim3A_2680 = vector.shape_cast %max3A_2534 : vector<16xi32> to vector<16x1xi32>
    %gather3A_2681 = vector.shape_cast %broadcast_in_dim3A_2680 : vector<16x1xi32> to vector<16xi32>
    %gather3A_2682 = tpu.dynamic_gather %get3A_2676[%gather3A_2681] in [0] : vector<16xf32>, vector<16xi32> -> vector<16xf32>
    %select_n3A_2683 = arith.select %lt3A_2537, %gather3A_2679, %gather3A_2682 : vector<16xi1>, vector<16xf32>
    %swap3A_2684 = arith.constant 7 : i32
    %swap3A_2685 = arith.index_cast %swap3A_2684 : i32 to index
    %swap3A_2686 = arith.constant 96 : index
    %swap3A_2687 = tpu.vector_load %arg5[%swap3A_2685, %swap3A_2686] {strides = array<i32>} : memref<16x128xf32, #tpu.memory_space<vmem>>, vector<1x16xf32>,
    %swap3A_2688 = vector.shape_cast %swap3A_2687 : vector<1x16xf32> to vector<16xf32>
    %swap3A_2689 = vector.shape_cast %select_n3A_2683 : vector<16xf32> to vector<1x16xf32>
    tpu.vector_store %arg5[%swap3A_2685, %swap3A_2686], %swap3A_2689 {strides = array<i32>} : memref<16x128xf32, #tpu.memory_space<vmem>>, vector<1x16xf32>,
    %get3A_2690 = arith.constant 256 : index
    %get3A_2691 = tpu.vector_load %arg4[%get3A_2690] {strides = array<i32>} : memref<512xf32, #tpu.memory_space<vmem>>, vector<16xf32>,
    %get3A_2692 = vector.shape_cast %get3A_2691 : vector<16xf32> to vector<16xf32>
    %get3A_2693 = arith.constant 272 : index
    %get3A_2694 = tpu.vector_load %arg4[%get3A_2693] {strides = array<i32>} : memref<512xf32, #tpu.memory_space<vmem>>, vector<16xf32>,
    %get3A_2695 = vector.shape_cast %get3A_2694 : vector<16xf32> to vector<16xf32>
    %broadcast_in_dim3A_2696 = vector.shape_cast %min3A_2530 : vector<16xi32> to vector<16x1xi32>
    %gather3A_2697 = vector.shape_cast %broadcast_in_dim3A_2696 : vector<16x1xi32> to vector<16xi32>
    %gather3A_2698 = tpu.dynamic_gather %get3A_2692[%gather3A_2697] in [0] : vector<16xf32>, vector<16xi32> -> vector<16xf32>
    %broadcast_in_dim3A_2699 = vector.shape_cast %max3A_2534 : vector<16xi32> to vector<16x1xi32>
    %gather3A_2700 = vector.shape_cast %broadcast_in_dim3A_2699 : vector<16x1xi32> to vector<16xi32>
    %gather3A_2701 = tpu.dynamic_gather %get3A_2695[%gather3A_2700] in [0] : vector<16xf32>, vector<16xi32> -> vector<16xf32>
    %select_n3A_2702 = arith.select %lt3A_2537, %gather3A_2698, %gather3A_2701 : vector<16xi1>, vector<16xf32>
    %swap3A_2703 = arith.constant 8 : i32
    %swap3A_2704 = arith.index_cast %swap3A_2703 : i32 to index
    %swap3A_2705 = arith.constant 96 : index
    %swap3A_2706 = tpu.vector_load %arg5[%swap3A_2704, %swap3A_2705] {strides = array<i32>} : memref<16x128xf32, #tpu.memory_space<vmem>>, vector<1x16xf32>,
    %swap3A_2707 = vector.shape_cast %swap3A_2706 : vector<1x16xf32> to vector<16xf32>
    %swap3A_2708 = vector.shape_cast %select_n3A_2702 : vector<16xf32> to vector<1x16xf32>
    tpu.vector_store %arg5[%swap3A_2704, %swap3A_2705], %swap3A_2708 {strides = array<i32>} : memref<16x128xf32, #tpu.memory_space<vmem>>, vector<1x16xf32>,
    %get3A_2709 = arith.constant 288 : index
    %get3A_2710 = tpu.vector_load %arg4[%get3A_2709] {strides = array<i32>} : memref<512xf32, #tpu.memory_space<vmem>>, vector<16xf32>,
    %get3A_2711 = vector.shape_cast %get3A_2710 : vector<16xf32> to vector<16xf32>
    %get3A_2712 = arith.constant 304 : index
    %get3A_2713 = tpu.vector_load %arg4[%get3A_2712] {strides = array<i32>} : memref<512xf32, #tpu.memory_space<vmem>>, vector<16xf32>,
    %get3A_2714 = vector.shape_cast %get3A_2713 : vector<16xf32> to vector<16xf32>
    %broadcast_in_dim3A_2715 = vector.shape_cast %min3A_2530 : vector<16xi32> to vector<16x1xi32>
    %gather3A_2716 = vector.shape_cast %broadcast_in_dim3A_2715 : vector<16x1xi32> to vector<16xi32>
    %gather3A_2717 = tpu.dynamic_gather %get3A_2711[%gather3A_2716] in [0] : vector<16xf32>, vector<16xi32> -> vector<16xf32>
    %broadcast_in_dim3A_2718 = vector.shape_cast %max3A_2534 : vector<16xi32> to vector<16x1xi32>
    %gather3A_2719 = vector.shape_cast %broadcast_in_dim3A_2718 : vector<16x1xi32> to vector<16xi32>
    %gather3A_2720 = tpu.dynamic_gather %get3A_2714[%gather3A_2719] in [0] : vector<16xf32>, vector<16xi32> -> vector<16xf32>
    %select_n3A_2721 = arith.select %lt3A_2537, %gather3A_2717, %gather3A_2720 : vector<16xi1>, vector<16xf32>
    %swap3A_2722 = arith.constant 9 : i32
    %swap3A_2723 = arith.index_cast %swap3A_2722 : i32 to index
    %swap3A_2724 = arith.constant 96 : index
    %swap3A_2725 = tpu.vector_load %arg5[%swap3A_2723, %swap3A_2724] {strides = array<i32>} : memref<16x128xf32, #tpu.memory_space<vmem>>, vector<1x16xf32>,
    %swap3A_2726 = vector.shape_cast %swap3A_2725 : vector<1x16xf32> to vector<16xf32>
    %swap3A_2727 = vector.shape_cast %select_n3A_2721 : vector<16xf32> to vector<1x16xf32>
    tpu.vector_store %arg5[%swap3A_2723, %swap3A_2724], %swap3A_2727 {strides = array<i32>} : memref<16x128xf32, #tpu.memory_space<vmem>>, vector<1x16xf32>,
    %get3A_2728 = arith.constant 320 : index
    %get3A_2729 = tpu.vector_load %arg4[%get3A_2728] {strides = array<i32>} : memref<512xf32, #tpu.memory_space<vmem>>, vector<16xf32>,
    %get3A_2730 = vector.shape_cast %get3A_2729 : vector<16xf32> to vector<16xf32>
    %get3A_2731 = arith.constant 336 : index
    %get3A_2732 = tpu.vector_load %arg4[%get3A_2731] {strides = array<i32>} : memref<512xf32, #tpu.memory_space<vmem>>, vector<16xf32>,
    %get3A_2733 = vector.shape_cast %get3A_2732 : vector<16xf32> to vector<16xf32>
    %broadcast_in_dim3A_2734 = vector.shape_cast %min3A_2530 : vector<16xi32> to vector<16x1xi32>
    %gather3A_2735 = vector.shape_cast %broadcast_in_dim3A_2734 : vector<16x1xi32> to vector<16xi32>
    %gather3A_2736 = tpu.dynamic_gather %get3A_2730[%gather3A_2735] in [0] : vector<16xf32>, vector<16xi32> -> vector<16xf32>
    %broadcast_in_dim3A_2737 = vector.shape_cast %max3A_2534 : vector<16xi32> to vector<16x1xi32>
    %gather3A_2738 = vector.shape_cast %broadcast_in_dim3A_2737 : vector<16x1xi32> to vector<16xi32>
    %gather3A_2739 = tpu.dynamic_gather %get3A_2733[%gather3A_2738] in [0] : vector<16xf32>, vector<16xi32> -> vector<16xf32>
    %select_n3A_2740 = arith.select %lt3A_2537, %gather3A_2736, %gather3A_2739 : vector<16xi1>, vector<16xf32>
    %swap3A_2741 = arith.constant 10 : i32
    %swap3A_2742 = arith.index_cast %swap3A_2741 : i32 to index
    %swap3A_2743 = arith.constant 96 : index
    %swap3A_2744 = tpu.vector_load %arg5[%swap3A_2742, %swap3A_2743] {strides = array<i32>} : memref<16x128xf32, #tpu.memory_space<vmem>>, vector<1x16xf32>,
    %swap3A_2745 = vector.shape_cast %swap3A_2744 : vector<1x16xf32> to vector<16xf32>
    %swap3A_2746 = vector.shape_cast %select_n3A_2740 : vector<16xf32> to vector<1x16xf32>
    tpu.vector_store %arg5[%swap3A_2742, %swap3A_2743], %swap3A_2746 {strides = array<i32>} : memref<16x128xf32, #tpu.memory_space<vmem>>, vector<1x16xf32>,
    %get3A_2747 = arith.constant 352 : index
    %get3A_2748 = tpu.vector_load %arg4[%get3A_2747] {strides = array<i32>} : memref<512xf32, #tpu.memory_space<vmem>>, vector<16xf32>,
    %get3A_2749 = vector.shape_cast %get3A_2748 : vector<16xf32> to vector<16xf32>
    %get3A_2750 = arith.constant 368 : index
    %get3A_2751 = tpu.vector_load %arg4[%get3A_2750] {strides = array<i32>} : memref<512xf32, #tpu.memory_space<vmem>>, vector<16xf32>,
    %get3A_2752 = vector.shape_cast %get3A_2751 : vector<16xf32> to vector<16xf32>
    %broadcast_in_dim3A_2753 = vector.shape_cast %min3A_2530 : vector<16xi32> to vector<16x1xi32>
    %gather3A_2754 = vector.shape_cast %broadcast_in_dim3A_2753 : vector<16x1xi32> to vector<16xi32>
    %gather3A_2755 = tpu.dynamic_gather %get3A_2749[%gather3A_2754] in [0] : vector<16xf32>, vector<16xi32> -> vector<16xf32>
    %broadcast_in_dim3A_2756 = vector.shape_cast %max3A_2534 : vector<16xi32> to vector<16x1xi32>
    %gather3A_2757 = vector.shape_cast %broadcast_in_dim3A_2756 : vector<16x1xi32> to vector<16xi32>
    %gather3A_2758 = tpu.dynamic_gather %get3A_2752[%gather3A_2757] in [0] : vector<16xf32>, vector<16xi32> -> vector<16xf32>
    %select_n3A_2759 = arith.select %lt3A_2537, %gather3A_2755, %gather3A_2758 : vector<16xi1>, vector<16xf32>
    %swap3A_2760 = arith.constant 11 : i32
    %swap3A_2761 = arith.index_cast %swap3A_2760 : i32 to index
    %swap3A_2762 = arith.constant 96 : index
    %swap3A_2763 = tpu.vector_load %arg5[%swap3A_2761, %swap3A_2762] {strides = array<i32>} : memref<16x128xf32, #tpu.memory_space<vmem>>, vector<1x16xf32>,
    %swap3A_2764 = vector.shape_cast %swap3A_2763 : vector<1x16xf32> to vector<16xf32>
    %swap3A_2765 = vector.shape_cast %select_n3A_2759 : vector<16xf32> to vector<1x16xf32>
    tpu.vector_store %arg5[%swap3A_2761, %swap3A_2762], %swap3A_2765 {strides = array<i32>} : memref<16x128xf32, #tpu.memory_space<vmem>>, vector<1x16xf32>,
    %get3A_2766 = arith.constant 384 : index
    %get3A_2767 = tpu.vector_load %arg4[%get3A_2766] {strides = array<i32>} : memref<512xf32, #tpu.memory_space<vmem>>, vector<16xf32>,
    %get3A_2768 = vector.shape_cast %get3A_2767 : vector<16xf32> to vector<16xf32>
    %get3A_2769 = arith.constant 400 : index
    %get3A_2770 = tpu.vector_load %arg4[%get3A_2769] {strides = array<i32>} : memref<512xf32, #tpu.memory_space<vmem>>, vector<16xf32>,
    %get3A_2771 = vector.shape_cast %get3A_2770 : vector<16xf32> to vector<16xf32>
    %broadcast_in_dim3A_2772 = vector.shape_cast %min3A_2530 : vector<16xi32> to vector<16x1xi32>
    %gather3A_2773 = vector.shape_cast %broadcast_in_dim3A_2772 : vector<16x1xi32> to vector<16xi32>
    %gather3A_2774 = tpu.dynamic_gather %get3A_2768[%gather3A_2773] in [0] : vector<16xf32>, vector<16xi32> -> vector<16xf32>
    %broadcast_in_dim3A_2775 = vector.shape_cast %max3A_2534 : vector<16xi32> to vector<16x1xi32>
    %gather3A_2776 = vector.shape_cast %broadcast_in_dim3A_2775 : vector<16x1xi32> to vector<16xi32>
    %gather3A_2777 = tpu.dynamic_gather %get3A_2771[%gather3A_2776] in [0] : vector<16xf32>, vector<16xi32> -> vector<16xf32>
    %select_n3A_2778 = arith.select %lt3A_2537, %gather3A_2774, %gather3A_2777 : vector<16xi1>, vector<16xf32>
    %swap3A_2779 = arith.constant 12 : i32
    %swap3A_2780 = arith.index_cast %swap3A_2779 : i32 to index
    %swap3A_2781 = arith.constant 96 : index
    %swap3A_2782 = tpu.vector_load %arg5[%swap3A_2780, %swap3A_2781] {strides = array<i32>} : memref<16x128xf32, #tpu.memory_space<vmem>>, vector<1x16xf32>,
    %swap3A_2783 = vector.shape_cast %swap3A_2782 : vector<1x16xf32> to vector<16xf32>
    %swap3A_2784 = vector.shape_cast %select_n3A_2778 : vector<16xf32> to vector<1x16xf32>
    tpu.vector_store %arg5[%swap3A_2780, %swap3A_2781], %swap3A_2784 {strides = array<i32>} : memref<16x128xf32, #tpu.memory_space<vmem>>, vector<1x16xf32>,
    %get3A_2785 = arith.constant 416 : index
    %get3A_2786 = tpu.vector_load %arg4[%get3A_2785] {strides = array<i32>} : memref<512xf32, #tpu.memory_space<vmem>>, vector<16xf32>,
    %get3A_2787 = vector.shape_cast %get3A_2786 : vector<16xf32> to vector<16xf32>
    %get3A_2788 = arith.constant 432 : index
    %get3A_2789 = tpu.vector_load %arg4[%get3A_2788] {strides = array<i32>} : memref<512xf32, #tpu.memory_space<vmem>>, vector<16xf32>,
    %get3A_2790 = vector.shape_cast %get3A_2789 : vector<16xf32> to vector<16xf32>
    %broadcast_in_dim3A_2791 = vector.shape_cast %min3A_2530 : vector<16xi32> to vector<16x1xi32>
    %gather3A_2792 = vector.shape_cast %broadcast_in_dim3A_2791 : vector<16x1xi32> to vector<16xi32>
    %gather3A_2793 = tpu.dynamic_gather %get3A_2787[%gather3A_2792] in [0] : vector<16xf32>, vector<16xi32> -> vector<16xf32>
    %broadcast_in_dim3A_2794 = vector.shape_cast %max3A_2534 : vector<16xi32> to vector<16x1xi32>
    %gather3A_2795 = vector.shape_cast %broadcast_in_dim3A_2794 : vector<16x1xi32> to vector<16xi32>
    %gather3A_2796 = tpu.dynamic_gather %get3A_2790[%gather3A_2795] in [0] : vector<16xf32>, vector<16xi32> -> vector<16xf32>
    %select_n3A_2797 = arith.select %lt3A_2537, %gather3A_2793, %gather3A_2796 : vector<16xi1>, vector<16xf32>
    %swap3A_2798 = arith.constant 13 : i32
    %swap3A_2799 = arith.index_cast %swap3A_2798 : i32 to index
    %swap3A_2800 = arith.constant 96 : index
    %swap3A_2801 = tpu.vector_load %arg5[%swap3A_2799, %swap3A_2800] {strides = array<i32>} : memref<16x128xf32, #tpu.memory_space<vmem>>, vector<1x16xf32>,
    %swap3A_2802 = vector.shape_cast %swap3A_2801 : vector<1x16xf32> to vector<16xf32>
    %swap3A_2803 = vector.shape_cast %select_n3A_2797 : vector<16xf32> to vector<1x16xf32>
    tpu.vector_store %arg5[%swap3A_2799, %swap3A_2800], %swap3A_2803 {strides = array<i32>} : memref<16x128xf32, #tpu.memory_space<vmem>>, vector<1x16xf32>,
    %get3A_2804 = arith.constant 448 : index
    %get3A_2805 = tpu.vector_load %arg4[%get3A_2804] {strides = array<i32>} : memref<512xf32, #tpu.memory_space<vmem>>, vector<16xf32>,
    %get3A_2806 = vector.shape_cast %get3A_2805 : vector<16xf32> to vector<16xf32>
    %get3A_2807 = arith.constant 464 : index
    %get3A_2808 = tpu.vector_load %arg4[%get3A_2807] {strides = array<i32>} : memref<512xf32, #tpu.memory_space<vmem>>, vector<16xf32>,
    %get3A_2809 = vector.shape_cast %get3A_2808 : vector<16xf32> to vector<16xf32>
    %broadcast_in_dim3A_2810 = vector.shape_cast %min3A_2530 : vector<16xi32> to vector<16x1xi32>
    %gather3A_2811 = vector.shape_cast %broadcast_in_dim3A_2810 : vector<16x1xi32> to vector<16xi32>
    %gather3A_2812 = tpu.dynamic_gather %get3A_2806[%gather3A_2811] in [0] : vector<16xf32>, vector<16xi32> -> vector<16xf32>
    %broadcast_in_dim3A_2813 = vector.shape_cast %max3A_2534 : vector<16xi32> to vector<16x1xi32>
    %gather3A_2814 = vector.shape_cast %broadcast_in_dim3A_2813 : vector<16x1xi32> to vector<16xi32>
    %gather3A_2815 = tpu.dynamic_gather %get3A_2809[%gather3A_2814] in [0] : vector<16xf32>, vector<16xi32> -> vector<16xf32>
    %select_n3A_2816 = arith.select %lt3A_2537, %gather3A_2812, %gather3A_2815 : vector<16xi1>, vector<16xf32>
    %swap3A_2817 = arith.constant 14 : i32
    %swap3A_2818 = arith.index_cast %swap3A_2817 : i32 to index
    %swap3A_2819 = arith.constant 96 : index
    %swap3A_2820 = tpu.vector_load %arg5[%swap3A_2818, %swap3A_2819] {strides = array<i32>} : memref<16x128xf32, #tpu.memory_space<vmem>>, vector<1x16xf32>,
    %swap3A_2821 = vector.shape_cast %swap3A_2820 : vector<1x16xf32> to vector<16xf32>
    %swap3A_2822 = vector.shape_cast %select_n3A_2816 : vector<16xf32> to vector<1x16xf32>
    tpu.vector_store %arg5[%swap3A_2818, %swap3A_2819], %swap3A_2822 {strides = array<i32>} : memref<16x128xf32, #tpu.memory_space<vmem>>, vector<1x16xf32>,
    %get3A_2823 = arith.constant 480 : index
    %get3A_2824 = tpu.vector_load %arg4[%get3A_2823] {strides = array<i32>} : memref<512xf32, #tpu.memory_space<vmem>>, vector<16xf32>,
    %get3A_2825 = vector.shape_cast %get3A_2824 : vector<16xf32> to vector<16xf32>
    %get3A_2826 = arith.constant 496 : index
    %get3A_2827 = tpu.vector_load %arg4[%get3A_2826] {strides = array<i32>} : memref<512xf32, #tpu.memory_space<vmem>>, vector<16xf32>,
    %get3A_2828 = vector.shape_cast %get3A_2827 : vector<16xf32> to vector<16xf32>
    %broadcast_in_dim3A_2829 = vector.shape_cast %min3A_2530 : vector<16xi32> to vector<16x1xi32>
    %gather3A_2830 = vector.shape_cast %broadcast_in_dim3A_2829 : vector<16x1xi32> to vector<16xi32>
    %gather3A_2831 = tpu.dynamic_gather %get3A_2825[%gather3A_2830] in [0] : vector<16xf32>, vector<16xi32> -> vector<16xf32>
    %broadcast_in_dim3A_2832 = vector.shape_cast %max3A_2534 : vector<16xi32> to vector<16x1xi32>
    %gather3A_2833 = vector.shape_cast %broadcast_in_dim3A_2832 : vector<16x1xi32> to vector<16xi32>
    %gather3A_2834 = tpu.dynamic_gather %get3A_2828[%gather3A_2833] in [0] : vector<16xf32>, vector<16xi32> -> vector<16xf32>
    %select_n3A_2835 = arith.select %lt3A_2537, %gather3A_2831, %gather3A_2834 : vector<16xi1>, vector<16xf32>
    %swap3A_2836 = arith.constant 15 : i32
    %swap3A_2837 = arith.index_cast %swap3A_2836 : i32 to index
    %swap3A_2838 = arith.constant 96 : index
    %swap3A_2839 = tpu.vector_load %arg5[%swap3A_2837, %swap3A_2838] {strides = array<i32>} : memref<16x128xf32, #tpu.memory_space<vmem>>, vector<1x16xf32>,
    %swap3A_2840 = vector.shape_cast %swap3A_2839 : vector<1x16xf32> to vector<16xf32>
    %swap3A_2841 = vector.shape_cast %select_n3A_2835 : vector<16xf32> to vector<1x16xf32>
    tpu.vector_store %arg5[%swap3A_2837, %swap3A_2838], %swap3A_2841 {strides = array<i32>} : memref<16x128xf32, #tpu.memory_space<vmem>>, vector<1x16xf32>,
    %broadcast_in_dim3A_2842 = arith.constant 0 : i32
    %broadcast_in_dim3A_2843 = vector.broadcast %broadcast_in_dim3A_2842 : i32 to vector<16xi32>
    %broadcast_in_dim3A_2844 = arith.constant 1 : i32
    %broadcast_in_dim3A_2845 = vector.broadcast %broadcast_in_dim3A_2844 : i32 to vector<16xi32>
    %add3A_2846 = arith.constant 112 : i32
    %add3A_2847 = arith.addi %mul3A_2, %add3A_2846 : i32
    %broadcast_in_dim3A_2848 = vector.broadcast %add3A_2847 : i32 to vector<16xi32>
    %add3A_2849 = arith.addi %iota3A, %broadcast_in_dim3A_2848 : vector<16xi32>
    %broadcast_in_dim3A_2850 = arith.constant 2047 : i32
    %broadcast_in_dim3A_2851 = vector.broadcast %broadcast_in_dim3A_2850 : i32 to vector<16xi32>
    %sub3A_2852 = arith.subi %broadcast_in_dim3A_2851, %add3A_2849 : vector<16xi32>
    %max3A_2853 = arith.maxsi %sub3A_2852, %broadcast_in_dim3A_2843 : vector<16xi32>
    %broadcast_in_dim3A_2854 = arith.constant 16 : i32
    %broadcast_in_dim3A_2855 = vector.broadcast %broadcast_in_dim3A_2854 : i32 to vector<16xi32>
    %broadcast_in_dim3A_2856 = arith.constant 19 : i32
    %broadcast_in_dim3A_2857 = vector.broadcast %broadcast_in_dim3A_2856 : i32 to vector<16xi32>
    %ge3A_2858 = arith.cmpi sge, %max3A_2853, %broadcast_in_dim3A_2857 : vector<16xi32>
    %select_n3A_2859 = arith.select %ge3A_2858, %broadcast_in_dim3A_2845, %broadcast_in_dim3A_2843 : vector<16xi1>, vector<16xi32>
    %add3A_2860 = arith.addi %broadcast_in_dim3A_2855, %select_n3A_2859 : vector<16xi32>
    %broadcast_in_dim3A_2861 = arith.constant 21 : i32
    %broadcast_in_dim3A_2862 = vector.broadcast %broadcast_in_dim3A_2861 : i32 to vector<16xi32>
    %ge3A_2863 = arith.cmpi sge, %max3A_2853, %broadcast_in_dim3A_2862 : vector<16xi32>
    %select_n3A_2864 = arith.select %ge3A_2863, %broadcast_in_dim3A_2845, %broadcast_in_dim3A_2843 : vector<16xi1>, vector<16xi32>
    %add3A_2865 = arith.addi %add3A_2860, %select_n3A_2864 : vector<16xi32>
    %broadcast_in_dim3A_2866 = arith.constant 24 : i32
    %broadcast_in_dim3A_2867 = vector.broadcast %broadcast_in_dim3A_2866 : i32 to vector<16xi32>
    %ge3A_2868 = arith.cmpi sge, %max3A_2853, %broadcast_in_dim3A_2867 : vector<16xi32>
    %select_n3A_2869 = arith.select %ge3A_2868, %broadcast_in_dim3A_2845, %broadcast_in_dim3A_2843 : vector<16xi1>, vector<16xi32>
    %add3A_2870 = arith.addi %add3A_2865, %select_n3A_2869 : vector<16xi32>
    %broadcast_in_dim3A_2871 = arith.constant 27 : i32
    %broadcast_in_dim3A_2872 = vector.broadcast %broadcast_in_dim3A_2871 : i32 to vector<16xi32>
    %ge3A_2873 = arith.cmpi sge, %max3A_2853, %broadcast_in_dim3A_2872 : vector<16xi32>
    %select_n3A_2874 = arith.select %ge3A_2873, %broadcast_in_dim3A_2845, %broadcast_in_dim3A_2843 : vector<16xi1>, vector<16xi32>
    %add3A_2875 = arith.addi %add3A_2870, %select_n3A_2874 : vector<16xi32>
    %broadcast_in_dim3A_2876 = arith.constant 31 : i32
    %broadcast_in_dim3A_2877 = vector.broadcast %broadcast_in_dim3A_2876 : i32 to vector<16xi32>
    %ge3A_2878 = arith.cmpi sge, %max3A_2853, %broadcast_in_dim3A_2877 : vector<16xi32>
    %select_n3A_2879 = arith.select %ge3A_2878, %broadcast_in_dim3A_2845, %broadcast_in_dim3A_2843 : vector<16xi1>, vector<16xi32>
    %add3A_2880 = arith.addi %add3A_2875, %select_n3A_2879 : vector<16xi32>
    %broadcast_in_dim3A_2881 = arith.constant 35 : i32
    %broadcast_in_dim3A_2882 = vector.broadcast %broadcast_in_dim3A_2881 : i32 to vector<16xi32>
    %ge3A_2883 = arith.cmpi sge, %max3A_2853, %broadcast_in_dim3A_2882 : vector<16xi32>
    %select_n3A_2884 = arith.select %ge3A_2883, %broadcast_in_dim3A_2845, %broadcast_in_dim3A_2843 : vector<16xi1>, vector<16xi32>
    %add3A_2885 = arith.addi %add3A_2880, %select_n3A_2884 : vector<16xi32>
    %broadcast_in_dim3A_2886 = arith.constant 40 : i32
    %broadcast_in_dim3A_2887 = vector.broadcast %broadcast_in_dim3A_2886 : i32 to vector<16xi32>
    %ge3A_2888 = arith.cmpi sge, %max3A_2853, %broadcast_in_dim3A_2887 : vector<16xi32>
    %select_n3A_2889 = arith.select %ge3A_2888, %broadcast_in_dim3A_2845, %broadcast_in_dim3A_2843 : vector<16xi1>, vector<16xi32>
    %add3A_2890 = arith.addi %add3A_2885, %select_n3A_2889 : vector<16xi32>
    %broadcast_in_dim3A_2891 = arith.constant 46 : i32
    %broadcast_in_dim3A_2892 = vector.broadcast %broadcast_in_dim3A_2891 : i32 to vector<16xi32>
    %ge3A_2893 = arith.cmpi sge, %max3A_2853, %broadcast_in_dim3A_2892 : vector<16xi32>
    %select_n3A_2894 = arith.select %ge3A_2893, %broadcast_in_dim3A_2845, %broadcast_in_dim3A_2843 : vector<16xi1>, vector<16xi32>
    %add3A_2895 = arith.addi %add3A_2890, %select_n3A_2894 : vector<16xi32>
    %broadcast_in_dim3A_2896 = arith.constant 52 : i32
    %broadcast_in_dim3A_2897 = vector.broadcast %broadcast_in_dim3A_2896 : i32 to vector<16xi32>
    %ge3A_2898 = arith.cmpi sge, %max3A_2853, %broadcast_in_dim3A_2897 : vector<16xi32>
    %select_n3A_2899 = arith.select %ge3A_2898, %broadcast_in_dim3A_2845, %broadcast_in_dim3A_2843 : vector<16xi1>, vector<16xi32>
    %add3A_2900 = arith.addi %add3A_2895, %select_n3A_2899 : vector<16xi32>
    %broadcast_in_dim3A_2901 = arith.constant 59 : i32
    %broadcast_in_dim3A_2902 = vector.broadcast %broadcast_in_dim3A_2901 : i32 to vector<16xi32>
    %ge3A_2903 = arith.cmpi sge, %max3A_2853, %broadcast_in_dim3A_2902 : vector<16xi32>
    %select_n3A_2904 = arith.select %ge3A_2903, %broadcast_in_dim3A_2845, %broadcast_in_dim3A_2843 : vector<16xi1>, vector<16xi32>
    %add3A_2905 = arith.addi %add3A_2900, %select_n3A_2904 : vector<16xi32>
    %broadcast_in_dim3A_2906 = arith.constant 67 : i32
    %broadcast_in_dim3A_2907 = vector.broadcast %broadcast_in_dim3A_2906 : i32 to vector<16xi32>
    %ge3A_2908 = arith.cmpi sge, %max3A_2853, %broadcast_in_dim3A_2907 : vector<16xi32>
    %select_n3A_2909 = arith.select %ge3A_2908, %broadcast_in_dim3A_2845, %broadcast_in_dim3A_2843 : vector<16xi1>, vector<16xi32>
    %add3A_2910 = arith.addi %add3A_2905, %select_n3A_2909 : vector<16xi32>
    %broadcast_in_dim3A_2911 = arith.constant 77 : i32
    %broadcast_in_dim3A_2912 = vector.broadcast %broadcast_in_dim3A_2911 : i32 to vector<16xi32>
    %ge3A_2913 = arith.cmpi sge, %max3A_2853, %broadcast_in_dim3A_2912 : vector<16xi32>
    %select_n3A_2914 = arith.select %ge3A_2913, %broadcast_in_dim3A_2845, %broadcast_in_dim3A_2843 : vector<16xi1>, vector<16xi32>
    %add3A_2915 = arith.addi %add3A_2910, %select_n3A_2914 : vector<16xi32>
    %broadcast_in_dim3A_2916 = arith.constant 87 : i32
    %broadcast_in_dim3A_2917 = vector.broadcast %broadcast_in_dim3A_2916 : i32 to vector<16xi32>
    %ge3A_2918 = arith.cmpi sge, %max3A_2853, %broadcast_in_dim3A_2917 : vector<16xi32>
    %select_n3A_2919 = arith.select %ge3A_2918, %broadcast_in_dim3A_2845, %broadcast_in_dim3A_2843 : vector<16xi1>, vector<16xi32>
    %add3A_2920 = arith.addi %add3A_2915, %select_n3A_2919 : vector<16xi32>
    %broadcast_in_dim3A_2921 = arith.constant 99 : i32
    %broadcast_in_dim3A_2922 = vector.broadcast %broadcast_in_dim3A_2921 : i32 to vector<16xi32>
    %ge3A_2923 = arith.cmpi sge, %max3A_2853, %broadcast_in_dim3A_2922 : vector<16xi32>
    %select_n3A_2924 = arith.select %ge3A_2923, %broadcast_in_dim3A_2845, %broadcast_in_dim3A_2843 : vector<16xi1>, vector<16xi32>
    %add3A_2925 = arith.addi %add3A_2920, %select_n3A_2924 : vector<16xi32>
    %broadcast_in_dim3A_2926 = arith.constant 113 : i32
    %broadcast_in_dim3A_2927 = vector.broadcast %broadcast_in_dim3A_2926 : i32 to vector<16xi32>
    %ge3A_2928 = arith.cmpi sge, %max3A_2853, %broadcast_in_dim3A_2927 : vector<16xi32>
    %select_n3A_2929 = arith.select %ge3A_2928, %broadcast_in_dim3A_2845, %broadcast_in_dim3A_2843 : vector<16xi1>, vector<16xi32>
    %add3A_2930 = arith.addi %add3A_2925, %select_n3A_2929 : vector<16xi32>
    %broadcast_in_dim3A_2931 = arith.constant 16 : i32
    %broadcast_in_dim3A_2932 = vector.broadcast %broadcast_in_dim3A_2931 : i32 to vector<16xi32>
    %lt3A_2933 = arith.cmpi slt, %max3A_2853, %broadcast_in_dim3A_2932 : vector<16xi32>
    %select_n3A_2934 = arith.select %lt3A_2933, %max3A_2853, %add3A_2930 : vector<16xi1>, vector<16xi32>
    %broadcast_in_dim3A_2935 = arith.constant 15 : i32
    %broadcast_in_dim3A_2936 = vector.broadcast %broadcast_in_dim3A_2935 : i32 to vector<16xi32>
    %min3A_2937 = arith.minsi %select_n3A_2934, %broadcast_in_dim3A_2936 : vector<16xi32>
    %broadcast_in_dim3A_2938 = arith.constant 16 : i32
    %broadcast_in_dim3A_2939 = vector.broadcast %broadcast_in_dim3A_2938 : i32 to vector<16xi32>
    %sub3A_2940 = arith.subi %select_n3A_2934, %broadcast_in_dim3A_2939 : vector<16xi32>
    %max3A_2941 = arith.maxsi %sub3A_2940, %broadcast_in_dim3A_2843 : vector<16xi32>
    %broadcast_in_dim3A_2942 = arith.constant 16 : i32
    %broadcast_in_dim3A_2943 = vector.broadcast %broadcast_in_dim3A_2942 : i32 to vector<16xi32>
    %lt3A_2944 = arith.cmpi slt, %select_n3A_2934, %broadcast_in_dim3A_2943 : vector<16xi32>
    %get3A_2945 = arith.constant 0 : index
    %get3A_2946 = tpu.vector_load %arg4[%get3A_2945] {strides = array<i32>} : memref<512xf32, #tpu.memory_space<vmem>>, vector<16xf32>,
    %get3A_2947 = vector.shape_cast %get3A_2946 : vector<16xf32> to vector<16xf32>
    %get3A_2948 = arith.constant 16 : index
    %get3A_2949 = tpu.vector_load %arg4[%get3A_2948] {strides = array<i32>} : memref<512xf32, #tpu.memory_space<vmem>>, vector<16xf32>,
    %get3A_2950 = vector.shape_cast %get3A_2949 : vector<16xf32> to vector<16xf32>
    %broadcast_in_dim3A_2951 = vector.shape_cast %min3A_2937 : vector<16xi32> to vector<16x1xi32>
    %gather3A_2952 = vector.shape_cast %broadcast_in_dim3A_2951 : vector<16x1xi32> to vector<16xi32>
    %gather3A_2953 = tpu.dynamic_gather %get3A_2947[%gather3A_2952] in [0] : vector<16xf32>, vector<16xi32> -> vector<16xf32>
    %broadcast_in_dim3A_2954 = vector.shape_cast %max3A_2941 : vector<16xi32> to vector<16x1xi32>
    %gather3A_2955 = vector.shape_cast %broadcast_in_dim3A_2954 : vector<16x1xi32> to vector<16xi32>
    %gather3A_2956 = tpu.dynamic_gather %get3A_2950[%gather3A_2955] in [0] : vector<16xf32>, vector<16xi32> -> vector<16xf32>
    %select_n3A_2957 = arith.select %lt3A_2944, %gather3A_2953, %gather3A_2956 : vector<16xi1>, vector<16xf32>
    %swap3A_2958 = arith.constant 0 : i32
    %swap3A_2959 = arith.index_cast %swap3A_2958 : i32 to index
    %swap3A_2960 = arith.constant 112 : index
    %swap3A_2961 = tpu.vector_load %arg5[%swap3A_2959, %swap3A_2960] {strides = array<i32>} : memref<16x128xf32, #tpu.memory_space<vmem>>, vector<1x16xf32>,
    %swap3A_2962 = vector.shape_cast %swap3A_2961 : vector<1x16xf32> to vector<16xf32>
    %swap3A_2963 = vector.shape_cast %select_n3A_2957 : vector<16xf32> to vector<1x16xf32>
    tpu.vector_store %arg5[%swap3A_2959, %swap3A_2960], %swap3A_2963 {strides = array<i32>} : memref<16x128xf32, #tpu.memory_space<vmem>>, vector<1x16xf32>,
    %get3A_2964 = arith.constant 32 : index
    %get3A_2965 = tpu.vector_load %arg4[%get3A_2964] {strides = array<i32>} : memref<512xf32, #tpu.memory_space<vmem>>, vector<16xf32>,
    %get3A_2966 = vector.shape_cast %get3A_2965 : vector<16xf32> to vector<16xf32>
    %get3A_2967 = arith.constant 48 : index
    %get3A_2968 = tpu.vector_load %arg4[%get3A_2967] {strides = array<i32>} : memref<512xf32, #tpu.memory_space<vmem>>, vector<16xf32>,
    %get3A_2969 = vector.shape_cast %get3A_2968 : vector<16xf32> to vector<16xf32>
    %broadcast_in_dim3A_2970 = vector.shape_cast %min3A_2937 : vector<16xi32> to vector<16x1xi32>
    %gather3A_2971 = vector.shape_cast %broadcast_in_dim3A_2970 : vector<16x1xi32> to vector<16xi32>
    %gather3A_2972 = tpu.dynamic_gather %get3A_2966[%gather3A_2971] in [0] : vector<16xf32>, vector<16xi32> -> vector<16xf32>
    %broadcast_in_dim3A_2973 = vector.shape_cast %max3A_2941 : vector<16xi32> to vector<16x1xi32>
    %gather3A_2974 = vector.shape_cast %broadcast_in_dim3A_2973 : vector<16x1xi32> to vector<16xi32>
    %gather3A_2975 = tpu.dynamic_gather %get3A_2969[%gather3A_2974] in [0] : vector<16xf32>, vector<16xi32> -> vector<16xf32>
    %select_n3A_2976 = arith.select %lt3A_2944, %gather3A_2972, %gather3A_2975 : vector<16xi1>, vector<16xf32>
    %swap3A_2977 = arith.constant 1 : i32
    %swap3A_2978 = arith.index_cast %swap3A_2977 : i32 to index
    %swap3A_2979 = arith.constant 112 : index
    %swap3A_2980 = tpu.vector_load %arg5[%swap3A_2978, %swap3A_2979] {strides = array<i32>} : memref<16x128xf32, #tpu.memory_space<vmem>>, vector<1x16xf32>,
    %swap3A_2981 = vector.shape_cast %swap3A_2980 : vector<1x16xf32> to vector<16xf32>
    %swap3A_2982 = vector.shape_cast %select_n3A_2976 : vector<16xf32> to vector<1x16xf32>
    tpu.vector_store %arg5[%swap3A_2978, %swap3A_2979], %swap3A_2982 {strides = array<i32>} : memref<16x128xf32, #tpu.memory_space<vmem>>, vector<1x16xf32>,
    %get3A_2983 = arith.constant 64 : index
    %get3A_2984 = tpu.vector_load %arg4[%get3A_2983] {strides = array<i32>} : memref<512xf32, #tpu.memory_space<vmem>>, vector<16xf32>,
    %get3A_2985 = vector.shape_cast %get3A_2984 : vector<16xf32> to vector<16xf32>
    %get3A_2986 = arith.constant 80 : index
    %get3A_2987 = tpu.vector_load %arg4[%get3A_2986] {strides = array<i32>} : memref<512xf32, #tpu.memory_space<vmem>>, vector<16xf32>,
    %get3A_2988 = vector.shape_cast %get3A_2987 : vector<16xf32> to vector<16xf32>
    %broadcast_in_dim3A_2989 = vector.shape_cast %min3A_2937 : vector<16xi32> to vector<16x1xi32>
    %gather3A_2990 = vector.shape_cast %broadcast_in_dim3A_2989 : vector<16x1xi32> to vector<16xi32>
    %gather3A_2991 = tpu.dynamic_gather %get3A_2985[%gather3A_2990] in [0] : vector<16xf32>, vector<16xi32> -> vector<16xf32>
    %broadcast_in_dim3A_2992 = vector.shape_cast %max3A_2941 : vector<16xi32> to vector<16x1xi32>
    %gather3A_2993 = vector.shape_cast %broadcast_in_dim3A_2992 : vector<16x1xi32> to vector<16xi32>
    %gather3A_2994 = tpu.dynamic_gather %get3A_2988[%gather3A_2993] in [0] : vector<16xf32>, vector<16xi32> -> vector<16xf32>
    %select_n3A_2995 = arith.select %lt3A_2944, %gather3A_2991, %gather3A_2994 : vector<16xi1>, vector<16xf32>
    %swap3A_2996 = arith.constant 2 : i32
    %swap3A_2997 = arith.index_cast %swap3A_2996 : i32 to index
    %swap3A_2998 = arith.constant 112 : index
    %swap3A_2999 = tpu.vector_load %arg5[%swap3A_2997, %swap3A_2998] {strides = array<i32>} : memref<16x128xf32, #tpu.memory_space<vmem>>, vector<1x16xf32>,
    %swap3A_3000 = vector.shape_cast %swap3A_2999 : vector<1x16xf32> to vector<16xf32>
    %swap3A_3001 = vector.shape_cast %select_n3A_2995 : vector<16xf32> to vector<1x16xf32>
    tpu.vector_store %arg5[%swap3A_2997, %swap3A_2998], %swap3A_3001 {strides = array<i32>} : memref<16x128xf32, #tpu.memory_space<vmem>>, vector<1x16xf32>,
    %get3A_3002 = arith.constant 96 : index
    %get3A_3003 = tpu.vector_load %arg4[%get3A_3002] {strides = array<i32>} : memref<512xf32, #tpu.memory_space<vmem>>, vector<16xf32>,
    %get3A_3004 = vector.shape_cast %get3A_3003 : vector<16xf32> to vector<16xf32>
    %get3A_3005 = arith.constant 112 : index
    %get3A_3006 = tpu.vector_load %arg4[%get3A_3005] {strides = array<i32>} : memref<512xf32, #tpu.memory_space<vmem>>, vector<16xf32>,
    %get3A_3007 = vector.shape_cast %get3A_3006 : vector<16xf32> to vector<16xf32>
    %broadcast_in_dim3A_3008 = vector.shape_cast %min3A_2937 : vector<16xi32> to vector<16x1xi32>
    %gather3A_3009 = vector.shape_cast %broadcast_in_dim3A_3008 : vector<16x1xi32> to vector<16xi32>
    %gather3A_3010 = tpu.dynamic_gather %get3A_3004[%gather3A_3009] in [0] : vector<16xf32>, vector<16xi32> -> vector<16xf32>
    %broadcast_in_dim3A_3011 = vector.shape_cast %max3A_2941 : vector<16xi32> to vector<16x1xi32>
    %gather3A_3012 = vector.shape_cast %broadcast_in_dim3A_3011 : vector<16x1xi32> to vector<16xi32>
    %gather3A_3013 = tpu.dynamic_gather %get3A_3007[%gather3A_3012] in [0] : vector<16xf32>, vector<16xi32> -> vector<16xf32>
    %select_n3A_3014 = arith.select %lt3A_2944, %gather3A_3010, %gather3A_3013 : vector<16xi1>, vector<16xf32>
    %swap3A_3015 = arith.constant 3 : i32
    %swap3A_3016 = arith.index_cast %swap3A_3015 : i32 to index
    %swap3A_3017 = arith.constant 112 : index
    %swap3A_3018 = tpu.vector_load %arg5[%swap3A_3016, %swap3A_3017] {strides = array<i32>} : memref<16x128xf32, #tpu.memory_space<vmem>>, vector<1x16xf32>,
    %swap3A_3019 = vector.shape_cast %swap3A_3018 : vector<1x16xf32> to vector<16xf32>
    %swap3A_3020 = vector.shape_cast %select_n3A_3014 : vector<16xf32> to vector<1x16xf32>
    tpu.vector_store %arg5[%swap3A_3016, %swap3A_3017], %swap3A_3020 {strides = array<i32>} : memref<16x128xf32, #tpu.memory_space<vmem>>, vector<1x16xf32>,
    %get3A_3021 = arith.constant 128 : index
    %get3A_3022 = tpu.vector_load %arg4[%get3A_3021] {strides = array<i32>} : memref<512xf32, #tpu.memory_space<vmem>>, vector<16xf32>,
    %get3A_3023 = vector.shape_cast %get3A_3022 : vector<16xf32> to vector<16xf32>
    %get3A_3024 = arith.constant 144 : index
    %get3A_3025 = tpu.vector_load %arg4[%get3A_3024] {strides = array<i32>} : memref<512xf32, #tpu.memory_space<vmem>>, vector<16xf32>,
    %get3A_3026 = vector.shape_cast %get3A_3025 : vector<16xf32> to vector<16xf32>
    %broadcast_in_dim3A_3027 = vector.shape_cast %min3A_2937 : vector<16xi32> to vector<16x1xi32>
    %gather3A_3028 = vector.shape_cast %broadcast_in_dim3A_3027 : vector<16x1xi32> to vector<16xi32>
    %gather3A_3029 = tpu.dynamic_gather %get3A_3023[%gather3A_3028] in [0] : vector<16xf32>, vector<16xi32> -> vector<16xf32>
    %broadcast_in_dim3A_3030 = vector.shape_cast %max3A_2941 : vector<16xi32> to vector<16x1xi32>
    %gather3A_3031 = vector.shape_cast %broadcast_in_dim3A_3030 : vector<16x1xi32> to vector<16xi32>
    %gather3A_3032 = tpu.dynamic_gather %get3A_3026[%gather3A_3031] in [0] : vector<16xf32>, vector<16xi32> -> vector<16xf32>
    %select_n3A_3033 = arith.select %lt3A_2944, %gather3A_3029, %gather3A_3032 : vector<16xi1>, vector<16xf32>
    %swap3A_3034 = arith.constant 4 : i32
    %swap3A_3035 = arith.index_cast %swap3A_3034 : i32 to index
    %swap3A_3036 = arith.constant 112 : index
    %swap3A_3037 = tpu.vector_load %arg5[%swap3A_3035, %swap3A_3036] {strides = array<i32>} : memref<16x128xf32, #tpu.memory_space<vmem>>, vector<1x16xf32>,
    %swap3A_3038 = vector.shape_cast %swap3A_3037 : vector<1x16xf32> to vector<16xf32>
    %swap3A_3039 = vector.shape_cast %select_n3A_3033 : vector<16xf32> to vector<1x16xf32>
    tpu.vector_store %arg5[%swap3A_3035, %swap3A_3036], %swap3A_3039 {strides = array<i32>} : memref<16x128xf32, #tpu.memory_space<vmem>>, vector<1x16xf32>,
    %get3A_3040 = arith.constant 160 : index
    %get3A_3041 = tpu.vector_load %arg4[%get3A_3040] {strides = array<i32>} : memref<512xf32, #tpu.memory_space<vmem>>, vector<16xf32>,
    %get3A_3042 = vector.shape_cast %get3A_3041 : vector<16xf32> to vector<16xf32>
    %get3A_3043 = arith.constant 176 : index
    %get3A_3044 = tpu.vector_load %arg4[%get3A_3043] {strides = array<i32>} : memref<512xf32, #tpu.memory_space<vmem>>, vector<16xf32>,
    %get3A_3045 = vector.shape_cast %get3A_3044 : vector<16xf32> to vector<16xf32>
    %broadcast_in_dim3A_3046 = vector.shape_cast %min3A_2937 : vector<16xi32> to vector<16x1xi32>
    %gather3A_3047 = vector.shape_cast %broadcast_in_dim3A_3046 : vector<16x1xi32> to vector<16xi32>
    %gather3A_3048 = tpu.dynamic_gather %get3A_3042[%gather3A_3047] in [0] : vector<16xf32>, vector<16xi32> -> vector<16xf32>
    %broadcast_in_dim3A_3049 = vector.shape_cast %max3A_2941 : vector<16xi32> to vector<16x1xi32>
    %gather3A_3050 = vector.shape_cast %broadcast_in_dim3A_3049 : vector<16x1xi32> to vector<16xi32>
    %gather3A_3051 = tpu.dynamic_gather %get3A_3045[%gather3A_3050] in [0] : vector<16xf32>, vector<16xi32> -> vector<16xf32>
    %select_n3A_3052 = arith.select %lt3A_2944, %gather3A_3048, %gather3A_3051 : vector<16xi1>, vector<16xf32>
    %swap3A_3053 = arith.constant 5 : i32
    %swap3A_3054 = arith.index_cast %swap3A_3053 : i32 to index
    %swap3A_3055 = arith.constant 112 : index
    %swap3A_3056 = tpu.vector_load %arg5[%swap3A_3054, %swap3A_3055] {strides = array<i32>} : memref<16x128xf32, #tpu.memory_space<vmem>>, vector<1x16xf32>,
    %swap3A_3057 = vector.shape_cast %swap3A_3056 : vector<1x16xf32> to vector<16xf32>
    %swap3A_3058 = vector.shape_cast %select_n3A_3052 : vector<16xf32> to vector<1x16xf32>
    tpu.vector_store %arg5[%swap3A_3054, %swap3A_3055], %swap3A_3058 {strides = array<i32>} : memref<16x128xf32, #tpu.memory_space<vmem>>, vector<1x16xf32>,
    %get3A_3059 = arith.constant 192 : index
    %get3A_3060 = tpu.vector_load %arg4[%get3A_3059] {strides = array<i32>} : memref<512xf32, #tpu.memory_space<vmem>>, vector<16xf32>,
    %get3A_3061 = vector.shape_cast %get3A_3060 : vector<16xf32> to vector<16xf32>
    %get3A_3062 = arith.constant 208 : index
    %get3A_3063 = tpu.vector_load %arg4[%get3A_3062] {strides = array<i32>} : memref<512xf32, #tpu.memory_space<vmem>>, vector<16xf32>,
    %get3A_3064 = vector.shape_cast %get3A_3063 : vector<16xf32> to vector<16xf32>
    %broadcast_in_dim3A_3065 = vector.shape_cast %min3A_2937 : vector<16xi32> to vector<16x1xi32>
    %gather3A_3066 = vector.shape_cast %broadcast_in_dim3A_3065 : vector<16x1xi32> to vector<16xi32>
    %gather3A_3067 = tpu.dynamic_gather %get3A_3061[%gather3A_3066] in [0] : vector<16xf32>, vector<16xi32> -> vector<16xf32>
    %broadcast_in_dim3A_3068 = vector.shape_cast %max3A_2941 : vector<16xi32> to vector<16x1xi32>
    %gather3A_3069 = vector.shape_cast %broadcast_in_dim3A_3068 : vector<16x1xi32> to vector<16xi32>
    %gather3A_3070 = tpu.dynamic_gather %get3A_3064[%gather3A_3069] in [0] : vector<16xf32>, vector<16xi32> -> vector<16xf32>
    %select_n3A_3071 = arith.select %lt3A_2944, %gather3A_3067, %gather3A_3070 : vector<16xi1>, vector<16xf32>
    %swap3A_3072 = arith.constant 6 : i32
    %swap3A_3073 = arith.index_cast %swap3A_3072 : i32 to index
    %swap3A_3074 = arith.constant 112 : index
    %swap3A_3075 = tpu.vector_load %arg5[%swap3A_3073, %swap3A_3074] {strides = array<i32>} : memref<16x128xf32, #tpu.memory_space<vmem>>, vector<1x16xf32>,
    %swap3A_3076 = vector.shape_cast %swap3A_3075 : vector<1x16xf32> to vector<16xf32>
    %swap3A_3077 = vector.shape_cast %select_n3A_3071 : vector<16xf32> to vector<1x16xf32>
    tpu.vector_store %arg5[%swap3A_3073, %swap3A_3074], %swap3A_3077 {strides = array<i32>} : memref<16x128xf32, #tpu.memory_space<vmem>>, vector<1x16xf32>,
    %get3A_3078 = arith.constant 224 : index
    %get3A_3079 = tpu.vector_load %arg4[%get3A_3078] {strides = array<i32>} : memref<512xf32, #tpu.memory_space<vmem>>, vector<16xf32>,
    %get3A_3080 = vector.shape_cast %get3A_3079 : vector<16xf32> to vector<16xf32>
    %get3A_3081 = arith.constant 240 : index
    %get3A_3082 = tpu.vector_load %arg4[%get3A_3081] {strides = array<i32>} : memref<512xf32, #tpu.memory_space<vmem>>, vector<16xf32>,
    %get3A_3083 = vector.shape_cast %get3A_3082 : vector<16xf32> to vector<16xf32>
    %broadcast_in_dim3A_3084 = vector.shape_cast %min3A_2937 : vector<16xi32> to vector<16x1xi32>
    %gather3A_3085 = vector.shape_cast %broadcast_in_dim3A_3084 : vector<16x1xi32> to vector<16xi32>
    %gather3A_3086 = tpu.dynamic_gather %get3A_3080[%gather3A_3085] in [0] : vector<16xf32>, vector<16xi32> -> vector<16xf32>
    %broadcast_in_dim3A_3087 = vector.shape_cast %max3A_2941 : vector<16xi32> to vector<16x1xi32>
    %gather3A_3088 = vector.shape_cast %broadcast_in_dim3A_3087 : vector<16x1xi32> to vector<16xi32>
    %gather3A_3089 = tpu.dynamic_gather %get3A_3083[%gather3A_3088] in [0] : vector<16xf32>, vector<16xi32> -> vector<16xf32>
    %select_n3A_3090 = arith.select %lt3A_2944, %gather3A_3086, %gather3A_3089 : vector<16xi1>, vector<16xf32>
    %swap3A_3091 = arith.constant 7 : i32
    %swap3A_3092 = arith.index_cast %swap3A_3091 : i32 to index
    %swap3A_3093 = arith.constant 112 : index
    %swap3A_3094 = tpu.vector_load %arg5[%swap3A_3092, %swap3A_3093] {strides = array<i32>} : memref<16x128xf32, #tpu.memory_space<vmem>>, vector<1x16xf32>,
    %swap3A_3095 = vector.shape_cast %swap3A_3094 : vector<1x16xf32> to vector<16xf32>
    %swap3A_3096 = vector.shape_cast %select_n3A_3090 : vector<16xf32> to vector<1x16xf32>
    tpu.vector_store %arg5[%swap3A_3092, %swap3A_3093], %swap3A_3096 {strides = array<i32>} : memref<16x128xf32, #tpu.memory_space<vmem>>, vector<1x16xf32>,
    %get3A_3097 = arith.constant 256 : index
    %get3A_3098 = tpu.vector_load %arg4[%get3A_3097] {strides = array<i32>} : memref<512xf32, #tpu.memory_space<vmem>>, vector<16xf32>,
    %get3A_3099 = vector.shape_cast %get3A_3098 : vector<16xf32> to vector<16xf32>
    %get3A_3100 = arith.constant 272 : index
    %get3A_3101 = tpu.vector_load %arg4[%get3A_3100] {strides = array<i32>} : memref<512xf32, #tpu.memory_space<vmem>>, vector<16xf32>,
    %get3A_3102 = vector.shape_cast %get3A_3101 : vector<16xf32> to vector<16xf32>
    %broadcast_in_dim3A_3103 = vector.shape_cast %min3A_2937 : vector<16xi32> to vector<16x1xi32>
    %gather3A_3104 = vector.shape_cast %broadcast_in_dim3A_3103 : vector<16x1xi32> to vector<16xi32>
    %gather3A_3105 = tpu.dynamic_gather %get3A_3099[%gather3A_3104] in [0] : vector<16xf32>, vector<16xi32> -> vector<16xf32>
    %broadcast_in_dim3A_3106 = vector.shape_cast %max3A_2941 : vector<16xi32> to vector<16x1xi32>
    %gather3A_3107 = vector.shape_cast %broadcast_in_dim3A_3106 : vector<16x1xi32> to vector<16xi32>
    %gather3A_3108 = tpu.dynamic_gather %get3A_3102[%gather3A_3107] in [0] : vector<16xf32>, vector<16xi32> -> vector<16xf32>
    %select_n3A_3109 = arith.select %lt3A_2944, %gather3A_3105, %gather3A_3108 : vector<16xi1>, vector<16xf32>
    %swap3A_3110 = arith.constant 8 : i32
    %swap3A_3111 = arith.index_cast %swap3A_3110 : i32 to index
    %swap3A_3112 = arith.constant 112 : index
    %swap3A_3113 = tpu.vector_load %arg5[%swap3A_3111, %swap3A_3112] {strides = array<i32>} : memref<16x128xf32, #tpu.memory_space<vmem>>, vector<1x16xf32>,
    %swap3A_3114 = vector.shape_cast %swap3A_3113 : vector<1x16xf32> to vector<16xf32>
    %swap3A_3115 = vector.shape_cast %select_n3A_3109 : vector<16xf32> to vector<1x16xf32>
    tpu.vector_store %arg5[%swap3A_3111, %swap3A_3112], %swap3A_3115 {strides = array<i32>} : memref<16x128xf32, #tpu.memory_space<vmem>>, vector<1x16xf32>,
    %get3A_3116 = arith.constant 288 : index
    %get3A_3117 = tpu.vector_load %arg4[%get3A_3116] {strides = array<i32>} : memref<512xf32, #tpu.memory_space<vmem>>, vector<16xf32>,
    %get3A_3118 = vector.shape_cast %get3A_3117 : vector<16xf32> to vector<16xf32>
    %get3A_3119 = arith.constant 304 : index
    %get3A_3120 = tpu.vector_load %arg4[%get3A_3119] {strides = array<i32>} : memref<512xf32, #tpu.memory_space<vmem>>, vector<16xf32>,
    %get3A_3121 = vector.shape_cast %get3A_3120 : vector<16xf32> to vector<16xf32>
    %broadcast_in_dim3A_3122 = vector.shape_cast %min3A_2937 : vector<16xi32> to vector<16x1xi32>
    %gather3A_3123 = vector.shape_cast %broadcast_in_dim3A_3122 : vector<16x1xi32> to vector<16xi32>
    %gather3A_3124 = tpu.dynamic_gather %get3A_3118[%gather3A_3123] in [0] : vector<16xf32>, vector<16xi32> -> vector<16xf32>
    %broadcast_in_dim3A_3125 = vector.shape_cast %max3A_2941 : vector<16xi32> to vector<16x1xi32>
    %gather3A_3126 = vector.shape_cast %broadcast_in_dim3A_3125 : vector<16x1xi32> to vector<16xi32>
    %gather3A_3127 = tpu.dynamic_gather %get3A_3121[%gather3A_3126] in [0] : vector<16xf32>, vector<16xi32> -> vector<16xf32>
    %select_n3A_3128 = arith.select %lt3A_2944, %gather3A_3124, %gather3A_3127 : vector<16xi1>, vector<16xf32>
    %swap3A_3129 = arith.constant 9 : i32
    %swap3A_3130 = arith.index_cast %swap3A_3129 : i32 to index
    %swap3A_3131 = arith.constant 112 : index
    %swap3A_3132 = tpu.vector_load %arg5[%swap3A_3130, %swap3A_3131] {strides = array<i32>} : memref<16x128xf32, #tpu.memory_space<vmem>>, vector<1x16xf32>,
    %swap3A_3133 = vector.shape_cast %swap3A_3132 : vector<1x16xf32> to vector<16xf32>
    %swap3A_3134 = vector.shape_cast %select_n3A_3128 : vector<16xf32> to vector<1x16xf32>
    tpu.vector_store %arg5[%swap3A_3130, %swap3A_3131], %swap3A_3134 {strides = array<i32>} : memref<16x128xf32, #tpu.memory_space<vmem>>, vector<1x16xf32>,
    %get3A_3135 = arith.constant 320 : index
    %get3A_3136 = tpu.vector_load %arg4[%get3A_3135] {strides = array<i32>} : memref<512xf32, #tpu.memory_space<vmem>>, vector<16xf32>,
    %get3A_3137 = vector.shape_cast %get3A_3136 : vector<16xf32> to vector<16xf32>
    %get3A_3138 = arith.constant 336 : index
    %get3A_3139 = tpu.vector_load %arg4[%get3A_3138] {strides = array<i32>} : memref<512xf32, #tpu.memory_space<vmem>>, vector<16xf32>,
    %get3A_3140 = vector.shape_cast %get3A_3139 : vector<16xf32> to vector<16xf32>
    %broadcast_in_dim3A_3141 = vector.shape_cast %min3A_2937 : vector<16xi32> to vector<16x1xi32>
    %gather3A_3142 = vector.shape_cast %broadcast_in_dim3A_3141 : vector<16x1xi32> to vector<16xi32>
    %gather3A_3143 = tpu.dynamic_gather %get3A_3137[%gather3A_3142] in [0] : vector<16xf32>, vector<16xi32> -> vector<16xf32>
    %broadcast_in_dim3A_3144 = vector.shape_cast %max3A_2941 : vector<16xi32> to vector<16x1xi32>
    %gather3A_3145 = vector.shape_cast %broadcast_in_dim3A_3144 : vector<16x1xi32> to vector<16xi32>
    %gather3A_3146 = tpu.dynamic_gather %get3A_3140[%gather3A_3145] in [0] : vector<16xf32>, vector<16xi32> -> vector<16xf32>
    %select_n3A_3147 = arith.select %lt3A_2944, %gather3A_3143, %gather3A_3146 : vector<16xi1>, vector<16xf32>
    %swap3A_3148 = arith.constant 10 : i32
    %swap3A_3149 = arith.index_cast %swap3A_3148 : i32 to index
    %swap3A_3150 = arith.constant 112 : index
    %swap3A_3151 = tpu.vector_load %arg5[%swap3A_3149, %swap3A_3150] {strides = array<i32>} : memref<16x128xf32, #tpu.memory_space<vmem>>, vector<1x16xf32>,
    %swap3A_3152 = vector.shape_cast %swap3A_3151 : vector<1x16xf32> to vector<16xf32>
    %swap3A_3153 = vector.shape_cast %select_n3A_3147 : vector<16xf32> to vector<1x16xf32>
    tpu.vector_store %arg5[%swap3A_3149, %swap3A_3150], %swap3A_3153 {strides = array<i32>} : memref<16x128xf32, #tpu.memory_space<vmem>>, vector<1x16xf32>,
    %get3A_3154 = arith.constant 352 : index
    %get3A_3155 = tpu.vector_load %arg4[%get3A_3154] {strides = array<i32>} : memref<512xf32, #tpu.memory_space<vmem>>, vector<16xf32>,
    %get3A_3156 = vector.shape_cast %get3A_3155 : vector<16xf32> to vector<16xf32>
    %get3A_3157 = arith.constant 368 : index
    %get3A_3158 = tpu.vector_load %arg4[%get3A_3157] {strides = array<i32>} : memref<512xf32, #tpu.memory_space<vmem>>, vector<16xf32>,
    %get3A_3159 = vector.shape_cast %get3A_3158 : vector<16xf32> to vector<16xf32>
    %broadcast_in_dim3A_3160 = vector.shape_cast %min3A_2937 : vector<16xi32> to vector<16x1xi32>
    %gather3A_3161 = vector.shape_cast %broadcast_in_dim3A_3160 : vector<16x1xi32> to vector<16xi32>
    %gather3A_3162 = tpu.dynamic_gather %get3A_3156[%gather3A_3161] in [0] : vector<16xf32>, vector<16xi32> -> vector<16xf32>
    %broadcast_in_dim3A_3163 = vector.shape_cast %max3A_2941 : vector<16xi32> to vector<16x1xi32>
    %gather3A_3164 = vector.shape_cast %broadcast_in_dim3A_3163 : vector<16x1xi32> to vector<16xi32>
    %gather3A_3165 = tpu.dynamic_gather %get3A_3159[%gather3A_3164] in [0] : vector<16xf32>, vector<16xi32> -> vector<16xf32>
    %select_n3A_3166 = arith.select %lt3A_2944, %gather3A_3162, %gather3A_3165 : vector<16xi1>, vector<16xf32>
    %swap3A_3167 = arith.constant 11 : i32
    %swap3A_3168 = arith.index_cast %swap3A_3167 : i32 to index
    %swap3A_3169 = arith.constant 112 : index
    %swap3A_3170 = tpu.vector_load %arg5[%swap3A_3168, %swap3A_3169] {strides = array<i32>} : memref<16x128xf32, #tpu.memory_space<vmem>>, vector<1x16xf32>,
    %swap3A_3171 = vector.shape_cast %swap3A_3170 : vector<1x16xf32> to vector<16xf32>
    %swap3A_3172 = vector.shape_cast %select_n3A_3166 : vector<16xf32> to vector<1x16xf32>
    tpu.vector_store %arg5[%swap3A_3168, %swap3A_3169], %swap3A_3172 {strides = array<i32>} : memref<16x128xf32, #tpu.memory_space<vmem>>, vector<1x16xf32>,
    %get3A_3173 = arith.constant 384 : index
    %get3A_3174 = tpu.vector_load %arg4[%get3A_3173] {strides = array<i32>} : memref<512xf32, #tpu.memory_space<vmem>>, vector<16xf32>,
    %get3A_3175 = vector.shape_cast %get3A_3174 : vector<16xf32> to vector<16xf32>
    %get3A_3176 = arith.constant 400 : index
    %get3A_3177 = tpu.vector_load %arg4[%get3A_3176] {strides = array<i32>} : memref<512xf32, #tpu.memory_space<vmem>>, vector<16xf32>,
    %get3A_3178 = vector.shape_cast %get3A_3177 : vector<16xf32> to vector<16xf32>
    %broadcast_in_dim3A_3179 = vector.shape_cast %min3A_2937 : vector<16xi32> to vector<16x1xi32>
    %gather3A_3180 = vector.shape_cast %broadcast_in_dim3A_3179 : vector<16x1xi32> to vector<16xi32>
    %gather3A_3181 = tpu.dynamic_gather %get3A_3175[%gather3A_3180] in [0] : vector<16xf32>, vector<16xi32> -> vector<16xf32>
    %broadcast_in_dim3A_3182 = vector.shape_cast %max3A_2941 : vector<16xi32> to vector<16x1xi32>
    %gather3A_3183 = vector.shape_cast %broadcast_in_dim3A_3182 : vector<16x1xi32> to vector<16xi32>
    %gather3A_3184 = tpu.dynamic_gather %get3A_3178[%gather3A_3183] in [0] : vector<16xf32>, vector<16xi32> -> vector<16xf32>
    %select_n3A_3185 = arith.select %lt3A_2944, %gather3A_3181, %gather3A_3184 : vector<16xi1>, vector<16xf32>
    %swap3A_3186 = arith.constant 12 : i32
    %swap3A_3187 = arith.index_cast %swap3A_3186 : i32 to index
    %swap3A_3188 = arith.constant 112 : index
    %swap3A_3189 = tpu.vector_load %arg5[%swap3A_3187, %swap3A_3188] {strides = array<i32>} : memref<16x128xf32, #tpu.memory_space<vmem>>, vector<1x16xf32>,
    %swap3A_3190 = vector.shape_cast %swap3A_3189 : vector<1x16xf32> to vector<16xf32>
    %swap3A_3191 = vector.shape_cast %select_n3A_3185 : vector<16xf32> to vector<1x16xf32>
    tpu.vector_store %arg5[%swap3A_3187, %swap3A_3188], %swap3A_3191 {strides = array<i32>} : memref<16x128xf32, #tpu.memory_space<vmem>>, vector<1x16xf32>,
    %get3A_3192 = arith.constant 416 : index
    %get3A_3193 = tpu.vector_load %arg4[%get3A_3192] {strides = array<i32>} : memref<512xf32, #tpu.memory_space<vmem>>, vector<16xf32>,
    %get3A_3194 = vector.shape_cast %get3A_3193 : vector<16xf32> to vector<16xf32>
    %get3A_3195 = arith.constant 432 : index
    %get3A_3196 = tpu.vector_load %arg4[%get3A_3195] {strides = array<i32>} : memref<512xf32, #tpu.memory_space<vmem>>, vector<16xf32>,
    %get3A_3197 = vector.shape_cast %get3A_3196 : vector<16xf32> to vector<16xf32>
    %broadcast_in_dim3A_3198 = vector.shape_cast %min3A_2937 : vector<16xi32> to vector<16x1xi32>
    %gather3A_3199 = vector.shape_cast %broadcast_in_dim3A_3198 : vector<16x1xi32> to vector<16xi32>
    %gather3A_3200 = tpu.dynamic_gather %get3A_3194[%gather3A_3199] in [0] : vector<16xf32>, vector<16xi32> -> vector<16xf32>
    %broadcast_in_dim3A_3201 = vector.shape_cast %max3A_2941 : vector<16xi32> to vector<16x1xi32>
    %gather3A_3202 = vector.shape_cast %broadcast_in_dim3A_3201 : vector<16x1xi32> to vector<16xi32>
    %gather3A_3203 = tpu.dynamic_gather %get3A_3197[%gather3A_3202] in [0] : vector<16xf32>, vector<16xi32> -> vector<16xf32>
    %select_n3A_3204 = arith.select %lt3A_2944, %gather3A_3200, %gather3A_3203 : vector<16xi1>, vector<16xf32>
    %swap3A_3205 = arith.constant 13 : i32
    %swap3A_3206 = arith.index_cast %swap3A_3205 : i32 to index
    %swap3A_3207 = arith.constant 112 : index
    %swap3A_3208 = tpu.vector_load %arg5[%swap3A_3206, %swap3A_3207] {strides = array<i32>} : memref<16x128xf32, #tpu.memory_space<vmem>>, vector<1x16xf32>,
    %swap3A_3209 = vector.shape_cast %swap3A_3208 : vector<1x16xf32> to vector<16xf32>
    %swap3A_3210 = vector.shape_cast %select_n3A_3204 : vector<16xf32> to vector<1x16xf32>
    tpu.vector_store %arg5[%swap3A_3206, %swap3A_3207], %swap3A_3210 {strides = array<i32>} : memref<16x128xf32, #tpu.memory_space<vmem>>, vector<1x16xf32>,
    %get3A_3211 = arith.constant 448 : index
    %get3A_3212 = tpu.vector_load %arg4[%get3A_3211] {strides = array<i32>} : memref<512xf32, #tpu.memory_space<vmem>>, vector<16xf32>,
    %get3A_3213 = vector.shape_cast %get3A_3212 : vector<16xf32> to vector<16xf32>
    %get3A_3214 = arith.constant 464 : index
    %get3A_3215 = tpu.vector_load %arg4[%get3A_3214] {strides = array<i32>} : memref<512xf32, #tpu.memory_space<vmem>>, vector<16xf32>,
    %get3A_3216 = vector.shape_cast %get3A_3215 : vector<16xf32> to vector<16xf32>
    %broadcast_in_dim3A_3217 = vector.shape_cast %min3A_2937 : vector<16xi32> to vector<16x1xi32>
    %gather3A_3218 = vector.shape_cast %broadcast_in_dim3A_3217 : vector<16x1xi32> to vector<16xi32>
    %gather3A_3219 = tpu.dynamic_gather %get3A_3213[%gather3A_3218] in [0] : vector<16xf32>, vector<16xi32> -> vector<16xf32>
    %broadcast_in_dim3A_3220 = vector.shape_cast %max3A_2941 : vector<16xi32> to vector<16x1xi32>
    %gather3A_3221 = vector.shape_cast %broadcast_in_dim3A_3220 : vector<16x1xi32> to vector<16xi32>
    %gather3A_3222 = tpu.dynamic_gather %get3A_3216[%gather3A_3221] in [0] : vector<16xf32>, vector<16xi32> -> vector<16xf32>
    %select_n3A_3223 = arith.select %lt3A_2944, %gather3A_3219, %gather3A_3222 : vector<16xi1>, vector<16xf32>
    %swap3A_3224 = arith.constant 14 : i32
    %swap3A_3225 = arith.index_cast %swap3A_3224 : i32 to index
    %swap3A_3226 = arith.constant 112 : index
    %swap3A_3227 = tpu.vector_load %arg5[%swap3A_3225, %swap3A_3226] {strides = array<i32>} : memref<16x128xf32, #tpu.memory_space<vmem>>, vector<1x16xf32>,
    %swap3A_3228 = vector.shape_cast %swap3A_3227 : vector<1x16xf32> to vector<16xf32>
    %swap3A_3229 = vector.shape_cast %select_n3A_3223 : vector<16xf32> to vector<1x16xf32>
    tpu.vector_store %arg5[%swap3A_3225, %swap3A_3226], %swap3A_3229 {strides = array<i32>} : memref<16x128xf32, #tpu.memory_space<vmem>>, vector<1x16xf32>,
    %get3A_3230 = arith.constant 480 : index
    %get3A_3231 = tpu.vector_load %arg4[%get3A_3230] {strides = array<i32>} : memref<512xf32, #tpu.memory_space<vmem>>, vector<16xf32>,
    %get3A_3232 = vector.shape_cast %get3A_3231 : vector<16xf32> to vector<16xf32>
    %get3A_3233 = arith.constant 496 : index
    %get3A_3234 = tpu.vector_load %arg4[%get3A_3233] {strides = array<i32>} : memref<512xf32, #tpu.memory_space<vmem>>, vector<16xf32>,
    %get3A_3235 = vector.shape_cast %get3A_3234 : vector<16xf32> to vector<16xf32>
    %broadcast_in_dim3A_3236 = vector.shape_cast %min3A_2937 : vector<16xi32> to vector<16x1xi32>
    %gather3A_3237 = vector.shape_cast %broadcast_in_dim3A_3236 : vector<16x1xi32> to vector<16xi32>
    %gather3A_3238 = tpu.dynamic_gather %get3A_3232[%gather3A_3237] in [0] : vector<16xf32>, vector<16xi32> -> vector<16xf32>
    %broadcast_in_dim3A_3239 = vector.shape_cast %max3A_2941 : vector<16xi32> to vector<16x1xi32>
    %gather3A_3240 = vector.shape_cast %broadcast_in_dim3A_3239 : vector<16x1xi32> to vector<16xi32>
    %gather3A_3241 = tpu.dynamic_gather %get3A_3235[%gather3A_3240] in [0] : vector<16xf32>, vector<16xi32> -> vector<16xf32>
    %select_n3A_3242 = arith.select %lt3A_2944, %gather3A_3238, %gather3A_3241 : vector<16xi1>, vector<16xf32>
    %swap3A_3243 = arith.constant 15 : i32
    %swap3A_3244 = arith.index_cast %swap3A_3243 : i32 to index
    %swap3A_3245 = arith.constant 112 : index
    %swap3A_3246 = tpu.vector_load %arg5[%swap3A_3244, %swap3A_3245] {strides = array<i32>} : memref<16x128xf32, #tpu.memory_space<vmem>>, vector<1x16xf32>,
    %swap3A_3247 = vector.shape_cast %swap3A_3246 : vector<1x16xf32> to vector<16xf32>
    %swap3A_3248 = vector.shape_cast %select_n3A_3242 : vector<16xf32> to vector<1x16xf32>
    tpu.vector_store %arg5[%swap3A_3244, %swap3A_3245], %swap3A_3248 {strides = array<i32>} : memref<16x128xf32, #tpu.memory_space<vmem>>, vector<1x16xf32>,
    "tpu.region"() ({
      %run_scoped3A = tpu.sem_alloc : memref<!tpu.dma_semaphore, #tpu.memory_space<semaphore_mem>>
      %dma_start3A = arith.constant 0 : i32
      %dma_start3A_3249 = tpu.memref_slice %arg3[%dma_start3A, %mul3A_2] : memref<16x4096xf32, #tpu.memory_space<hbm>> -> memref<16x128xf32, #tpu.memory_space<hbm>>
      %dma_start3A_3250 = arith.constant 0 : i32
      %dma_start3A_3251 = tpu.memref_slice %arg3[%dma_start3A_3250, %mul3A_2] : memref<16x4096xf32, #tpu.memory_space<hbm>> -> memref<16x128xf32, #tpu.memory_space<hbm>>
      tpu.enqueue_dma source(%arg5 : memref<16x128xf32, #tpu.memory_space<vmem>>) target(%dma_start3A_3251 : memref<16x128xf32, #tpu.memory_space<hbm>>) target_semaphore(%run_scoped3A : memref<!tpu.dma_semaphore, #tpu.memory_space<semaphore_mem>>)
      %dma_wait3A = arith.constant 0 : i32
      %dma_wait3A_3252 = tpu.memref_slice %arg3[%dma_wait3A, %mul3A_2] : memref<16x4096xf32, #tpu.memory_space<hbm>> -> memref<16x128xf32, #tpu.memory_space<hbm>>
      %dma_wait3A_3253 = arith.constant 0 : i32
      %dma_wait3A_3254 = tpu.memref_slice %arg3[%dma_wait3A_3253, %mul3A_2] : memref<16x4096xf32, #tpu.memory_space<hbm>> -> memref<16x128xf32, #tpu.memory_space<hbm>>
      tpu.wait_dma2 semaphore(%run_scoped3A : memref<!tpu.dma_semaphore, #tpu.memory_space<semaphore_mem>>) src(%arg5 : memref<16x128xf32, #tpu.memory_space<vmem>>) dst(%dma_wait3A_3254 : memref<16x128xf32, #tpu.memory_space<hbm>>)
      tpu.yield
    }) : () -> ()
    return
  }
}

module attributes {stable_mosaic.version = 14 : i64} {
  func.func @_expand_kernel(%arg0: i32, %arg1: i32, %arg2: memref<16x4096xf32, #tpu.memory_space<vmem>>, %arg3: memref<1x1x1024x2048xf32, #tpu.memory_space<vmem>>, %arg4: memref<128x4096xf32, #tpu.memory_space<vmem>>) attributes {dimension_semantics = [#tpu.dimension_semantics<parallel>, #tpu.dimension_semantics<arbitrary>], iteration_bounds = array<i64: 16, 2>, scalar_prefetch = 0 : i64, scratch_operands = 1 : i64, tpu.core_type = #tpu.core_type<tc>, window_params = [{pipeline_mode = #tpu.pipeline_mode<synchronous>, transform_indices = @transform_0, window_bounds = array<i64: 16, 4096>}, {transform_indices = @transform_1, window_bounds = array<i64: 1, 1, 1024, 2048>}]} {
    %eq3A = arith.constant 0 : i32
    %eq3A_0 = arith.cmpi eq, %arg1, %eq3A : i32
    %convert_element_type3A = arith.extui %eq3A_0 : i1 to i32
    %cond3A = arith.constant 0 : i32
    %cond3A_1 = arith.cmpi ne, %convert_element_type3A, %cond3A : i32
    scf.if %cond3A_1 {
      %get3A_142 = arith.constant 0 : index
      %get3A_143 = arith.constant 0 : index
      %get3A_144 = vector.load %arg2[%get3A_142, %get3A_143] : memref<16x4096xf32, #tpu.memory_space<vmem>>, vector<16x4096xf32>
      %sub3A_145 = arith.constant 16 : i32
      %sub3A_146 = arith.subi %sub3A_145, %arg0 : i32
      %roll3A = tpu.dynamic_rotate %get3A_144 by %sub3A_146 dim 0 : vector<16x4096xf32>, i32 -> vector<16x4096xf32>
      %slice3A = vector.extract_strided_slice %roll3A {offsets = [0, 0], sizes = [1, 4096], strides = [1, 1]} : vector<16x4096xf32> to vector<1x4096xf32>
      %broadcast_in_dim3A = vector.shape_cast %slice3A : vector<1x4096xf32> to vector<1x4096xf32>
      %broadcast_in_dim3A_147 = vector.broadcast %broadcast_in_dim3A : vector<1x4096xf32> to vector<128x4096xf32>
      %roll3A_148 = arith.constant 3969 : i32
      %roll3A_149 = tpu.dynamic_rotate %broadcast_in_dim3A_147 by %roll3A_148 dim 1 {stride = 1 : si32, stride_dimension = 0 : si32} : vector<128x4096xf32>, i32 -> vector<128x4096xf32>
      %swap3A_150 = arith.constant 0 : index
      %swap3A_151 = arith.constant 0 : index
      %swap3A_152 = vector.load %arg4[%swap3A_150, %swap3A_151] : memref<128x4096xf32, #tpu.memory_space<vmem>>, vector<128x4096xf32>
      tpu.vector_store %arg4[%swap3A_150, %swap3A_151], %roll3A_149 {strides = array<i32>} : memref<128x4096xf32, #tpu.memory_space<vmem>>, vector<128x4096xf32>,
    } else {
    }
    %mul3A = arith.constant 8 : i32
    %mul3A_2 = arith.muli %mul3A, %arg1 : i32
    %sub3A = arith.constant 15 : i32
    %sub3A_3 = arith.subi %sub3A, %mul3A_2 : i32
    %sub3A_4 = arith.constant 0 : i32
    %sub3A_5 = arith.subi %sub3A_3, %sub3A_4 : i32
    %mul3A_6 = arith.constant 128 : i32
    %mul3A_7 = arith.muli %mul3A_6, %sub3A_5 : i32
    %get3A = arith.constant 0 : index
    %get3A_8 = arith.index_cast %mul3A_7 : i32 to index
    %get3A_9 = vector.load %arg4[%get3A, %get3A_8] : memref<128x4096xf32, #tpu.memory_space<vmem>>, vector<128x2048xf32>
    %swap3A = arith.constant 0 : index
    %swap3A_10 = arith.constant 0 : index
    %swap3A_11 = arith.constant 0 : index
    %swap3A_12 = arith.constant 0 : index
    %swap3A_13 = vector.load %arg3[%swap3A, %swap3A_10, %swap3A_11, %swap3A_12] : memref<1x1x1024x2048xf32, #tpu.memory_space<vmem>>, vector<1x1x128x2048xf32>
    %swap3A_14 = vector.shape_cast %swap3A_13 : vector<1x1x128x2048xf32> to vector<128x2048xf32>
    %swap3A_15 = vector.shape_cast %get3A_9 : vector<128x2048xf32> to vector<1x1x128x2048xf32>
    tpu.vector_store %arg3[%swap3A, %swap3A_10, %swap3A_11, %swap3A_12], %swap3A_15 {strides = array<i32>} : memref<1x1x1024x2048xf32, #tpu.memory_space<vmem>>, vector<1x1x128x2048xf32>,
    %mul3A_16 = arith.constant 8 : i32
    %mul3A_17 = arith.muli %mul3A_16, %arg1 : i32
    %sub3A_18 = arith.constant 15 : i32
    %sub3A_19 = arith.subi %sub3A_18, %mul3A_17 : i32
    %sub3A_20 = arith.constant 1 : i32
    %sub3A_21 = arith.subi %sub3A_19, %sub3A_20 : i32
    %mul3A_22 = arith.constant 128 : i32
    %mul3A_23 = arith.muli %mul3A_22, %sub3A_21 : i32
    %get3A_24 = arith.constant 0 : index
    %get3A_25 = arith.index_cast %mul3A_23 : i32 to index
    %get3A_26 = vector.load %arg4[%get3A_24, %get3A_25] : memref<128x4096xf32, #tpu.memory_space<vmem>>, vector<128x2048xf32>
    %swap3A_27 = arith.constant 0 : index
    %swap3A_28 = arith.constant 0 : index
    %swap3A_29 = arith.constant 128 : index
    %swap3A_30 = arith.constant 0 : index
    %swap3A_31 = vector.load %arg3[%swap3A_27, %swap3A_28, %swap3A_29, %swap3A_30] : memref<1x1x1024x2048xf32, #tpu.memory_space<vmem>>, vector<1x1x128x2048xf32>
    %swap3A_32 = vector.shape_cast %swap3A_31 : vector<1x1x128x2048xf32> to vector<128x2048xf32>
    %swap3A_33 = vector.shape_cast %get3A_26 : vector<128x2048xf32> to vector<1x1x128x2048xf32>
    tpu.vector_store %arg3[%swap3A_27, %swap3A_28, %swap3A_29, %swap3A_30], %swap3A_33 {strides = array<i32>} : memref<1x1x1024x2048xf32, #tpu.memory_space<vmem>>, vector<1x1x128x2048xf32>,
    %mul3A_34 = arith.constant 8 : i32
    %mul3A_35 = arith.muli %mul3A_34, %arg1 : i32
    %sub3A_36 = arith.constant 15 : i32
    %sub3A_37 = arith.subi %sub3A_36, %mul3A_35 : i32
    %sub3A_38 = arith.constant 2 : i32
    %sub3A_39 = arith.subi %sub3A_37, %sub3A_38 : i32
    %mul3A_40 = arith.constant 128 : i32
    %mul3A_41 = arith.muli %mul3A_40, %sub3A_39 : i32
    %get3A_42 = arith.constant 0 : index
    %get3A_43 = arith.index_cast %mul3A_41 : i32 to index
    %get3A_44 = vector.load %arg4[%get3A_42, %get3A_43] : memref<128x4096xf32, #tpu.memory_space<vmem>>, vector<128x2048xf32>
    %swap3A_45 = arith.constant 0 : index
    %swap3A_46 = arith.constant 0 : index
    %swap3A_47 = arith.constant 256 : index
    %swap3A_48 = arith.constant 0 : index
    %swap3A_49 = vector.load %arg3[%swap3A_45, %swap3A_46, %swap3A_47, %swap3A_48] : memref<1x1x1024x2048xf32, #tpu.memory_space<vmem>>, vector<1x1x128x2048xf32>
    %swap3A_50 = vector.shape_cast %swap3A_49 : vector<1x1x128x2048xf32> to vector<128x2048xf32>
    %swap3A_51 = vector.shape_cast %get3A_44 : vector<128x2048xf32> to vector<1x1x128x2048xf32>
    tpu.vector_store %arg3[%swap3A_45, %swap3A_46, %swap3A_47, %swap3A_48], %swap3A_51 {strides = array<i32>} : memref<1x1x1024x2048xf32, #tpu.memory_space<vmem>>, vector<1x1x128x2048xf32>,
    %mul3A_52 = arith.constant 8 : i32
    %mul3A_53 = arith.muli %mul3A_52, %arg1 : i32
    %sub3A_54 = arith.constant 15 : i32
    %sub3A_55 = arith.subi %sub3A_54, %mul3A_53 : i32
    %sub3A_56 = arith.constant 3 : i32
    %sub3A_57 = arith.subi %sub3A_55, %sub3A_56 : i32
    %mul3A_58 = arith.constant 128 : i32
    %mul3A_59 = arith.muli %mul3A_58, %sub3A_57 : i32
    %get3A_60 = arith.constant 0 : index
    %get3A_61 = arith.index_cast %mul3A_59 : i32 to index
    %get3A_62 = vector.load %arg4[%get3A_60, %get3A_61] : memref<128x4096xf32, #tpu.memory_space<vmem>>, vector<128x2048xf32>
    %swap3A_63 = arith.constant 0 : index
    %swap3A_64 = arith.constant 0 : index
    %swap3A_65 = arith.constant 384 : index
    %swap3A_66 = arith.constant 0 : index
    %swap3A_67 = vector.load %arg3[%swap3A_63, %swap3A_64, %swap3A_65, %swap3A_66] : memref<1x1x1024x2048xf32, #tpu.memory_space<vmem>>, vector<1x1x128x2048xf32>
    %swap3A_68 = vector.shape_cast %swap3A_67 : vector<1x1x128x2048xf32> to vector<128x2048xf32>
    %swap3A_69 = vector.shape_cast %get3A_62 : vector<128x2048xf32> to vector<1x1x128x2048xf32>
    tpu.vector_store %arg3[%swap3A_63, %swap3A_64, %swap3A_65, %swap3A_66], %swap3A_69 {strides = array<i32>} : memref<1x1x1024x2048xf32, #tpu.memory_space<vmem>>, vector<1x1x128x2048xf32>,
    %mul3A_70 = arith.constant 8 : i32
    %mul3A_71 = arith.muli %mul3A_70, %arg1 : i32
    %sub3A_72 = arith.constant 15 : i32
    %sub3A_73 = arith.subi %sub3A_72, %mul3A_71 : i32
    %sub3A_74 = arith.constant 4 : i32
    %sub3A_75 = arith.subi %sub3A_73, %sub3A_74 : i32
    %mul3A_76 = arith.constant 128 : i32
    %mul3A_77 = arith.muli %mul3A_76, %sub3A_75 : i32
    %get3A_78 = arith.constant 0 : index
    %get3A_79 = arith.index_cast %mul3A_77 : i32 to index
    %get3A_80 = vector.load %arg4[%get3A_78, %get3A_79] : memref<128x4096xf32, #tpu.memory_space<vmem>>, vector<128x2048xf32>
    %swap3A_81 = arith.constant 0 : index
    %swap3A_82 = arith.constant 0 : index
    %swap3A_83 = arith.constant 512 : index
    %swap3A_84 = arith.constant 0 : index
    %swap3A_85 = vector.load %arg3[%swap3A_81, %swap3A_82, %swap3A_83, %swap3A_84] : memref<1x1x1024x2048xf32, #tpu.memory_space<vmem>>, vector<1x1x128x2048xf32>
    %swap3A_86 = vector.shape_cast %swap3A_85 : vector<1x1x128x2048xf32> to vector<128x2048xf32>
    %swap3A_87 = vector.shape_cast %get3A_80 : vector<128x2048xf32> to vector<1x1x128x2048xf32>
    tpu.vector_store %arg3[%swap3A_81, %swap3A_82, %swap3A_83, %swap3A_84], %swap3A_87 {strides = array<i32>} : memref<1x1x1024x2048xf32, #tpu.memory_space<vmem>>, vector<1x1x128x2048xf32>,
    %mul3A_88 = arith.constant 8 : i32
    %mul3A_89 = arith.muli %mul3A_88, %arg1 : i32
    %sub3A_90 = arith.constant 15 : i32
    %sub3A_91 = arith.subi %sub3A_90, %mul3A_89 : i32
    %sub3A_92 = arith.constant 5 : i32
    %sub3A_93 = arith.subi %sub3A_91, %sub3A_92 : i32
    %mul3A_94 = arith.constant 128 : i32
    %mul3A_95 = arith.muli %mul3A_94, %sub3A_93 : i32
    %get3A_96 = arith.constant 0 : index
    %get3A_97 = arith.index_cast %mul3A_95 : i32 to index
    %get3A_98 = vector.load %arg4[%get3A_96, %get3A_97] : memref<128x4096xf32, #tpu.memory_space<vmem>>, vector<128x2048xf32>
    %swap3A_99 = arith.constant 0 : index
    %swap3A_100 = arith.constant 0 : index
    %swap3A_101 = arith.constant 640 : index
    %swap3A_102 = arith.constant 0 : index
    %swap3A_103 = vector.load %arg3[%swap3A_99, %swap3A_100, %swap3A_101, %swap3A_102] : memref<1x1x1024x2048xf32, #tpu.memory_space<vmem>>, vector<1x1x128x2048xf32>
    %swap3A_104 = vector.shape_cast %swap3A_103 : vector<1x1x128x2048xf32> to vector<128x2048xf32>
    %swap3A_105 = vector.shape_cast %get3A_98 : vector<128x2048xf32> to vector<1x1x128x2048xf32>
    tpu.vector_store %arg3[%swap3A_99, %swap3A_100, %swap3A_101, %swap3A_102], %swap3A_105 {strides = array<i32>} : memref<1x1x1024x2048xf32, #tpu.memory_space<vmem>>, vector<1x1x128x2048xf32>,
    %mul3A_106 = arith.constant 8 : i32
    %mul3A_107 = arith.muli %mul3A_106, %arg1 : i32
    %sub3A_108 = arith.constant 15 : i32
    %sub3A_109 = arith.subi %sub3A_108, %mul3A_107 : i32
    %sub3A_110 = arith.constant 6 : i32
    %sub3A_111 = arith.subi %sub3A_109, %sub3A_110 : i32
    %mul3A_112 = arith.constant 128 : i32
    %mul3A_113 = arith.muli %mul3A_112, %sub3A_111 : i32
    %get3A_114 = arith.constant 0 : index
    %get3A_115 = arith.index_cast %mul3A_113 : i32 to index
    %get3A_116 = vector.load %arg4[%get3A_114, %get3A_115] : memref<128x4096xf32, #tpu.memory_space<vmem>>, vector<128x2048xf32>
    %swap3A_117 = arith.constant 0 : index
    %swap3A_118 = arith.constant 0 : index
    %swap3A_119 = arith.constant 768 : index
    %swap3A_120 = arith.constant 0 : index
    %swap3A_121 = vector.load %arg3[%swap3A_117, %swap3A_118, %swap3A_119, %swap3A_120] : memref<1x1x1024x2048xf32, #tpu.memory_space<vmem>>, vector<1x1x128x2048xf32>
    %swap3A_122 = vector.shape_cast %swap3A_121 : vector<1x1x128x2048xf32> to vector<128x2048xf32>
    %swap3A_123 = vector.shape_cast %get3A_116 : vector<128x2048xf32> to vector<1x1x128x2048xf32>
    tpu.vector_store %arg3[%swap3A_117, %swap3A_118, %swap3A_119, %swap3A_120], %swap3A_123 {strides = array<i32>} : memref<1x1x1024x2048xf32, #tpu.memory_space<vmem>>, vector<1x1x128x2048xf32>,
    %mul3A_124 = arith.constant 8 : i32
    %mul3A_125 = arith.muli %mul3A_124, %arg1 : i32
    %sub3A_126 = arith.constant 15 : i32
    %sub3A_127 = arith.subi %sub3A_126, %mul3A_125 : i32
    %sub3A_128 = arith.constant 7 : i32
    %sub3A_129 = arith.subi %sub3A_127, %sub3A_128 : i32
    %mul3A_130 = arith.constant 128 : i32
    %mul3A_131 = arith.muli %mul3A_130, %sub3A_129 : i32
    %get3A_132 = arith.constant 0 : index
    %get3A_133 = arith.index_cast %mul3A_131 : i32 to index
    %get3A_134 = vector.load %arg4[%get3A_132, %get3A_133] : memref<128x4096xf32, #tpu.memory_space<vmem>>, vector<128x2048xf32>
    %swap3A_135 = arith.constant 0 : index
    %swap3A_136 = arith.constant 0 : index
    %swap3A_137 = arith.constant 896 : index
    %swap3A_138 = arith.constant 0 : index
    %swap3A_139 = vector.load %arg3[%swap3A_135, %swap3A_136, %swap3A_137, %swap3A_138] : memref<1x1x1024x2048xf32, #tpu.memory_space<vmem>>, vector<1x1x128x2048xf32>
    %swap3A_140 = vector.shape_cast %swap3A_139 : vector<1x1x128x2048xf32> to vector<128x2048xf32>
    %swap3A_141 = vector.shape_cast %get3A_134 : vector<128x2048xf32> to vector<1x1x128x2048xf32>
    tpu.vector_store %arg3[%swap3A_135, %swap3A_136, %swap3A_137, %swap3A_138], %swap3A_141 {strides = array<i32>} : memref<1x1x1024x2048xf32, #tpu.memory_space<vmem>>, vector<1x1x128x2048xf32>,
    return
  }
  func.func @transform_0(%arg0: i32, %arg1: i32) -> (i32, i32) {
    %c0_i32 = arith.constant 0 : i32
    %c0_i32_0 = arith.constant 0 : i32
    %c0_i32_1 = arith.constant 0 : i32
    return %c0_i32, %c0_i32_0 : i32, i32
  }
  func.func @transform_1(%arg0: i32, %arg1: i32) -> (i32, i32, i32, i32) {
    %c0_i32 = arith.constant 0 : i32
    %c0_i32_0 = arith.constant 0 : i32
    %c0_i32_1 = arith.constant 0 : i32
    return %c0_i32, %arg0, %arg1, %c0_i32_0 : i32, i32, i32, i32
  }
}

</mosaic_0001>

<sc_bundles>
// kernel: kernel.4.cloned.1.call-start
scs
__scs_entry_jumppad:
0x0: {  	(pc) =	sbr.rel $0x88, $3  }
0x1: {  	(tag) =	ssettag $0x0;
	lr =	simm.s32 $0x1  }
0x2: {  	[smem:$0x3FA0] =	sst lr;
	_ =	strace $0xD0000000  }
0x3: {  	_ = 	snop  }
0x4: {  	_ = 	snop  }
0x5: {  	_ = 	snop  }
0x6: {  	_ = 	snop  }
0x7: {  	_ = 	snop  }
__scs_overlays_trampoline_lowered:
0x8: {  	[smem:$0x3FAF] =	sst s0  }
0x9: {  	[smem:$0x3FB0] =	sst s1  }
0xa: {  	[smem:$0x3FB1] =	sst s2  }
0xb: {  	[smem:$0x3FB2] =	sst s3  }
0xc: {  	[smem:$0x3FB3] =	sst s4  }
0xd: {  	[smem:$0x3FB4] =	sst s5  }
0xe: {  	[smem:$0x3FB5] =	sst s6  }
0xf: {  	[smem:$0x3FB6] =	sst s7  }
0x10: {  	[smem:$0x3FB7] =	sst s8  }
0x11: {  	[smem:$0x3FB8] =	sst s9;
	s0 =	simm.s32 @!p0 $0x0  }
0x12: {  	s1 =	sld [smem:$0x3F9E];
	s0 =	simm.s32 @p0 $0x1  }
0x13: {  	[smem:$0x3FB9] =	sst s0;
	s0 =	simm.s32 @!p1 $0x0  }
0x14: {  	s2 =	sld [smem:$0x3F9D];
	s0 =	simm.s32 @p1 $0x1  }
0x15: {  	[smem:$0x3FBA] =	sst s0;
	s0 =	simm.s32 @!p2 $0x0  }
0x16: {  	s3 =	sld [smem:$0x3FDB];
	s0 =	simm.s32 @p2 $0x1  }
0x17: {  	s4 =	simm.s32 $0x1BF5;
	[smem:$0x3FBC] =	sst s0  }
0x18: {  	s0 =	sld [smem:$0x3F9F];
	_ =	swait.ge [sflag:s4], $0x0  }
0x19: {  	s7 =	sld [smem:$0x3FA0]  }
0x1a: {  	s8 =	sadd.s32 $0xFFFFE003, lr  }
0x1b: {  	s9 =	sadd.s32 $0xFFFFFEF7, lr;
	s5 =	simm.s32 $0xFFFFFFFF;
	p2 =	slt.u32 s8, $0xFFFFF086  }
0x1c: {  	p1 =	slt.u32 s9, $0xF7A;
	s5 =	simm.s32 @!p2 $0x0  }
0x1d: {  	s5 =	simm.s32 @p1 $0x1;
	p0 =	seq.s32 s7, s2  }
0x1e: {  	s7 =	smul.u32 @!p0 $0xF7A, s2;
	p2 =	seq.s32 @!p0 s5, $0x0  }
0x1f: {  	s9 =	smul.u32 $0xF7A, s1;
	s8 =	simm.s32 @!p0 $0x1BF5;
	p2 =	por !p2, p0  }
0x20: {  	[sflag:s8] =	ssyncset.s32 @!p0 $0xFFFFF086;
	s6 =	sadd.s32 @!p0 s3, s7;
	s7 =	simm.s32 @!p0 $0x108  }
0x21: {  	s3 =	sadd.s32 s3, s9;
	s6 =	sadd.s32 @!p0 $0x88, s6;
	s7 =	simm.s32 @p2 $0x1082  }
0x22: {  	[simem:s7], [sflag:s8] =	dma.local @!p0 [hbm:s6], $0xF7A  }
0x23: {  	s9 =	sor.u32 $0xD0000000, s2;
	s6 =	simm.s32 $0x108;
	_ =	swait.ge @!p0 [sflag:s8], $0x0  }
0x24: {  	s3 =	sadd.s32 $0x88, s3;
	s6 =	simm.s32 @!p1 $0x1082;
	[sflag:s4] =	ssyncset.s32 $0xFFFFF086  }
0x25: {  	[simem:s6], [sflag:s4] =	dma.local [hbm:s3], $0xF7A  }
0x26: {  	[smem:$0x3FA0] =	sst s1;
	(tag) =	ssettag s2;
	_ =	strace s9  }
0x27: {  	s1 =	sld [smem:$0x3FB0]  }
0x28: {  	s2 =	sld [smem:$0x3FB1]  }
0x29: {  	s4 =	sld [smem:$0x3FB3]  }
0x2a: {  	p0 =	seq.s32 s5, $0x0;
	s5 =	sld [smem:$0x3FB4]  }
0x2b: {  	s6 =	sld [smem:$0x3FB5]  }
0x2c: {  	s7 =	sld [smem:$0x3FB6]  }
0x2d: {  	s3 =	simm.s32 $0x108;
	s8 =	sld [smem:$0x3FB7]  }
0x2e: {  	s3 =	simm.s32 @!p0 $0x1082;
	s9 =	sld [smem:$0x3FB8]  }
0x2f: {  	lr =	sadd.s32 s0, s3;
	s0 =	sld [smem:$0x3FAF]  }
0x30: {  	s3 =	sld [smem:$0x3FB2]  }
0x31: {  	[smem:$0x3FBB] =	sst s10  }
0x32: {  	s10 =	sld [smem:$0x3FB9];
	_ =	sdelay $0x3  }
0x33: {  	p0 =	seq.s32 s10, $0x1;
	s10 =	sld [smem:$0x3FBB];
	_ =	sdelay $0x3  }
0x34: {  	[smem:$0x3FBB] =	sst s10  }
0x35: {  	s10 =	sld [smem:$0x3FBA];
	_ =	sdelay $0x3  }
0x36: {  	p1 =	seq.s32 s10, $0x1;
	s10 =	sld [smem:$0x3FBB];
	_ =	sdelay $0x3  }
0x37: {  	[smem:$0x3FBB] =	sst s10  }
0x38: {  	s10 =	sld [smem:$0x3FBC]  }
0x39: {  	_ = 	snop;
	(pc) =	sbr.ind lr, $3  }
0x3a: {  	_ = 	snop  }
0x3b: {  	_ = 	snop  }
0x3c: {  	p2 =	seq.s32 s10, $0x1;
	s10 =	sld [smem:$0x3FBB]  }
0x3d: {  	_ =	shalt  }
0x3e: {  	_ =	shalt  }
0x3f: {  	_ =	shalt  }
0x40: {  	_ =	shalt  }
0x41: {  	_ =	shalt  }
0x42: {  	_ =	shalt  }
0x43: {  	_ =	shalt  }
0x44: {  	_ =	shalt  }
0x45: {  	_ =	shalt  }
0x46: {  	_ =	shalt  }
0x47: {  	_ =	shalt  }
0x48: {  	_ =	shalt  }
0x49: {  	_ =	shalt  }
0x4a: {  	_ =	shalt  }
0x4b: {  	_ =	shalt  }
0x4c: {  	_ =	shalt  }
0x4d: {  	_ =	shalt  }
0x4e: {  	_ =	shalt  }
0x4f: {  	_ =	shalt  }
0x50: {  	_ =	shalt  }
0x51: {  	_ =	shalt  }
0x52: {  	_ =	shalt  }
0x53: {  	_ =	shalt  }
0x54: {  	_ =	shalt  }
0x55: {  	_ =	shalt  }
0x56: {  	_ =	shalt  }
0x57: {  	_ =	shalt  }
0x58: {  	_ =	shalt  }
0x59: {  	_ =	shalt  }
0x5a: {  	_ =	shalt  }
0x5b: {  	_ =	shalt  }
0x5c: {  	_ =	shalt  }
0x5d: {  	_ =	shalt  }
0x5e: {  	_ =	shalt  }
0x5f: {  	_ =	shalt  }
0x60: {  	_ =	shalt  }
0x61: {  	_ =	shalt  }
0x62: {  	_ =	shalt  }
0x63: {  	_ =	shalt  }
0x64: {  	_ =	shalt  }
0x65: {  	_ =	shalt  }
0x66: {  	_ =	shalt  }
0x67: {  	_ =	shalt  }
0x68: {  	_ =	shalt  }
0x69: {  	_ =	shalt  }
0x6a: {  	_ =	shalt  }
0x6b: {  	_ =	shalt  }
0x6c: {  	_ =	shalt  }
0x6d: {  	_ =	shalt  }
0x6e: {  	_ =	shalt  }
0x6f: {  	_ =	shalt  }
0x70: {  	_ =	shalt  }
0x71: {  	_ =	shalt  }
0x72: {  	_ =	shalt  }
0x73: {  	_ =	shalt  }
0x74: {  	_ =	shalt  }
0x75: {  	_ =	shalt  }
0x76: {  	_ =	shalt  }
0x77: {  	_ =	shalt  }
0x78: {  	_ =	shalt  }
0x79: {  	_ =	shalt  }
0x7a: {  	_ =	shalt  }
0x7b: {  	_ =	shalt  }
0x7c: {  	_ =	shalt  }
0x7d: {  	_ =	shalt  }
0x7e: {  	_ =	shalt  }
0x7f: {  	_ =	shalt  }
0x80: {  	_ =	shalt  }
0x81: {  	_ =	shalt  }
0x82: {  	_ =	shalt  }
0x83: {  	_ =	shalt  }
0x84: {  	_ =	shalt  }
0x85: {  	_ =	shalt  }
0x86: {  	_ =	shalt  }
0x87: {  	_ =	shalt  }
.Lfunc_end0:
.L_simem_size_0:
called_computation_lowered:
.L_overlay_start_0:
0x88: {  	s2 =	sld [smem:$0x3FD9]  }
0x89: {  	s3 =	sld [smem:$0x3FFE];
	_ =	sdelay $0x1  }
0x8a: {  	s1 =	srdreg.scid  }
0x8b: {  	s0 =	sand.u32 $0x1, s1  }
0x8c: {  	s17 =	sshll.u32 s0, $0xA;
	s2 =	sadd.s32 s3, s2  }
0x8d: {  	s2 =	sadd.s32 s2, s17  }
0x8e: {  	[smem:$0x3FC7] =	sst s2  }
0x8f: {  	_ = 	snop  }
0x90: {  	s2 =	sld [smem:$0x3FD0];
	(tm) =	ssettm $0x1  }
0x91: {  	s18 =	sld [smem:$0x3FFB];
	_ =	sdelay $0x3  }
0x92: {  	_ =	strace s18  }
0x93: {  	s3 =	sld [smem:$0x3FFC];
	_ =	sdelay $0x3  }
0x94: {  	_ =	strace s3  }
0x95: {  	s3 =	sld [smem:$0x3FFD];
	_ =	sdelay $0x3  }
0x96: {  	_ =	strace s3  }
0x97: {  	_ =	strace $0x8FFFFFFF  }
0x98: {  	s19 =	sld [smem:$0x3FDB];
	_ =	sdelay $0x1  }
0x99: {  	s4 =	simm.s32 $_scs_section_size  }
0x9a: {  	s5 =	simm.s32 $_size__tile_overlayer_lowered;
	s6 =	simm.s32 $_tile_overlayer_lowered  }
0x9b: {  	s22 =	simm.s32 $0x1BFF;
	s21 =	sshll.u32 s6, $0x1;
	s3 =	sadd.s32 s4, s19  }
0x9c: {  	s7 =	simm.s32 $0x0;
	s20 =	sshll.u32 s5, $0x1;
	s5 =	sadd.s32 s21, s3  }
0x9d: {  	[timem:s7], [sflag:s22] =	dma.local [hbm:s5], s20  }
0x9e: {  	_ =	swait.ge [sflag:s22], s20  }
0x9f: {  	s4 =	ssub.s32 $0x0, s20;
	[sflag:s22] =	ssyncset.done $0x0  }
0xa0: {  	[sflag:s22] =	ssyncadd.s32 s4;
	_ =	sdelay $0x1  }
0xa1: {  	s23 =	simm.s32 $0x1B8B  }
0xa2: {  	_ =	swait.ge [sflag:s23], $0x1  }
0xa3: {  	[sflag:s23] =	ssyncset.done $0x0  }
0xa4: {  	s25 =	simm.s32 $0x1B8E;
	s24 =	sld [smem:$0x3FFE];
	[sflag:s23] =	ssyncadd.s32 $0xFFFFFFFF  }
0xa5: {  	s26 =	simm.s32 $execute0_lowered;
	[smem:$0x3FD2] =	sst s25  }
0xa6: {  	s5 =	sshll.u32 s26, $0x1;
	_ =	strace $0x80000046;
	[dreg:$0x1] =	wrdreg $0xFFFFFFFF  }
0xa7: {  	s28 =	simm.s32 $_size_execute0_lowered;
	s3 =	sadd.s32 s3, s5;
	[dreg:$0x0] =	wrdreg $0x0  }
0xa8: {  	s5 =	sshll.u32 s28, $0x1;
	[dreg:$0x2] =	wrdreg s3  }
0xa9: {  	[dreg:$0x3] =	wrdreg s5  }
0xaa: {  	[dreg:$0x4] =	wrdreg $0xC0  }
0xab: {  	_ =	task [dreg:s7], $0x5FFFF  }
0xac: {  	[dreg:$0x1] =	wrdreg $0xFFFFFFFF  }
0xad: {  	[dreg:$0x0] =	wrdreg $0x60  }
0xae: {  	[dreg:$0x2] =	wrdreg s24  }
0xaf: {  	[dreg:$0x3] =	wrdreg s2  }
0xb0: {  	[dreg:$0x4] =	wrdreg $0x9  }
0xb1: {  	_ =	task.clear_ibuf [dreg:s7], $0x5FFFF;
	_ =	strace $0x90000046  }
0xb2: {  	s29 =	simm.s32 $0x9;
	_ =	strace $0x80000048  }
0xb3: {  	_ =	swait.ge [sflag:s29], $0x1  }
0xb4: {  	[sflag:s29] =	ssyncadd.s32 $0xFFFFFFFF  }
0xb5: {  	_ =	strace $0x90000048  }
0xb6: {  	_ =	sfence  }
0xb7: {  	s30 =	sld [smem:$0x0];
	_ =	sdelay $0x2  }
0xb8: {  	s31 =	sshll.u32 s1, $0xD;
	s1 =	sshrl.u32 s1, $0x2  }
0xb9: {  	s3 =	sand.u32 $0x4000, s31;
	s1 =	sadd.s32 s1, s30  }
0xba: {  	s0 =	sor.u32 s3, s0;
	s1 =	sshll.u32 s1, $0x11  }
0xbb: {  	s0 =	sor.u32 s1, s0  }
0xbc: {  	s0 =	sadd.s32 $0x8F2B, s0  }
0xbd: {  	[sflag:s0] =	ssyncadd.remote.s32 $0x1  }
0xbe: {  	_ =	sfence.sel $0xFFFF  }
0xbf: {  	[dreg:$0x0] =	wrdreg $0xFFFFFFFF;
	(pc) =	sbr.abs _section_cstart, $3  }
0xc0: {  	[dreg:$0x1] =	wrdreg $0xFFFFFFFF  }
0xc1: {  	_ =	task.clear_ibuf [dreg:s7], $0x2FFFF;
	_ =	strace $0x9FFFFFFF  }
0xc2: {  	(tm) =	ssettm $0x7FFFFFFF  }
0xc3: {  	_ =	shalt  }
tec
execute0_lowered:
.L_overlay_start_1:
0x0: {  	(tag) =	ssettag $0x1  }
0x1: {  	s1 =	srdreg.scid  }
0x2: {  	s0 =	stileid.u32;
	v0 =	vlaneseq.u32;
	s3 =	sand.u32 $0x1, s1  }
0x3: {  	s23 =	sshll.u32 s0, $0x8;
	v0 =	vmul.u32 $0xFFFFFFFF, v0;
	s2 =	sshll.u32 s3, $0x7  }
0x4: {  	s4 =	sor.u32 s2, s23  }
0x5: {  	v14 =	vadd.s32 $0x7FF, v0;
	v1 =	vmov s4  }
0x6: {  	v13 =	vimm.s32 $0x10;
	v0 =	vsub.s32 v14, v1  }
0x7: {  	v12 =	vimm.s32 $0x0;
	vm0 =	vgt.s32 v0, $0x12;
	vm1 =	vgt.s32 v0, $0x14  }
0x8: {  	v1 =	vsel vm0, $0x11, v13;
	v2 =	vsel vm1, $0x1, v12;
	vm0 =	vgt.s32 v0, $0x17  }
0x9: {  	v1 =	vadd.s32 v2, v1;
	v2 =	vsel vm0, $0x1, v12;
	vm0 =	vgt.s32 v0, $0x1A  }
0xa: {  	v1 =	vadd.s32 v2, v1;
	v2 =	vsel vm0, $0x1, v12;
	vm0 =	vgt.s32 v0, $0x1E  }
0xb: {  	v1 =	vadd.s32 v2, v1;
	v2 =	vsel vm0, $0x1, v12;
	vm0 =	vgt.s32 v0, $0x22  }
0xc: {  	v1 =	vadd.s32 v2, v1;
	v2 =	vsel vm0, $0x1, v12;
	vm0 =	vgt.s32 v0, $0x27  }
0xd: {  	v1 =	vadd.s32 v2, v1;
	v2 =	vsel vm0, $0x1, v12;
	vm0 =	vgt.s32 v0, $0x2D  }
0xe: {  	v1 =	vadd.s32 v2, v1;
	v2 =	vsel vm0, $0x1, v12;
	vm0 =	vgt.s32 v0, $0x33  }
0xf: {  	v1 =	vadd.s32 v2, v1;
	v2 =	vsel vm0, $0x1, v12;
	vm0 =	vgt.s32 v0, $0x3A  }
0x10: {  	v1 =	vadd.s32 v2, v1;
	v2 =	vsel vm0, $0x1, v12;
	vm0 =	vgt.s32 v0, $0x42  }
0x11: {  	v1 =	vadd.s32 v2, v1;
	v2 =	vsel vm0, $0x1, v12;
	vm0 =	vgt.s32 v0, $0x4C  }
0x12: {  	v1 =	vadd.s32 v2, v1;
	v2 =	vsel vm0, $0x1, v12;
	vm0 =	vgt.s32 v0, $0x56  }
0x13: {  	v1 =	vadd.s32 v2, v1;
	v2 =	vsel vm0, $0x1, v12;
	vm0 =	vgt.s32 v0, $0x62  }
0x14: {  	v1 =	vadd.s32 v2, v1;
	v2 =	vsel vm0, $0x1, v12;
	vm0 =	vgt.s32 v0, $0x70  }
0x15: {  	vm1 =	vgt.s32 v0, $0x0;
	v1 =	vadd.s32 v2, v1;
	v2 =	vsel vm0, $0x1, v12  }
0x16: {  	s1 =	sor.u32 $0x10, s4;
	v3 =	vnsel vm1, $0x0, v0;
	vm0 =	vlt.s32 v0, $0x10;
	v1 =	vadd.s32 v2, v1  }
0x17: {  	s30 =	sor.u32 $0x70, s4;
	v16 =	vsel vm0, v3, v1;
	v1 =	vmov s1  }
0x18: {  	v25 =	vmov s30;
	v53 =	vmin.u32 v16, $0xF;
	v1 =	vsub.s32 v14, v1  }
0x19: {  	v2 =	vmax.u32 v16, $0x10;
	vm1 =	vgt.s32 v1, $0x12;
	vm2 =	vgt.s32 v1, $0x14  }
0x1a: {  	v3 =	vsel vm1, $0x11, v13;
	v4 =	vsel vm2, $0x1, v12;
	vm1 =	vgt.s32 v1, $0x17  }
0x1b: {  	v3 =	vadd.s32 v4, v3;
	v4 =	vsel vm1, $0x1, v12;
	vm1 =	vgt.s32 v1, $0x1A  }
0x1c: {  	v3 =	vadd.s32 v4, v3;
	v4 =	vsel vm1, $0x1, v12;
	vm1 =	vgt.s32 v1, $0x1E  }
0x1d: {  	v3 =	vadd.s32 v4, v3;
	v4 =	vsel vm1, $0x1, v12;
	vm1 =	vgt.s32 v1, $0x22  }
0x1e: {  	v3 =	vadd.s32 v4, v3;
	v4 =	vsel vm1, $0x1, v12;
	vm1 =	vgt.s32 v1, $0x27  }
0x1f: {  	v3 =	vadd.s32 v4, v3;
	v4 =	vsel vm1, $0x1, v12;
	vm1 =	vgt.s32 v1, $0x2D  }
0x20: {  	v3 =	vadd.s32 v4, v3;
	v4 =	vsel vm1, $0x1, v12;
	vm1 =	vgt.s32 v1, $0x33  }
0x21: {  	v3 =	vadd.s32 v4, v3;
	v4 =	vsel vm1, $0x1, v12;
	vm1 =	vgt.s32 v1, $0x3A  }
0x22: {  	v3 =	vadd.s32 v4, v3;
	v4 =	vsel vm1, $0x1, v12;
	vm1 =	vgt.s32 v1, $0x42  }
0x23: {  	v3 =	vadd.s32 v4, v3;
	v4 =	vsel vm1, $0x1, v12;
	vm1 =	vgt.s32 v1, $0x4C  }
0x24: {  	v3 =	vadd.s32 v4, v3;
	v4 =	vsel vm1, $0x1, v12;
	vm1 =	vgt.s32 v1, $0x56  }
0x25: {  	v3 =	vadd.s32 v4, v3;
	v4 =	vsel vm1, $0x1, v12;
	vm1 =	vgt.s32 v1, $0x62  }
0x26: {  	v3 =	vadd.s32 v4, v3;
	v4 =	vsel vm1, $0x1, v12;
	vm1 =	vgt.s32 v1, $0x70  }
0x27: {  	vm0 =	vgt.s32 v1, $0x0;
	v3 =	vadd.s32 v4, v3;
	v4 =	vsel vm1, $0x1, v12  }
0x28: {  	s24 =	sor.u32 $0x20, s4;
	v5 =	vnsel vm0, $0x0, v1;
	vm0 =	vlt.s32 v1, $0x10;
	v3 =	vadd.s32 v4, v3  }
0x29: {  	vm7 =	vlt.u32 v16, $0x10;
	v4 =	vmov s24;
	v17 =	vsel vm0, v5, v3  }
0x2a: {  	v1 =	vand.u32 $0xF, v2;
	v3 =	vsub.s32 v14, v4;
	v2 =	vmin.u32 v17, $0xF  }
0x2b: {  	vm0 =	vgt.s32 v3, $0x12;
	vm1 =	vgt.s32 v3, $0x14;
	vm6 =	vlt.u32 v17, $0x10  }
0x2c: {  	v4 =	vsel vm0, $0x11, v13;
	v5 =	vsel vm1, $0x1, v12;
	vm0 =	vgt.s32 v3, $0x17  }
0x2d: {  	v4 =	vadd.s32 v5, v4;
	v5 =	vsel vm0, $0x1, v12;
	vm0 =	vgt.s32 v3, $0x1A  }
0x2e: {  	v4 =	vadd.s32 v5, v4;
	v5 =	vsel vm0, $0x1, v12;
	vm0 =	vgt.s32 v3, $0x1E  }
0x2f: {  	v4 =	vadd.s32 v5, v4;
	v5 =	vsel vm0, $0x1, v12;
	vm0 =	vgt.s32 v3, $0x22  }
0x30: {  	v4 =	vadd.s32 v5, v4;
	v5 =	vsel vm0, $0x1, v12;
	vm0 =	vgt.s32 v3, $0x27  }
0x31: {  	v4 =	vadd.s32 v5, v4;
	v5 =	vsel vm0, $0x1, v12;
	vm0 =	vgt.s32 v3, $0x2D  }
0x32: {  	v4 =	vadd.s32 v5, v4;
	v5 =	vsel vm0, $0x1, v12;
	vm0 =	vgt.s32 v3, $0x33  }
0x33: {  	v4 =	vadd.s32 v5, v4;
	v5 =	vsel vm0, $0x1, v12;
	vm0 =	vgt.s32 v3, $0x3A  }
0x34: {  	v4 =	vadd.s32 v5, v4;
	v5 =	vsel vm0, $0x1, v12;
	vm0 =	vgt.s32 v3, $0x42  }
0x35: {  	v4 =	vadd.s32 v5, v4;
	v5 =	vsel vm0, $0x1, v12;
	vm0 =	vgt.s32 v3, $0x4C  }
0x36: {  	v4 =	vadd.s32 v5, v4;
	v5 =	vsel vm0, $0x1, v12;
	vm0 =	vgt.s32 v3, $0x56  }
0x37: {  	v4 =	vadd.s32 v5, v4;
	v5 =	vsel vm0, $0x1, v12;
	vm0 =	vgt.s32 v3, $0x62  }
0x38: {  	v4 =	vadd.s32 v5, v4;
	v5 =	vsel vm0, $0x1, v12;
	vm0 =	vgt.s32 v3, $0x70  }
0x39: {  	vm1 =	vgt.s32 v3, $0x0;
	v4 =	vadd.s32 v5, v4;
	v5 =	vsel vm0, $0x1, v12  }
0x3a: {  	s25 =	sor.u32 $0x30, s4;
	v6 =	vnsel vm1, $0x0, v3;
	vm0 =	vlt.s32 v3, $0x10;
	v4 =	vadd.s32 v5, v4  }
0x3b: {  	v3 =	vmax.u32 v17, $0x10;
	v5 =	vmov s25;
	v18 =	vsel vm0, v6, v4  }
0x3c: {  	v3 =	vand.u32 $0xF, v3;
	v5 =	vsub.s32 v14, v5;
	v4 =	vmin.u32 v18, $0xF  }
0x3d: {  	v6 =	vmax.u32 v18, $0x10;
	vm0 =	vgt.s32 v5, $0x12;
	vm1 =	vgt.s32 v5, $0x14  }
0x3e: {  	v7 =	vsel vm0, $0x11, v13;
	v8 =	vsel vm1, $0x1, v12;
	vm0 =	vgt.s32 v5, $0x17  }
0x3f: {  	v7 =	vadd.s32 v8, v7;
	v8 =	vsel vm0, $0x1, v12;
	vm0 =	vgt.s32 v5, $0x1A  }
0x40: {  	v7 =	vadd.s32 v8, v7;
	v8 =	vsel vm0, $0x1, v12;
	vm0 =	vgt.s32 v5, $0x1E  }
0x41: {  	v7 =	vadd.s32 v8, v7;
	v8 =	vsel vm0, $0x1, v12;
	vm0 =	vgt.s32 v5, $0x22  }
0x42: {  	v7 =	vadd.s32 v8, v7;
	v8 =	vsel vm0, $0x1, v12;
	vm0 =	vgt.s32 v5, $0x27  }
0x43: {  	v7 =	vadd.s32 v8, v7;
	v8 =	vsel vm0, $0x1, v12;
	vm0 =	vgt.s32 v5, $0x2D  }
0x44: {  	v7 =	vadd.s32 v8, v7;
	v8 =	vsel vm0, $0x1, v12;
	vm0 =	vgt.s32 v5, $0x33  }
0x45: {  	v7 =	vadd.s32 v8, v7;
	v8 =	vsel vm0, $0x1, v12;
	vm0 =	vgt.s32 v5, $0x3A  }
0x46: {  	v7 =	vadd.s32 v8, v7;
	v8 =	vsel vm0, $0x1, v12;
	vm0 =	vgt.s32 v5, $0x42  }
0x47: {  	v7 =	vadd.s32 v8, v7;
	v8 =	vsel vm0, $0x1, v12;
	vm0 =	vgt.s32 v5, $0x4C  }
0x48: {  	v7 =	vadd.s32 v8, v7;
	v8 =	vsel vm0, $0x1, v12;
	vm0 =	vgt.s32 v5, $0x56  }
0x49: {  	v7 =	vadd.s32 v8, v7;
	v8 =	vsel vm0, $0x1, v12;
	vm0 =	vgt.s32 v5, $0x62  }
0x4a: {  	v7 =	vadd.s32 v8, v7;
	v8 =	vsel vm0, $0x1, v12;
	vm0 =	vgt.s32 v5, $0x70  }
0x4b: {  	vm1 =	vgt.s32 v5, $0x0;
	v7 =	vadd.s32 v8, v7;
	v8 =	vsel vm0, $0x1, v12  }
0x4c: {  	s26 =	sor.u32 $0x40, s4;
	v9 =	vnsel vm1, $0x0, v5;
	vm0 =	vlt.s32 v5, $0x10;
	v7 =	vadd.s32 v8, v7  }
0x4d: {  	vm5 =	vlt.u32 v18, $0x10;
	v19 =	vsel vm0, v9, v7;
	v7 =	vmov s26  }
0x4e: {  	v5 =	vand.u32 $0xF, v6;
	v6 =	vmin.u32 v19, $0xF;
	v7 =	vsub.s32 v14, v7  }
0x4f: {  	v8 =	vmax.u32 v19, $0x10;
	vm1 =	vgt.s32 v7, $0x12;
	vm2 =	vgt.s32 v7, $0x14  }
0x50: {  	v9 =	vsel vm1, $0x11, v13;
	v10 =	vsel vm2, $0x1, v12;
	vm1 =	vgt.s32 v7, $0x17  }
0x51: {  	v9 =	vadd.s32 v10, v9;
	v10 =	vsel vm1, $0x1, v12;
	vm1 =	vgt.s32 v7, $0x1A  }
0x52: {  	v9 =	vadd.s32 v10, v9;
	v10 =	vsel vm1, $0x1, v12;
	vm1 =	vgt.s32 v7, $0x1E  }
0x53: {  	v9 =	vadd.s32 v10, v9;
	v10 =	vsel vm1, $0x1, v12;
	vm1 =	vgt.s32 v7, $0x22  }
0x54: {  	v9 =	vadd.s32 v10, v9;
	v10 =	vsel vm1, $0x1, v12;
	vm1 =	vgt.s32 v7, $0x27  }
0x55: {  	v9 =	vadd.s32 v10, v9;
	v10 =	vsel vm1, $0x1, v12;
	vm1 =	vgt.s32 v7, $0x2D  }
0x56: {  	v9 =	vadd.s32 v10, v9;
	v10 =	vsel vm1, $0x1, v12;
	vm1 =	vgt.s32 v7, $0x33  }
0x57: {  	v9 =	vadd.s32 v10, v9;
	v10 =	vsel vm1, $0x1, v12;
	vm1 =	vgt.s32 v7, $0x3A  }
0x58: {  	v9 =	vadd.s32 v10, v9;
	v10 =	vsel vm1, $0x1, v12;
	vm1 =	vgt.s32 v7, $0x42  }
0x59: {  	v9 =	vadd.s32 v10, v9;
	v10 =	vsel vm1, $0x1, v12;
	vm1 =	vgt.s32 v7, $0x4C  }
0x5a: {  	v9 =	vadd.s32 v10, v9;
	v10 =	vsel vm1, $0x1, v12;
	vm1 =	vgt.s32 v7, $0x56  }
0x5b: {  	v9 =	vadd.s32 v10, v9;
	v10 =	vsel vm1, $0x1, v12;
	vm1 =	vgt.s32 v7, $0x62  }
0x5c: {  	v9 =	vadd.s32 v10, v9;
	v10 =	vsel vm1, $0x1, v12;
	vm1 =	vgt.s32 v7, $0x70  }
0x5d: {  	vm0 =	vgt.s32 v7, $0x0;
	v9 =	vadd.s32 v10, v9;
	v10 =	vsel vm1, $0x1, v12  }
0x5e: {  	s28 =	sor.u32 $0x50, s4;
	v11 =	vnsel vm0, $0x0, v7;
	vm0 =	vlt.s32 v7, $0x10;
	v9 =	vadd.s32 v10, v9  }
0x5f: {  	vm4 =	vlt.u32 v19, $0x10;
	v10 =	vmov s28;
	v20 =	vsel vm0, v11, v9  }
0x60: {  	v7 =	vand.u32 $0xF, v8;
	v9 =	vsub.s32 v14, v10;
	v8 =	vmin.u32 v20, $0xF  }
0x61: {  	vm0 =	vgt.s32 v9, $0x12;
	vm1 =	vgt.s32 v9, $0x14;
	vm3 =	vlt.u32 v20, $0x10  }
0x62: {  	v10 =	vsel vm0, $0x11, v13;
	v11 =	vsel vm1, $0x1, v12;
	vm0 =	vgt.s32 v9, $0x17  }
0x63: {  	v10 =	vadd.s32 v11, v10;
	v11 =	vsel vm0, $0x1, v12;
	vm0 =	vgt.s32 v9, $0x1A  }
0x64: {  	v10 =	vadd.s32 v11, v10;
	v11 =	vsel vm0, $0x1, v12;
	vm0 =	vgt.s32 v9, $0x1E  }
0x65: {  	v10 =	vadd.s32 v11, v10;
	v11 =	vsel vm0, $0x1, v12;
	vm0 =	vgt.s32 v9, $0x22  }
0x66: {  	v10 =	vadd.s32 v11, v10;
	v11 =	vsel vm0, $0x1, v12;
	vm0 =	vgt.s32 v9, $0x27  }
0x67: {  	v10 =	vadd.s32 v11, v10;
	v11 =	vsel vm0, $0x1, v12;
	vm0 =	vgt.s32 v9, $0x2D  }
0x68: {  	v10 =	vadd.s32 v11, v10;
	v11 =	vsel vm0, $0x1, v12;
	vm0 =	vgt.s32 v9, $0x33  }
0x69: {  	v10 =	vadd.s32 v11, v10;
	v11 =	vsel vm0, $0x1, v12;
	vm0 =	vgt.s32 v9, $0x3A  }
0x6a: {  	v10 =	vadd.s32 v11, v10;
	v11 =	vsel vm0, $0x1, v12;
	vm0 =	vgt.s32 v9, $0x42  }
0x6b: {  	v10 =	vadd.s32 v11, v10;
	v11 =	vsel vm0, $0x1, v12;
	vm0 =	vgt.s32 v9, $0x4C  }
0x6c: {  	v10 =	vadd.s32 v11, v10;
	v11 =	vsel vm0, $0x1, v12;
	vm0 =	vgt.s32 v9, $0x56  }
0x6d: {  	v10 =	vadd.s32 v11, v10;
	v11 =	vsel vm0, $0x1, v12;
	vm0 =	vgt.s32 v9, $0x62  }
0x6e: {  	v10 =	vadd.s32 v11, v10;
	v11 =	vsel vm0, $0x1, v12;
	vm0 =	vgt.s32 v9, $0x70  }
0x6f: {  	vm1 =	vgt.s32 v9, $0x0;
	v10 =	vadd.s32 v11, v10;
	v11 =	vsel vm0, $0x1, v12  }
0x70: {  	s29 =	sor.u32 $0x60, s4;
	v15 =	vnsel vm1, $0x0, v9;
	vm0 =	vlt.s32 v9, $0x10;
	v10 =	vadd.s32 v11, v10  }
0x71: {  	v9 =	vmax.u32 v20, $0x10;
	v21 =	vsel vm0, v15, v10;
	v10 =	vmov s29  }
0x72: {  	v9 =	vand.u32 $0xF, v9;
	v11 =	vmax.u32 v21, $0x10;
	v15 =	vsub.s32 v14, v10  }
0x73: {  	v10 =	vmin.u32 v21, $0xF;
	v14 =	vsub.s32 v14, v25;
	vm0 =	vgt.s32 v15, $0x0  }
0x74: {  	vm1 =	vgt.s32 v15, $0x14;
	v22 =	vnsel vm0, $0x0, v15;
	vm0 =	vgt.s32 v15, $0x12  }
0x75: {  	v24 =	vsel vm1, $0x1, v12;
	v23 =	vsel vm0, $0x11, v13;
	vm0 =	vgt.s32 v15, $0x17  }
0x76: {  	v23 =	vadd.s32 v24, v23;
	v49 =	vsel vm0, $0x1, v12;
	vm0 =	vgt.s32 v15, $0x1A  }
0x77: {  	v23 =	vadd.s32 v49, v23;
	v50 =	vsel vm0, $0x1, v12;
	vm0 =	vgt.s32 v15, $0x1E  }
0x78: {  	v23 =	vadd.s32 v50, v23;
	v51 =	vsel vm0, $0x1, v12;
	vm0 =	vgt.s32 v15, $0x22  }
0x79: {  	v23 =	vadd.s32 v51, v23;
	v52 =	vsel vm0, $0x1, v12;
	vm0 =	vgt.s32 v15, $0x27  }
0x7a: {  	v23 =	vadd.s32 v52, v23;
	v54 =	vsel vm0, $0x1, v12;
	vm0 =	vgt.s32 v15, $0x2D  }
0x7b: {  	v23 =	vadd.s32 v54, v23;
	v55 =	vsel vm0, $0x1, v12;
	vm0 =	vgt.s32 v15, $0x33  }
0x7c: {  	v23 =	vadd.s32 v55, v23;
	v56 =	vsel vm0, $0x1, v12;
	vm0 =	vgt.s32 v15, $0x3A  }
0x7d: {  	v23 =	vadd.s32 v56, v23;
	v57 =	vsel vm0, $0x1, v12;
	vm0 =	vgt.s32 v15, $0x42  }
0x7e: {  	v23 =	vadd.s32 v57, v23;
	v58 =	vsel vm0, $0x1, v12;
	vm0 =	vgt.s32 v15, $0x4C  }
0x7f: {  	v23 =	vadd.s32 v58, v23;
	v59 =	vsel vm0, $0x1, v12;
	vm0 =	vgt.s32 v15, $0x56  }
0x80: {  	v23 =	vadd.s32 v59, v23;
	v60 =	vsel vm0, $0x1, v12;
	vm0 =	vgt.s32 v15, $0x62  }
0x81: {  	v23 =	vadd.s32 v60, v23;
	v61 =	vsel vm0, $0x1, v12;
	vm0 =	vgt.s32 v15, $0x70  }
0x82: {  	vm2 =	vlt.u32 v21, $0x10;
	v23 =	vadd.s32 v61, v23;
	v62 =	vsel vm0, $0x1, v12  }
0x83: {  	v11 =	vand.u32 $0xF, v11;
	vm0 =	vlt.s32 v15, $0x10;
	v23 =	vadd.s32 v62, v23  }
0x84: {  	vm1 =	vgt.s32 v14, $0x14;
	v22 =	vsel vm0, v22, v23;
	vm0 =	vgt.s32 v14, $0x12  }
0x85: {  	v15 =	vsel vm1, $0x1, v12;
	v13 =	vsel vm0, $0x11, v13;
	vm0 =	vgt.s32 v14, $0x17  }
0x86: {  	v13 =	vadd.s32 v15, v13;
	v15 =	vsel vm0, $0x1, v12;
	vm0 =	vgt.s32 v14, $0x1A  }
0x87: {  	v13 =	vadd.s32 v15, v13;
	v15 =	vsel vm0, $0x1, v12;
	vm0 =	vgt.s32 v14, $0x1E  }
0x88: {  	v13 =	vadd.s32 v15, v13;
	v15 =	vsel vm0, $0x1, v12;
	vm0 =	vgt.s32 v14, $0x22  }
0x89: {  	v13 =	vadd.s32 v15, v13;
	v15 =	vsel vm0, $0x1, v12;
	vm0 =	vgt.s32 v14, $0x27  }
0x8a: {  	v13 =	vadd.s32 v15, v13;
	v15 =	vsel vm0, $0x1, v12;
	vm0 =	vgt.s32 v14, $0x2D  }
0x8b: {  	v13 =	vadd.s32 v15, v13;
	v15 =	vsel vm0, $0x1, v12;
	vm0 =	vgt.s32 v14, $0x33  }
0x8c: {  	v13 =	vadd.s32 v15, v13;
	v15 =	vsel vm0, $0x1, v12;
	vm0 =	vgt.s32 v14, $0x3A  }
0x8d: {  	v13 =	vadd.s32 v15, v13;
	v15 =	vsel vm0, $0x1, v12;
	vm0 =	vgt.s32 v14, $0x42  }
0x8e: {  	v13 =	vadd.s32 v15, v13;
	v15 =	vsel vm0, $0x1, v12;
	vm0 =	vgt.s32 v14, $0x4C  }
0x8f: {  	v13 =	vadd.s32 v15, v13;
	v15 =	vsel vm0, $0x1, v12;
	vm0 =	vgt.s32 v14, $0x56  }
0x90: {  	v13 =	vadd.s32 v15, v13;
	v15 =	vsel vm0, $0x1, v12;
	vm0 =	vgt.s32 v14, $0x62  }
0x91: {  	s5 =	rddreg [dreg:$0x0];
	v13 =	vadd.s32 v15, v13;
	v15 =	vsel vm0, $0x1, v12;
	vm0 =	vgt.s32 v14, $0x70  }
0x92: {  	s6 =	rddreg [dreg:$0x1];
	s9 =	simm.s32 $0x200;
	s7 =	ssub.s32 $0x2, s3;
	vm1 =	vgt.s32 v14, $0x0;
	v13 =	vadd.s32 v15, v13;
	v12 =	vsel vm0, $0x1, v12  }
0x93: {  	s3 =	sadd.s32 $0x600, s5;
	s2 =	simm.s32 $0x0;
	s8 =	sshrl.u32 s7, $0x1;
	v15 =	vnsel vm1, $0x0, v14;
	vm0 =	vlt.s32 v14, $0x10;
	v13 =	vadd.s32 v12, v13  }
0x94: {  	[smem:$0x7FF] =	sst s2;
	s31 =	ssub.s32 s7, s8;
	s4 =	sadd.s32 s6, s4;
	v14 =	vmax.u32 v22, $0x10;
	vm1 =	vlt.u32 v22, $0x10;
	v63 =	vsel vm0, v15, v13  }
0x95: {  	s6 =	simm.s32 $0x1;
	s7 =	simm.s32 $0x400;
	s8 =	simm.s32 $0x8000;
	v12 =	vmin.u32 v22, $0xF;
	v13 =	vand.u32 $0xF, v14;
	v15 =	vmax.u32 v63, $0x10  }
0x96: {  	s5 =	smax.u32 s31, $0x1;
	s1 =	rddreg [dreg:$0x2];
	_ =	strace $0x80000047;
	v14 =	vmin.u32 v63, $0xF;
	vm0 =	vlt.u32 v63, $0x10;
	v15 =	vand.u32 $0xF, v15  }
.LBB2_1:
0x97: {  	[tilespmem:s2], [sflag:$0x1] =	stream.linear.gather [hbm4b:s3+s2], $0x200, $0x38;
	[tilespmem:$0xA00] =	vst v63  }
0x98: {  	_ =	swait.ge [sflag:s6], $0x200  }
0x99: {  	[sflag:s6] =	ssyncset.done $0x0  }
0x9a: {  	[sflag:s6] =	ssyncadd.s32 $0xFFFFFE00  }
0x9b: {  	v62 =	vld [tilespmem:$0xE0];
	_ =	sdelay $0x4  }
0x9c: {  	[tilespmem:$0x1F8C0] =	vst v62;
	v62 =	vld [tilespmem:$0x100];
	_ =	sdelay $0x4  }
0x9d: {  	[tilespmem:$0x1F8D0] =	vst v62;
	v62 =	vld [tilespmem:$0x110];
	_ =	sdelay $0x4  }
0x9e: {  	[tilespmem:$0x1F8E0] =	vst v62;
	v62 =	vld [tilespmem:$0x120];
	_ =	sdelay $0x4  }
0x9f: {  	[tilespmem:$0x1F8F0] =	vst v62;
	v62 =	vld [tilespmem:$0x130];
	_ =	sdelay $0x4  }
0xa0: {  	[tilespmem:$0x1F900] =	vst v62;
	v62 =	vld [tilespmem:$0x140];
	_ =	sdelay $0x4  }
0xa1: {  	[tilespmem:$0x1F910] =	vst v62;
	v62 =	vld [tilespmem:$0x150];
	_ =	sdelay $0x4  }
0xa2: {  	[tilespmem:$0x1F920] =	vst v62;
	v62 =	vld [tilespmem:$0x160];
	_ =	sdelay $0x4  }
0xa3: {  	[tilespmem:$0x1F930] =	vst v62;
	v62 =	vld [tilespmem:$0x170];
	_ =	sdelay $0x4  }
0xa4: {  	[tilespmem:$0x1F940] =	vst v62;
	v62 =	vld [tilespmem:$0x180];
	_ =	sdelay $0x4  }
0xa5: {  	[tilespmem:$0x1F950] =	vst v62;
	v62 =	vld [tilespmem:$0x190];
	_ =	sdelay $0x4  }
0xa6: {  	[tilespmem:$0x1F960] =	vst v62;
	v62 =	vld [tilespmem:$0x1A0];
	_ =	sdelay $0x4  }
0xa7: {  	[tilespmem:$0x1F970] =	vst v62;
	v62 =	vld [tilespmem:$0x1B0];
	_ =	sdelay $0x4  }
0xa8: {  	[tilespmem:$0x1F980] =	vst v62;
	v62 =	vld [tilespmem:$0x1C0];
	_ =	sdelay $0x4  }
0xa9: {  	[tilespmem:$0x1F990] =	vst v62;
	v62 =	vld [tilespmem:$0x1D0];
	_ =	sdelay $0x4  }
0xaa: {  	[tilespmem:$0x1F9A0] =	vst v62;
	v62 =	vld [tilespmem:$0x1E0];
	_ =	sdelay $0x4  }
0xab: {  	[tilespmem:$0x1F9B0] =	vst v62;
	v62 =	vld [tilespmem:$0x1F0];
	_ =	sdelay $0x4  }
0xac: {  	[tilespmem:$0x1F9C0] =	vst v62;
	v62 =	vld [tilespmem:$0x0];
	_ =	sdelay $0x4  }
0xad: {  	[tilespmem:$0x1F9D0] =	vst v62;
	v62 =	vld [tilespmem:$0x10];
	_ =	sdelay $0x4  }
0xae: {  	[tilespmem:$0x1F9E0] =	vst v62;
	v62 =	vld [tilespmem:$0x20];
	_ =	sdelay $0x4  }
0xaf: {  	[tilespmem:$0x1F9F0] =	vst v62;
	v62 =	vld [tilespmem:$0x30];
	_ =	sdelay $0x4  }
0xb0: {  	[tilespmem:$0x1FA00] =	vst v62;
	v62 =	vld [tilespmem:$0x40];
	_ =	sdelay $0x4  }
0xb1: {  	[tilespmem:$0x1FA10] =	vst v62;
	v62 =	vld [tilespmem:$0x50];
	_ =	sdelay $0x4  }
0xb2: {  	[tilespmem:$0x1FA20] =	vst v62;
	v62 =	vld [tilespmem:$0x60];
	_ =	sdelay $0x4  }
0xb3: {  	[tilespmem:$0x1FA30] =	vst v62;
	v62 =	vld [tilespmem:$0x70];
	_ =	sdelay $0x2  }
0xb4: {  	v16 =	vld [tilespmem:$0x0]  }
0xb5: {  	v17 =	vld [tilespmem:$0x10]  }
0xb6: {  	[tilespmem:$0x1FA40] =	vst v62;
	v62 =	vld [tilespmem:$0x80]  }
0xb7: {  	v18 =	vld [tilespmem:$0x20]  }
0xb8: {  	v19 =	vld [tilespmem:$0x30]  }
0xb9: {  	v20 =	vld [tilespmem:$0x40]  }
0xba: {  	v21 =	vld [tilespmem:$0x50]  }
0xbb: {  	[tilespmem:$0x1FA50] =	vst v62;
	v62 =	vld [tilespmem:$0x90]  }
0xbc: {  	v22 =	vld [tilespmem:$0x60]  }
0xbd: {  	v23 =	vld [tilespmem:$0x70]  }
0xbe: {  	v24 =	vld [tilespmem:$0x80]  }
0xbf: {  	v25 =	vld [tilespmem:$0x90]  }
0xc0: {  	[tilespmem:$0x1FA60] =	vst v62;
	v62 =	vld [tilespmem:$0xA0]  }
0xc1: {  	v26 =	vld [tilespmem:$0xA0]  }
0xc2: {  	v27 =	vld [tilespmem:$0xB0]  }
0xc3: {  	v28 =	vld [tilespmem:$0xC0]  }
0xc4: {  	v29 =	vld [tilespmem:$0xD0]  }
0xc5: {  	[tilespmem:$0x1FA70] =	vst v62;
	v62 =	vld [tilespmem:$0xB0]  }
0xc6: {  	v30 =	vld [tilespmem:$0xE0]  }
0xc7: {  	v31 =	vld [tilespmem:$0xF0]  }
0xc8: {  	v32 =	vld [tilespmem:$0x100]  }
0xc9: {  	v33 =	vld [tilespmem:$0x110]  }
0xca: {  	[tilespmem:$0x1FA80] =	vst v62;
	v62 =	vld [tilespmem:$0xC0]  }
0xcb: {  	v34 =	vld [tilespmem:$0x120]  }
0xcc: {  	v35 =	vld [tilespmem:$0x130]  }
0xcd: {  	v36 =	vld [tilespmem:$0x140]  }
0xce: {  	v37 =	vld [tilespmem:$0x150]  }
0xcf: {  	[tilespmem:$0x1FA90] =	vst v62;
	v62 =	vld [tilespmem:$0xD0]  }
0xd0: {  	v38 =	vld [tilespmem:$0x160]  }
0xd1: {  	v39 =	vld [tilespmem:$0x170]  }
0xd2: {  	v40 =	vld [tilespmem:$0x180]  }
0xd3: {  	v41 =	vld [tilespmem:$0x190]  }
0xd4: {  	[tilespmem:$0x1FAA0] =	vst v62;
	v62 =	vld [tilespmem:$0xE0]  }
0xd5: {  	v42 =	vld [tilespmem:$0x1A0]  }
0xd6: {  	v43 =	vld [tilespmem:$0x1B0]  }
0xd7: {  	v44 =	vld [tilespmem:$0x1C0]  }
0xd8: {  	v45 =	vld [tilespmem:$0x1D0]  }
0xd9: {  	[tilespmem:$0x1FAB0] =	vst v62;
	v62 =	vld [tilespmem:$0xF0]  }
0xda: {  	v49 =	vld [tilespmem:$0x1E0]  }
0xdb: {  	v46 =	vld [tilespmem:$0x1F0]  }
0xdc: {  	v50 =	vld [tilespmem:$0x0]  }
0xdd: {  	v48 =	vld [tilespmem:$0x10]  }
0xde: {  	[tilespmem:$0x1FAC0] =	vst v62;
	v62 =	vld [tilespmem:$0x100]  }
0xdf: {  	v52 =	vld [tilespmem:$0x20]  }
0xe0: {  	v47 =	vld [tilespmem:$0x30]  }
0xe1: {  	v57 =	vld [tilespmem:$0x40]  }
0xe2: {  	v51 =	vld [tilespmem:$0x50]  }
0xe3: {  	[tilespmem:$0x1FAD0] =	vst v62;
	v62 =	vld [tilespmem:$0x110]  }
0xe4: {  	v54 =	vld [tilespmem:$0x60]  }
0xe5: {  	v55 =	vld [tilespmem:$0x70]  }
0xe6: {  	v56 =	vld [tilespmem:$0x80]  }
0xe7: {  	v60 =	vld [tilespmem:$0x90]  }
0xe8: {  	[tilespmem:$0x1FAE0] =	vst v62;
	v62 =	vld [tilespmem:$0x120]  }
0xe9: {  	v58 =	vld [tilespmem:$0xA0]  }
0xea: {  	v59 =	vld [tilespmem:$0xB0]  }
0xeb: {  	v0 =	vld [tilespmem:$0xC0];
	v16 =	vperm.xlane v16, v53;
	v17 =	vperm.xlane v17, v1  }
0xec: {  	v61 =	vld [tilespmem:$0xD0];
	v18 =	vperm.xlane v18, v53;
	v19 =	vperm.xlane v19, v1  }
0xed: {  	v63 =	vld [tilespmem:$0xF0];
	v16 =	vsel vm7, v16, v17;
	v17 =	vperm.xlane v20, v53;
	v20 =	vperm.xlane v21, v1;
	[tilespmem:$0x1FAF0] =	vst v62  }
0xee: {  	v62 =	vld [tilespmem:$0x130];
	[tilespmem:$0x200] =	vst v16;
	v16 =	vsel vm7, v18, v19;
	v18 =	vperm.xlane v22, v53;
	v19 =	vperm.xlane v23, v1  }
0xef: {  	[tilespmem:$0x280] =	vst v16;
	v16 =	vsel vm7, v17, v20;
	v17 =	vperm.xlane v24, v53;
	v20 =	vperm.xlane v25, v1  }
0xf0: {  	[tilespmem:$0x300] =	vst v16;
	v16 =	vsel vm7, v18, v19;
	v18 =	vperm.xlane v26, v53;
	v19 =	vperm.xlane v27, v1  }
0xf1: {  	v29 =	vperm.xlane v29, v1;
	[tilespmem:$0x380] =	vst v16;
	v16 =	vsel vm7, v17, v20;
	v17 =	vperm.xlane v28, v53  }
0xf2: {  	v30 =	vperm.xlane v30, v53;
	v31 =	vperm.xlane v31, v1;
	[tilespmem:$0x400] =	vst v16;
	v16 =	vsel vm7, v18, v19  }
0xf3: {  	[tilespmem:$0x480] =	vst v16;
	v16 =	vsel vm7, v17, v29;
	v17 =	vperm.xlane v32, v53;
	v32 =	vperm.xlane v33, v1  }
0xf4: {  	v33 =	vperm.xlane v34, v53;
	v34 =	vperm.xlane v35, v1;
	v35 =	vld [tilespmem:$0xE0]  }
0xf5: {  	[tilespmem:$0x500] =	vst v16;
	v16 =	vsel vm7, v30, v31  }
0xf6: {  	[tilespmem:$0x580] =	vst v16;
	v16 =	vsel vm7, v17, v32  }
0xf7: {  	v37 =	vperm.xlane v37, v1;
	v17 =	vperm.xlane v36, v53;
	v32 =	vld [tilespmem:$0xF0];
	[tilespmem:$0x600] =	vst v16;
	v16 =	vsel vm7, v33, v34  }
0xf8: {  	v33 =	vperm.xlane v38, v53;
	v34 =	vperm.xlane v39, v1;
	[tilespmem:$0x680] =	vst v16  }
0xf9: {  	v16 =	vsel vm7, v17, v37;
	[tilespmem:$0x1FE30] =	vst v35  }
0xfa: {  	v36 =	vperm.xlane v41, v1;
	v17 =	vperm.xlane v40, v53;
	[tilespmem:$0x700] =	vst v16;
	v16 =	vsel vm7, v33, v34  }
0xfb: {  	v38 =	vperm.xlane v42, v53;
	v39 =	vperm.xlane v43, v1;
	v35 =	vld [tilespmem:$0x100];
	[tilespmem:$0x780] =	vst v16  }
0xfc: {  	v41 =	vperm.xlane v45, v1;
	v16 =	vsel vm7, v17, v36;
	v17 =	vperm.xlane v44, v53;
	[tilespmem:$0x1FE40] =	vst v32  }
0xfd: {  	[tilespmem:$0x800] =	vst v16;
	v16 =	vsel vm7, v38, v39  }
0xfe: {  	v28 =	vperm.xlane v46, v1;
	v43 =	vperm.xlane v49, v53;
	[tilespmem:$0x880] =	vst v16;
	v16 =	vsel vm7, v17, v41  }
0xff: {  	v29 =	vperm.xlane v48, v3;
	v17 =	vperm.xlane v50, v2;
	[tilespmem:$0x900] =	vst v16  }
0x100: {  	v30 =	vperm.xlane v52, v2;
	v31 =	vperm.xlane v47, v3;
	v16 =	vsel vm7, v43, v28;
	[tilespmem:$0x1FE50] =	vst v35  }
0x101: {  	v32 =	vperm.xlane v51, v3;
	[tilespmem:$0x980] =	vst v16;
	v16 =	vsel vm6, v17, v29;
	v17 =	vperm.xlane v57, v2  }
0x102: {  	v33 =	vperm.xlane v54, v2;
	v34 =	vperm.xlane v55, v3;
	[tilespmem:$0x210] =	vst v16;
	v16 =	vsel vm6, v30, v31  }
0x103: {  	v35 =	vperm.xlane v60, v3;
	[tilespmem:$0x290] =	vst v16;
	v16 =	vsel vm6, v17, v32;
	v17 =	vperm.xlane v56, v2  }
0x104: {  	[tilespmem:$0x310] =	vst v16;
	v16 =	vsel vm6, v33, v34  }
0x105: {  	[tilespmem:$0x390] =	vst v16;
	v16 =	vsel vm6, v17, v35;
	v17 =	vperm.xlane v0, v2;
	v0 =	vld [tilespmem:$0x1F8C0];
	_ =	sdelay $0x4  }
0x106: {  	v39 =	vperm.xlane v0, v2;
	v0 =	vld [tilespmem:$0x1C0];
	_ =	sdelay $0x1  }
0x107: {  	v37 =	vld [tilespmem:$0x110];
	_ =	sdelay $0x2  }
0x108: {  	[tilespmem:$0x1FE90] =	vst v0;
	v0 =	vld [tilespmem:$0x1F8D0];
	_ =	sdelay $0x1  }
0x109: {  	v36 =	vperm.xlane v58, v2;
	[tilespmem:$0x1FE60] =	vst v37;
	v37 =	vperm.xlane v59, v3  }
0x10a: {  	v38 =	vperm.xlane v61, v3  }
0x10b: {  	[tilespmem:$0x410] =	vst v16;
	v16 =	vsel vm6, v36, v37  }
0x10c: {  	[tilespmem:$0x490] =	vst v16;
	v16 =	vsel vm6, v17, v38;
	v17 =	vperm.xlane v0, v2;
	v0 =	vld [tilespmem:$0x1F8E0];
	_ =	sdelay $0x4  }
0x10d: {  	v41 =	vperm.xlane v0, v3;
	v0 =	vld [tilespmem:$0x1D0];
	_ =	sdelay $0x3  }
0x10e: {  	v42 =	vld [tilespmem:$0x130]  }
0x10f: {  	[tilespmem:$0x1FEA0] =	vst v0;
	v0 =	vld [tilespmem:$0x1F8F0];
	_ =	sdelay $0x4  }
0x110: {  	[tilespmem:$0x1FE80] =	vst v42;
	v42 =	vperm.xlane v0, v2;
	v0 =	vld [tilespmem:$0x1F900];
	_ =	sdelay $0x4  }
0x111: {  	v43 =	vperm.xlane v0, v3;
	v0 =	vld [tilespmem:$0x1E0];
	_ =	sdelay $0x1  }
0x112: {  	v40 =	vld [tilespmem:$0x120];
	_ =	sdelay $0x2  }
0x113: {  	[tilespmem:$0x1FEB0] =	vst v0;
	v0 =	vld [tilespmem:$0x1F910];
	_ =	sdelay $0x1  }
0x114: {  	[tilespmem:$0x1FE70] =	vst v40;
	v40 =	vperm.xlane v63, v3;
	_ =	sdelay $0x1  }
0x115: {  	[tilespmem:$0x510] =	vst v16;
	v16 =	vsel vm6, v39, v40  }
0x116: {  	[tilespmem:$0x590] =	vst v16;
	v16 =	vsel vm6, v17, v41;
	v17 =	vperm.xlane v0, v2;
	v0 =	vld [tilespmem:$0x1F920];
	_ =	sdelay $0x4  }
0x117: {  	v44 =	vperm.xlane v0, v3;
	v0 =	vld [tilespmem:$0x1F0];
	_ =	sdelay $0x4  }
0x118: {  	[tilespmem:$0x1FEC0] =	vst v0;
	v0 =	vld [tilespmem:$0x1F930];
	_ =	sdelay $0x4  }
0x119: {  	v45 =	vperm.xlane v0, v2;
	v0 =	vld [tilespmem:$0x1F940];
	_ =	sdelay $0x4  }
0x11a: {  	v54 =	vperm.xlane v0, v3;
	v0 =	vld [tilespmem:$0x0];
	_ =	sdelay $0x4  }
0x11b: {  	[tilespmem:$0x1FED0] =	vst v0;
	v0 =	vld [tilespmem:$0x1F950];
	_ =	sdelay $0x3  }
0x11c: {  	[tilespmem:$0x610] =	vst v16;
	v16 =	vsel vm6, v42, v43  }
0x11d: {  	[tilespmem:$0x690] =	vst v16;
	v16 =	vsel vm6, v17, v44;
	v17 =	vperm.xlane v0, v2;
	v0 =	vld [tilespmem:$0x1F960];
	_ =	sdelay $0x4  }
0x11e: {  	v55 =	vperm.xlane v0, v3;
	v0 =	vld [tilespmem:$0x10];
	_ =	sdelay $0x4  }
0x11f: {  	[tilespmem:$0x1FEE0] =	vst v0;
	v0 =	vld [tilespmem:$0x1F970];
	_ =	sdelay $0x4  }
0x120: {  	v56 =	vperm.xlane v0, v2;
	v0 =	vld [tilespmem:$0x1F980];
	_ =	sdelay $0x4  }
0x121: {  	v58 =	vperm.xlane v0, v3;
	v0 =	vld [tilespmem:$0x20];
	_ =	sdelay $0x4  }
0x122: {  	[tilespmem:$0x1FEF0] =	vst v0;
	v0 =	vld [tilespmem:$0x1F990];
	_ =	sdelay $0x3  }
0x123: {  	[tilespmem:$0x710] =	vst v16;
	v16 =	vsel vm6, v45, v54  }
0x124: {  	[tilespmem:$0x790] =	vst v16;
	v16 =	vsel vm6, v17, v55;
	v17 =	vperm.xlane v0, v2;
	v0 =	vld [tilespmem:$0x1F9A0];
	_ =	sdelay $0x4  }
0x125: {  	v59 =	vperm.xlane v0, v3;
	v0 =	vld [tilespmem:$0x30];
	_ =	sdelay $0x4  }
0x126: {  	[tilespmem:$0x1FF00] =	vst v0;
	v0 =	vld [tilespmem:$0x1F9B0];
	_ =	sdelay $0x4  }
0x127: {  	v60 =	vperm.xlane v0, v2;
	v0 =	vld [tilespmem:$0x1F9C0];
	_ =	sdelay $0x4  }
0x128: {  	v61 =	vperm.xlane v0, v3;
	v0 =	vld [tilespmem:$0x40];
	_ =	sdelay $0x4  }
0x129: {  	[tilespmem:$0x1FF10] =	vst v0;
	v0 =	vld [tilespmem:$0x1F9D0];
	_ =	sdelay $0x3  }
0x12a: {  	[tilespmem:$0x810] =	vst v16;
	v16 =	vsel vm6, v56, v58  }
0x12b: {  	[tilespmem:$0x890] =	vst v16;
	v16 =	vsel vm6, v17, v59;
	v17 =	vperm.xlane v0, v4;
	v0 =	vld [tilespmem:$0x1F9E0];
	_ =	sdelay $0x4  }
0x12c: {  	v63 =	vperm.xlane v0, v5;
	v0 =	vld [tilespmem:$0x50];
	_ =	sdelay $0x4  }
0x12d: {  	[tilespmem:$0x1FF20] =	vst v0;
	v0 =	vld [tilespmem:$0x1F9F0];
	_ =	sdelay $0x4  }
0x12e: {  	v28 =	vperm.xlane v0, v4;
	v0 =	vld [tilespmem:$0x1FA00];
	_ =	sdelay $0x4  }
0x12f: {  	v29 =	vperm.xlane v0, v5;
	v0 =	vld [tilespmem:$0x60];
	_ =	sdelay $0x4  }
0x130: {  	[tilespmem:$0x1FF30] =	vst v0;
	v0 =	vld [tilespmem:$0x1FA10];
	_ =	sdelay $0x3  }
0x131: {  	[tilespmem:$0x910] =	vst v16;
	v16 =	vsel vm6, v60, v61  }
0x132: {  	[tilespmem:$0x990] =	vst v16;
	v16 =	vsel vm5, v17, v63;
	v17 =	vperm.xlane v0, v4;
	v0 =	vld [tilespmem:$0x1FA20];
	_ =	sdelay $0x4  }
0x133: {  	v30 =	vperm.xlane v0, v5;
	v0 =	vld [tilespmem:$0x70];
	_ =	sdelay $0x4  }
0x134: {  	[tilespmem:$0x1FF40] =	vst v0;
	v0 =	vld [tilespmem:$0x1FA30];
	_ =	sdelay $0x4  }
0x135: {  	v31 =	vperm.xlane v0, v4;
	v0 =	vld [tilespmem:$0x1FA40];
	_ =	sdelay $0x4  }
0x136: {  	v32 =	vperm.xlane v0, v5;
	v0 =	vld [tilespmem:$0x80];
	_ =	sdelay $0x4  }
0x137: {  	[tilespmem:$0x1FF50] =	vst v0;
	v0 =	vld [tilespmem:$0x1FA50];
	_ =	sdelay $0x3  }
0x138: {  	[tilespmem:$0x220] =	vst v16;
	v16 =	vsel vm5, v28, v29  }
0x139: {  	[tilespmem:$0x2A0] =	vst v16;
	v16 =	vsel vm5, v17, v30;
	v17 =	vperm.xlane v0, v4;
	v0 =	vld [tilespmem:$0x1FA60];
	_ =	sdelay $0x4  }
0x13a: {  	v33 =	vperm.xlane v0, v5;
	v0 =	vld [tilespmem:$0x90];
	_ =	sdelay $0x4  }
0x13b: {  	[tilespmem:$0x1FF60] =	vst v0;
	v0 =	vld [tilespmem:$0x1FA70];
	_ =	sdelay $0x4  }
0x13c: {  	v34 =	vperm.xlane v0, v4;
	v0 =	vld [tilespmem:$0x1FA80];
	_ =	sdelay $0x4  }
0x13d: {  	v35 =	vperm.xlane v0, v5;
	v0 =	vld [tilespmem:$0xA0];
	_ =	sdelay $0x4  }
0x13e: {  	[tilespmem:$0x1FF70] =	vst v0;
	v0 =	vld [tilespmem:$0x1FA90];
	_ =	sdelay $0x3  }
0x13f: {  	[tilespmem:$0x320] =	vst v16;
	v16 =	vsel vm5, v31, v32  }
0x140: {  	[tilespmem:$0x3A0] =	vst v16;
	v16 =	vsel vm5, v17, v33;
	v17 =	vperm.xlane v0, v4;
	v0 =	vld [tilespmem:$0x1FAA0];
	_ =	sdelay $0x4  }
0x141: {  	v36 =	vperm.xlane v0, v5;
	v0 =	vld [tilespmem:$0xB0];
	_ =	sdelay $0x4  }
0x142: {  	[tilespmem:$0x1FF80] =	vst v0;
	v0 =	vld [tilespmem:$0x1FAB0];
	_ =	sdelay $0x4  }
0x143: {  	v37 =	vperm.xlane v0, v4;
	v0 =	vld [tilespmem:$0x1FAC0];
	_ =	sdelay $0x4  }
0x144: {  	v38 =	vperm.xlane v0, v5;
	v0 =	vld [tilespmem:$0xC0];
	_ =	sdelay $0x4  }
0x145: {  	[tilespmem:$0x1FF90] =	vst v0;
	v0 =	vld [tilespmem:$0x1FAD0];
	_ =	sdelay $0x3  }
0x146: {  	[tilespmem:$0x420] =	vst v16;
	v16 =	vsel vm5, v34, v35  }
0x147: {  	[tilespmem:$0x4A0] =	vst v16;
	v16 =	vsel vm5, v17, v36;
	v17 =	vperm.xlane v0, v4;
	v0 =	vld [tilespmem:$0x1FAE0];
	_ =	sdelay $0x4  }
0x148: {  	v39 =	vperm.xlane v0, v5;
	v0 =	vld [tilespmem:$0xD0];
	_ =	sdelay $0x4  }
0x149: {  	[tilespmem:$0x1FFA0] =	vst v0;
	v0 =	vld [tilespmem:$0x1FAF0];
	_ =	sdelay $0x3  }
0x14a: {  	[tilespmem:$0x1FB00] =	vst v62  }
0x14b: {  	v40 =	vperm.xlane v0, v4;
	v0 =	vld [tilespmem:$0x1FB00];
	_ =	sdelay $0x2  }
0x14c: {  	v62 =	vld [tilespmem:$0x140];
	_ =	sdelay $0x1  }
0x14d: {  	v41 =	vperm.xlane v0, v5;
	v0 =	vld [tilespmem:$0xE0];
	_ =	sdelay $0x2  }
0x14e: {  	[tilespmem:$0x1FB10] =	vst v62;
	v62 =	vld [tilespmem:$0x150];
	_ =	sdelay $0x1  }
0x14f: {  	[tilespmem:$0x1FFB0] =	vst v0;
	v0 =	vld [tilespmem:$0x1FB10];
	_ =	sdelay $0x2  }
0x150: {  	[tilespmem:$0x1FB20] =	vst v62  }
0x151: {  	[tilespmem:$0x520] =	vst v16;
	v16 =	vsel vm5, v37, v38  }
0x152: {  	[tilespmem:$0x5A0] =	vst v16;
	v16 =	vsel vm5, v17, v39;
	v17 =	vperm.xlane v0, v4;
	v0 =	vld [tilespmem:$0x1FB20];
	_ =	sdelay $0x3  }
0x153: {  	v62 =	vld [tilespmem:$0x160]  }
0x154: {  	v42 =	vperm.xlane v0, v5;
	v0 =	vld [tilespmem:$0xF0];
	_ =	sdelay $0x3  }
0x155: {  	[tilespmem:$0x1FB30] =	vst v62;
	v62 =	vld [tilespmem:$0x170]  }
0x156: {  	[tilespmem:$0x1FFC0] =	vst v0;
	v0 =	vld [tilespmem:$0x1FB30];
	_ =	sdelay $0x3  }
0x157: {  	[tilespmem:$0x1FB40] =	vst v62  }
0x158: {  	v43 =	vperm.xlane v0, v4;
	v0 =	vld [tilespmem:$0x1FB40];
	_ =	sdelay $0x2  }
0x159: {  	v62 =	vld [tilespmem:$0x180];
	_ =	sdelay $0x1  }
0x15a: {  	v44 =	vperm.xlane v0, v5;
	v0 =	vld [tilespmem:$0x100];
	_ =	sdelay $0x2  }
0x15b: {  	[tilespmem:$0x1FB50] =	vst v62;
	v62 =	vld [tilespmem:$0x190];
	_ =	sdelay $0x1  }
0x15c: {  	[tilespmem:$0x1FFD0] =	vst v0;
	v0 =	vld [tilespmem:$0x1FB50];
	_ =	sdelay $0x2  }
0x15d: {  	[tilespmem:$0x1FB60] =	vst v62  }
0x15e: {  	[tilespmem:$0x620] =	vst v16;
	v16 =	vsel vm5, v40, v41  }
0x15f: {  	[tilespmem:$0x6A0] =	vst v16;
	v16 =	vsel vm5, v17, v42;
	v17 =	vperm.xlane v0, v4;
	v0 =	vld [tilespmem:$0x1FB60];
	_ =	sdelay $0x3  }
0x160: {  	v62 =	vld [tilespmem:$0x1A0]  }
0x161: {  	v45 =	vperm.xlane v0, v5;
	v0 =	vld [tilespmem:$0x110];
	_ =	sdelay $0x3  }
0x162: {  	[tilespmem:$0x1FB70] =	vst v62;
	v62 =	vld [tilespmem:$0x1B0]  }
0x163: {  	[tilespmem:$0x1FFE0] =	vst v0;
	v0 =	vld [tilespmem:$0x1FB70];
	_ =	sdelay $0x3  }
0x164: {  	[tilespmem:$0x1FB80] =	vst v62  }
0x165: {  	v54 =	vperm.xlane v0, v4;
	v0 =	vld [tilespmem:$0x1FB80];
	_ =	sdelay $0x2  }
0x166: {  	v62 =	vld [tilespmem:$0x1C0];
	_ =	sdelay $0x1  }
0x167: {  	v55 =	vperm.xlane v0, v5;
	v0 =	vld [tilespmem:$0x120];
	_ =	sdelay $0x2  }
0x168: {  	[tilespmem:$0x1FB90] =	vst v62;
	v62 =	vld [tilespmem:$0x1D0];
	_ =	sdelay $0x1  }
0x169: {  	[tilespmem:$0x1FFF0] =	vst v0;
	v0 =	vld [tilespmem:$0x1FB90];
	_ =	sdelay $0x2  }
0x16a: {  	[tilespmem:$0x1FBA0] =	vst v62;
	v62 =	vld [tilespmem:$0x1E0]  }
0x16b: {  	[tilespmem:$0x720] =	vst v16;
	v16 =	vsel vm5, v43, v44  }
0x16c: {  	[tilespmem:$0x7A0] =	vst v16;
	v16 =	vsel vm5, v17, v45;
	v17 =	vperm.xlane v0, v4;
	v0 =	vld [tilespmem:$0x1FBA0];
	_ =	sdelay $0x2  }
0x16d: {  	[tilespmem:$0x1FBB0] =	vst v62;
	v62 =	vld [tilespmem:$0x1F0];
	_ =	sdelay $0x1  }
0x16e: {  	v56 =	vperm.xlane v0, v5;
	v0 =	vld [tilespmem:$0x1FBB0];
	_ =	sdelay $0x2  }
0x16f: {  	[tilespmem:$0x1FBC0] =	vst v62;
	v62 =	vld [tilespmem:$0x0];
	_ =	sdelay $0x1  }
0x170: {  	v58 =	vperm.xlane v0, v4;
	v0 =	vld [tilespmem:$0x1FBC0];
	_ =	sdelay $0x2  }
0x171: {  	[tilespmem:$0x1FBD0] =	vst v62;
	v62 =	vld [tilespmem:$0x10];
	_ =	sdelay $0x1  }
0x172: {  	v59 =	vperm.xlane v0, v5;
	v0 =	vld [tilespmem:$0x1FBD0];
	_ =	sdelay $0x2  }
0x173: {  	[tilespmem:$0x1FBE0] =	vst v62;
	v62 =	vld [tilespmem:$0x20]  }
0x174: {  	[tilespmem:$0x820] =	vst v16;
	v16 =	vsel vm5, v54, v55  }
0x175: {  	[tilespmem:$0x8A0] =	vst v16;
	v16 =	vsel vm5, v17, v56;
	v17 =	vperm.xlane v0, v6;
	v0 =	vld [tilespmem:$0x1FBE0];
	_ =	sdelay $0x2  }
0x176: {  	[tilespmem:$0x1FBF0] =	vst v62;
	v62 =	vld [tilespmem:$0x30];
	_ =	sdelay $0x1  }
0x177: {  	v60 =	vperm.xlane v0, v7;
	v0 =	vld [tilespmem:$0x1FBF0];
	_ =	sdelay $0x2  }
0x178: {  	[tilespmem:$0x1FC00] =	vst v62;
	v62 =	vld [tilespmem:$0x40];
	_ =	sdelay $0x1  }
0x179: {  	v61 =	vperm.xlane v0, v6;
	v0 =	vld [tilespmem:$0x1FC00];
	_ =	sdelay $0x2  }
0x17a: {  	[tilespmem:$0x1FC10] =	vst v62;
	v62 =	vld [tilespmem:$0x50];
	_ =	sdelay $0x1  }
0x17b: {  	v63 =	vperm.xlane v0, v7;
	v0 =	vld [tilespmem:$0x1FC10];
	_ =	sdelay $0x2  }
0x17c: {  	[tilespmem:$0x1FC20] =	vst v62;
	v62 =	vld [tilespmem:$0x60]  }
0x17d: {  	[tilespmem:$0x920] =	vst v16;
	v16 =	vsel vm5, v58, v59  }
0x17e: {  	[tilespmem:$0x9A0] =	vst v16;
	v16 =	vsel vm4, v17, v60;
	v17 =	vperm.xlane v0, v6;
	v0 =	vld [tilespmem:$0x1FC20];
	_ =	sdelay $0x2  }
0x17f: {  	[tilespmem:$0x1FC30] =	vst v62;
	v62 =	vld [tilespmem:$0x70];
	_ =	sdelay $0x1  }
0x180: {  	v28 =	vperm.xlane v0, v7;
	v0 =	vld [tilespmem:$0x1FC30];
	_ =	sdelay $0x2  }
0x181: {  	[tilespmem:$0x1FC40] =	vst v62;
	v62 =	vld [tilespmem:$0x80];
	_ =	sdelay $0x1  }
0x182: {  	v29 =	vperm.xlane v0, v6;
	v0 =	vld [tilespmem:$0x1FC40];
	_ =	sdelay $0x2  }
0x183: {  	[tilespmem:$0x1FC50] =	vst v62;
	v62 =	vld [tilespmem:$0x90];
	_ =	sdelay $0x1  }
0x184: {  	v30 =	vperm.xlane v0, v7;
	v0 =	vld [tilespmem:$0x1FC50];
	_ =	sdelay $0x2  }
0x185: {  	[tilespmem:$0x1FC60] =	vst v62;
	v62 =	vld [tilespmem:$0xA0]  }
0x186: {  	[tilespmem:$0x230] =	vst v16;
	v16 =	vsel vm4, v61, v63  }
0x187: {  	[tilespmem:$0x2B0] =	vst v16;
	v16 =	vsel vm4, v17, v28;
	v17 =	vperm.xlane v0, v6;
	v0 =	vld [tilespmem:$0x1FC60];
	_ =	sdelay $0x2  }
0x188: {  	[tilespmem:$0x1FC70] =	vst v62;
	v62 =	vld [tilespmem:$0xB0];
	_ =	sdelay $0x1  }
0x189: {  	v31 =	vperm.xlane v0, v7;
	v0 =	vld [tilespmem:$0x1FC70];
	_ =	sdelay $0x2  }
0x18a: {  	[tilespmem:$0x1FC80] =	vst v62;
	v62 =	vld [tilespmem:$0xC0];
	_ =	sdelay $0x1  }
0x18b: {  	v32 =	vperm.xlane v0, v6;
	v0 =	vld [tilespmem:$0x1FC80];
	_ =	sdelay $0x2  }
0x18c: {  	[tilespmem:$0x1FC90] =	vst v62;
	v62 =	vld [tilespmem:$0xD0];
	_ =	sdelay $0x1  }
0x18d: {  	v33 =	vperm.xlane v0, v7;
	v0 =	vld [tilespmem:$0x1FC90];
	_ =	sdelay $0x2  }
0x18e: {  	[tilespmem:$0x1FCA0] =	vst v62;
	v62 =	vld [tilespmem:$0xE0]  }
0x18f: {  	[tilespmem:$0x330] =	vst v16;
	v16 =	vsel vm4, v29, v30  }
0x190: {  	[tilespmem:$0x3B0] =	vst v16;
	v16 =	vsel vm4, v17, v31;
	v17 =	vperm.xlane v0, v6;
	v0 =	vld [tilespmem:$0x1FCA0];
	_ =	sdelay $0x2  }
0x191: {  	[tilespmem:$0x1FCB0] =	vst v62;
	v62 =	vld [tilespmem:$0xF0];
	_ =	sdelay $0x1  }
0x192: {  	v44 =	vperm.xlane v0, v7;
	v0 =	vld [tilespmem:$0x1FCB0];
	_ =	sdelay $0x2  }
0x193: {  	[tilespmem:$0x1FCC0] =	vst v62;
	v62 =	vld [tilespmem:$0x100];
	_ =	sdelay $0x1  }
0x194: {  	v54 =	vperm.xlane v0, v6;
	v0 =	vld [tilespmem:$0x1FCC0];
	_ =	sdelay $0x2  }
0x195: {  	[tilespmem:$0x1FCD0] =	vst v62;
	v62 =	vld [tilespmem:$0x110];
	_ =	sdelay $0x1  }
0x196: {  	v55 =	vperm.xlane v0, v7;
	v0 =	vld [tilespmem:$0x1FCD0];
	_ =	sdelay $0x2  }
0x197: {  	[tilespmem:$0x1FCE0] =	vst v62;
	v62 =	vld [tilespmem:$0x120]  }
0x198: {  	[tilespmem:$0x430] =	vst v16;
	v16 =	vsel vm4, v32, v33  }
0x199: {  	[tilespmem:$0x4B0] =	vst v16;
	v16 =	vsel vm4, v17, v44;
	v17 =	vperm.xlane v0, v6;
	v0 =	vld [tilespmem:$0x1FCE0];
	_ =	sdelay $0x2  }
0x19a: {  	[tilespmem:$0x1FCF0] =	vst v62;
	v62 =	vld [tilespmem:$0x130];
	_ =	sdelay $0x1  }
0x19b: {  	v56 =	vperm.xlane v0, v7;
	v0 =	vld [tilespmem:$0x1FCF0];
	_ =	sdelay $0x2  }
0x19c: {  	[tilespmem:$0x1FD00] =	vst v62;
	v62 =	vld [tilespmem:$0x140];
	_ =	sdelay $0x1  }
0x19d: {  	v58 =	vperm.xlane v0, v6;
	v0 =	vld [tilespmem:$0x1FD00];
	_ =	sdelay $0x2  }
0x19e: {  	[tilespmem:$0x1FD10] =	vst v62;
	v62 =	vld [tilespmem:$0x150];
	_ =	sdelay $0x1  }
0x19f: {  	v59 =	vperm.xlane v0, v7;
	v0 =	vld [tilespmem:$0x1FD10];
	_ =	sdelay $0x2  }
0x1a0: {  	[tilespmem:$0x1FD20] =	vst v62;
	v62 =	vld [tilespmem:$0x160]  }
0x1a1: {  	[tilespmem:$0x530] =	vst v16;
	v16 =	vsel vm4, v54, v55  }
0x1a2: {  	[tilespmem:$0x5B0] =	vst v16;
	v16 =	vsel vm4, v17, v56;
	v17 =	vperm.xlane v0, v6;
	v0 =	vld [tilespmem:$0x1FD20];
	_ =	sdelay $0x2  }
0x1a3: {  	[tilespmem:$0x1FD30] =	vst v62;
	v62 =	vld [tilespmem:$0x170];
	_ =	sdelay $0x1  }
0x1a4: {  	v60 =	vperm.xlane v0, v7;
	v0 =	vld [tilespmem:$0x1FD30];
	_ =	sdelay $0x2  }
0x1a5: {  	[tilespmem:$0x1FD40] =	vst v62;
	v62 =	vld [tilespmem:$0x180];
	_ =	sdelay $0x1  }
0x1a6: {  	v61 =	vperm.xlane v0, v6;
	v0 =	vld [tilespmem:$0x1FD40];
	_ =	sdelay $0x2  }
0x1a7: {  	[tilespmem:$0x1FD50] =	vst v62;
	v62 =	vld [tilespmem:$0x190];
	_ =	sdelay $0x1  }
0x1a8: {  	v63 =	vperm.xlane v0, v7;
	v0 =	vld [tilespmem:$0x1FD50];
	_ =	sdelay $0x2  }
0x1a9: {  	[tilespmem:$0x1FD60] =	vst v62;
	v62 =	vld [tilespmem:$0x1A0]  }
0x1aa: {  	[tilespmem:$0x630] =	vst v16;
	v16 =	vsel vm4, v58, v59  }
0x1ab: {  	[tilespmem:$0x6B0] =	vst v16;
	v16 =	vsel vm4, v17, v60;
	v17 =	vperm.xlane v0, v6;
	v0 =	vld [tilespmem:$0x1FD60];
	_ =	sdelay $0x2  }
0x1ac: {  	[tilespmem:$0x1FD70] =	vst v62;
	v62 =	vld [tilespmem:$0x1B0];
	_ =	sdelay $0x1  }
0x1ad: {  	v54 =	vperm.xlane v0, v7;
	v0 =	vld [tilespmem:$0x1FD70];
	_ =	sdelay $0x2  }
0x1ae: {  	[tilespmem:$0x1FD80] =	vst v62;
	v62 =	vld [tilespmem:$0x1C0];
	_ =	sdelay $0x1  }
0x1af: {  	v55 =	vperm.xlane v0, v6;
	v0 =	vld [tilespmem:$0x1FD80];
	_ =	sdelay $0x2  }
0x1b0: {  	[tilespmem:$0x1FD90] =	vst v62;
	v62 =	vld [tilespmem:$0x1D0];
	_ =	sdelay $0x1  }
0x1b1: {  	v56 =	vperm.xlane v0, v7;
	v0 =	vld [tilespmem:$0x1FD90];
	_ =	sdelay $0x2  }
0x1b2: {  	[tilespmem:$0x1FDA0] =	vst v62;
	v62 =	vld [tilespmem:$0x1E0]  }
0x1b3: {  	[tilespmem:$0x730] =	vst v16;
	v16 =	vsel vm4, v61, v63  }
0x1b4: {  	[tilespmem:$0x7B0] =	vst v16;
	v16 =	vsel vm4, v17, v54;
	v17 =	vperm.xlane v0, v6;
	v0 =	vld [tilespmem:$0x1FDA0];
	_ =	sdelay $0x2  }
0x1b5: {  	[tilespmem:$0x1FDB0] =	vst v62;
	v62 =	vld [tilespmem:$0x1F0];
	_ =	sdelay $0x1  }
0x1b6: {  	v58 =	vperm.xlane v0, v7;
	v0 =	vld [tilespmem:$0x1FDB0];
	_ =	sdelay $0x2  }
0x1b7: {  	[tilespmem:$0x1FDC0] =	vst v62;
	v62 =	vld [tilespmem:$0x0];
	_ =	sdelay $0x1  }
0x1b8: {  	v59 =	vperm.xlane v0, v6;
	v0 =	vld [tilespmem:$0x1FDC0];
	_ =	sdelay $0x2  }
0x1b9: {  	[tilespmem:$0x1FDD0] =	vst v62;
	v62 =	vld [tilespmem:$0x10];
	_ =	sdelay $0x1  }
0x1ba: {  	v60 =	vperm.xlane v0, v7;
	v0 =	vld [tilespmem:$0x1FDD0];
	_ =	sdelay $0x2  }
0x1bb: {  	[tilespmem:$0x1FDE0] =	vst v62  }
0x1bc: {  	v62 =	vld [tilespmem:$0x20];
	[tilespmem:$0x830] =	vst v16;
	v16 =	vsel vm4, v55, v56  }
0x1bd: {  	[tilespmem:$0x8B0] =	vst v16;
	v16 =	vsel vm4, v17, v58;
	v17 =	vperm.xlane v0, v8;
	v0 =	vld [tilespmem:$0x1FDE0];
	_ =	sdelay $0x3  }
0x1be: {  	[tilespmem:$0x1FDF0] =	vst v62;
	v62 =	vld [tilespmem:$0x30]  }
0x1bf: {  	v61 =	vperm.xlane v0, v9;
	v0 =	vld [tilespmem:$0x1FDF0];
	_ =	sdelay $0x3  }
0x1c0: {  	[tilespmem:$0x1FE00] =	vst v62;
	v62 =	vld [tilespmem:$0x40]  }
0x1c1: {  	v63 =	vperm.xlane v0, v8;
	v0 =	vld [tilespmem:$0x1FE00];
	_ =	sdelay $0x3  }
0x1c2: {  	[tilespmem:$0x1FE10] =	vst v62;
	v62 =	vld [tilespmem:$0x50]  }
0x1c3: {  	[tilespmem:$0x930] =	vst v16;
	v16 =	vsel vm4, v59, v60;
	v60 =	vperm.xlane v0, v9;
	v0 =	vld [tilespmem:$0x1FE10];
	_ =	sdelay $0x3  }
0x1c4: {  	[tilespmem:$0x1FE20] =	vst v62  }
0x1c5: {  	[tilespmem:$0x9B0] =	vst v16;
	v16 =	vsel vm3, v17, v61;
	v17 =	vperm.xlane v0, v8;
	v0 =	vld [tilespmem:$0x1FE20];
	_ =	sdelay $0x3  }
0x1c6: {  	v21 =	vld [tilespmem:$0x70]  }
0x1c7: {  	v61 =	vperm.xlane v0, v9;
	v0 =	vld [tilespmem:$0x1FE30]  }
0x1c8: {  	v22 =	vld [tilespmem:$0x80]  }
0x1c9: {  	v23 =	vld [tilespmem:$0x90]  }
0x1ca: {  	v24 =	vld [tilespmem:$0xA0]  }
0x1cb: {  	v62 =	vld [tilespmem:$0x60]  }
0x1cc: {  	v18 =	vperm.xlane v0, v8;
	v0 =	vld [tilespmem:$0x1FE40]  }
0x1cd: {  	v25 =	vld [tilespmem:$0xB0]  }
0x1ce: {  	v26 =	vld [tilespmem:$0xC0]  }
0x1cf: {  	v27 =	vld [tilespmem:$0xD0]  }
0x1d0: {  	v62 =	vperm.xlane v62, v8  }
0x1d1: {  	[tilespmem:$0x240] =	vst v16;
	v16 =	vsel vm3, v63, v60;
	v63 =	vperm.xlane v21, v9;
	v19 =	vperm.xlane v0, v9;
	v0 =	vld [tilespmem:$0x1FE50]  }
0x1d2: {  	v20 =	vperm.xlane v23, v9;
	[tilespmem:$0x2C0] =	vst v16;
	v16 =	vsel vm3, v17, v61;
	v17 =	vperm.xlane v22, v8  }
0x1d3: {  	v24 =	vperm.xlane v24, v8;
	v25 =	vperm.xlane v25, v9;
	[tilespmem:$0x340] =	vst v16;
	v16 =	vsel vm3, v62, v63  }
0x1d4: {  	v27 =	vperm.xlane v27, v9;
	[tilespmem:$0x3C0] =	vst v16;
	v16 =	vsel vm3, v17, v20;
	v17 =	vperm.xlane v26, v8  }
0x1d5: {  	v46 =	vld [tilespmem:$0x140];
	[tilespmem:$0x440] =	vst v16;
	v16 =	vsel vm3, v24, v25  }
0x1d6: {  	[tilespmem:$0x4C0] =	vst v16;
	v16 =	vsel vm3, v17, v27;
	v17 =	vperm.xlane v0, v8;
	v0 =	vld [tilespmem:$0x1FE60]  }
0x1d7: {  	v48 =	vld [tilespmem:$0x150]  }
0x1d8: {  	v23 =	vld [tilespmem:$0x110]  }
0x1d9: {  	v47 =	vld [tilespmem:$0x160]  }
0x1da: {  	v52 =	vld [tilespmem:$0x1A0]  }
0x1db: {  	v20 =	vperm.xlane v0, v9;
	v0 =	vld [tilespmem:$0x1FE70]  }
0x1dc: {  	v49 =	vld [tilespmem:$0x170]  }
0x1dd: {  	v51 =	vld [tilespmem:$0x190]  }
0x1de: {  	v50 =	vld [tilespmem:$0x180]  }
0x1df: {  	v57 =	vld [tilespmem:$0x1B0]  }
0x1e0: {  	[tilespmem:$0x540] =	vst v16;
	v16 =	vsel vm3, v18, v19;
	v18 =	vperm.xlane v0, v8;
	v0 =	vld [tilespmem:$0x1FE80]  }
0x1e1: {  	v34 =	vld [tilespmem:$0x170]  }
0x1e2: {  	v35 =	vld [tilespmem:$0x180]  }
0x1e3: {  	v36 =	vld [tilespmem:$0x160]  }
0x1e4: {  	v38 =	vld [tilespmem:$0x150]  }
0x1e5: {  	v37 =	vld [tilespmem:$0x190];
	v60 =	vperm.xlane v0, v9  }
0x1e6: {  	v48 =	vperm.xlane v48, v9;
	v39 =	vld [tilespmem:$0x1A0];
	[tilespmem:$0x5C0] =	vst v16;
	v16 =	vsel vm3, v17, v20;
	v17 =	vperm.xlane v46, v8  }
0x1e7: {  	v40 =	vld [tilespmem:$0x1B0];
	v46 =	vperm.xlane v49, v9;
	[tilespmem:$0x640] =	vst v16;
	v16 =	vsel vm3, v18, v60;
	v60 =	vperm.xlane v47, v8  }
0x1e8: {  	v41 =	vld [tilespmem:$0x1C0];
	v0 =	vperm.xlane v51, v9;
	[tilespmem:$0x6C0] =	vst v16;
	v16 =	vsel vm3, v17, v48;
	v17 =	vperm.xlane v50, v8  }
0x1e9: {  	v42 =	vld [tilespmem:$0x140];
	[tilespmem:$0x740] =	vst v16;
	v16 =	vsel vm3, v60, v46  }
0x1ea: {  	v47 =	vperm.xlane v52, v8;
	v48 =	vperm.xlane v57, v9;
	[tilespmem:$0x7C0] =	vst v16;
	v16 =	vsel vm3, v17, v0;
	v0 =	vld [tilespmem:$0x1FE90]  }
0x1eb: {  	v17 =	vld [tilespmem:$0x1FEA0]  }
0x1ec: {  	v43 =	vld [tilespmem:$0x1D0];
	[tilespmem:$0x840] =	vst v16;
	v16 =	vsel vm3, v47, v48  }
0x1ed: {  	[tilespmem:$0x8C0] =	vst v16;
	v16 =	vld [tilespmem:$0x1FED0]  }
0x1ee: {  	v45 =	vld [tilespmem:$0x130]  }
0x1ef: {  	v28 =	vld [tilespmem:$0x40]  }
0x1f0: {  	v30 =	vld [tilespmem:$0x20];
	v0 =	vperm.xlane v0, v8;
	v17 =	vperm.xlane v17, v9  }
0x1f1: {  	v29 =	vld [tilespmem:$0x30]  }
0x1f2: {  	v0 =	vsel vm3, v0, v17;
	v17 =	vperm.xlane v16, v10;
	v16 =	vld [tilespmem:$0x1FEE0]  }
0x1f3: {  	v31 =	vld [tilespmem:$0x10]  }
0x1f4: {  	v33 =	vld [tilespmem:$0x1F0]  }
0x1f5: {  	v32 =	vld [tilespmem:$0x0]  }
0x1f6: {  	v49 =	vld [tilespmem:$0x1FEB0]  }
0x1f7: {  	v48 =	vperm.xlane v16, v11;
	v16 =	vld [tilespmem:$0x1FEF0]  }
0x1f8: {  	v44 =	vld [tilespmem:$0x1E0]  }
0x1f9: {  	v54 =	vld [tilespmem:$0x50]  }
0x1fa: {  	v46 =	vld [tilespmem:$0x1FEC0]  }
0x1fb: {  	v55 =	vld [tilespmem:$0x60]  }
0x1fc: {  	v50 =	vperm.xlane v49, v8;
	v49 =	vperm.xlane v16, v10;
	v16 =	vld [tilespmem:$0x1FF00]  }
0x1fd: {  	v56 =	vld [tilespmem:$0x70]  }
0x1fe: {  	v58 =	vld [tilespmem:$0x80]  }
0x1ff: {  	v59 =	vld [tilespmem:$0x90];
	v47 =	vperm.xlane v46, v9  }
0x200: {  	v21 =	vld [tilespmem:$0x130]  }
0x201: {  	[tilespmem:$0x940] =	vst v0;
	v0 =	vsel vm3, v50, v47;
	v50 =	vperm.xlane v16, v11;
	v16 =	vld [tilespmem:$0x1FF10]  }
0x202: {  	v61 =	vld [tilespmem:$0xA0]  }
0x203: {  	v22 =	vld [tilespmem:$0x120]  }
0x204: {  	v62 =	vld [tilespmem:$0xB0]  }
0x205: {  	v63 =	vld [tilespmem:$0xC0]  }
0x206: {  	[tilespmem:$0x9C0] =	vst v0;
	v0 =	vsel vm2, v17, v48;
	v17 =	vperm.xlane v16, v10;
	v16 =	vld [tilespmem:$0x1FF20]  }
0x207: {  	v26 =	vld [tilespmem:$0xE0]  }
0x208: {  	v25 =	vld [tilespmem:$0xF0]  }
0x209: {  	v24 =	vld [tilespmem:$0x100]  }
0x20a: {  	v57 =	vld [tilespmem:$0x1FF30]  }
0x20b: {  	v60 =	vld [tilespmem:$0x1FF40];
	v52 =	vperm.xlane v16, v11  }
0x20c: {  	v48 =	vld [tilespmem:$0x1FF60];
	[tilespmem:$0x250] =	vst v0;
	v0 =	vsel vm2, v49, v50  }
0x20d: {  	[tilespmem:$0x2D0] =	vst v0;
	v0 =	vsel vm2, v17, v52;
	v17 =	vld [tilespmem:$0x1FF50]  }
0x20e: {  	v51 =	vld [tilespmem:$0x1FF80]  }
0x20f: {  	v49 =	vld [tilespmem:$0x1FF70]  }
0x210: {  	v27 =	vld [tilespmem:$0xD0]  }
0x211: {  	v19 =	vld [tilespmem:$0x150];
	v57 =	vperm.xlane v57, v10;
	v60 =	vperm.xlane v60, v11  }
0x212: {  	v20 =	vld [tilespmem:$0x140];
	v52 =	vperm.xlane v48, v11;
	v17 =	vperm.xlane v17, v10  }
0x213: {  	[tilespmem:$0x350] =	vst v0;
	v0 =	vsel vm2, v57, v60;
	v60 =	vperm.xlane v51, v11;
	v51 =	vld [tilespmem:$0x1FFC0]  }
0x214: {  	v57 =	vperm.xlane v49, v10;
	[tilespmem:$0x3D0] =	vst v0;
	v0 =	vsel vm2, v17, v52;
	v17 =	vld [tilespmem:$0x1FF90]  }
0x215: {  	v52 =	vld [tilespmem:$0x1FFA0]  }
0x216: {  	[tilespmem:$0x450] =	vst v0;
	v0 =	vsel vm2, v57, v60;
	v60 =	vld [tilespmem:$0x1FFB0]  }
0x217: {  	v18 =	vld [tilespmem:$0x160]  }
0x218: {  	v46 =	vld [tilespmem:$0x1B0]  }
0x219: {  	v47 =	vld [tilespmem:$0x1C0]  }
0x21a: {  	v50 =	vld [tilespmem:$0x180];
	v17 =	vperm.xlane v17, v10;
	v52 =	vperm.xlane v52, v11  }
0x21b: {  	v57 =	vperm.xlane v60, v10;
	v60 =	vperm.xlane v51, v11;
	v51 =	vld [tilespmem:$0x1FFE0]  }
0x21c: {  	[tilespmem:$0x4D0] =	vst v0;
	v0 =	vsel vm2, v17, v52;
	v17 =	vld [tilespmem:$0x1FFD0]  }
0x21d: {  	[tilespmem:$0x550] =	vst v0;
	v0 =	vsel vm2, v57, v60;
	v60 =	vld [tilespmem:$0x1FFF0]  }
0x21e: {  	v16 =	vld [tilespmem:$0x170]  }
0x21f: {  	v48 =	vld [tilespmem:$0x190]  }
0x220: {  	v34 =	vperm.xlane v34, v11;
	v49 =	vld [tilespmem:$0x1A0]  }
0x221: {  	v52 =	vperm.xlane v51, v11;
	v51 =	vld [tilespmem:$0x1D0];
	v17 =	vperm.xlane v17, v10  }
0x222: {  	v45 =	vperm.xlane v45, v11;
	v57 =	vperm.xlane v60, v10;
	v60 =	vld [tilespmem:$0x1E0]  }
0x223: {  	v38 =	vperm.xlane v38, v11;
	[tilespmem:$0x5D0] =	vst v0;
	v0 =	vsel vm2, v17, v52;
	v17 =	vperm.xlane v42, v10;
	v42 =	vld [tilespmem:$0x1F0]  }
0x224: {  	v36 =	vperm.xlane v36, v10;
	v52 =	vperm.xlane v39, v10;
	v39 =	vld [tilespmem:$0x30];
	[tilespmem:$0x650] =	vst v0;
	v0 =	vsel vm2, v57, v45  }
0x225: {  	v45 =	vld [tilespmem:$0x0];
	[tilespmem:$0x6D0] =	vst v0;
	v0 =	vsel vm2, v17, v38;
	v17 =	vperm.xlane v35, v10;
	v35 =	vperm.xlane v37, v11  }
0x226: {  	v43 =	vperm.xlane v43, v11;
	v57 =	vperm.xlane v40, v11;
	v40 =	vld [tilespmem:$0xA0];
	[tilespmem:$0x750] =	vst v0;
	v0 =	vsel vm2, v36, v34  }
0x227: {  	v30 =	vperm.xlane v30, v12;
	v37 =	vld [tilespmem:$0x10];
	[tilespmem:$0x7D0] =	vst v0;
	v0 =	vsel vm2, v17, v35;
	v17 =	vperm.xlane v41, v10  }
0x228: {  	v33 =	vperm.xlane v33, v11;
	v38 =	vld [tilespmem:$0x20];
	[tilespmem:$0x850] =	vst v0;
	v0 =	vsel vm2, v52, v57;
	v52 =	vperm.xlane v44, v10  }
0x229: {  	v31 =	vperm.xlane v31, v13;
	v36 =	vld [tilespmem:$0x40];
	[tilespmem:$0x8D0] =	vst v0;
	v0 =	vsel vm2, v17, v43;
	v17 =	vperm.xlane v32, v12  }
0x22a: {  	v29 =	vperm.xlane v29, v13;
	v54 =	vperm.xlane v54, v13;
	v34 =	vld [tilespmem:$0x80];
	[tilespmem:$0x950] =	vst v0;
	v0 =	vsel vm2, v52, v33  }
0x22b: {  	v55 =	vperm.xlane v55, v12;
	v35 =	vld [tilespmem:$0x90];
	[tilespmem:$0x9D0] =	vst v0;
	v0 =	vsel vm1, v17, v31;
	v17 =	vperm.xlane v28, v12  }
0x22c: {  	v59 =	vperm.xlane v59, v13;
	v41 =	vld [tilespmem:$0x170];
	v57 =	vperm.xlane v56, v13;
	[tilespmem:$0x260] =	vst v0;
	v0 =	vsel vm1, v30, v29  }
0x22d: {  	v56 =	vperm.xlane v51, v13;
	v51 =	vld [tilespmem:$0x1C0];
	[tilespmem:$0x2E0] =	vst v0;
	v0 =	vsel vm1, v17, v54;
	v17 =	vperm.xlane v58, v12  }
0x22e: {  	v61 =	vperm.xlane v61, v12;
	v44 =	vperm.xlane v62, v13;
	v32 =	vld [tilespmem:$0x50];
	[tilespmem:$0x360] =	vst v0;
	v0 =	vsel vm1, v55, v57  }
0x22f: {  	v27 =	vperm.xlane v27, v13;
	v43 =	vld [tilespmem:$0x180];
	[tilespmem:$0x3E0] =	vst v0;
	v0 =	vsel vm1, v17, v59;
	v17 =	vperm.xlane v63, v12  }
0x230: {  	v26 =	vperm.xlane v26, v12;
	v25 =	vperm.xlane v25, v13;
	v33 =	vld [tilespmem:$0x60];
	[tilespmem:$0x460] =	vst v0;
	v0 =	vsel vm1, v61, v44  }
0x231: {  	v23 =	vperm.xlane v23, v13;
	v52 =	vld [tilespmem:$0x110];
	[tilespmem:$0x4E0] =	vst v0;
	v0 =	vsel vm1, v17, v27;
	v17 =	vperm.xlane v24, v12  }
0x232: {  	v21 =	vperm.xlane v21, v13;
	v22 =	vperm.xlane v22, v12;
	v31 =	vld [tilespmem:$0x70];
	[tilespmem:$0x560] =	vst v0;
	v0 =	vsel vm1, v26, v25  }
0x233: {  	v19 =	vperm.xlane v19, v13;
	v28 =	vld [tilespmem:$0xB0];
	[tilespmem:$0x5E0] =	vst v0;
	v0 =	vsel vm1, v17, v23;
	v17 =	vperm.xlane v20, v12  }
0x234: {  	v18 =	vperm.xlane v18, v12;
	v16 =	vperm.xlane v16, v13;
	v29 =	vld [tilespmem:$0xC0];
	[tilespmem:$0x660] =	vst v0;
	v0 =	vsel vm1, v22, v21  }
0x235: {  	v55 =	vld [tilespmem:$0x120];
	[tilespmem:$0x6E0] =	vst v0;
	v0 =	vsel vm1, v17, v19;
	v17 =	vperm.xlane v50, v12;
	v50 =	vperm.xlane v48, v13  }
0x236: {  	v54 =	vperm.xlane v46, v13;
	v57 =	vld [tilespmem:$0x130];
	[tilespmem:$0x760] =	vst v0;
	v0 =	vsel vm1, v18, v16;
	v16 =	vperm.xlane v49, v12  }
0x237: {  	v59 =	vld [tilespmem:$0x140];
	[tilespmem:$0x7E0] =	vst v0;
	v0 =	vsel vm1, v17, v50;
	v17 =	vperm.xlane v47, v12  }
0x238: {  	v58 =	vperm.xlane v42, v13;
	v63 =	vld [tilespmem:$0x160];
	[tilespmem:$0x860] =	vst v0;
	v0 =	vsel vm1, v16, v54;
	v16 =	vperm.xlane v60, v12  }
0x239: {  	v24 =	vld [tilespmem:$0xD0];
	v60 =	vperm.xlane v37, v15;
	[tilespmem:$0x8E0] =	vst v0;
	v0 =	vsel vm1, v17, v56;
	v17 =	vperm.xlane v45, v14  }
0x23a: {  	v62 =	vperm.xlane v39, v15;
	v25 =	vld [tilespmem:$0xE0];
	[tilespmem:$0x960] =	vst v0;
	v0 =	vsel vm1, v16, v58;
	v16 =	vperm.xlane v38, v14  }
0x23b: {  	v39 =	vperm.xlane v32, v15;
	v20 =	vld [tilespmem:$0xF0];
	[tilespmem:$0x9E0] =	vst v0;
	v0 =	vsel vm0, v17, v60;
	v17 =	vperm.xlane v36, v14  }
0x23c: {  	v42 =	vperm.xlane v31, v15;
	v21 =	vld [tilespmem:$0x100];
	[tilespmem:$0x270] =	vst v0;
	v0 =	vsel vm0, v16, v62;
	v16 =	vperm.xlane v33, v14  }
0x23d: {  	v61 =	vld [tilespmem:$0x150];
	v44 =	vperm.xlane v35, v15;
	[tilespmem:$0x2F0] =	vst v0;
	v0 =	vsel vm0, v17, v39;
	v17 =	vperm.xlane v34, v14  }
0x23e: {  	v46 =	vperm.xlane v28, v15;
	v49 =	vld [tilespmem:$0x1B0];
	[tilespmem:$0x370] =	vst v0;
	v0 =	vsel vm0, v16, v42;
	v16 =	vperm.xlane v40, v14  }
0x23f: {  	v48 =	vperm.xlane v24, v15;
	v47 =	vld [tilespmem:$0x1A0];
	[tilespmem:$0x3F0] =	vst v0;
	v0 =	vsel vm0, v17, v44;
	v17 =	vperm.xlane v29, v14  }
0x240: {  	v50 =	vperm.xlane v20, v15;
	v45 =	vld [tilespmem:$0x190];
	[tilespmem:$0x470] =	vst v0;
	v0 =	vsel vm0, v16, v46;
	v16 =	vperm.xlane v25, v14  }
0x241: {  	v52 =	vperm.xlane v52, v15;
	v54 =	vld [tilespmem:$0x1D0];
	[tilespmem:$0x4F0] =	vst v0;
	v0 =	vsel vm0, v17, v48;
	v17 =	vperm.xlane v21, v14  }
0x242: {  	v56 =	vld [tilespmem:$0x1E0];
	[tilespmem:$0x570] =	vst v0;
	v0 =	vsel vm0, v16, v50;
	v16 =	vperm.xlane v55, v14;
	v55 =	vperm.xlane v57, v15  }
0x243: {  	v58 =	vld [tilespmem:$0x1F0];
	v57 =	vperm.xlane v61, v15;
	[tilespmem:$0x5F0] =	vst v0;
	v0 =	vsel vm0, v17, v52;
	v17 =	vperm.xlane v59, v14  }
0x244: {  	v59 =	vperm.xlane v41, v15;
	[tilespmem:$0x670] =	vst v0;
	v0 =	vsel vm0, v16, v55;
	v16 =	vperm.xlane v63, v14  }
0x245: {  	v60 =	vperm.xlane v45, v15;
	[tilespmem:$0x6F0] =	vst v0;
	v0 =	vsel vm0, v17, v57;
	v17 =	vperm.xlane v43, v14  }
0x246: {  	v61 =	vperm.xlane v49, v15;
	[tilespmem:$0x770] =	vst v0;
	v0 =	vsel vm0, v16, v59;
	v16 =	vperm.xlane v47, v14  }
0x247: {  	v62 =	vperm.xlane v54, v15;
	[tilespmem:$0x7F0] =	vst v0;
	v0 =	vsel vm0, v17, v60;
	v17 =	vperm.xlane v51, v14  }
0x248: {  	v63 =	vperm.xlane v58, v15;
	[tilespmem:$0x870] =	vst v0;
	v0 =	vsel vm0, v16, v61;
	v16 =	vperm.xlane v56, v14  }
0x249: {  	[tilespmem:$0x8F0] =	vst v0;
	v0 =	vsel vm0, v17, v62  }
0x24a: {  	p0 =	sne.s32 s5, $0x1;
	[tilespmem:$0x970] =	vst v0;
	v0 =	vsel vm0, v16, v63  }
.Ltmp0:
0x24b: {  	[tilespmem:$0x9F0] =	vst v0;
	(pc) =	sbr.rel @p0 .LBB2_1-.Ltmp0, $4  }
0x24c: {  	[hbm4b:s4+s7] =	stream.strided.scatter [tilespmem:s9], [sflag:$0x1], $0x800, s8, s7, $0x38;
	[tilespmem:$0xA00] =	vst v63  }
0x24d: {  	_ =	swait.ge [sflag:s6], $0x800  }
0x24e: {  	[sflag:s6] =	ssyncset.done $0x0  }
0x24f: {  	s5 =	sadd.s32 $0xFFFFFFFF, s5;
	[sflag:s6] =	ssyncadd.s32 $0xFFFFF800  }
0x250: {  	_ =	sfence.sel $0x180000  }
0x251: {  	[bflag:$0x0] =	sbarrier.arrive $0xFFFF  }
0x252: {  	p0 =	sne.s32 s0, $0x0;
	_ =	strace $0x90000047  }
0x253: {  	s0 =	sadd.s32 @!p0 $0x100000, s1;
	[bflag:$0x2] =	sbarrier.arrive $0xFFFF  }
0x254: {  	[sflag:s0] =	ssyncadd.tile.s32 @!p0 $0x1;
	_ =	shalt  }
.Lfunc_end2:
_tile_overlayer_lowered:
.L_overlay_start_2:
0x255: {  	(tag) =	ssettag $0x2  }
0x256: {  	s0 =	rddreg [dreg:$0x0];
	s2 =	stileid.u32  }
0x257: {  	s1 =	rddreg [dreg:$0x1];
	p0 =	sne.s32 s2, $0x0  }
0x258: {  	s3 =	rddreg [dreg:$0x2];
	[bflag:$0x3] =	sbarrier.arrive $0xFFFF;
	s2 =	simm.s32 @!p0 $0x1C01  }
0x259: {  	[timem:s3], [sflag:s2] =	dma.local @!p0 [hbm:s0], s1  }
0x25a: {  	s0 =	simm.s32 @!p0 $0x1  }
0x25b: {  	_ =	swait.ge @!p0 [sflag:s0], s1  }
0x25c: {  	s1 =	ssub.s32 @!p0 $0x0, s1;
	[sflag:s0] =	ssyncset.done @!p0 $0x0  }
0x25d: {  	[sflag:s0] =	ssyncadd.s32 @!p0 s1  }
0x25e: {  	[bflag:$0x3] =	sbarrier.arrive $0xFFFF  }
0x25f: {  	_ =	shalt  }

</sc_bundles>
